<compile_context>
chip_gen: v7x
topology: tpu7x:2x2x1
jax: 0.10.2.dev20260603
libtpu: 0.0.44.dev20260713+nightly
codegen_flags: <defaults>
</compile_context>

<pallas_src>
import functools

import jax
import jax.numpy as jnp
from jax import lax
from jax.experimental import pallas as pl
from jax.experimental.pallas import tpu as pltpu
from jax.experimental.pallas import tpu_sc as plsc

BATCH = 16384
EMB_DIM = 32
LANES = 16
NUSERS = 1000000
HB = 1
NBUF = 8
DEPTH = 6

_info = plsc.get_sparse_core_info()
_NC, _NS = _info.num_cores, _info.num_subcores
NW = _NC * _NS
B_PER_W = BATCH // NW
CHUNK = 128
N_CHUNKS = B_PER_W // CHUNK
N_GROUPS = B_PER_W // LANES
NBATCH = LANES // HB


def _body(user_hbm, item_hbm, uet_hbm, iet_hbm, ubias_hbm, ibias_hbm,
          out_hbm, uidx_v, iidx_v, ublk_v, iblk_v, ubias_v, ibias_v, out_v,
          semA, semB, semC, semD, semE, semF, semG, semH, bsem):
    sems = [semA, semB, semC, semD, semE, semF, semG, semH]
    wid = lax.axis_index("s") * _NC + lax.axis_index("c")
    base = wid * B_PER_W

    pltpu.sync_copy(user_hbm.at[pl.ds(base, B_PER_W)], uidx_v)
    pltpu.sync_copy(item_hbm.at[pl.ds(base, B_PER_W)], iidx_v)

    bias_handles = []
    for j in range(N_CHUNKS):
        sl = pl.ds(j * CHUNK, CHUNK)
        bias_handles.append(pltpu.async_copy(
            ubias_hbm.at[0].at[uidx_v.at[sl]], ubias_v.at[sl], bsem))
        bias_handles.append(pltpu.async_copy(
            ibias_hbm.at[0].at[iidx_v.at[sl]], ibias_v.at[sl], bsem))

    lane_ids = lax.iota(jnp.int32, LANES)
    hi01 = lane_ids // 8
    hi23 = hi01 + 2
    lo8 = lane_ids % 8

    def fire(uvec, ivec, k, buf):
        for b in range(HB):
            l = k * HB + b
            ub = pl.multiple_of((uvec[l] >> 7) * 128, 128)
            ib = pl.multiple_of((ivec[l] >> 7) * 128, 128)
            pltpu.async_copy(uet_hbm.at[:, :, pl.ds(ub, 128)],
                             ublk_v.at[buf, b], sems[buf])
            pltpu.async_copy(iet_hbm.at[:, :, pl.ds(ib, 128)],
                             iblk_v.at[buf, b], sems[buf])

    def drain_batch(buf):
        for b in range(HB):
            pltpu.make_async_copy(uet_hbm.at[:, :, pl.ds(0, 128)],
                                  ublk_v.at[0, b], sems[buf]).wait()
            pltpu.make_async_copy(iet_hbm.at[:, :, pl.ds(0, 128)],
                                  iblk_v.at[0, b], sems[buf]).wait()

    uvec0 = uidx_v[pl.ds(0, LANES)]
    ivec0 = iidx_v[pl.ds(0, LANES)]
    for k in range(DEPTH):
        fire(uvec0, ivec0, k, k % NBUF)

    def group(g, _):
        rb = g * LANES
        uvec = uidx_v[pl.ds(rb, LANES)]
        ivec = iidx_v[pl.ds(rb, LANES)]
        gn = jnp.minimum(g + 1, N_GROUPS - 1) * LANES
        unext = uidx_v[pl.ds(gn, LANES)]
        inext = iidx_v[pl.ds(gn, LANES)]
        dots = jnp.zeros((LANES,), jnp.float32)
        for k in range(NBATCH):
            buf = k % NBUF
            nbuf = (k + DEPTH) % NBUF
            if k < NBATCH - DEPTH:
                fire(uvec, ivec, k + DEPTH, nbuf)
            else:
                @pl.when(g < N_GROUPS - 1)
                def _():
                    fire(unext, inext, k + DEPTH - NBATCH, nbuf)
            drain_batch(buf)
            for b in range(HB):
                l = k * HB + b
                ucol = jnp.broadcast_to(uvec[l] & 127, (LANES,))
                icol = jnp.broadcast_to(ivec[l] & 127, (LANES,))
                bv = jnp.full((LANES,), b, dtype=jnp.int32)
                bufv = jnp.full((LANES,), buf, dtype=jnp.int32)
                u1 = plsc.load_gather(ublk_v, [bufv, bv, hi01, lo8, ucol])
                u2 = plsc.load_gather(ublk_v, [bufv, bv, hi23, lo8, ucol])
                i1 = plsc.load_gather(iblk_v, [bufv, bv, hi01, lo8, icol])
                i2 = plsc.load_gather(iblk_v, [bufv, bv, hi23, lo8, icol])
                s = jnp.sum(u1 * i1 + u2 * i2)
                dots = jnp.where(lane_ids == l, s, dots)
        out_v[pl.ds(rb, LANES)] = (dots + ubias_v[pl.ds(rb, LANES)]
                                   + ibias_v[pl.ds(rb, LANES)])
        return 0

    lax.fori_loop(0, N_GROUPS, group, 0)

    for h in bias_handles:
        h.wait()
    pltpu.sync_copy(out_v, out_hbm.at[pl.ds(base, B_PER_W)])


@jax.jit
def _run(user, item, uet, iet, ubias_t, ibias_t):
    mesh = plsc.VectorSubcoreMesh(core_axis_name="c", subcore_axis_name="s")
    return pl.kernel(
        _body,
        mesh=mesh,
        out_type=jax.ShapeDtypeStruct((BATCH,), jnp.float32),
        scratch_types=[
            pltpu.VMEM((B_PER_W,), jnp.int32),
            pltpu.VMEM((B_PER_W,), jnp.int32),
            pltpu.VMEM((NBUF, HB, 4, 8, 128), jnp.float32),
            pltpu.VMEM((NBUF, HB, 4, 8, 128), jnp.float32),
            pltpu.VMEM((B_PER_W,), jnp.float32),
            pltpu.VMEM((B_PER_W,), jnp.float32),
            pltpu.VMEM((B_PER_W,), jnp.float32),
            pltpu.SemaphoreType.DMA,
            pltpu.SemaphoreType.DMA,
            pltpu.SemaphoreType.DMA,
            pltpu.SemaphoreType.DMA,
            pltpu.SemaphoreType.DMA,
            pltpu.SemaphoreType.DMA,
            pltpu.SemaphoreType.DMA,
            pltpu.SemaphoreType.DMA,
            pltpu.SemaphoreType.DMA,
        ],
        compiler_params=pltpu.CompilerParams(
            needs_layout_passes=False, disable_bounds_checks=True),
    )(user, item, uet, iet, ubias_t, ibias_t)


def kernel(user, item, user_embedding, item_embedding, user_bias, item_bias):
    uet = user_embedding.T.reshape(4, 8, NUSERS)
    iet = item_embedding.T.reshape(4, 8, NUSERS)
    return _run(user.astype(jnp.int32), item.astype(jnp.int32), uet, iet,
                user_bias.T, item_bias.T)

# --- scband reference (transcript-rebuilt; emitter-appended) ---
"""Pipeline reference for scband-matrix-factorization-28484223107156 (READ-ONLY COPY).

The authoritative reference and input builder live on the scoring server;
editing this copy changes nothing except your own understanding.
"""

import jax, jax.numpy as jnp
import numpy as np

NUM_USERS = 1000000
NUM_ITEMS = 1000000
EMB_DIM = 32
BATCH = 16384


def setup_inputs(seed: int = 0) -> dict:
    key = jax.random.key(seed)
    k_u, k_i, k_ue, k_ie, k_ub, k_ib = jax.random.split(key, 6)
    user = jax.random.randint(k_u, (BATCH,), 0, NUM_USERS, dtype=jnp.int64) if jax.config.jax_enable_x64 else jax.random.randint(k_u, (BATCH,), 0, NUM_USERS).astype(jnp.int32)
    item = jax.random.randint(k_i, (BATCH,), 0, NUM_ITEMS).astype(user.dtype)
    user_embedding = jax.random.normal(k_ue, (NUM_USERS, EMB_DIM), dtype=jnp.float32)
    item_embedding = jax.random.normal(k_ie, (NUM_ITEMS, EMB_DIM), dtype=jnp.float32)
    user_bias = jax.random.normal(k_ub, (NUM_USERS, 1), dtype=jnp.float32)
    item_bias = jax.random.normal(k_ib, (NUM_ITEMS, 1), dtype=jnp.float32)
    return {
        "user": user,
        "item": item,
        "user_embedding": user_embedding,
        "item_embedding": item_embedding,
        "user_bias": user_bias,
        "item_bias": item_bias,
    }


def reference(user, item, user_embedding, item_embedding, user_bias, item_bias):
    user_embedded = jnp.take(user_embedding, user, axis=0)        # [B, D]
    item_embedded = jnp.take(item_embedding, item, axis=0)        # [B, D]
    u_bias = jnp.take(user_bias, user, axis=0).squeeze(-1)        # [B]
    i_bias = jnp.take(item_bias, item, axis=0).squeeze(-1)        # [B]
    dot_product = (user_embedded * item_embedded).sum(axis=1)     # [B]
    prediction = dot_product + u_bias + i_bias
    return prediction

if __name__ == "__main__":
    import jax
    _d = setup_inputs()
    print(jax.jit(kernel)(*tuple(_d.values())))

</pallas_src>

<mosaic_0001>
#map = affine_map<(d0, d1) -> (0)>
#map1 = affine_map<(d0, d1) -> (0, 0, 0)>
#map2 = affine_map<(d0, d1) -> (0, 0)>
module attributes {stable_mosaic.version = 14 : i64} {
  func.func @_body(%arg0: i32, %arg1: i32, %arg2: memref<16384xi32, #tpu.memory_space<hbm>>, %arg3: memref<16384xi32, #tpu.memory_space<hbm>>, %arg4: memref<4x8x1000000xf32, #tpu.memory_space<hbm>>, %arg5: memref<4x8x1000000xf32, #tpu.memory_space<hbm>>, %arg6: memref<1x1000000xf32, #tpu.memory_space<hbm>>, %arg7: memref<1x1000000xf32, #tpu.memory_space<hbm>>, %arg8: memref<16384xf32, #tpu.memory_space<hbm>>, %arg9: memref<512xi32, #tpu.memory_space<vmem>>, %arg10: memref<512xi32, #tpu.memory_space<vmem>>, %arg11: memref<8x1x4x8x128xf32, #tpu.memory_space<vmem>>, %arg12: memref<8x1x4x8x128xf32, #tpu.memory_space<vmem>>, %arg13: memref<512xf32, #tpu.memory_space<vmem>>, %arg14: memref<512xf32, #tpu.memory_space<vmem>>, %arg15: memref<512xf32, #tpu.memory_space<vmem>>, %arg16: memref<!tpu.dma_semaphore, #tpu.memory_space<semaphore_mem>>, %arg17: memref<!tpu.dma_semaphore, #tpu.memory_space<semaphore_mem>>, %arg18: memref<!tpu.dma_semaphore, #tpu.memory_space<semaphore_mem>>, %arg19: memref<!tpu.dma_semaphore, #tpu.memory_space<semaphore_mem>>, %arg20: memref<!tpu.dma_semaphore, #tpu.memory_space<semaphore_mem>>, %arg21: memref<!tpu.dma_semaphore, #tpu.memory_space<semaphore_mem>>, %arg22: memref<!tpu.dma_semaphore, #tpu.memory_space<semaphore_mem>>, %arg23: memref<!tpu.dma_semaphore, #tpu.memory_space<semaphore_mem>>, %arg24: memref<!tpu.dma_semaphore, #tpu.memory_space<semaphore_mem>>) attributes {dimension_semantics = [#tpu.dimension_semantics<core_parallel>, #tpu.dimension_semantics<subcore_parallel>], iteration_bounds = array<i64: 2, 16>, scalar_prefetch = 0 : i64, scratch_operands = 16 : i64, tpu.core_type = #tpu.core_type<sc_vector_subcore>, window_params = [{transform_indices = #map}, {transform_indices = #map}, {transform_indices = #map1}, {transform_indices = #map1}, {transform_indices = #map2}, {transform_indices = #map2}, {transform_indices = #map}]} {
    %mul3A = arith.constant 2 : i32
    %mul3A_0 = arith.muli %arg1, %mul3A : i32
    %add3A = arith.addi %mul3A_0, %arg0 : i32
    %mul3A_1 = arith.constant 512 : i32
    %mul3A_2 = arith.muli %add3A, %mul3A_1 : i32
    "tpu.region"() ({
      %run_scoped3A = tpu.sem_alloc : memref<!tpu.dma_semaphore, #tpu.memory_space<semaphore_mem>>
      %dma_start3A_512 = tpu.memref_slice %arg2[%mul3A_2] : memref<16384xi32, #tpu.memory_space<hbm>> -> memref<512xi32, #tpu.memory_space<hbm>>
      %dma_start3A_513 = tpu.memref_slice %arg2[%mul3A_2] : memref<16384xi32, #tpu.memory_space<hbm>> -> memref<512xi32, #tpu.memory_space<hbm>>
      tpu.enqueue_dma source(%dma_start3A_513 : memref<512xi32, #tpu.memory_space<hbm>>) target(%arg9 : memref<512xi32, #tpu.memory_space<vmem>>) target_semaphore(%run_scoped3A : memref<!tpu.dma_semaphore, #tpu.memory_space<semaphore_mem>>)
      %dma_wait3A_514 = tpu.memref_slice %arg2[%mul3A_2] : memref<16384xi32, #tpu.memory_space<hbm>> -> memref<512xi32, #tpu.memory_space<hbm>>
      %dma_wait3A_515 = tpu.memref_slice %arg2[%mul3A_2] : memref<16384xi32, #tpu.memory_space<hbm>> -> memref<512xi32, #tpu.memory_space<hbm>>
      tpu.wait_dma2 semaphore(%run_scoped3A : memref<!tpu.dma_semaphore, #tpu.memory_space<semaphore_mem>>) src(%dma_wait3A_515 : memref<512xi32, #tpu.memory_space<hbm>>) dst(%arg9 : memref<512xi32, #tpu.memory_space<vmem>>)
      tpu.yield
    }) : () -> ()
    "tpu.region"() ({
      %run_scoped3A = tpu.sem_alloc : memref<!tpu.dma_semaphore, #tpu.memory_space<semaphore_mem>>
      %dma_start3A_512 = tpu.memref_slice %arg3[%mul3A_2] : memref<16384xi32, #tpu.memory_space<hbm>> -> memref<512xi32, #tpu.memory_space<hbm>>
      %dma_start3A_513 = tpu.memref_slice %arg3[%mul3A_2] : memref<16384xi32, #tpu.memory_space<hbm>> -> memref<512xi32, #tpu.memory_space<hbm>>
      tpu.enqueue_dma source(%dma_start3A_513 : memref<512xi32, #tpu.memory_space<hbm>>) target(%arg10 : memref<512xi32, #tpu.memory_space<vmem>>) target_semaphore(%run_scoped3A : memref<!tpu.dma_semaphore, #tpu.memory_space<semaphore_mem>>)
      %dma_wait3A_514 = tpu.memref_slice %arg3[%mul3A_2] : memref<16384xi32, #tpu.memory_space<hbm>> -> memref<512xi32, #tpu.memory_space<hbm>>
      %dma_wait3A_515 = tpu.memref_slice %arg3[%mul3A_2] : memref<16384xi32, #tpu.memory_space<hbm>> -> memref<512xi32, #tpu.memory_space<hbm>>
      tpu.wait_dma2 semaphore(%run_scoped3A : memref<!tpu.dma_semaphore, #tpu.memory_space<semaphore_mem>>) src(%dma_wait3A_515 : memref<512xi32, #tpu.memory_space<hbm>>) dst(%arg10 : memref<512xi32, #tpu.memory_space<vmem>>)
      tpu.yield
    }) : () -> ()
    %dma_start3A = arith.constant 0 : i32
    %dma_start3A_3 = arith.constant 0 : i32
    %dma_start3A_4 = tpu.memref_slice %arg13[%dma_start3A_3] : memref<512xf32, #tpu.memory_space<vmem>> -> memref<128xf32, #tpu.memory_space<vmem>>
    %dma_start3A_5 = arith.constant 0 : i32
    %dma_start3A_6 = tpu.memref_slice %arg9[%dma_start3A_5] : memref<512xi32, #tpu.memory_space<vmem>> -> memref<128xi32, #tpu.memory_space<vmem>>
    %dma_start3A_7 = arith.constant 0 : i32
    %dma_start3A_8 = tpu.memref_slice %arg6[%dma_start3A, %dma_start3A_7] : memref<1x1000000xf32, #tpu.memory_space<hbm>> -> memref<1x1000000xf32, #tpu.memory_space<hbm>>
    %dma_start3A_9 = tpu.memref_squeeze %dma_start3A_8 : memref<1x1000000xf32, #tpu.memory_space<hbm>> -> memref<1000000xf32, #tpu.memory_space<hbm>>
    %dma_start3A_10 = arith.constant 0 : i32
    %dma_start3A_11 = tpu.memref_slice %dma_start3A_9[%dma_start3A_10] : memref<1000000xf32, #tpu.memory_space<hbm>> -> memref<1000000xf32, #tpu.memory_space<hbm>>
    tpu.enqueue_indirect_dma source(%dma_start3A_11 : memref<1000000xf32, #tpu.memory_space<hbm>>) target(%dma_start3A_4 : memref<128xf32, #tpu.memory_space<vmem>>) offsets(%dma_start3A_6 : memref<128xi32, #tpu.memory_space<vmem>>) semaphore(%arg24 : memref<!tpu.dma_semaphore, #tpu.memory_space<semaphore_mem>>)
    %dma_start3A_12 = arith.constant 0 : i32
    %dma_start3A_13 = arith.constant 0 : i32
    %dma_start3A_14 = tpu.memref_slice %arg14[%dma_start3A_13] : memref<512xf32, #tpu.memory_space<vmem>> -> memref<128xf32, #tpu.memory_space<vmem>>
    %dma_start3A_15 = arith.constant 0 : i32
    %dma_start3A_16 = tpu.memref_slice %arg10[%dma_start3A_15] : memref<512xi32, #tpu.memory_space<vmem>> -> memref<128xi32, #tpu.memory_space<vmem>>
    %dma_start3A_17 = arith.constant 0 : i32
    %dma_start3A_18 = tpu.memref_slice %arg7[%dma_start3A_12, %dma_start3A_17] : memref<1x1000000xf32, #tpu.memory_space<hbm>> -> memref<1x1000000xf32, #tpu.memory_space<hbm>>
    %dma_start3A_19 = tpu.memref_squeeze %dma_start3A_18 : memref<1x1000000xf32, #tpu.memory_space<hbm>> -> memref<1000000xf32, #tpu.memory_space<hbm>>
    %dma_start3A_20 = arith.constant 0 : i32
    %dma_start3A_21 = tpu.memref_slice %dma_start3A_19[%dma_start3A_20] : memref<1000000xf32, #tpu.memory_space<hbm>> -> memref<1000000xf32, #tpu.memory_space<hbm>>
    tpu.enqueue_indirect_dma source(%dma_start3A_21 : memref<1000000xf32, #tpu.memory_space<hbm>>) target(%dma_start3A_14 : memref<128xf32, #tpu.memory_space<vmem>>) offsets(%dma_start3A_16 : memref<128xi32, #tpu.memory_space<vmem>>) semaphore(%arg24 : memref<!tpu.dma_semaphore, #tpu.memory_space<semaphore_mem>>)
    %dma_start3A_22 = arith.constant 0 : i32
    %dma_start3A_23 = arith.constant 128 : i32
    %dma_start3A_24 = tpu.memref_slice %arg13[%dma_start3A_23] : memref<512xf32, #tpu.memory_space<vmem>> -> memref<128xf32, #tpu.memory_space<vmem>>
    %dma_start3A_25 = arith.constant 128 : i32
    %dma_start3A_26 = tpu.memref_slice %arg9[%dma_start3A_25] : memref<512xi32, #tpu.memory_space<vmem>> -> memref<128xi32, #tpu.memory_space<vmem>>
    %dma_start3A_27 = arith.constant 0 : i32
    %dma_start3A_28 = tpu.memref_slice %arg6[%dma_start3A_22, %dma_start3A_27] : memref<1x1000000xf32, #tpu.memory_space<hbm>> -> memref<1x1000000xf32, #tpu.memory_space<hbm>>
    %dma_start3A_29 = tpu.memref_squeeze %dma_start3A_28 : memref<1x1000000xf32, #tpu.memory_space<hbm>> -> memref<1000000xf32, #tpu.memory_space<hbm>>
    %dma_start3A_30 = arith.constant 0 : i32
    %dma_start3A_31 = tpu.memref_slice %dma_start3A_29[%dma_start3A_30] : memref<1000000xf32, #tpu.memory_space<hbm>> -> memref<1000000xf32, #tpu.memory_space<hbm>>
    tpu.enqueue_indirect_dma source(%dma_start3A_31 : memref<1000000xf32, #tpu.memory_space<hbm>>) target(%dma_start3A_24 : memref<128xf32, #tpu.memory_space<vmem>>) offsets(%dma_start3A_26 : memref<128xi32, #tpu.memory_space<vmem>>) semaphore(%arg24 : memref<!tpu.dma_semaphore, #tpu.memory_space<semaphore_mem>>)
    %dma_start3A_32 = arith.constant 0 : i32
    %dma_start3A_33 = arith.constant 128 : i32
    %dma_start3A_34 = tpu.memref_slice %arg14[%dma_start3A_33] : memref<512xf32, #tpu.memory_space<vmem>> -> memref<128xf32, #tpu.memory_space<vmem>>
    %dma_start3A_35 = arith.constant 128 : i32
    %dma_start3A_36 = tpu.memref_slice %arg10[%dma_start3A_35] : memref<512xi32, #tpu.memory_space<vmem>> -> memref<128xi32, #tpu.memory_space<vmem>>
    %dma_start3A_37 = arith.constant 0 : i32
    %dma_start3A_38 = tpu.memref_slice %arg7[%dma_start3A_32, %dma_start3A_37] : memref<1x1000000xf32, #tpu.memory_space<hbm>> -> memref<1x1000000xf32, #tpu.memory_space<hbm>>
    %dma_start3A_39 = tpu.memref_squeeze %dma_start3A_38 : memref<1x1000000xf32, #tpu.memory_space<hbm>> -> memref<1000000xf32, #tpu.memory_space<hbm>>
    %dma_start3A_40 = arith.constant 0 : i32
    %dma_start3A_41 = tpu.memref_slice %dma_start3A_39[%dma_start3A_40] : memref<1000000xf32, #tpu.memory_space<hbm>> -> memref<1000000xf32, #tpu.memory_space<hbm>>
    tpu.enqueue_indirect_dma source(%dma_start3A_41 : memref<1000000xf32, #tpu.memory_space<hbm>>) target(%dma_start3A_34 : memref<128xf32, #tpu.memory_space<vmem>>) offsets(%dma_start3A_36 : memref<128xi32, #tpu.memory_space<vmem>>) semaphore(%arg24 : memref<!tpu.dma_semaphore, #tpu.memory_space<semaphore_mem>>)
    %dma_start3A_42 = arith.constant 0 : i32
    %dma_start3A_43 = arith.constant 256 : i32
    %dma_start3A_44 = tpu.memref_slice %arg13[%dma_start3A_43] : memref<512xf32, #tpu.memory_space<vmem>> -> memref<128xf32, #tpu.memory_space<vmem>>
    %dma_start3A_45 = arith.constant 256 : i32
    %dma_start3A_46 = tpu.memref_slice %arg9[%dma_start3A_45] : memref<512xi32, #tpu.memory_space<vmem>> -> memref<128xi32, #tpu.memory_space<vmem>>
    %dma_start3A_47 = arith.constant 0 : i32
    %dma_start3A_48 = tpu.memref_slice %arg6[%dma_start3A_42, %dma_start3A_47] : memref<1x1000000xf32, #tpu.memory_space<hbm>> -> memref<1x1000000xf32, #tpu.memory_space<hbm>>
    %dma_start3A_49 = tpu.memref_squeeze %dma_start3A_48 : memref<1x1000000xf32, #tpu.memory_space<hbm>> -> memref<1000000xf32, #tpu.memory_space<hbm>>
    %dma_start3A_50 = arith.constant 0 : i32
    %dma_start3A_51 = tpu.memref_slice %dma_start3A_49[%dma_start3A_50] : memref<1000000xf32, #tpu.memory_space<hbm>> -> memref<1000000xf32, #tpu.memory_space<hbm>>
    tpu.enqueue_indirect_dma source(%dma_start3A_51 : memref<1000000xf32, #tpu.memory_space<hbm>>) target(%dma_start3A_44 : memref<128xf32, #tpu.memory_space<vmem>>) offsets(%dma_start3A_46 : memref<128xi32, #tpu.memory_space<vmem>>) semaphore(%arg24 : memref<!tpu.dma_semaphore, #tpu.memory_space<semaphore_mem>>)
    %dma_start3A_52 = arith.constant 0 : i32
    %dma_start3A_53 = arith.constant 256 : i32
    %dma_start3A_54 = tpu.memref_slice %arg14[%dma_start3A_53] : memref<512xf32, #tpu.memory_space<vmem>> -> memref<128xf32, #tpu.memory_space<vmem>>
    %dma_start3A_55 = arith.constant 256 : i32
    %dma_start3A_56 = tpu.memref_slice %arg10[%dma_start3A_55] : memref<512xi32, #tpu.memory_space<vmem>> -> memref<128xi32, #tpu.memory_space<vmem>>
    %dma_start3A_57 = arith.constant 0 : i32
    %dma_start3A_58 = tpu.memref_slice %arg7[%dma_start3A_52, %dma_start3A_57] : memref<1x1000000xf32, #tpu.memory_space<hbm>> -> memref<1x1000000xf32, #tpu.memory_space<hbm>>
    %dma_start3A_59 = tpu.memref_squeeze %dma_start3A_58 : memref<1x1000000xf32, #tpu.memory_space<hbm>> -> memref<1000000xf32, #tpu.memory_space<hbm>>
    %dma_start3A_60 = arith.constant 0 : i32
    %dma_start3A_61 = tpu.memref_slice %dma_start3A_59[%dma_start3A_60] : memref<1000000xf32, #tpu.memory_space<hbm>> -> memref<1000000xf32, #tpu.memory_space<hbm>>
    tpu.enqueue_indirect_dma source(%dma_start3A_61 : memref<1000000xf32, #tpu.memory_space<hbm>>) target(%dma_start3A_54 : memref<128xf32, #tpu.memory_space<vmem>>) offsets(%dma_start3A_56 : memref<128xi32, #tpu.memory_space<vmem>>) semaphore(%arg24 : memref<!tpu.dma_semaphore, #tpu.memory_space<semaphore_mem>>)
    %dma_start3A_62 = arith.constant 0 : i32
    %dma_start3A_63 = arith.constant 384 : i32
    %dma_start3A_64 = tpu.memref_slice %arg13[%dma_start3A_63] : memref<512xf32, #tpu.memory_space<vmem>> -> memref<128xf32, #tpu.memory_space<vmem>>
    %dma_start3A_65 = arith.constant 384 : i32
    %dma_start3A_66 = tpu.memref_slice %arg9[%dma_start3A_65] : memref<512xi32, #tpu.memory_space<vmem>> -> memref<128xi32, #tpu.memory_space<vmem>>
    %dma_start3A_67 = arith.constant 0 : i32
    %dma_start3A_68 = tpu.memref_slice %arg6[%dma_start3A_62, %dma_start3A_67] : memref<1x1000000xf32, #tpu.memory_space<hbm>> -> memref<1x1000000xf32, #tpu.memory_space<hbm>>
    %dma_start3A_69 = tpu.memref_squeeze %dma_start3A_68 : memref<1x1000000xf32, #tpu.memory_space<hbm>> -> memref<1000000xf32, #tpu.memory_space<hbm>>
    %dma_start3A_70 = arith.constant 0 : i32
    %dma_start3A_71 = tpu.memref_slice %dma_start3A_69[%dma_start3A_70] : memref<1000000xf32, #tpu.memory_space<hbm>> -> memref<1000000xf32, #tpu.memory_space<hbm>>
    tpu.enqueue_indirect_dma source(%dma_start3A_71 : memref<1000000xf32, #tpu.memory_space<hbm>>) target(%dma_start3A_64 : memref<128xf32, #tpu.memory_space<vmem>>) offsets(%dma_start3A_66 : memref<128xi32, #tpu.memory_space<vmem>>) semaphore(%arg24 : memref<!tpu.dma_semaphore, #tpu.memory_space<semaphore_mem>>)
    %dma_start3A_72 = arith.constant 0 : i32
    %dma_start3A_73 = arith.constant 384 : i32
    %dma_start3A_74 = tpu.memref_slice %arg14[%dma_start3A_73] : memref<512xf32, #tpu.memory_space<vmem>> -> memref<128xf32, #tpu.memory_space<vmem>>
    %dma_start3A_75 = arith.constant 384 : i32
    %dma_start3A_76 = tpu.memref_slice %arg10[%dma_start3A_75] : memref<512xi32, #tpu.memory_space<vmem>> -> memref<128xi32, #tpu.memory_space<vmem>>
    %dma_start3A_77 = arith.constant 0 : i32
    %dma_start3A_78 = tpu.memref_slice %arg7[%dma_start3A_72, %dma_start3A_77] : memref<1x1000000xf32, #tpu.memory_space<hbm>> -> memref<1x1000000xf32, #tpu.memory_space<hbm>>
    %dma_start3A_79 = tpu.memref_squeeze %dma_start3A_78 : memref<1x1000000xf32, #tpu.memory_space<hbm>> -> memref<1000000xf32, #tpu.memory_space<hbm>>
    %dma_start3A_80 = arith.constant 0 : i32
    %dma_start3A_81 = tpu.memref_slice %dma_start3A_79[%dma_start3A_80] : memref<1000000xf32, #tpu.memory_space<hbm>> -> memref<1000000xf32, #tpu.memory_space<hbm>>
    tpu.enqueue_indirect_dma source(%dma_start3A_81 : memref<1000000xf32, #tpu.memory_space<hbm>>) target(%dma_start3A_74 : memref<128xf32, #tpu.memory_space<vmem>>) offsets(%dma_start3A_76 : memref<128xi32, #tpu.memory_space<vmem>>) semaphore(%arg24 : memref<!tpu.dma_semaphore, #tpu.memory_space<semaphore_mem>>)
    %iota3A = tpu.iota {dimensions = array<i32: 0>} : vector<16xi32>
    %jit3A = arith.constant 8 : i32
    %div3A = vector.broadcast %jit3A : i32 to vector<16xi32>
    %div3A_82 = arith.divsi %iota3A, %div3A : vector<16xi32>
    %sign3A = arith.constant 0 : i32
    %sign3A_83 = vector.broadcast %sign3A : i32 to vector<16xi32>
    %sign3A_84 = arith.cmpi sgt, %iota3A, %sign3A_83 : vector<16xi32>
    %sign3A_85 = arith.extui %sign3A_84 : vector<16xi1> to vector<16xi32>
    %sign3A_86 = arith.constant 0 : i32
    %sign3A_87 = vector.broadcast %sign3A_86 : i32 to vector<16xi32>
    %sign3A_88 = arith.cmpi slt, %iota3A, %sign3A_87 : vector<16xi32>
    %sign3A_89 = arith.extui %sign3A_88 : vector<16xi1> to vector<16xi32>
    %sign3A_90 = arith.subi %sign3A_85, %sign3A_89 : vector<16xi32>
    %sign3A_91 = arith.constant 0 : i32
    %sign3A_92 = arith.cmpi sgt, %jit3A, %sign3A_91 : i32
    %sign3A_93 = arith.extui %sign3A_92 : i1 to i32
    %sign3A_94 = arith.constant 0 : i32
    %sign3A_95 = arith.cmpi slt, %jit3A, %sign3A_94 : i32
    %sign3A_96 = arith.extui %sign3A_95 : i1 to i32
    %sign3A_97 = arith.subi %sign3A_93, %sign3A_96 : i32
    %ne3A = vector.broadcast %sign3A_97 : i32 to vector<16xi32>
    %ne3A_98 = arith.cmpi ne, %sign3A_90, %ne3A : vector<16xi32>
    %rem3A = vector.broadcast %jit3A : i32 to vector<16xi32>
    %rem3A_99 = arith.remsi %iota3A, %rem3A : vector<16xi32>
    %ne3A_100 = arith.constant 0 : i32
    %ne3A_101 = vector.broadcast %ne3A_100 : i32 to vector<16xi32>
    %ne3A_102 = arith.cmpi ne, %rem3A_99, %ne3A_101 : vector<16xi32>
    %and3A = arith.andi %ne3A_98, %ne3A_102 : vector<16xi1>
    %sub3A = arith.constant 1 : i32
    %sub3A_103 = vector.broadcast %sub3A : i32 to vector<16xi32>
    %sub3A_104 = arith.subi %div3A_82, %sub3A_103 : vector<16xi32>
    %select_n3A = arith.select %and3A, %sub3A_104, %div3A_82 : vector<16xi1>, vector<16xi32>
    %add3A_105 = arith.constant 2 : i32
    %add3A_106 = vector.broadcast %add3A_105 : i32 to vector<16xi32>
    %add3A_107 = arith.addi %select_n3A, %add3A_106 : vector<16xi32>
    %jit3A_108 = arith.constant 8 : i32
    %eq3A = arith.constant 0 : i32
    %eq3A_109 = arith.cmpi eq, %jit3A_108, %eq3A : i32
    %jit3A_110 = arith.constant 1 : i32
    %select_n3A_111 = arith.select %eq3A_109, %jit3A_110, %jit3A_108 : i32
    %rem3A_112 = vector.broadcast %select_n3A_111 : i32 to vector<16xi32>
    %rem3A_113 = arith.remsi %iota3A, %rem3A_112 : vector<16xi32>
    %ne3A_114 = arith.constant 0 : i32
    %ne3A_115 = vector.broadcast %ne3A_114 : i32 to vector<16xi32>
    %ne3A_116 = arith.cmpi ne, %rem3A_113, %ne3A_115 : vector<16xi32>
    %lt3A = arith.constant 0 : i32
    %lt3A_117 = vector.broadcast %lt3A : i32 to vector<16xi32>
    %lt3A_118 = arith.cmpi slt, %rem3A_113, %lt3A_117 : vector<16xi32>
    %lt3A_119 = arith.constant 0 : i32
    %lt3A_120 = arith.cmpi slt, %select_n3A_111, %lt3A_119 : i32
    %ne3A_121 = vector.broadcast %lt3A_120 : i1 to vector<16xi1>
    %ne3A_122 = vector.broadcast %ne3A_121 : vector<16xi1> to vector<16xi1>
    %ne3A_123 = arith.xori %lt3A_118, %ne3A_122 : vector<16xi1>
    %and3A_124 = arith.andi %ne3A_123, %ne3A_116 : vector<16xi1>
    %add3A_125 = vector.broadcast %select_n3A_111 : i32 to vector<16xi32>
    %add3A_126 = arith.addi %rem3A_113, %add3A_125 : vector<16xi32>
    %select_n3A_127 = arith.select %and3A_124, %add3A_126, %rem3A_113 : vector<16xi1>, vector<16xi32>
    %get3A = arith.constant 0 : index
    %get3A_128 = tpu.vector_load %arg9[%get3A] {strides = array<i32>} : memref<512xi32, #tpu.memory_space<vmem>>, vector<16xi32>,
    %get3A_129 = arith.constant 0 : index
    %get3A_130 = tpu.vector_load %arg10[%get3A_129] {strides = array<i32>} : memref<512xi32, #tpu.memory_space<vmem>>, vector<16xi32>,
    %slice3A = vector.extract_strided_slice %get3A_128 {offsets = [0], sizes = [1], strides = [1]} : vector<16xi32> to vector<1xi32>
    %squeeze3A = vector.extract %slice3A[0] : i32 from vector<1xi32>
    %shift_right_arithmetic3A = arith.constant 7 : i32
    %shift_right_arithmetic3A_131 = arith.shrsi %squeeze3A, %shift_right_arithmetic3A : i32
    %mul3A_132 = arith.constant 128 : i32
    %mul3A_133 = arith.muli %shift_right_arithmetic3A_131, %mul3A_132 : i32
    %multiple_of3A = tpu.assume_multiple %mul3A_133, 128 : i32
    %slice3A_134 = vector.extract_strided_slice %get3A_130 {offsets = [0], sizes = [1], strides = [1]} : vector<16xi32> to vector<1xi32>
    %squeeze3A_135 = vector.extract %slice3A_134[0] : i32 from vector<1xi32>
    %shift_right_arithmetic3A_136 = arith.constant 7 : i32
    %shift_right_arithmetic3A_137 = arith.shrsi %squeeze3A_135, %shift_right_arithmetic3A_136 : i32
    %mul3A_138 = arith.constant 128 : i32
    %mul3A_139 = arith.muli %shift_right_arithmetic3A_137, %mul3A_138 : i32
    %multiple_of3A_140 = tpu.assume_multiple %mul3A_139, 128 : i32
    %dma_start3A_141 = arith.constant 0 : i32
    %dma_start3A_142 = arith.constant 0 : i32
    %dma_start3A_143 = arith.constant 0 : i32
    %dma_start3A_144 = arith.constant 0 : i32
    %dma_start3A_145 = arith.constant 0 : i32
    %dma_start3A_146 = tpu.memref_slice %arg11[%dma_start3A_141, %dma_start3A_142, %dma_start3A_143, %dma_start3A_144, %dma_start3A_145] : memref<8x1x4x8x128xf32, #tpu.memory_space<vmem>> -> memref<1x1x4x8x128xf32, #tpu.memory_space<vmem>>
    %dma_start3A_147 = tpu.memref_squeeze %dma_start3A_146 : memref<1x1x4x8x128xf32, #tpu.memory_space<vmem>> -> memref<4x8x128xf32, #tpu.memory_space<vmem>>
    %dma_start3A_148 = arith.constant 0 : i32
    %dma_start3A_149 = arith.constant 0 : i32
    %dma_start3A_150 = tpu.memref_slice %arg4[%dma_start3A_148, %dma_start3A_149, %multiple_of3A] : memref<4x8x1000000xf32, #tpu.memory_space<hbm>> -> memref<4x8x128xf32, #tpu.memory_space<hbm>>
    %dma_start3A_151 = arith.constant 0 : i32
    %dma_start3A_152 = arith.constant 0 : i32
    %dma_start3A_153 = arith.constant 0 : i32
    %dma_start3A_154 = tpu.memref_slice %arg11[%dma_start3A_141, %dma_start3A_142, %dma_start3A_151, %dma_start3A_152, %dma_start3A_153] : memref<8x1x4x8x128xf32, #tpu.memory_space<vmem>> -> memref<1x1x4x8x128xf32, #tpu.memory_space<vmem>>
    %dma_start3A_155 = tpu.memref_squeeze %dma_start3A_154 : memref<1x1x4x8x128xf32, #tpu.memory_space<vmem>> -> memref<4x8x128xf32, #tpu.memory_space<vmem>>
    %dma_start3A_156 = arith.constant 0 : i32
    %dma_start3A_157 = arith.constant 0 : i32
    %dma_start3A_158 = tpu.memref_slice %arg4[%dma_start3A_156, %dma_start3A_157, %multiple_of3A] : memref<4x8x1000000xf32, #tpu.memory_space<hbm>> -> memref<4x8x128xf32, #tpu.memory_space<hbm>>
    tpu.enqueue_dma source(%dma_start3A_158 : memref<4x8x128xf32, #tpu.memory_space<hbm>>) target(%dma_start3A_155 : memref<4x8x128xf32, #tpu.memory_space<vmem>>) target_semaphore(%arg16 : memref<!tpu.dma_semaphore, #tpu.memory_space<semaphore_mem>>)
    %dma_start3A_159 = arith.constant 0 : i32
    %dma_start3A_160 = arith.constant 0 : i32
    %dma_start3A_161 = arith.constant 0 : i32
    %dma_start3A_162 = arith.constant 0 : i32
    %dma_start3A_163 = arith.constant 0 : i32
    %dma_start3A_164 = tpu.memref_slice %arg12[%dma_start3A_159, %dma_start3A_160, %dma_start3A_161, %dma_start3A_162, %dma_start3A_163] : memref<8x1x4x8x128xf32, #tpu.memory_space<vmem>> -> memref<1x1x4x8x128xf32, #tpu.memory_space<vmem>>
    %dma_start3A_165 = tpu.memref_squeeze %dma_start3A_164 : memref<1x1x4x8x128xf32, #tpu.memory_space<vmem>> -> memref<4x8x128xf32, #tpu.memory_space<vmem>>
    %dma_start3A_166 = arith.constant 0 : i32
    %dma_start3A_167 = arith.constant 0 : i32
    %dma_start3A_168 = tpu.memref_slice %arg5[%dma_start3A_166, %dma_start3A_167, %multiple_of3A_140] : memref<4x8x1000000xf32, #tpu.memory_space<hbm>> -> memref<4x8x128xf32, #tpu.memory_space<hbm>>
    %dma_start3A_169 = arith.constant 0 : i32
    %dma_start3A_170 = arith.constant 0 : i32
    %dma_start3A_171 = arith.constant 0 : i32
    %dma_start3A_172 = tpu.memref_slice %arg12[%dma_start3A_159, %dma_start3A_160, %dma_start3A_169, %dma_start3A_170, %dma_start3A_171] : memref<8x1x4x8x128xf32, #tpu.memory_space<vmem>> -> memref<1x1x4x8x128xf32, #tpu.memory_space<vmem>>
    %dma_start3A_173 = tpu.memref_squeeze %dma_start3A_172 : memref<1x1x4x8x128xf32, #tpu.memory_space<vmem>> -> memref<4x8x128xf32, #tpu.memory_space<vmem>>
    %dma_start3A_174 = arith.constant 0 : i32
    %dma_start3A_175 = arith.constant 0 : i32
    %dma_start3A_176 = tpu.memref_slice %arg5[%dma_start3A_174, %dma_start3A_175, %multiple_of3A_140] : memref<4x8x1000000xf32, #tpu.memory_space<hbm>> -> memref<4x8x128xf32, #tpu.memory_space<hbm>>
    tpu.enqueue_dma source(%dma_start3A_176 : memref<4x8x128xf32, #tpu.memory_space<hbm>>) target(%dma_start3A_173 : memref<4x8x128xf32, #tpu.memory_space<vmem>>) target_semaphore(%arg16 : memref<!tpu.dma_semaphore, #tpu.memory_space<semaphore_mem>>)
    %slice3A_177 = vector.extract_strided_slice %get3A_128 {offsets = [1], sizes = [1], strides = [1]} : vector<16xi32> to vector<1xi32>
    %squeeze3A_178 = vector.extract %slice3A_177[0] : i32 from vector<1xi32>
    %shift_right_arithmetic3A_179 = arith.constant 7 : i32
    %shift_right_arithmetic3A_180 = arith.shrsi %squeeze3A_178, %shift_right_arithmetic3A_179 : i32
    %mul3A_181 = arith.constant 128 : i32
    %mul3A_182 = arith.muli %shift_right_arithmetic3A_180, %mul3A_181 : i32
    %multiple_of3A_183 = tpu.assume_multiple %mul3A_182, 128 : i32
    %slice3A_184 = vector.extract_strided_slice %get3A_130 {offsets = [1], sizes = [1], strides = [1]} : vector<16xi32> to vector<1xi32>
    %squeeze3A_185 = vector.extract %slice3A_184[0] : i32 from vector<1xi32>
    %shift_right_arithmetic3A_186 = arith.constant 7 : i32
    %shift_right_arithmetic3A_187 = arith.shrsi %squeeze3A_185, %shift_right_arithmetic3A_186 : i32
    %mul3A_188 = arith.constant 128 : i32
    %mul3A_189 = arith.muli %shift_right_arithmetic3A_187, %mul3A_188 : i32
    %multiple_of3A_190 = tpu.assume_multiple %mul3A_189, 128 : i32
    %dma_start3A_191 = arith.constant 1 : i32
    %dma_start3A_192 = arith.constant 0 : i32
    %dma_start3A_193 = arith.constant 0 : i32
    %dma_start3A_194 = arith.constant 0 : i32
    %dma_start3A_195 = arith.constant 0 : i32
    %dma_start3A_196 = tpu.memref_slice %arg11[%dma_start3A_191, %dma_start3A_192, %dma_start3A_193, %dma_start3A_194, %dma_start3A_195] : memref<8x1x4x8x128xf32, #tpu.memory_space<vmem>> -> memref<1x1x4x8x128xf32, #tpu.memory_space<vmem>>
    %dma_start3A_197 = tpu.memref_squeeze %dma_start3A_196 : memref<1x1x4x8x128xf32, #tpu.memory_space<vmem>> -> memref<4x8x128xf32, #tpu.memory_space<vmem>>
    %dma_start3A_198 = arith.constant 0 : i32
    %dma_start3A_199 = arith.constant 0 : i32
    %dma_start3A_200 = tpu.memref_slice %arg4[%dma_start3A_198, %dma_start3A_199, %multiple_of3A_183] : memref<4x8x1000000xf32, #tpu.memory_space<hbm>> -> memref<4x8x128xf32, #tpu.memory_space<hbm>>
    %dma_start3A_201 = arith.constant 0 : i32
    %dma_start3A_202 = arith.constant 0 : i32
    %dma_start3A_203 = arith.constant 0 : i32
    %dma_start3A_204 = tpu.memref_slice %arg11[%dma_start3A_191, %dma_start3A_192, %dma_start3A_201, %dma_start3A_202, %dma_start3A_203] : memref<8x1x4x8x128xf32, #tpu.memory_space<vmem>> -> memref<1x1x4x8x128xf32, #tpu.memory_space<vmem>>
    %dma_start3A_205 = tpu.memref_squeeze %dma_start3A_204 : memref<1x1x4x8x128xf32, #tpu.memory_space<vmem>> -> memref<4x8x128xf32, #tpu.memory_space<vmem>>
    %dma_start3A_206 = arith.constant 0 : i32
    %dma_start3A_207 = arith.constant 0 : i32
    %dma_start3A_208 = tpu.memref_slice %arg4[%dma_start3A_206, %dma_start3A_207, %multiple_of3A_183] : memref<4x8x1000000xf32, #tpu.memory_space<hbm>> -> memref<4x8x128xf32, #tpu.memory_space<hbm>>
    tpu.enqueue_dma source(%dma_start3A_208 : memref<4x8x128xf32, #tpu.memory_space<hbm>>) target(%dma_start3A_205 : memref<4x8x128xf32, #tpu.memory_space<vmem>>) target_semaphore(%arg17 : memref<!tpu.dma_semaphore, #tpu.memory_space<semaphore_mem>>)
    %dma_start3A_209 = arith.constant 1 : i32
    %dma_start3A_210 = arith.constant 0 : i32
    %dma_start3A_211 = arith.constant 0 : i32
    %dma_start3A_212 = arith.constant 0 : i32
    %dma_start3A_213 = arith.constant 0 : i32
    %dma_start3A_214 = tpu.memref_slice %arg12[%dma_start3A_209, %dma_start3A_210, %dma_start3A_211, %dma_start3A_212, %dma_start3A_213] : memref<8x1x4x8x128xf32, #tpu.memory_space<vmem>> -> memref<1x1x4x8x128xf32, #tpu.memory_space<vmem>>
    %dma_start3A_215 = tpu.memref_squeeze %dma_start3A_214 : memref<1x1x4x8x128xf32, #tpu.memory_space<vmem>> -> memref<4x8x128xf32, #tpu.memory_space<vmem>>
    %dma_start3A_216 = arith.constant 0 : i32
    %dma_start3A_217 = arith.constant 0 : i32
    %dma_start3A_218 = tpu.memref_slice %arg5[%dma_start3A_216, %dma_start3A_217, %multiple_of3A_190] : memref<4x8x1000000xf32, #tpu.memory_space<hbm>> -> memref<4x8x128xf32, #tpu.memory_space<hbm>>
    %dma_start3A_219 = arith.constant 0 : i32
    %dma_start3A_220 = arith.constant 0 : i32
    %dma_start3A_221 = arith.constant 0 : i32
    %dma_start3A_222 = tpu.memref_slice %arg12[%dma_start3A_209, %dma_start3A_210, %dma_start3A_219, %dma_start3A_220, %dma_start3A_221] : memref<8x1x4x8x128xf32, #tpu.memory_space<vmem>> -> memref<1x1x4x8x128xf32, #tpu.memory_space<vmem>>
    %dma_start3A_223 = tpu.memref_squeeze %dma_start3A_222 : memref<1x1x4x8x128xf32, #tpu.memory_space<vmem>> -> memref<4x8x128xf32, #tpu.memory_space<vmem>>
    %dma_start3A_224 = arith.constant 0 : i32
    %dma_start3A_225 = arith.constant 0 : i32
    %dma_start3A_226 = tpu.memref_slice %arg5[%dma_start3A_224, %dma_start3A_225, %multiple_of3A_190] : memref<4x8x1000000xf32, #tpu.memory_space<hbm>> -> memref<4x8x128xf32, #tpu.memory_space<hbm>>
    tpu.enqueue_dma source(%dma_start3A_226 : memref<4x8x128xf32, #tpu.memory_space<hbm>>) target(%dma_start3A_223 : memref<4x8x128xf32, #tpu.memory_space<vmem>>) target_semaphore(%arg17 : memref<!tpu.dma_semaphore, #tpu.memory_space<semaphore_mem>>)
    %slice3A_227 = vector.extract_strided_slice %get3A_128 {offsets = [2], sizes = [1], strides = [1]} : vector<16xi32> to vector<1xi32>
    %squeeze3A_228 = vector.extract %slice3A_227[0] : i32 from vector<1xi32>
    %shift_right_arithmetic3A_229 = arith.constant 7 : i32
    %shift_right_arithmetic3A_230 = arith.shrsi %squeeze3A_228, %shift_right_arithmetic3A_229 : i32
    %mul3A_231 = arith.constant 128 : i32
    %mul3A_232 = arith.muli %shift_right_arithmetic3A_230, %mul3A_231 : i32
    %multiple_of3A_233 = tpu.assume_multiple %mul3A_232, 128 : i32
    %slice3A_234 = vector.extract_strided_slice %get3A_130 {offsets = [2], sizes = [1], strides = [1]} : vector<16xi32> to vector<1xi32>
    %squeeze3A_235 = vector.extract %slice3A_234[0] : i32 from vector<1xi32>
    %shift_right_arithmetic3A_236 = arith.constant 7 : i32
    %shift_right_arithmetic3A_237 = arith.shrsi %squeeze3A_235, %shift_right_arithmetic3A_236 : i32
    %mul3A_238 = arith.constant 128 : i32
    %mul3A_239 = arith.muli %shift_right_arithmetic3A_237, %mul3A_238 : i32
    %multiple_of3A_240 = tpu.assume_multiple %mul3A_239, 128 : i32
    %dma_start3A_241 = arith.constant 2 : i32
    %dma_start3A_242 = arith.constant 0 : i32
    %dma_start3A_243 = arith.constant 0 : i32
    %dma_start3A_244 = arith.constant 0 : i32
    %dma_start3A_245 = arith.constant 0 : i32
    %dma_start3A_246 = tpu.memref_slice %arg11[%dma_start3A_241, %dma_start3A_242, %dma_start3A_243, %dma_start3A_244, %dma_start3A_245] : memref<8x1x4x8x128xf32, #tpu.memory_space<vmem>> -> memref<1x1x4x8x128xf32, #tpu.memory_space<vmem>>
    %dma_start3A_247 = tpu.memref_squeeze %dma_start3A_246 : memref<1x1x4x8x128xf32, #tpu.memory_space<vmem>> -> memref<4x8x128xf32, #tpu.memory_space<vmem>>
    %dma_start3A_248 = arith.constant 0 : i32
    %dma_start3A_249 = arith.constant 0 : i32
    %dma_start3A_250 = tpu.memref_slice %arg4[%dma_start3A_248, %dma_start3A_249, %multiple_of3A_233] : memref<4x8x1000000xf32, #tpu.memory_space<hbm>> -> memref<4x8x128xf32, #tpu.memory_space<hbm>>
    %dma_start3A_251 = arith.constant 0 : i32
    %dma_start3A_252 = arith.constant 0 : i32
    %dma_start3A_253 = arith.constant 0 : i32
    %dma_start3A_254 = tpu.memref_slice %arg11[%dma_start3A_241, %dma_start3A_242, %dma_start3A_251, %dma_start3A_252, %dma_start3A_253] : memref<8x1x4x8x128xf32, #tpu.memory_space<vmem>> -> memref<1x1x4x8x128xf32, #tpu.memory_space<vmem>>
    %dma_start3A_255 = tpu.memref_squeeze %dma_start3A_254 : memref<1x1x4x8x128xf32, #tpu.memory_space<vmem>> -> memref<4x8x128xf32, #tpu.memory_space<vmem>>
    %dma_start3A_256 = arith.constant 0 : i32
    %dma_start3A_257 = arith.constant 0 : i32
    %dma_start3A_258 = tpu.memref_slice %arg4[%dma_start3A_256, %dma_start3A_257, %multiple_of3A_233] : memref<4x8x1000000xf32, #tpu.memory_space<hbm>> -> memref<4x8x128xf32, #tpu.memory_space<hbm>>
    tpu.enqueue_dma source(%dma_start3A_258 : memref<4x8x128xf32, #tpu.memory_space<hbm>>) target(%dma_start3A_255 : memref<4x8x128xf32, #tpu.memory_space<vmem>>) target_semaphore(%arg18 : memref<!tpu.dma_semaphore, #tpu.memory_space<semaphore_mem>>)
    %dma_start3A_259 = arith.constant 2 : i32
    %dma_start3A_260 = arith.constant 0 : i32
    %dma_start3A_261 = arith.constant 0 : i32
    %dma_start3A_262 = arith.constant 0 : i32
    %dma_start3A_263 = arith.constant 0 : i32
    %dma_start3A_264 = tpu.memref_slice %arg12[%dma_start3A_259, %dma_start3A_260, %dma_start3A_261, %dma_start3A_262, %dma_start3A_263] : memref<8x1x4x8x128xf32, #tpu.memory_space<vmem>> -> memref<1x1x4x8x128xf32, #tpu.memory_space<vmem>>
    %dma_start3A_265 = tpu.memref_squeeze %dma_start3A_264 : memref<1x1x4x8x128xf32, #tpu.memory_space<vmem>> -> memref<4x8x128xf32, #tpu.memory_space<vmem>>
    %dma_start3A_266 = arith.constant 0 : i32
    %dma_start3A_267 = arith.constant 0 : i32
    %dma_start3A_268 = tpu.memref_slice %arg5[%dma_start3A_266, %dma_start3A_267, %multiple_of3A_240] : memref<4x8x1000000xf32, #tpu.memory_space<hbm>> -> memref<4x8x128xf32, #tpu.memory_space<hbm>>
    %dma_start3A_269 = arith.constant 0 : i32
    %dma_start3A_270 = arith.constant 0 : i32
    %dma_start3A_271 = arith.constant 0 : i32
    %dma_start3A_272 = tpu.memref_slice %arg12[%dma_start3A_259, %dma_start3A_260, %dma_start3A_269, %dma_start3A_270, %dma_start3A_271] : memref<8x1x4x8x128xf32, #tpu.memory_space<vmem>> -> memref<1x1x4x8x128xf32, #tpu.memory_space<vmem>>
    %dma_start3A_273 = tpu.memref_squeeze %dma_start3A_272 : memref<1x1x4x8x128xf32, #tpu.memory_space<vmem>> -> memref<4x8x128xf32, #tpu.memory_space<vmem>>
    %dma_start3A_274 = arith.constant 0 : i32
    %dma_start3A_275 = arith.constant 0 : i32
    %dma_start3A_276 = tpu.memref_slice %arg5[%dma_start3A_274, %dma_start3A_275, %multiple_of3A_240] : memref<4x8x1000000xf32, #tpu.memory_space<hbm>> -> memref<4x8x128xf32, #tpu.memory_space<hbm>>
    tpu.enqueue_dma source(%dma_start3A_276 : memref<4x8x128xf32, #tpu.memory_space<hbm>>) target(%dma_start3A_273 : memref<4x8x128xf32, #tpu.memory_space<vmem>>) target_semaphore(%arg18 : memref<!tpu.dma_semaphore, #tpu.memory_space<semaphore_mem>>)
    %slice3A_277 = vector.extract_strided_slice %get3A_128 {offsets = [3], sizes = [1], strides = [1]} : vector<16xi32> to vector<1xi32>
    %squeeze3A_278 = vector.extract %slice3A_277[0] : i32 from vector<1xi32>
    %shift_right_arithmetic3A_279 = arith.constant 7 : i32
    %shift_right_arithmetic3A_280 = arith.shrsi %squeeze3A_278, %shift_right_arithmetic3A_279 : i32
    %mul3A_281 = arith.constant 128 : i32
    %mul3A_282 = arith.muli %shift_right_arithmetic3A_280, %mul3A_281 : i32
    %multiple_of3A_283 = tpu.assume_multiple %mul3A_282, 128 : i32
    %slice3A_284 = vector.extract_strided_slice %get3A_130 {offsets = [3], sizes = [1], strides = [1]} : vector<16xi32> to vector<1xi32>
    %squeeze3A_285 = vector.extract %slice3A_284[0] : i32 from vector<1xi32>
    %shift_right_arithmetic3A_286 = arith.constant 7 : i32
    %shift_right_arithmetic3A_287 = arith.shrsi %squeeze3A_285, %shift_right_arithmetic3A_286 : i32
    %mul3A_288 = arith.constant 128 : i32
    %mul3A_289 = arith.muli %shift_right_arithmetic3A_287, %mul3A_288 : i32
    %multiple_of3A_290 = tpu.assume_multiple %mul3A_289, 128 : i32
    %dma_start3A_291 = arith.constant 3 : i32
    %dma_start3A_292 = arith.constant 0 : i32
    %dma_start3A_293 = arith.constant 0 : i32
    %dma_start3A_294 = arith.constant 0 : i32
    %dma_start3A_295 = arith.constant 0 : i32
    %dma_start3A_296 = tpu.memref_slice %arg11[%dma_start3A_291, %dma_start3A_292, %dma_start3A_293, %dma_start3A_294, %dma_start3A_295] : memref<8x1x4x8x128xf32, #tpu.memory_space<vmem>> -> memref<1x1x4x8x128xf32, #tpu.memory_space<vmem>>
    %dma_start3A_297 = tpu.memref_squeeze %dma_start3A_296 : memref<1x1x4x8x128xf32, #tpu.memory_space<vmem>> -> memref<4x8x128xf32, #tpu.memory_space<vmem>>
    %dma_start3A_298 = arith.constant 0 : i32
    %dma_start3A_299 = arith.constant 0 : i32
    %dma_start3A_300 = tpu.memref_slice %arg4[%dma_start3A_298, %dma_start3A_299, %multiple_of3A_283] : memref<4x8x1000000xf32, #tpu.memory_space<hbm>> -> memref<4x8x128xf32, #tpu.memory_space<hbm>>
    %dma_start3A_301 = arith.constant 0 : i32
    %dma_start3A_302 = arith.constant 0 : i32
    %dma_start3A_303 = arith.constant 0 : i32
    %dma_start3A_304 = tpu.memref_slice %arg11[%dma_start3A_291, %dma_start3A_292, %dma_start3A_301, %dma_start3A_302, %dma_start3A_303] : memref<8x1x4x8x128xf32, #tpu.memory_space<vmem>> -> memref<1x1x4x8x128xf32, #tpu.memory_space<vmem>>
    %dma_start3A_305 = tpu.memref_squeeze %dma_start3A_304 : memref<1x1x4x8x128xf32, #tpu.memory_space<vmem>> -> memref<4x8x128xf32, #tpu.memory_space<vmem>>
    %dma_start3A_306 = arith.constant 0 : i32
    %dma_start3A_307 = arith.constant 0 : i32
    %dma_start3A_308 = tpu.memref_slice %arg4[%dma_start3A_306, %dma_start3A_307, %multiple_of3A_283] : memref<4x8x1000000xf32, #tpu.memory_space<hbm>> -> memref<4x8x128xf32, #tpu.memory_space<hbm>>
    tpu.enqueue_dma source(%dma_start3A_308 : memref<4x8x128xf32, #tpu.memory_space<hbm>>) target(%dma_start3A_305 : memref<4x8x128xf32, #tpu.memory_space<vmem>>) target_semaphore(%arg19 : memref<!tpu.dma_semaphore, #tpu.memory_space<semaphore_mem>>)
    %dma_start3A_309 = arith.constant 3 : i32
    %dma_start3A_310 = arith.constant 0 : i32
    %dma_start3A_311 = arith.constant 0 : i32
    %dma_start3A_312 = arith.constant 0 : i32
    %dma_start3A_313 = arith.constant 0 : i32
    %dma_start3A_314 = tpu.memref_slice %arg12[%dma_start3A_309, %dma_start3A_310, %dma_start3A_311, %dma_start3A_312, %dma_start3A_313] : memref<8x1x4x8x128xf32, #tpu.memory_space<vmem>> -> memref<1x1x4x8x128xf32, #tpu.memory_space<vmem>>
    %dma_start3A_315 = tpu.memref_squeeze %dma_start3A_314 : memref<1x1x4x8x128xf32, #tpu.memory_space<vmem>> -> memref<4x8x128xf32, #tpu.memory_space<vmem>>
    %dma_start3A_316 = arith.constant 0 : i32
    %dma_start3A_317 = arith.constant 0 : i32
    %dma_start3A_318 = tpu.memref_slice %arg5[%dma_start3A_316, %dma_start3A_317, %multiple_of3A_290] : memref<4x8x1000000xf32, #tpu.memory_space<hbm>> -> memref<4x8x128xf32, #tpu.memory_space<hbm>>
    %dma_start3A_319 = arith.constant 0 : i32
    %dma_start3A_320 = arith.constant 0 : i32
    %dma_start3A_321 = arith.constant 0 : i32
    %dma_start3A_322 = tpu.memref_slice %arg12[%dma_start3A_309, %dma_start3A_310, %dma_start3A_319, %dma_start3A_320, %dma_start3A_321] : memref<8x1x4x8x128xf32, #tpu.memory_space<vmem>> -> memref<1x1x4x8x128xf32, #tpu.memory_space<vmem>>
    %dma_start3A_323 = tpu.memref_squeeze %dma_start3A_322 : memref<1x1x4x8x128xf32, #tpu.memory_space<vmem>> -> memref<4x8x128xf32, #tpu.memory_space<vmem>>
    %dma_start3A_324 = arith.constant 0 : i32
    %dma_start3A_325 = arith.constant 0 : i32
    %dma_start3A_326 = tpu.memref_slice %arg5[%dma_start3A_324, %dma_start3A_325, %multiple_of3A_290] : memref<4x8x1000000xf32, #tpu.memory_space<hbm>> -> memref<4x8x128xf32, #tpu.memory_space<hbm>>
    tpu.enqueue_dma source(%dma_start3A_326 : memref<4x8x128xf32, #tpu.memory_space<hbm>>) target(%dma_start3A_323 : memref<4x8x128xf32, #tpu.memory_space<vmem>>) target_semaphore(%arg19 : memref<!tpu.dma_semaphore, #tpu.memory_space<semaphore_mem>>)
    %slice3A_327 = vector.extract_strided_slice %get3A_128 {offsets = [4], sizes = [1], strides = [1]} : vector<16xi32> to vector<1xi32>
    %squeeze3A_328 = vector.extract %slice3A_327[0] : i32 from vector<1xi32>
    %shift_right_arithmetic3A_329 = arith.constant 7 : i32
    %shift_right_arithmetic3A_330 = arith.shrsi %squeeze3A_328, %shift_right_arithmetic3A_329 : i32
    %mul3A_331 = arith.constant 128 : i32
    %mul3A_332 = arith.muli %shift_right_arithmetic3A_330, %mul3A_331 : i32
    %multiple_of3A_333 = tpu.assume_multiple %mul3A_332, 128 : i32
    %slice3A_334 = vector.extract_strided_slice %get3A_130 {offsets = [4], sizes = [1], strides = [1]} : vector<16xi32> to vector<1xi32>
    %squeeze3A_335 = vector.extract %slice3A_334[0] : i32 from vector<1xi32>
    %shift_right_arithmetic3A_336 = arith.constant 7 : i32
    %shift_right_arithmetic3A_337 = arith.shrsi %squeeze3A_335, %shift_right_arithmetic3A_336 : i32
    %mul3A_338 = arith.constant 128 : i32
    %mul3A_339 = arith.muli %shift_right_arithmetic3A_337, %mul3A_338 : i32
    %multiple_of3A_340 = tpu.assume_multiple %mul3A_339, 128 : i32
    %dma_start3A_341 = arith.constant 4 : i32
    %dma_start3A_342 = arith.constant 0 : i32
    %dma_start3A_343 = arith.constant 0 : i32
    %dma_start3A_344 = arith.constant 0 : i32
    %dma_start3A_345 = arith.constant 0 : i32
    %dma_start3A_346 = tpu.memref_slice %arg11[%dma_start3A_341, %dma_start3A_342, %dma_start3A_343, %dma_start3A_344, %dma_start3A_345] : memref<8x1x4x8x128xf32, #tpu.memory_space<vmem>> -> memref<1x1x4x8x128xf32, #tpu.memory_space<vmem>>
    %dma_start3A_347 = tpu.memref_squeeze %dma_start3A_346 : memref<1x1x4x8x128xf32, #tpu.memory_space<vmem>> -> memref<4x8x128xf32, #tpu.memory_space<vmem>>
    %dma_start3A_348 = arith.constant 0 : i32
    %dma_start3A_349 = arith.constant 0 : i32
    %dma_start3A_350 = tpu.memref_slice %arg4[%dma_start3A_348, %dma_start3A_349, %multiple_of3A_333] : memref<4x8x1000000xf32, #tpu.memory_space<hbm>> -> memref<4x8x128xf32, #tpu.memory_space<hbm>>
    %dma_start3A_351 = arith.constant 0 : i32
    %dma_start3A_352 = arith.constant 0 : i32
    %dma_start3A_353 = arith.constant 0 : i32
    %dma_start3A_354 = tpu.memref_slice %arg11[%dma_start3A_341, %dma_start3A_342, %dma_start3A_351, %dma_start3A_352, %dma_start3A_353] : memref<8x1x4x8x128xf32, #tpu.memory_space<vmem>> -> memref<1x1x4x8x128xf32, #tpu.memory_space<vmem>>
    %dma_start3A_355 = tpu.memref_squeeze %dma_start3A_354 : memref<1x1x4x8x128xf32, #tpu.memory_space<vmem>> -> memref<4x8x128xf32, #tpu.memory_space<vmem>>
    %dma_start3A_356 = arith.constant 0 : i32
    %dma_start3A_357 = arith.constant 0 : i32
    %dma_start3A_358 = tpu.memref_slice %arg4[%dma_start3A_356, %dma_start3A_357, %multiple_of3A_333] : memref<4x8x1000000xf32, #tpu.memory_space<hbm>> -> memref<4x8x128xf32, #tpu.memory_space<hbm>>
    tpu.enqueue_dma source(%dma_start3A_358 : memref<4x8x128xf32, #tpu.memory_space<hbm>>) target(%dma_start3A_355 : memref<4x8x128xf32, #tpu.memory_space<vmem>>) target_semaphore(%arg20 : memref<!tpu.dma_semaphore, #tpu.memory_space<semaphore_mem>>)
    %dma_start3A_359 = arith.constant 4 : i32
    %dma_start3A_360 = arith.constant 0 : i32
    %dma_start3A_361 = arith.constant 0 : i32
    %dma_start3A_362 = arith.constant 0 : i32
    %dma_start3A_363 = arith.constant 0 : i32
    %dma_start3A_364 = tpu.memref_slice %arg12[%dma_start3A_359, %dma_start3A_360, %dma_start3A_361, %dma_start3A_362, %dma_start3A_363] : memref<8x1x4x8x128xf32, #tpu.memory_space<vmem>> -> memref<1x1x4x8x128xf32, #tpu.memory_space<vmem>>
    %dma_start3A_365 = tpu.memref_squeeze %dma_start3A_364 : memref<1x1x4x8x128xf32, #tpu.memory_space<vmem>> -> memref<4x8x128xf32, #tpu.memory_space<vmem>>
    %dma_start3A_366 = arith.constant 0 : i32
    %dma_start3A_367 = arith.constant 0 : i32
    %dma_start3A_368 = tpu.memref_slice %arg5[%dma_start3A_366, %dma_start3A_367, %multiple_of3A_340] : memref<4x8x1000000xf32, #tpu.memory_space<hbm>> -> memref<4x8x128xf32, #tpu.memory_space<hbm>>
    %dma_start3A_369 = arith.constant 0 : i32
    %dma_start3A_370 = arith.constant 0 : i32
    %dma_start3A_371 = arith.constant 0 : i32
    %dma_start3A_372 = tpu.memref_slice %arg12[%dma_start3A_359, %dma_start3A_360, %dma_start3A_369, %dma_start3A_370, %dma_start3A_371] : memref<8x1x4x8x128xf32, #tpu.memory_space<vmem>> -> memref<1x1x4x8x128xf32, #tpu.memory_space<vmem>>
    %dma_start3A_373 = tpu.memref_squeeze %dma_start3A_372 : memref<1x1x4x8x128xf32, #tpu.memory_space<vmem>> -> memref<4x8x128xf32, #tpu.memory_space<vmem>>
    %dma_start3A_374 = arith.constant 0 : i32
    %dma_start3A_375 = arith.constant 0 : i32
    %dma_start3A_376 = tpu.memref_slice %arg5[%dma_start3A_374, %dma_start3A_375, %multiple_of3A_340] : memref<4x8x1000000xf32, #tpu.memory_space<hbm>> -> memref<4x8x128xf32, #tpu.memory_space<hbm>>
    tpu.enqueue_dma source(%dma_start3A_376 : memref<4x8x128xf32, #tpu.memory_space<hbm>>) target(%dma_start3A_373 : memref<4x8x128xf32, #tpu.memory_space<vmem>>) target_semaphore(%arg20 : memref<!tpu.dma_semaphore, #tpu.memory_space<semaphore_mem>>)
    %slice3A_377 = vector.extract_strided_slice %get3A_128 {offsets = [5], sizes = [1], strides = [1]} : vector<16xi32> to vector<1xi32>
    %squeeze3A_378 = vector.extract %slice3A_377[0] : i32 from vector<1xi32>
    %shift_right_arithmetic3A_379 = arith.constant 7 : i32
    %shift_right_arithmetic3A_380 = arith.shrsi %squeeze3A_378, %shift_right_arithmetic3A_379 : i32
    %mul3A_381 = arith.constant 128 : i32
    %mul3A_382 = arith.muli %shift_right_arithmetic3A_380, %mul3A_381 : i32
    %multiple_of3A_383 = tpu.assume_multiple %mul3A_382, 128 : i32
    %slice3A_384 = vector.extract_strided_slice %get3A_130 {offsets = [5], sizes = [1], strides = [1]} : vector<16xi32> to vector<1xi32>
    %squeeze3A_385 = vector.extract %slice3A_384[0] : i32 from vector<1xi32>
    %shift_right_arithmetic3A_386 = arith.constant 7 : i32
    %shift_right_arithmetic3A_387 = arith.shrsi %squeeze3A_385, %shift_right_arithmetic3A_386 : i32
    %mul3A_388 = arith.constant 128 : i32
    %mul3A_389 = arith.muli %shift_right_arithmetic3A_387, %mul3A_388 : i32
    %multiple_of3A_390 = tpu.assume_multiple %mul3A_389, 128 : i32
    %dma_start3A_391 = arith.constant 5 : i32
    %dma_start3A_392 = arith.constant 0 : i32
    %dma_start3A_393 = arith.constant 0 : i32
    %dma_start3A_394 = arith.constant 0 : i32
    %dma_start3A_395 = arith.constant 0 : i32
    %dma_start3A_396 = tpu.memref_slice %arg11[%dma_start3A_391, %dma_start3A_392, %dma_start3A_393, %dma_start3A_394, %dma_start3A_395] : memref<8x1x4x8x128xf32, #tpu.memory_space<vmem>> -> memref<1x1x4x8x128xf32, #tpu.memory_space<vmem>>
    %dma_start3A_397 = tpu.memref_squeeze %dma_start3A_396 : memref<1x1x4x8x128xf32, #tpu.memory_space<vmem>> -> memref<4x8x128xf32, #tpu.memory_space<vmem>>
    %dma_start3A_398 = arith.constant 0 : i32
    %dma_start3A_399 = arith.constant 0 : i32
    %dma_start3A_400 = tpu.memref_slice %arg4[%dma_start3A_398, %dma_start3A_399, %multiple_of3A_383] : memref<4x8x1000000xf32, #tpu.memory_space<hbm>> -> memref<4x8x128xf32, #tpu.memory_space<hbm>>
    %dma_start3A_401 = arith.constant 0 : i32
    %dma_start3A_402 = arith.constant 0 : i32
    %dma_start3A_403 = arith.constant 0 : i32
    %dma_start3A_404 = tpu.memref_slice %arg11[%dma_start3A_391, %dma_start3A_392, %dma_start3A_401, %dma_start3A_402, %dma_start3A_403] : memref<8x1x4x8x128xf32, #tpu.memory_space<vmem>> -> memref<1x1x4x8x128xf32, #tpu.memory_space<vmem>>
    %dma_start3A_405 = tpu.memref_squeeze %dma_start3A_404 : memref<1x1x4x8x128xf32, #tpu.memory_space<vmem>> -> memref<4x8x128xf32, #tpu.memory_space<vmem>>
    %dma_start3A_406 = arith.constant 0 : i32
    %dma_start3A_407 = arith.constant 0 : i32
    %dma_start3A_408 = tpu.memref_slice %arg4[%dma_start3A_406, %dma_start3A_407, %multiple_of3A_383] : memref<4x8x1000000xf32, #tpu.memory_space<hbm>> -> memref<4x8x128xf32, #tpu.memory_space<hbm>>
    tpu.enqueue_dma source(%dma_start3A_408 : memref<4x8x128xf32, #tpu.memory_space<hbm>>) target(%dma_start3A_405 : memref<4x8x128xf32, #tpu.memory_space<vmem>>) target_semaphore(%arg21 : memref<!tpu.dma_semaphore, #tpu.memory_space<semaphore_mem>>)
    %dma_start3A_409 = arith.constant 5 : i32
    %dma_start3A_410 = arith.constant 0 : i32
    %dma_start3A_411 = arith.constant 0 : i32
    %dma_start3A_412 = arith.constant 0 : i32
    %dma_start3A_413 = arith.constant 0 : i32
    %dma_start3A_414 = tpu.memref_slice %arg12[%dma_start3A_409, %dma_start3A_410, %dma_start3A_411, %dma_start3A_412, %dma_start3A_413] : memref<8x1x4x8x128xf32, #tpu.memory_space<vmem>> -> memref<1x1x4x8x128xf32, #tpu.memory_space<vmem>>
    %dma_start3A_415 = tpu.memref_squeeze %dma_start3A_414 : memref<1x1x4x8x128xf32, #tpu.memory_space<vmem>> -> memref<4x8x128xf32, #tpu.memory_space<vmem>>
    %dma_start3A_416 = arith.constant 0 : i32
    %dma_start3A_417 = arith.constant 0 : i32
    %dma_start3A_418 = tpu.memref_slice %arg5[%dma_start3A_416, %dma_start3A_417, %multiple_of3A_390] : memref<4x8x1000000xf32, #tpu.memory_space<hbm>> -> memref<4x8x128xf32, #tpu.memory_space<hbm>>
    %dma_start3A_419 = arith.constant 0 : i32
    %dma_start3A_420 = arith.constant 0 : i32
    %dma_start3A_421 = arith.constant 0 : i32
    %dma_start3A_422 = tpu.memref_slice %arg12[%dma_start3A_409, %dma_start3A_410, %dma_start3A_419, %dma_start3A_420, %dma_start3A_421] : memref<8x1x4x8x128xf32, #tpu.memory_space<vmem>> -> memref<1x1x4x8x128xf32, #tpu.memory_space<vmem>>
    %dma_start3A_423 = tpu.memref_squeeze %dma_start3A_422 : memref<1x1x4x8x128xf32, #tpu.memory_space<vmem>> -> memref<4x8x128xf32, #tpu.memory_space<vmem>>
    %dma_start3A_424 = arith.constant 0 : i32
    %dma_start3A_425 = arith.constant 0 : i32
    %dma_start3A_426 = tpu.memref_slice %arg5[%dma_start3A_424, %dma_start3A_425, %multiple_of3A_390] : memref<4x8x1000000xf32, #tpu.memory_space<hbm>> -> memref<4x8x128xf32, #tpu.memory_space<hbm>>
    tpu.enqueue_dma source(%dma_start3A_426 : memref<4x8x128xf32, #tpu.memory_space<hbm>>) target(%dma_start3A_423 : memref<4x8x128xf32, #tpu.memory_space<vmem>>) target_semaphore(%arg21 : memref<!tpu.dma_semaphore, #tpu.memory_space<semaphore_mem>>)
    %scan3A = arith.constant 0 : i32
    %scan3A_427 = arith.constant 0 : i32
    %scan3A_428 = arith.constant 32 : i32
    %scan3A_429 = arith.addi %scan3A_427, %scan3A_428 : i32
    %scan3A_430 = arith.constant 1 : i32
    %scan3A_431 = scf.for %scan3A_512 = %scan3A_427 to %scan3A_429 step %scan3A_430 iter_args(%scan3A_513 = %scan3A) -> (i32)  : i32 {
      %mul3A_514 = arith.constant 16 : i32
      %mul3A_515 = arith.muli %scan3A_512, %mul3A_514 : i32
      %get3A_516 = arith.index_cast %mul3A_515 : i32 to index
      %get3A_517 = tpu.vector_load %arg9[%get3A_516] {strides = array<i32>} : memref<512xi32, #tpu.memory_space<vmem>>, vector<16xi32>,
      %get3A_518 = arith.index_cast %mul3A_515 : i32 to index
      %get3A_519 = tpu.vector_load %arg10[%get3A_518] {strides = array<i32>} : memref<512xi32, #tpu.memory_space<vmem>>, vector<16xi32>,
      %add3A_520 = arith.constant 1 : i32
      %add3A_521 = arith.addi %scan3A_512, %add3A_520 : i32
      %min3A = arith.constant 31 : i32
      %min3A_522 = arith.minsi %add3A_521, %min3A : i32
      %mul3A_523 = arith.constant 16 : i32
      %mul3A_524 = arith.muli %min3A_522, %mul3A_523 : i32
      %get3A_525 = arith.index_cast %mul3A_524 : i32 to index
      %get3A_526 = tpu.vector_load %arg9[%get3A_525] {strides = array<i32>} : memref<512xi32, #tpu.memory_space<vmem>>, vector<16xi32>,
      %get3A_527 = arith.index_cast %mul3A_524 : i32 to index
      %get3A_528 = tpu.vector_load %arg10[%get3A_527] {strides = array<i32>} : memref<512xi32, #tpu.memory_space<vmem>>, vector<16xi32>,
      %broadcast_in_dim3A = arith.constant 0.000000e+00 : f32
      %broadcast_in_dim3A_529 = vector.broadcast %broadcast_in_dim3A : f32 to vector<16xf32>
      %slice3A_530 = vector.extract_strided_slice %get3A_517 {offsets = [6], sizes = [1], strides = [1]} : vector<16xi32> to vector<1xi32>
      %squeeze3A_531 = vector.extract %slice3A_530[0] : i32 from vector<1xi32>
      %shift_right_arithmetic3A_532 = arith.constant 7 : i32
      %shift_right_arithmetic3A_533 = arith.shrsi %squeeze3A_531, %shift_right_arithmetic3A_532 : i32
      %mul3A_534 = arith.constant 128 : i32
      %mul3A_535 = arith.muli %shift_right_arithmetic3A_533, %mul3A_534 : i32
      %multiple_of3A_536 = tpu.assume_multiple %mul3A_535, 128 : i32
      %slice3A_537 = vector.extract_strided_slice %get3A_519 {offsets = [6], sizes = [1], strides = [1]} : vector<16xi32> to vector<1xi32>
      %squeeze3A_538 = vector.extract %slice3A_537[0] : i32 from vector<1xi32>
      %shift_right_arithmetic3A_539 = arith.constant 7 : i32
      %shift_right_arithmetic3A_540 = arith.shrsi %squeeze3A_538, %shift_right_arithmetic3A_539 : i32
      %mul3A_541 = arith.constant 128 : i32
      %mul3A_542 = arith.muli %shift_right_arithmetic3A_540, %mul3A_541 : i32
      %multiple_of3A_543 = tpu.assume_multiple %mul3A_542, 128 : i32
      %dma_start3A_544 = arith.constant 6 : i32
      %dma_start3A_545 = arith.constant 0 : i32
      %dma_start3A_546 = arith.constant 0 : i32
      %dma_start3A_547 = arith.constant 0 : i32
      %dma_start3A_548 = arith.constant 0 : i32
      %dma_start3A_549 = tpu.memref_slice %arg11[%dma_start3A_544, %dma_start3A_545, %dma_start3A_546, %dma_start3A_547, %dma_start3A_548] : memref<8x1x4x8x128xf32, #tpu.memory_space<vmem>> -> memref<1x1x4x8x128xf32, #tpu.memory_space<vmem>>
      %dma_start3A_550 = tpu.memref_squeeze %dma_start3A_549 : memref<1x1x4x8x128xf32, #tpu.memory_space<vmem>> -> memref<4x8x128xf32, #tpu.memory_space<vmem>>
      %dma_start3A_551 = arith.constant 0 : i32
      %dma_start3A_552 = arith.constant 0 : i32
      %dma_start3A_553 = tpu.memref_slice %arg4[%dma_start3A_551, %dma_start3A_552, %multiple_of3A_536] : memref<4x8x1000000xf32, #tpu.memory_space<hbm>> -> memref<4x8x128xf32, #tpu.memory_space<hbm>>
      %dma_start3A_554 = arith.constant 0 : i32
      %dma_start3A_555 = arith.constant 0 : i32
      %dma_start3A_556 = arith.constant 0 : i32
      %dma_start3A_557 = tpu.memref_slice %arg11[%dma_start3A_544, %dma_start3A_545, %dma_start3A_554, %dma_start3A_555, %dma_start3A_556] : memref<8x1x4x8x128xf32, #tpu.memory_space<vmem>> -> memref<1x1x4x8x128xf32, #tpu.memory_space<vmem>>
      %dma_start3A_558 = tpu.memref_squeeze %dma_start3A_557 : memref<1x1x4x8x128xf32, #tpu.memory_space<vmem>> -> memref<4x8x128xf32, #tpu.memory_space<vmem>>
      %dma_start3A_559 = arith.constant 0 : i32
      %dma_start3A_560 = arith.constant 0 : i32
      %dma_start3A_561 = tpu.memref_slice %arg4[%dma_start3A_559, %dma_start3A_560, %multiple_of3A_536] : memref<4x8x1000000xf32, #tpu.memory_space<hbm>> -> memref<4x8x128xf32, #tpu.memory_space<hbm>>
      tpu.enqueue_dma source(%dma_start3A_561 : memref<4x8x128xf32, #tpu.memory_space<hbm>>) target(%dma_start3A_558 : memref<4x8x128xf32, #tpu.memory_space<vmem>>) target_semaphore(%arg22 : memref<!tpu.dma_semaphore, #tpu.memory_space<semaphore_mem>>)
      %dma_start3A_562 = arith.constant 6 : i32
      %dma_start3A_563 = arith.constant 0 : i32
      %dma_start3A_564 = arith.constant 0 : i32
      %dma_start3A_565 = arith.constant 0 : i32
      %dma_start3A_566 = arith.constant 0 : i32
      %dma_start3A_567 = tpu.memref_slice %arg12[%dma_start3A_562, %dma_start3A_563, %dma_start3A_564, %dma_start3A_565, %dma_start3A_566] : memref<8x1x4x8x128xf32, #tpu.memory_space<vmem>> -> memref<1x1x4x8x128xf32, #tpu.memory_space<vmem>>
      %dma_start3A_568 = tpu.memref_squeeze %dma_start3A_567 : memref<1x1x4x8x128xf32, #tpu.memory_space<vmem>> -> memref<4x8x128xf32, #tpu.memory_space<vmem>>
      %dma_start3A_569 = arith.constant 0 : i32
      %dma_start3A_570 = arith.constant 0 : i32
      %dma_start3A_571 = tpu.memref_slice %arg5[%dma_start3A_569, %dma_start3A_570, %multiple_of3A_543] : memref<4x8x1000000xf32, #tpu.memory_space<hbm>> -> memref<4x8x128xf32, #tpu.memory_space<hbm>>
      %dma_start3A_572 = arith.constant 0 : i32
      %dma_start3A_573 = arith.constant 0 : i32
      %dma_start3A_574 = arith.constant 0 : i32
      %dma_start3A_575 = tpu.memref_slice %arg12[%dma_start3A_562, %dma_start3A_563, %dma_start3A_572, %dma_start3A_573, %dma_start3A_574] : memref<8x1x4x8x128xf32, #tpu.memory_space<vmem>> -> memref<1x1x4x8x128xf32, #tpu.memory_space<vmem>>
      %dma_start3A_576 = tpu.memref_squeeze %dma_start3A_575 : memref<1x1x4x8x128xf32, #tpu.memory_space<vmem>> -> memref<4x8x128xf32, #tpu.memory_space<vmem>>
      %dma_start3A_577 = arith.constant 0 : i32
      %dma_start3A_578 = arith.constant 0 : i32
      %dma_start3A_579 = tpu.memref_slice %arg5[%dma_start3A_577, %dma_start3A_578, %multiple_of3A_543] : memref<4x8x1000000xf32, #tpu.memory_space<hbm>> -> memref<4x8x128xf32, #tpu.memory_space<hbm>>
      tpu.enqueue_dma source(%dma_start3A_579 : memref<4x8x128xf32, #tpu.memory_space<hbm>>) target(%dma_start3A_576 : memref<4x8x128xf32, #tpu.memory_space<vmem>>) target_semaphore(%arg22 : memref<!tpu.dma_semaphore, #tpu.memory_space<semaphore_mem>>)
      %dma_wait3A_580 = arith.constant 0 : i32
      %dma_wait3A_581 = arith.constant 0 : i32
      %dma_wait3A_582 = arith.constant 0 : i32
      %dma_wait3A_583 = arith.constant 0 : i32
      %dma_wait3A_584 = arith.constant 0 : i32
      %dma_wait3A_585 = tpu.memref_slice %arg11[%dma_wait3A_580, %dma_wait3A_581, %dma_wait3A_582, %dma_wait3A_583, %dma_wait3A_584] : memref<8x1x4x8x128xf32, #tpu.memory_space<vmem>> -> memref<1x1x4x8x128xf32, #tpu.memory_space<vmem>>
      %dma_wait3A_586 = tpu.memref_squeeze %dma_wait3A_585 : memref<1x1x4x8x128xf32, #tpu.memory_space<vmem>> -> memref<4x8x128xf32, #tpu.memory_space<vmem>>
      %dma_wait3A_587 = arith.constant 0 : i32
      %dma_wait3A_588 = arith.constant 0 : i32
      %dma_wait3A_589 = arith.constant 0 : i32
      %dma_wait3A_590 = tpu.memref_slice %arg4[%dma_wait3A_587, %dma_wait3A_588, %dma_wait3A_589] : memref<4x8x1000000xf32, #tpu.memory_space<hbm>> -> memref<4x8x128xf32, #tpu.memory_space<hbm>>
      %dma_wait3A_591 = arith.constant 0 : i32
      %dma_wait3A_592 = arith.constant 0 : i32
      %dma_wait3A_593 = arith.constant 0 : i32
      %dma_wait3A_594 = tpu.memref_slice %arg11[%dma_wait3A_580, %dma_wait3A_581, %dma_wait3A_591, %dma_wait3A_592, %dma_wait3A_593] : memref<8x1x4x8x128xf32, #tpu.memory_space<vmem>> -> memref<1x1x4x8x128xf32, #tpu.memory_space<vmem>>
      %dma_wait3A_595 = tpu.memref_squeeze %dma_wait3A_594 : memref<1x1x4x8x128xf32, #tpu.memory_space<vmem>> -> memref<4x8x128xf32, #tpu.memory_space<vmem>>
      %dma_wait3A_596 = arith.constant 0 : i32
      %dma_wait3A_597 = arith.constant 0 : i32
      %dma_wait3A_598 = arith.constant 0 : i32
      %dma_wait3A_599 = tpu.memref_slice %arg4[%dma_wait3A_596, %dma_wait3A_597, %dma_wait3A_598] : memref<4x8x1000000xf32, #tpu.memory_space<hbm>> -> memref<4x8x128xf32, #tpu.memory_space<hbm>>
      tpu.wait_dma2 semaphore(%arg16 : memref<!tpu.dma_semaphore, #tpu.memory_space<semaphore_mem>>) src(%dma_wait3A_599 : memref<4x8x128xf32, #tpu.memory_space<hbm>>) dst(%dma_wait3A_595 : memref<4x8x128xf32, #tpu.memory_space<vmem>>)
      %dma_wait3A_600 = arith.constant 0 : i32
      %dma_wait3A_601 = arith.constant 0 : i32
      %dma_wait3A_602 = arith.constant 0 : i32
      %dma_wait3A_603 = arith.constant 0 : i32
      %dma_wait3A_604 = arith.constant 0 : i32
      %dma_wait3A_605 = tpu.memref_slice %arg12[%dma_wait3A_600, %dma_wait3A_601, %dma_wait3A_602, %dma_wait3A_603, %dma_wait3A_604] : memref<8x1x4x8x128xf32, #tpu.memory_space<vmem>> -> memref<1x1x4x8x128xf32, #tpu.memory_space<vmem>>
      %dma_wait3A_606 = tpu.memref_squeeze %dma_wait3A_605 : memref<1x1x4x8x128xf32, #tpu.memory_space<vmem>> -> memref<4x8x128xf32, #tpu.memory_space<vmem>>
      %dma_wait3A_607 = arith.constant 0 : i32
      %dma_wait3A_608 = arith.constant 0 : i32
      %dma_wait3A_609 = arith.constant 0 : i32
      %dma_wait3A_610 = tpu.memref_slice %arg5[%dma_wait3A_607, %dma_wait3A_608, %dma_wait3A_609] : memref<4x8x1000000xf32, #tpu.memory_space<hbm>> -> memref<4x8x128xf32, #tpu.memory_space<hbm>>
      %dma_wait3A_611 = arith.constant 0 : i32
      %dma_wait3A_612 = arith.constant 0 : i32
      %dma_wait3A_613 = arith.constant 0 : i32
      %dma_wait3A_614 = tpu.memref_slice %arg12[%dma_wait3A_600, %dma_wait3A_601, %dma_wait3A_611, %dma_wait3A_612, %dma_wait3A_613] : memref<8x1x4x8x128xf32, #tpu.memory_space<vmem>> -> memref<1x1x4x8x128xf32, #tpu.memory_space<vmem>>
      %dma_wait3A_615 = tpu.memref_squeeze %dma_wait3A_614 : memref<1x1x4x8x128xf32, #tpu.memory_space<vmem>> -> memref<4x8x128xf32, #tpu.memory_space<vmem>>
      %dma_wait3A_616 = arith.constant 0 : i32
      %dma_wait3A_617 = arith.constant 0 : i32
      %dma_wait3A_618 = arith.constant 0 : i32
      %dma_wait3A_619 = tpu.memref_slice %arg5[%dma_wait3A_616, %dma_wait3A_617, %dma_wait3A_618] : memref<4x8x1000000xf32, #tpu.memory_space<hbm>> -> memref<4x8x128xf32, #tpu.memory_space<hbm>>
      tpu.wait_dma2 semaphore(%arg16 : memref<!tpu.dma_semaphore, #tpu.memory_space<semaphore_mem>>) src(%dma_wait3A_619 : memref<4x8x128xf32, #tpu.memory_space<hbm>>) dst(%dma_wait3A_615 : memref<4x8x128xf32, #tpu.memory_space<vmem>>)
      %slice3A_620 = vector.extract_strided_slice %get3A_517 {offsets = [0], sizes = [1], strides = [1]} : vector<16xi32> to vector<1xi32>
      %squeeze3A_621 = vector.extract %slice3A_620[0] : i32 from vector<1xi32>
      %and3A_622 = arith.constant 127 : i32
      %and3A_623 = arith.andi %squeeze3A_621, %and3A_622 : i32
      %broadcast_in_dim3A_624 = vector.broadcast %and3A_623 : i32 to vector<16xi32>
      %slice3A_625 = vector.extract_strided_slice %get3A_519 {offsets = [0], sizes = [1], strides = [1]} : vector<16xi32> to vector<1xi32>
      %squeeze3A_626 = vector.extract %slice3A_625[0] : i32 from vector<1xi32>
      %and3A_627 = arith.constant 127 : i32
      %and3A_628 = arith.andi %squeeze3A_626, %and3A_627 : i32
      %broadcast_in_dim3A_629 = vector.broadcast %and3A_628 : i32 to vector<16xi32>
      %broadcast_in_dim3A_630 = arith.constant 0 : i32
      %broadcast_in_dim3A_631 = vector.broadcast %broadcast_in_dim3A_630 : i32 to vector<16xi32>
      %broadcast_in_dim3A_632 = arith.constant 0 : i32
      %broadcast_in_dim3A_633 = vector.broadcast %broadcast_in_dim3A_632 : i32 to vector<16xi32>
      %gather3A = tpu.vector_load_idx %arg11[%broadcast_in_dim3A_633, %broadcast_in_dim3A_631, %select_n3A, %select_n3A_127, %broadcast_in_dim3A_624] : memref<8x1x4x8x128xf32, #tpu.memory_space<vmem>>[vector<16xi32>, vector<16xi32>, vector<16xi32>, vector<16xi32>, vector<16xi32>], vector<16xf32>,
      %gather3A_634 = tpu.vector_load_idx %arg11[%broadcast_in_dim3A_633, %broadcast_in_dim3A_631, %add3A_107, %select_n3A_127, %broadcast_in_dim3A_624] : memref<8x1x4x8x128xf32, #tpu.memory_space<vmem>>[vector<16xi32>, vector<16xi32>, vector<16xi32>, vector<16xi32>, vector<16xi32>], vector<16xf32>,
      %gather3A_635 = tpu.vector_load_idx %arg12[%broadcast_in_dim3A_633, %broadcast_in_dim3A_631, %select_n3A, %select_n3A_127, %broadcast_in_dim3A_629] : memref<8x1x4x8x128xf32, #tpu.memory_space<vmem>>[vector<16xi32>, vector<16xi32>, vector<16xi32>, vector<16xi32>, vector<16xi32>], vector<16xf32>,
      %gather3A_636 = tpu.vector_load_idx %arg12[%broadcast_in_dim3A_633, %broadcast_in_dim3A_631, %add3A_107, %select_n3A_127, %broadcast_in_dim3A_629] : memref<8x1x4x8x128xf32, #tpu.memory_space<vmem>>[vector<16xi32>, vector<16xi32>, vector<16xi32>, vector<16xi32>, vector<16xi32>], vector<16xf32>,
      %mul3A_637 = arith.mulf %gather3A, %gather3A_635 : vector<16xf32>
      %mul3A_638 = arith.mulf %gather3A_634, %gather3A_636 : vector<16xf32>
      %add3A_639 = arith.addf %mul3A_637, %mul3A_638 : vector<16xf32>
      %reduce_sum3A = arith.constant true
      %reduce_sum3A_640 = vector.broadcast %reduce_sum3A : i1 to vector<16xi1>
      %reduce_sum3A_641 = tpu.scan <sum>, %add3A_639 masked %reduce_sum3A_640 : vector<16xf32>, vector<16xi1> -> vector<16xf32>
      %reduce_sum3A_642 = vector.extract %reduce_sum3A_641[15] : f32 from vector<16xf32>
      %eq3A_643 = arith.constant 0 : i32
      %eq3A_644 = vector.broadcast %eq3A_643 : i32 to vector<16xi32>
      %eq3A_645 = arith.cmpi eq, %iota3A, %eq3A_644 : vector<16xi32>
      %broadcast_in_dim3A_646 = vector.broadcast %reduce_sum3A_642 : f32 to vector<16xf32>
      %select_n3A_647 = arith.select %eq3A_645, %broadcast_in_dim3A_646, %broadcast_in_dim3A_529 : vector<16xi1>, vector<16xf32>
      %slice3A_648 = vector.extract_strided_slice %get3A_517 {offsets = [7], sizes = [1], strides = [1]} : vector<16xi32> to vector<1xi32>
      %squeeze3A_649 = vector.extract %slice3A_648[0] : i32 from vector<1xi32>
      %shift_right_arithmetic3A_650 = arith.constant 7 : i32
      %shift_right_arithmetic3A_651 = arith.shrsi %squeeze3A_649, %shift_right_arithmetic3A_650 : i32
      %mul3A_652 = arith.constant 128 : i32
      %mul3A_653 = arith.muli %shift_right_arithmetic3A_651, %mul3A_652 : i32
      %multiple_of3A_654 = tpu.assume_multiple %mul3A_653, 128 : i32
      %slice3A_655 = vector.extract_strided_slice %get3A_519 {offsets = [7], sizes = [1], strides = [1]} : vector<16xi32> to vector<1xi32>
      %squeeze3A_656 = vector.extract %slice3A_655[0] : i32 from vector<1xi32>
      %shift_right_arithmetic3A_657 = arith.constant 7 : i32
      %shift_right_arithmetic3A_658 = arith.shrsi %squeeze3A_656, %shift_right_arithmetic3A_657 : i32
      %mul3A_659 = arith.constant 128 : i32
      %mul3A_660 = arith.muli %shift_right_arithmetic3A_658, %mul3A_659 : i32
      %multiple_of3A_661 = tpu.assume_multiple %mul3A_660, 128 : i32
      %dma_start3A_662 = arith.constant 7 : i32
      %dma_start3A_663 = arith.constant 0 : i32
      %dma_start3A_664 = arith.constant 0 : i32
      %dma_start3A_665 = arith.constant 0 : i32
      %dma_start3A_666 = arith.constant 0 : i32
      %dma_start3A_667 = tpu.memref_slice %arg11[%dma_start3A_662, %dma_start3A_663, %dma_start3A_664, %dma_start3A_665, %dma_start3A_666] : memref<8x1x4x8x128xf32, #tpu.memory_space<vmem>> -> memref<1x1x4x8x128xf32, #tpu.memory_space<vmem>>
      %dma_start3A_668 = tpu.memref_squeeze %dma_start3A_667 : memref<1x1x4x8x128xf32, #tpu.memory_space<vmem>> -> memref<4x8x128xf32, #tpu.memory_space<vmem>>
      %dma_start3A_669 = arith.constant 0 : i32
      %dma_start3A_670 = arith.constant 0 : i32
      %dma_start3A_671 = tpu.memref_slice %arg4[%dma_start3A_669, %dma_start3A_670, %multiple_of3A_654] : memref<4x8x1000000xf32, #tpu.memory_space<hbm>> -> memref<4x8x128xf32, #tpu.memory_space<hbm>>
      %dma_start3A_672 = arith.constant 0 : i32
      %dma_start3A_673 = arith.constant 0 : i32
      %dma_start3A_674 = arith.constant 0 : i32
      %dma_start3A_675 = tpu.memref_slice %arg11[%dma_start3A_662, %dma_start3A_663, %dma_start3A_672, %dma_start3A_673, %dma_start3A_674] : memref<8x1x4x8x128xf32, #tpu.memory_space<vmem>> -> memref<1x1x4x8x128xf32, #tpu.memory_space<vmem>>
      %dma_start3A_676 = tpu.memref_squeeze %dma_start3A_675 : memref<1x1x4x8x128xf32, #tpu.memory_space<vmem>> -> memref<4x8x128xf32, #tpu.memory_space<vmem>>
      %dma_start3A_677 = arith.constant 0 : i32
      %dma_start3A_678 = arith.constant 0 : i32
      %dma_start3A_679 = tpu.memref_slice %arg4[%dma_start3A_677, %dma_start3A_678, %multiple_of3A_654] : memref<4x8x1000000xf32, #tpu.memory_space<hbm>> -> memref<4x8x128xf32, #tpu.memory_space<hbm>>
      tpu.enqueue_dma source(%dma_start3A_679 : memref<4x8x128xf32, #tpu.memory_space<hbm>>) target(%dma_start3A_676 : memref<4x8x128xf32, #tpu.memory_space<vmem>>) target_semaphore(%arg23 : memref<!tpu.dma_semaphore, #tpu.memory_space<semaphore_mem>>)
      %dma_start3A_680 = arith.constant 7 : i32
      %dma_start3A_681 = arith.constant 0 : i32
      %dma_start3A_682 = arith.constant 0 : i32
      %dma_start3A_683 = arith.constant 0 : i32
      %dma_start3A_684 = arith.constant 0 : i32
      %dma_start3A_685 = tpu.memref_slice %arg12[%dma_start3A_680, %dma_start3A_681, %dma_start3A_682, %dma_start3A_683, %dma_start3A_684] : memref<8x1x4x8x128xf32, #tpu.memory_space<vmem>> -> memref<1x1x4x8x128xf32, #tpu.memory_space<vmem>>
      %dma_start3A_686 = tpu.memref_squeeze %dma_start3A_685 : memref<1x1x4x8x128xf32, #tpu.memory_space<vmem>> -> memref<4x8x128xf32, #tpu.memory_space<vmem>>
      %dma_start3A_687 = arith.constant 0 : i32
      %dma_start3A_688 = arith.constant 0 : i32
      %dma_start3A_689 = tpu.memref_slice %arg5[%dma_start3A_687, %dma_start3A_688, %multiple_of3A_661] : memref<4x8x1000000xf32, #tpu.memory_space<hbm>> -> memref<4x8x128xf32, #tpu.memory_space<hbm>>
      %dma_start3A_690 = arith.constant 0 : i32
      %dma_start3A_691 = arith.constant 0 : i32
      %dma_start3A_692 = arith.constant 0 : i32
      %dma_start3A_693 = tpu.memref_slice %arg12[%dma_start3A_680, %dma_start3A_681, %dma_start3A_690, %dma_start3A_691, %dma_start3A_692] : memref<8x1x4x8x128xf32, #tpu.memory_space<vmem>> -> memref<1x1x4x8x128xf32, #tpu.memory_space<vmem>>
      %dma_start3A_694 = tpu.memref_squeeze %dma_start3A_693 : memref<1x1x4x8x128xf32, #tpu.memory_space<vmem>> -> memref<4x8x128xf32, #tpu.memory_space<vmem>>
      %dma_start3A_695 = arith.constant 0 : i32
      %dma_start3A_696 = arith.constant 0 : i32
      %dma_start3A_697 = tpu.memref_slice %arg5[%dma_start3A_695, %dma_start3A_696, %multiple_of3A_661] : memref<4x8x1000000xf32, #tpu.memory_space<hbm>> -> memref<4x8x128xf32, #tpu.memory_space<hbm>>
      tpu.enqueue_dma source(%dma_start3A_697 : memref<4x8x128xf32, #tpu.memory_space<hbm>>) target(%dma_start3A_694 : memref<4x8x128xf32, #tpu.memory_space<vmem>>) target_semaphore(%arg23 : memref<!tpu.dma_semaphore, #tpu.memory_space<semaphore_mem>>)
      %dma_wait3A_698 = arith.constant 0 : i32
      %dma_wait3A_699 = arith.constant 0 : i32
      %dma_wait3A_700 = arith.constant 0 : i32
      %dma_wait3A_701 = arith.constant 0 : i32
      %dma_wait3A_702 = arith.constant 0 : i32
      %dma_wait3A_703 = tpu.memref_slice %arg11[%dma_wait3A_698, %dma_wait3A_699, %dma_wait3A_700, %dma_wait3A_701, %dma_wait3A_702] : memref<8x1x4x8x128xf32, #tpu.memory_space<vmem>> -> memref<1x1x4x8x128xf32, #tpu.memory_space<vmem>>
      %dma_wait3A_704 = tpu.memref_squeeze %dma_wait3A_703 : memref<1x1x4x8x128xf32, #tpu.memory_space<vmem>> -> memref<4x8x128xf32, #tpu.memory_space<vmem>>
      %dma_wait3A_705 = arith.constant 0 : i32
      %dma_wait3A_706 = arith.constant 0 : i32
      %dma_wait3A_707 = arith.constant 0 : i32
      %dma_wait3A_708 = tpu.memref_slice %arg4[%dma_wait3A_705, %dma_wait3A_706, %dma_wait3A_707] : memref<4x8x1000000xf32, #tpu.memory_space<hbm>> -> memref<4x8x128xf32, #tpu.memory_space<hbm>>
      %dma_wait3A_709 = arith.constant 0 : i32
      %dma_wait3A_710 = arith.constant 0 : i32
      %dma_wait3A_711 = arith.constant 0 : i32
      %dma_wait3A_712 = tpu.memref_slice %arg11[%dma_wait3A_698, %dma_wait3A_699, %dma_wait3A_709, %dma_wait3A_710, %dma_wait3A_711] : memref<8x1x4x8x128xf32, #tpu.memory_space<vmem>> -> memref<1x1x4x8x128xf32, #tpu.memory_space<vmem>>
      %dma_wait3A_713 = tpu.memref_squeeze %dma_wait3A_712 : memref<1x1x4x8x128xf32, #tpu.memory_space<vmem>> -> memref<4x8x128xf32, #tpu.memory_space<vmem>>
      %dma_wait3A_714 = arith.constant 0 : i32
      %dma_wait3A_715 = arith.constant 0 : i32
      %dma_wait3A_716 = arith.constant 0 : i32
      %dma_wait3A_717 = tpu.memref_slice %arg4[%dma_wait3A_714, %dma_wait3A_715, %dma_wait3A_716] : memref<4x8x1000000xf32, #tpu.memory_space<hbm>> -> memref<4x8x128xf32, #tpu.memory_space<hbm>>
      tpu.wait_dma2 semaphore(%arg17 : memref<!tpu.dma_semaphore, #tpu.memory_space<semaphore_mem>>) src(%dma_wait3A_717 : memref<4x8x128xf32, #tpu.memory_space<hbm>>) dst(%dma_wait3A_713 : memref<4x8x128xf32, #tpu.memory_space<vmem>>)
      %dma_wait3A_718 = arith.constant 0 : i32
      %dma_wait3A_719 = arith.constant 0 : i32
      %dma_wait3A_720 = arith.constant 0 : i32
      %dma_wait3A_721 = arith.constant 0 : i32
      %dma_wait3A_722 = arith.constant 0 : i32
      %dma_wait3A_723 = tpu.memref_slice %arg12[%dma_wait3A_718, %dma_wait3A_719, %dma_wait3A_720, %dma_wait3A_721, %dma_wait3A_722] : memref<8x1x4x8x128xf32, #tpu.memory_space<vmem>> -> memref<1x1x4x8x128xf32, #tpu.memory_space<vmem>>
      %dma_wait3A_724 = tpu.memref_squeeze %dma_wait3A_723 : memref<1x1x4x8x128xf32, #tpu.memory_space<vmem>> -> memref<4x8x128xf32, #tpu.memory_space<vmem>>
      %dma_wait3A_725 = arith.constant 0 : i32
      %dma_wait3A_726 = arith.constant 0 : i32
      %dma_wait3A_727 = arith.constant 0 : i32
      %dma_wait3A_728 = tpu.memref_slice %arg5[%dma_wait3A_725, %dma_wait3A_726, %dma_wait3A_727] : memref<4x8x1000000xf32, #tpu.memory_space<hbm>> -> memref<4x8x128xf32, #tpu.memory_space<hbm>>
      %dma_wait3A_729 = arith.constant 0 : i32
      %dma_wait3A_730 = arith.constant 0 : i32
      %dma_wait3A_731 = arith.constant 0 : i32
      %dma_wait3A_732 = tpu.memref_slice %arg12[%dma_wait3A_718, %dma_wait3A_719, %dma_wait3A_729, %dma_wait3A_730, %dma_wait3A_731] : memref<8x1x4x8x128xf32, #tpu.memory_space<vmem>> -> memref<1x1x4x8x128xf32, #tpu.memory_space<vmem>>
      %dma_wait3A_733 = tpu.memref_squeeze %dma_wait3A_732 : memref<1x1x4x8x128xf32, #tpu.memory_space<vmem>> -> memref<4x8x128xf32, #tpu.memory_space<vmem>>
      %dma_wait3A_734 = arith.constant 0 : i32
      %dma_wait3A_735 = arith.constant 0 : i32
      %dma_wait3A_736 = arith.constant 0 : i32
      %dma_wait3A_737 = tpu.memref_slice %arg5[%dma_wait3A_734, %dma_wait3A_735, %dma_wait3A_736] : memref<4x8x1000000xf32, #tpu.memory_space<hbm>> -> memref<4x8x128xf32, #tpu.memory_space<hbm>>
      tpu.wait_dma2 semaphore(%arg17 : memref<!tpu.dma_semaphore, #tpu.memory_space<semaphore_mem>>) src(%dma_wait3A_737 : memref<4x8x128xf32, #tpu.memory_space<hbm>>) dst(%dma_wait3A_733 : memref<4x8x128xf32, #tpu.memory_space<vmem>>)
      %slice3A_738 = vector.extract_strided_slice %get3A_517 {offsets = [1], sizes = [1], strides = [1]} : vector<16xi32> to vector<1xi32>
      %squeeze3A_739 = vector.extract %slice3A_738[0] : i32 from vector<1xi32>
      %and3A_740 = arith.constant 127 : i32
      %and3A_741 = arith.andi %squeeze3A_739, %and3A_740 : i32
      %broadcast_in_dim3A_742 = vector.broadcast %and3A_741 : i32 to vector<16xi32>
      %slice3A_743 = vector.extract_strided_slice %get3A_519 {offsets = [1], sizes = [1], strides = [1]} : vector<16xi32> to vector<1xi32>
      %squeeze3A_744 = vector.extract %slice3A_743[0] : i32 from vector<1xi32>
      %and3A_745 = arith.constant 127 : i32
      %and3A_746 = arith.andi %squeeze3A_744, %and3A_745 : i32
      %broadcast_in_dim3A_747 = vector.broadcast %and3A_746 : i32 to vector<16xi32>
      %broadcast_in_dim3A_748 = arith.constant 0 : i32
      %broadcast_in_dim3A_749 = vector.broadcast %broadcast_in_dim3A_748 : i32 to vector<16xi32>
      %broadcast_in_dim3A_750 = arith.constant 1 : i32
      %broadcast_in_dim3A_751 = vector.broadcast %broadcast_in_dim3A_750 : i32 to vector<16xi32>
      %gather3A_752 = tpu.vector_load_idx %arg11[%broadcast_in_dim3A_751, %broadcast_in_dim3A_749, %select_n3A, %select_n3A_127, %broadcast_in_dim3A_742] : memref<8x1x4x8x128xf32, #tpu.memory_space<vmem>>[vector<16xi32>, vector<16xi32>, vector<16xi32>, vector<16xi32>, vector<16xi32>], vector<16xf32>,
      %gather3A_753 = tpu.vector_load_idx %arg11[%broadcast_in_dim3A_751, %broadcast_in_dim3A_749, %add3A_107, %select_n3A_127, %broadcast_in_dim3A_742] : memref<8x1x4x8x128xf32, #tpu.memory_space<vmem>>[vector<16xi32>, vector<16xi32>, vector<16xi32>, vector<16xi32>, vector<16xi32>], vector<16xf32>,
      %gather3A_754 = tpu.vector_load_idx %arg12[%broadcast_in_dim3A_751, %broadcast_in_dim3A_749, %select_n3A, %select_n3A_127, %broadcast_in_dim3A_747] : memref<8x1x4x8x128xf32, #tpu.memory_space<vmem>>[vector<16xi32>, vector<16xi32>, vector<16xi32>, vector<16xi32>, vector<16xi32>], vector<16xf32>,
      %gather3A_755 = tpu.vector_load_idx %arg12[%broadcast_in_dim3A_751, %broadcast_in_dim3A_749, %add3A_107, %select_n3A_127, %broadcast_in_dim3A_747] : memref<8x1x4x8x128xf32, #tpu.memory_space<vmem>>[vector<16xi32>, vector<16xi32>, vector<16xi32>, vector<16xi32>, vector<16xi32>], vector<16xf32>,
      %mul3A_756 = arith.mulf %gather3A_752, %gather3A_754 : vector<16xf32>
      %mul3A_757 = arith.mulf %gather3A_753, %gather3A_755 : vector<16xf32>
      %add3A_758 = arith.addf %mul3A_756, %mul3A_757 : vector<16xf32>
      %reduce_sum3A_759 = arith.constant true
      %reduce_sum3A_760 = vector.broadcast %reduce_sum3A_759 : i1 to vector<16xi1>
      %reduce_sum3A_761 = tpu.scan <sum>, %add3A_758 masked %reduce_sum3A_760 : vector<16xf32>, vector<16xi1> -> vector<16xf32>
      %reduce_sum3A_762 = vector.extract %reduce_sum3A_761[15] : f32 from vector<16xf32>
      %eq3A_763 = arith.constant 1 : i32
      %eq3A_764 = vector.broadcast %eq3A_763 : i32 to vector<16xi32>
      %eq3A_765 = arith.cmpi eq, %iota3A, %eq3A_764 : vector<16xi32>
      %broadcast_in_dim3A_766 = vector.broadcast %reduce_sum3A_762 : f32 to vector<16xf32>
      %select_n3A_767 = arith.select %eq3A_765, %broadcast_in_dim3A_766, %select_n3A_647 : vector<16xi1>, vector<16xf32>
      %slice3A_768 = vector.extract_strided_slice %get3A_517 {offsets = [8], sizes = [1], strides = [1]} : vector<16xi32> to vector<1xi32>
      %squeeze3A_769 = vector.extract %slice3A_768[0] : i32 from vector<1xi32>
      %shift_right_arithmetic3A_770 = arith.constant 7 : i32
      %shift_right_arithmetic3A_771 = arith.shrsi %squeeze3A_769, %shift_right_arithmetic3A_770 : i32
      %mul3A_772 = arith.constant 128 : i32
      %mul3A_773 = arith.muli %shift_right_arithmetic3A_771, %mul3A_772 : i32
      %multiple_of3A_774 = tpu.assume_multiple %mul3A_773, 128 : i32
      %slice3A_775 = vector.extract_strided_slice %get3A_519 {offsets = [8], sizes = [1], strides = [1]} : vector<16xi32> to vector<1xi32>
      %squeeze3A_776 = vector.extract %slice3A_775[0] : i32 from vector<1xi32>
      %shift_right_arithmetic3A_777 = arith.constant 7 : i32
      %shift_right_arithmetic3A_778 = arith.shrsi %squeeze3A_776, %shift_right_arithmetic3A_777 : i32
      %mul3A_779 = arith.constant 128 : i32
      %mul3A_780 = arith.muli %shift_right_arithmetic3A_778, %mul3A_779 : i32
      %multiple_of3A_781 = tpu.assume_multiple %mul3A_780, 128 : i32
      %dma_start3A_782 = arith.constant 0 : i32
      %dma_start3A_783 = arith.constant 0 : i32
      %dma_start3A_784 = arith.constant 0 : i32
      %dma_start3A_785 = arith.constant 0 : i32
      %dma_start3A_786 = arith.constant 0 : i32
      %dma_start3A_787 = tpu.memref_slice %arg11[%dma_start3A_782, %dma_start3A_783, %dma_start3A_784, %dma_start3A_785, %dma_start3A_786] : memref<8x1x4x8x128xf32, #tpu.memory_space<vmem>> -> memref<1x1x4x8x128xf32, #tpu.memory_space<vmem>>
      %dma_start3A_788 = tpu.memref_squeeze %dma_start3A_787 : memref<1x1x4x8x128xf32, #tpu.memory_space<vmem>> -> memref<4x8x128xf32, #tpu.memory_space<vmem>>
      %dma_start3A_789 = arith.constant 0 : i32
      %dma_start3A_790 = arith.constant 0 : i32
      %dma_start3A_791 = tpu.memref_slice %arg4[%dma_start3A_789, %dma_start3A_790, %multiple_of3A_774] : memref<4x8x1000000xf32, #tpu.memory_space<hbm>> -> memref<4x8x128xf32, #tpu.memory_space<hbm>>
      %dma_start3A_792 = arith.constant 0 : i32
      %dma_start3A_793 = arith.constant 0 : i32
      %dma_start3A_794 = arith.constant 0 : i32
      %dma_start3A_795 = tpu.memref_slice %arg11[%dma_start3A_782, %dma_start3A_783, %dma_start3A_792, %dma_start3A_793, %dma_start3A_794] : memref<8x1x4x8x128xf32, #tpu.memory_space<vmem>> -> memref<1x1x4x8x128xf32, #tpu.memory_space<vmem>>
      %dma_start3A_796 = tpu.memref_squeeze %dma_start3A_795 : memref<1x1x4x8x128xf32, #tpu.memory_space<vmem>> -> memref<4x8x128xf32, #tpu.memory_space<vmem>>
      %dma_start3A_797 = arith.constant 0 : i32
      %dma_start3A_798 = arith.constant 0 : i32
      %dma_start3A_799 = tpu.memref_slice %arg4[%dma_start3A_797, %dma_start3A_798, %multiple_of3A_774] : memref<4x8x1000000xf32, #tpu.memory_space<hbm>> -> memref<4x8x128xf32, #tpu.memory_space<hbm>>
      tpu.enqueue_dma source(%dma_start3A_799 : memref<4x8x128xf32, #tpu.memory_space<hbm>>) target(%dma_start3A_796 : memref<4x8x128xf32, #tpu.memory_space<vmem>>) target_semaphore(%arg16 : memref<!tpu.dma_semaphore, #tpu.memory_space<semaphore_mem>>)
      %dma_start3A_800 = arith.constant 0 : i32
      %dma_start3A_801 = arith.constant 0 : i32
      %dma_start3A_802 = arith.constant 0 : i32
      %dma_start3A_803 = arith.constant 0 : i32
      %dma_start3A_804 = arith.constant 0 : i32
      %dma_start3A_805 = tpu.memref_slice %arg12[%dma_start3A_800, %dma_start3A_801, %dma_start3A_802, %dma_start3A_803, %dma_start3A_804] : memref<8x1x4x8x128xf32, #tpu.memory_space<vmem>> -> memref<1x1x4x8x128xf32, #tpu.memory_space<vmem>>
      %dma_start3A_806 = tpu.memref_squeeze %dma_start3A_805 : memref<1x1x4x8x128xf32, #tpu.memory_space<vmem>> -> memref<4x8x128xf32, #tpu.memory_space<vmem>>
      %dma_start3A_807 = arith.constant 0 : i32
      %dma_start3A_808 = arith.constant 0 : i32
      %dma_start3A_809 = tpu.memref_slice %arg5[%dma_start3A_807, %dma_start3A_808, %multiple_of3A_781] : memref<4x8x1000000xf32, #tpu.memory_space<hbm>> -> memref<4x8x128xf32, #tpu.memory_space<hbm>>
      %dma_start3A_810 = arith.constant 0 : i32
      %dma_start3A_811 = arith.constant 0 : i32
      %dma_start3A_812 = arith.constant 0 : i32
      %dma_start3A_813 = tpu.memref_slice %arg12[%dma_start3A_800, %dma_start3A_801, %dma_start3A_810, %dma_start3A_811, %dma_start3A_812] : memref<8x1x4x8x128xf32, #tpu.memory_space<vmem>> -> memref<1x1x4x8x128xf32, #tpu.memory_space<vmem>>
      %dma_start3A_814 = tpu.memref_squeeze %dma_start3A_813 : memref<1x1x4x8x128xf32, #tpu.memory_space<vmem>> -> memref<4x8x128xf32, #tpu.memory_space<vmem>>
      %dma_start3A_815 = arith.constant 0 : i32
      %dma_start3A_816 = arith.constant 0 : i32
      %dma_start3A_817 = tpu.memref_slice %arg5[%dma_start3A_815, %dma_start3A_816, %multiple_of3A_781] : memref<4x8x1000000xf32, #tpu.memory_space<hbm>> -> memref<4x8x128xf32, #tpu.memory_space<hbm>>
      tpu.enqueue_dma source(%dma_start3A_817 : memref<4x8x128xf32, #tpu.memory_space<hbm>>) target(%dma_start3A_814 : memref<4x8x128xf32, #tpu.memory_space<vmem>>) target_semaphore(%arg16 : memref<!tpu.dma_semaphore, #tpu.memory_space<semaphore_mem>>)
      %dma_wait3A_818 = arith.constant 0 : i32
      %dma_wait3A_819 = arith.constant 0 : i32
      %dma_wait3A_820 = arith.constant 0 : i32
      %dma_wait3A_821 = arith.constant 0 : i32
      %dma_wait3A_822 = arith.constant 0 : i32
      %dma_wait3A_823 = tpu.memref_slice %arg11[%dma_wait3A_818, %dma_wait3A_819, %dma_wait3A_820, %dma_wait3A_821, %dma_wait3A_822] : memref<8x1x4x8x128xf32, #tpu.memory_space<vmem>> -> memref<1x1x4x8x128xf32, #tpu.memory_space<vmem>>
      %dma_wait3A_824 = tpu.memref_squeeze %dma_wait3A_823 : memref<1x1x4x8x128xf32, #tpu.memory_space<vmem>> -> memref<4x8x128xf32, #tpu.memory_space<vmem>>
      %dma_wait3A_825 = arith.constant 0 : i32
      %dma_wait3A_826 = arith.constant 0 : i32
      %dma_wait3A_827 = arith.constant 0 : i32
      %dma_wait3A_828 = tpu.memref_slice %arg4[%dma_wait3A_825, %dma_wait3A_826, %dma_wait3A_827] : memref<4x8x1000000xf32, #tpu.memory_space<hbm>> -> memref<4x8x128xf32, #tpu.memory_space<hbm>>
      %dma_wait3A_829 = arith.constant 0 : i32
      %dma_wait3A_830 = arith.constant 0 : i32
      %dma_wait3A_831 = arith.constant 0 : i32
      %dma_wait3A_832 = tpu.memref_slice %arg11[%dma_wait3A_818, %dma_wait3A_819, %dma_wait3A_829, %dma_wait3A_830, %dma_wait3A_831] : memref<8x1x4x8x128xf32, #tpu.memory_space<vmem>> -> memref<1x1x4x8x128xf32, #tpu.memory_space<vmem>>
      %dma_wait3A_833 = tpu.memref_squeeze %dma_wait3A_832 : memref<1x1x4x8x128xf32, #tpu.memory_space<vmem>> -> memref<4x8x128xf32, #tpu.memory_space<vmem>>
      %dma_wait3A_834 = arith.constant 0 : i32
      %dma_wait3A_835 = arith.constant 0 : i32
      %dma_wait3A_836 = arith.constant 0 : i32
      %dma_wait3A_837 = tpu.memref_slice %arg4[%dma_wait3A_834, %dma_wait3A_835, %dma_wait3A_836] : memref<4x8x1000000xf32, #tpu.memory_space<hbm>> -> memref<4x8x128xf32, #tpu.memory_space<hbm>>
      tpu.wait_dma2 semaphore(%arg18 : memref<!tpu.dma_semaphore, #tpu.memory_space<semaphore_mem>>) src(%dma_wait3A_837 : memref<4x8x128xf32, #tpu.memory_space<hbm>>) dst(%dma_wait3A_833 : memref<4x8x128xf32, #tpu.memory_space<vmem>>)
      %dma_wait3A_838 = arith.constant 0 : i32
      %dma_wait3A_839 = arith.constant 0 : i32
      %dma_wait3A_840 = arith.constant 0 : i32
      %dma_wait3A_841 = arith.constant 0 : i32
      %dma_wait3A_842 = arith.constant 0 : i32
      %dma_wait3A_843 = tpu.memref_slice %arg12[%dma_wait3A_838, %dma_wait3A_839, %dma_wait3A_840, %dma_wait3A_841, %dma_wait3A_842] : memref<8x1x4x8x128xf32, #tpu.memory_space<vmem>> -> memref<1x1x4x8x128xf32, #tpu.memory_space<vmem>>
      %dma_wait3A_844 = tpu.memref_squeeze %dma_wait3A_843 : memref<1x1x4x8x128xf32, #tpu.memory_space<vmem>> -> memref<4x8x128xf32, #tpu.memory_space<vmem>>
      %dma_wait3A_845 = arith.constant 0 : i32
      %dma_wait3A_846 = arith.constant 0 : i32
      %dma_wait3A_847 = arith.constant 0 : i32
      %dma_wait3A_848 = tpu.memref_slice %arg5[%dma_wait3A_845, %dma_wait3A_846, %dma_wait3A_847] : memref<4x8x1000000xf32, #tpu.memory_space<hbm>> -> memref<4x8x128xf32, #tpu.memory_space<hbm>>
      %dma_wait3A_849 = arith.constant 0 : i32
      %dma_wait3A_850 = arith.constant 0 : i32
      %dma_wait3A_851 = arith.constant 0 : i32
      %dma_wait3A_852 = tpu.memref_slice %arg12[%dma_wait3A_838, %dma_wait3A_839, %dma_wait3A_849, %dma_wait3A_850, %dma_wait3A_851] : memref<8x1x4x8x128xf32, #tpu.memory_space<vmem>> -> memref<1x1x4x8x128xf32, #tpu.memory_space<vmem>>
      %dma_wait3A_853 = tpu.memref_squeeze %dma_wait3A_852 : memref<1x1x4x8x128xf32, #tpu.memory_space<vmem>> -> memref<4x8x128xf32, #tpu.memory_space<vmem>>
      %dma_wait3A_854 = arith.constant 0 : i32
      %dma_wait3A_855 = arith.constant 0 : i32
      %dma_wait3A_856 = arith.constant 0 : i32
      %dma_wait3A_857 = tpu.memref_slice %arg5[%dma_wait3A_854, %dma_wait3A_855, %dma_wait3A_856] : memref<4x8x1000000xf32, #tpu.memory_space<hbm>> -> memref<4x8x128xf32, #tpu.memory_space<hbm>>
      tpu.wait_dma2 semaphore(%arg18 : memref<!tpu.dma_semaphore, #tpu.memory_space<semaphore_mem>>) src(%dma_wait3A_857 : memref<4x8x128xf32, #tpu.memory_space<hbm>>) dst(%dma_wait3A_853 : memref<4x8x128xf32, #tpu.memory_space<vmem>>)
      %slice3A_858 = vector.extract_strided_slice %get3A_517 {offsets = [2], sizes = [1], strides = [1]} : vector<16xi32> to vector<1xi32>
      %squeeze3A_859 = vector.extract %slice3A_858[0] : i32 from vector<1xi32>
      %and3A_860 = arith.constant 127 : i32
      %and3A_861 = arith.andi %squeeze3A_859, %and3A_860 : i32
      %broadcast_in_dim3A_862 = vector.broadcast %and3A_861 : i32 to vector<16xi32>
      %slice3A_863 = vector.extract_strided_slice %get3A_519 {offsets = [2], sizes = [1], strides = [1]} : vector<16xi32> to vector<1xi32>
      %squeeze3A_864 = vector.extract %slice3A_863[0] : i32 from vector<1xi32>
      %and3A_865 = arith.constant 127 : i32
      %and3A_866 = arith.andi %squeeze3A_864, %and3A_865 : i32
      %broadcast_in_dim3A_867 = vector.broadcast %and3A_866 : i32 to vector<16xi32>
      %broadcast_in_dim3A_868 = arith.constant 0 : i32
      %broadcast_in_dim3A_869 = vector.broadcast %broadcast_in_dim3A_868 : i32 to vector<16xi32>
      %broadcast_in_dim3A_870 = arith.constant 2 : i32
      %broadcast_in_dim3A_871 = vector.broadcast %broadcast_in_dim3A_870 : i32 to vector<16xi32>
      %gather3A_872 = tpu.vector_load_idx %arg11[%broadcast_in_dim3A_871, %broadcast_in_dim3A_869, %select_n3A, %select_n3A_127, %broadcast_in_dim3A_862] : memref<8x1x4x8x128xf32, #tpu.memory_space<vmem>>[vector<16xi32>, vector<16xi32>, vector<16xi32>, vector<16xi32>, vector<16xi32>], vector<16xf32>,
      %gather3A_873 = tpu.vector_load_idx %arg11[%broadcast_in_dim3A_871, %broadcast_in_dim3A_869, %add3A_107, %select_n3A_127, %broadcast_in_dim3A_862] : memref<8x1x4x8x128xf32, #tpu.memory_space<vmem>>[vector<16xi32>, vector<16xi32>, vector<16xi32>, vector<16xi32>, vector<16xi32>], vector<16xf32>,
      %gather3A_874 = tpu.vector_load_idx %arg12[%broadcast_in_dim3A_871, %broadcast_in_dim3A_869, %select_n3A, %select_n3A_127, %broadcast_in_dim3A_867] : memref<8x1x4x8x128xf32, #tpu.memory_space<vmem>>[vector<16xi32>, vector<16xi32>, vector<16xi32>, vector<16xi32>, vector<16xi32>], vector<16xf32>,
      %gather3A_875 = tpu.vector_load_idx %arg12[%broadcast_in_dim3A_871, %broadcast_in_dim3A_869, %add3A_107, %select_n3A_127, %broadcast_in_dim3A_867] : memref<8x1x4x8x128xf32, #tpu.memory_space<vmem>>[vector<16xi32>, vector<16xi32>, vector<16xi32>, vector<16xi32>, vector<16xi32>], vector<16xf32>,
      %mul3A_876 = arith.mulf %gather3A_872, %gather3A_874 : vector<16xf32>
      %mul3A_877 = arith.mulf %gather3A_873, %gather3A_875 : vector<16xf32>
      %add3A_878 = arith.addf %mul3A_876, %mul3A_877 : vector<16xf32>
      %reduce_sum3A_879 = arith.constant true
      %reduce_sum3A_880 = vector.broadcast %reduce_sum3A_879 : i1 to vector<16xi1>
      %reduce_sum3A_881 = tpu.scan <sum>, %add3A_878 masked %reduce_sum3A_880 : vector<16xf32>, vector<16xi1> -> vector<16xf32>
      %reduce_sum3A_882 = vector.extract %reduce_sum3A_881[15] : f32 from vector<16xf32>
      %eq3A_883 = arith.constant 2 : i32
      %eq3A_884 = vector.broadcast %eq3A_883 : i32 to vector<16xi32>
      %eq3A_885 = arith.cmpi eq, %iota3A, %eq3A_884 : vector<16xi32>
      %broadcast_in_dim3A_886 = vector.broadcast %reduce_sum3A_882 : f32 to vector<16xf32>
      %select_n3A_887 = arith.select %eq3A_885, %broadcast_in_dim3A_886, %select_n3A_767 : vector<16xi1>, vector<16xf32>
      %slice3A_888 = vector.extract_strided_slice %get3A_517 {offsets = [9], sizes = [1], strides = [1]} : vector<16xi32> to vector<1xi32>
      %squeeze3A_889 = vector.extract %slice3A_888[0] : i32 from vector<1xi32>
      %shift_right_arithmetic3A_890 = arith.constant 7 : i32
      %shift_right_arithmetic3A_891 = arith.shrsi %squeeze3A_889, %shift_right_arithmetic3A_890 : i32
      %mul3A_892 = arith.constant 128 : i32
      %mul3A_893 = arith.muli %shift_right_arithmetic3A_891, %mul3A_892 : i32
      %multiple_of3A_894 = tpu.assume_multiple %mul3A_893, 128 : i32
      %slice3A_895 = vector.extract_strided_slice %get3A_519 {offsets = [9], sizes = [1], strides = [1]} : vector<16xi32> to vector<1xi32>
      %squeeze3A_896 = vector.extract %slice3A_895[0] : i32 from vector<1xi32>
      %shift_right_arithmetic3A_897 = arith.constant 7 : i32
      %shift_right_arithmetic3A_898 = arith.shrsi %squeeze3A_896, %shift_right_arithmetic3A_897 : i32
      %mul3A_899 = arith.constant 128 : i32
      %mul3A_900 = arith.muli %shift_right_arithmetic3A_898, %mul3A_899 : i32
      %multiple_of3A_901 = tpu.assume_multiple %mul3A_900, 128 : i32
      %dma_start3A_902 = arith.constant 1 : i32
      %dma_start3A_903 = arith.constant 0 : i32
      %dma_start3A_904 = arith.constant 0 : i32
      %dma_start3A_905 = arith.constant 0 : i32
      %dma_start3A_906 = arith.constant 0 : i32
      %dma_start3A_907 = tpu.memref_slice %arg11[%dma_start3A_902, %dma_start3A_903, %dma_start3A_904, %dma_start3A_905, %dma_start3A_906] : memref<8x1x4x8x128xf32, #tpu.memory_space<vmem>> -> memref<1x1x4x8x128xf32, #tpu.memory_space<vmem>>
      %dma_start3A_908 = tpu.memref_squeeze %dma_start3A_907 : memref<1x1x4x8x128xf32, #tpu.memory_space<vmem>> -> memref<4x8x128xf32, #tpu.memory_space<vmem>>
      %dma_start3A_909 = arith.constant 0 : i32
      %dma_start3A_910 = arith.constant 0 : i32
      %dma_start3A_911 = tpu.memref_slice %arg4[%dma_start3A_909, %dma_start3A_910, %multiple_of3A_894] : memref<4x8x1000000xf32, #tpu.memory_space<hbm>> -> memref<4x8x128xf32, #tpu.memory_space<hbm>>
      %dma_start3A_912 = arith.constant 0 : i32
      %dma_start3A_913 = arith.constant 0 : i32
      %dma_start3A_914 = arith.constant 0 : i32
      %dma_start3A_915 = tpu.memref_slice %arg11[%dma_start3A_902, %dma_start3A_903, %dma_start3A_912, %dma_start3A_913, %dma_start3A_914] : memref<8x1x4x8x128xf32, #tpu.memory_space<vmem>> -> memref<1x1x4x8x128xf32, #tpu.memory_space<vmem>>
      %dma_start3A_916 = tpu.memref_squeeze %dma_start3A_915 : memref<1x1x4x8x128xf32, #tpu.memory_space<vmem>> -> memref<4x8x128xf32, #tpu.memory_space<vmem>>
      %dma_start3A_917 = arith.constant 0 : i32
      %dma_start3A_918 = arith.constant 0 : i32
      %dma_start3A_919 = tpu.memref_slice %arg4[%dma_start3A_917, %dma_start3A_918, %multiple_of3A_894] : memref<4x8x1000000xf32, #tpu.memory_space<hbm>> -> memref<4x8x128xf32, #tpu.memory_space<hbm>>
      tpu.enqueue_dma source(%dma_start3A_919 : memref<4x8x128xf32, #tpu.memory_space<hbm>>) target(%dma_start3A_916 : memref<4x8x128xf32, #tpu.memory_space<vmem>>) target_semaphore(%arg17 : memref<!tpu.dma_semaphore, #tpu.memory_space<semaphore_mem>>)
      %dma_start3A_920 = arith.constant 1 : i32
      %dma_start3A_921 = arith.constant 0 : i32
      %dma_start3A_922 = arith.constant 0 : i32
      %dma_start3A_923 = arith.constant 0 : i32
      %dma_start3A_924 = arith.constant 0 : i32
      %dma_start3A_925 = tpu.memref_slice %arg12[%dma_start3A_920, %dma_start3A_921, %dma_start3A_922, %dma_start3A_923, %dma_start3A_924] : memref<8x1x4x8x128xf32, #tpu.memory_space<vmem>> -> memref<1x1x4x8x128xf32, #tpu.memory_space<vmem>>
      %dma_start3A_926 = tpu.memref_squeeze %dma_start3A_925 : memref<1x1x4x8x128xf32, #tpu.memory_space<vmem>> -> memref<4x8x128xf32, #tpu.memory_space<vmem>>
      %dma_start3A_927 = arith.constant 0 : i32
      %dma_start3A_928 = arith.constant 0 : i32
      %dma_start3A_929 = tpu.memref_slice %arg5[%dma_start3A_927, %dma_start3A_928, %multiple_of3A_901] : memref<4x8x1000000xf32, #tpu.memory_space<hbm>> -> memref<4x8x128xf32, #tpu.memory_space<hbm>>
      %dma_start3A_930 = arith.constant 0 : i32
      %dma_start3A_931 = arith.constant 0 : i32
      %dma_start3A_932 = arith.constant 0 : i32
      %dma_start3A_933 = tpu.memref_slice %arg12[%dma_start3A_920, %dma_start3A_921, %dma_start3A_930, %dma_start3A_931, %dma_start3A_932] : memref<8x1x4x8x128xf32, #tpu.memory_space<vmem>> -> memref<1x1x4x8x128xf32, #tpu.memory_space<vmem>>
      %dma_start3A_934 = tpu.memref_squeeze %dma_start3A_933 : memref<1x1x4x8x128xf32, #tpu.memory_space<vmem>> -> memref<4x8x128xf32, #tpu.memory_space<vmem>>
      %dma_start3A_935 = arith.constant 0 : i32
      %dma_start3A_936 = arith.constant 0 : i32
      %dma_start3A_937 = tpu.memref_slice %arg5[%dma_start3A_935, %dma_start3A_936, %multiple_of3A_901] : memref<4x8x1000000xf32, #tpu.memory_space<hbm>> -> memref<4x8x128xf32, #tpu.memory_space<hbm>>
      tpu.enqueue_dma source(%dma_start3A_937 : memref<4x8x128xf32, #tpu.memory_space<hbm>>) target(%dma_start3A_934 : memref<4x8x128xf32, #tpu.memory_space<vmem>>) target_semaphore(%arg17 : memref<!tpu.dma_semaphore, #tpu.memory_space<semaphore_mem>>)
      %dma_wait3A_938 = arith.constant 0 : i32
      %dma_wait3A_939 = arith.constant 0 : i32
      %dma_wait3A_940 = arith.constant 0 : i32
      %dma_wait3A_941 = arith.constant 0 : i32
      %dma_wait3A_942 = arith.constant 0 : i32
      %dma_wait3A_943 = tpu.memref_slice %arg11[%dma_wait3A_938, %dma_wait3A_939, %dma_wait3A_940, %dma_wait3A_941, %dma_wait3A_942] : memref<8x1x4x8x128xf32, #tpu.memory_space<vmem>> -> memref<1x1x4x8x128xf32, #tpu.memory_space<vmem>>
      %dma_wait3A_944 = tpu.memref_squeeze %dma_wait3A_943 : memref<1x1x4x8x128xf32, #tpu.memory_space<vmem>> -> memref<4x8x128xf32, #tpu.memory_space<vmem>>
      %dma_wait3A_945 = arith.constant 0 : i32
      %dma_wait3A_946 = arith.constant 0 : i32
      %dma_wait3A_947 = arith.constant 0 : i32
      %dma_wait3A_948 = tpu.memref_slice %arg4[%dma_wait3A_945, %dma_wait3A_946, %dma_wait3A_947] : memref<4x8x1000000xf32, #tpu.memory_space<hbm>> -> memref<4x8x128xf32, #tpu.memory_space<hbm>>
      %dma_wait3A_949 = arith.constant 0 : i32
      %dma_wait3A_950 = arith.constant 0 : i32
      %dma_wait3A_951 = arith.constant 0 : i32
      %dma_wait3A_952 = tpu.memref_slice %arg11[%dma_wait3A_938, %dma_wait3A_939, %dma_wait3A_949, %dma_wait3A_950, %dma_wait3A_951] : memref<8x1x4x8x128xf32, #tpu.memory_space<vmem>> -> memref<1x1x4x8x128xf32, #tpu.memory_space<vmem>>
      %dma_wait3A_953 = tpu.memref_squeeze %dma_wait3A_952 : memref<1x1x4x8x128xf32, #tpu.memory_space<vmem>> -> memref<4x8x128xf32, #tpu.memory_space<vmem>>
      %dma_wait3A_954 = arith.constant 0 : i32
      %dma_wait3A_955 = arith.constant 0 : i32
      %dma_wait3A_956 = arith.constant 0 : i32
      %dma_wait3A_957 = tpu.memref_slice %arg4[%dma_wait3A_954, %dma_wait3A_955, %dma_wait3A_956] : memref<4x8x1000000xf32, #tpu.memory_space<hbm>> -> memref<4x8x128xf32, #tpu.memory_space<hbm>>
      tpu.wait_dma2 semaphore(%arg19 : memref<!tpu.dma_semaphore, #tpu.memory_space<semaphore_mem>>) src(%dma_wait3A_957 : memref<4x8x128xf32, #tpu.memory_space<hbm>>) dst(%dma_wait3A_953 : memref<4x8x128xf32, #tpu.memory_space<vmem>>)
      %dma_wait3A_958 = arith.constant 0 : i32
      %dma_wait3A_959 = arith.constant 0 : i32
      %dma_wait3A_960 = arith.constant 0 : i32
      %dma_wait3A_961 = arith.constant 0 : i32
      %dma_wait3A_962 = arith.constant 0 : i32
      %dma_wait3A_963 = tpu.memref_slice %arg12[%dma_wait3A_958, %dma_wait3A_959, %dma_wait3A_960, %dma_wait3A_961, %dma_wait3A_962] : memref<8x1x4x8x128xf32, #tpu.memory_space<vmem>> -> memref<1x1x4x8x128xf32, #tpu.memory_space<vmem>>
      %dma_wait3A_964 = tpu.memref_squeeze %dma_wait3A_963 : memref<1x1x4x8x128xf32, #tpu.memory_space<vmem>> -> memref<4x8x128xf32, #tpu.memory_space<vmem>>
      %dma_wait3A_965 = arith.constant 0 : i32
      %dma_wait3A_966 = arith.constant 0 : i32
      %dma_wait3A_967 = arith.constant 0 : i32
      %dma_wait3A_968 = tpu.memref_slice %arg5[%dma_wait3A_965, %dma_wait3A_966, %dma_wait3A_967] : memref<4x8x1000000xf32, #tpu.memory_space<hbm>> -> memref<4x8x128xf32, #tpu.memory_space<hbm>>
      %dma_wait3A_969 = arith.constant 0 : i32
      %dma_wait3A_970 = arith.constant 0 : i32
      %dma_wait3A_971 = arith.constant 0 : i32
      %dma_wait3A_972 = tpu.memref_slice %arg12[%dma_wait3A_958, %dma_wait3A_959, %dma_wait3A_969, %dma_wait3A_970, %dma_wait3A_971] : memref<8x1x4x8x128xf32, #tpu.memory_space<vmem>> -> memref<1x1x4x8x128xf32, #tpu.memory_space<vmem>>
      %dma_wait3A_973 = tpu.memref_squeeze %dma_wait3A_972 : memref<1x1x4x8x128xf32, #tpu.memory_space<vmem>> -> memref<4x8x128xf32, #tpu.memory_space<vmem>>
      %dma_wait3A_974 = arith.constant 0 : i32
      %dma_wait3A_975 = arith.constant 0 : i32
      %dma_wait3A_976 = arith.constant 0 : i32
      %dma_wait3A_977 = tpu.memref_slice %arg5[%dma_wait3A_974, %dma_wait3A_975, %dma_wait3A_976] : memref<4x8x1000000xf32, #tpu.memory_space<hbm>> -> memref<4x8x128xf32, #tpu.memory_space<hbm>>
      tpu.wait_dma2 semaphore(%arg19 : memref<!tpu.dma_semaphore, #tpu.memory_space<semaphore_mem>>) src(%dma_wait3A_977 : memref<4x8x128xf32, #tpu.memory_space<hbm>>) dst(%dma_wait3A_973 : memref<4x8x128xf32, #tpu.memory_space<vmem>>)
      %slice3A_978 = vector.extract_strided_slice %get3A_517 {offsets = [3], sizes = [1], strides = [1]} : vector<16xi32> to vector<1xi32>
      %squeeze3A_979 = vector.extract %slice3A_978[0] : i32 from vector<1xi32>
      %and3A_980 = arith.constant 127 : i32
      %and3A_981 = arith.andi %squeeze3A_979, %and3A_980 : i32
      %broadcast_in_dim3A_982 = vector.broadcast %and3A_981 : i32 to vector<16xi32>
      %slice3A_983 = vector.extract_strided_slice %get3A_519 {offsets = [3], sizes = [1], strides = [1]} : vector<16xi32> to vector<1xi32>
      %squeeze3A_984 = vector.extract %slice3A_983[0] : i32 from vector<1xi32>
      %and3A_985 = arith.constant 127 : i32
      %and3A_986 = arith.andi %squeeze3A_984, %and3A_985 : i32
      %broadcast_in_dim3A_987 = vector.broadcast %and3A_986 : i32 to vector<16xi32>
      %broadcast_in_dim3A_988 = arith.constant 0 : i32
      %broadcast_in_dim3A_989 = vector.broadcast %broadcast_in_dim3A_988 : i32 to vector<16xi32>
      %broadcast_in_dim3A_990 = arith.constant 3 : i32
      %broadcast_in_dim3A_991 = vector.broadcast %broadcast_in_dim3A_990 : i32 to vector<16xi32>
      %gather3A_992 = tpu.vector_load_idx %arg11[%broadcast_in_dim3A_991, %broadcast_in_dim3A_989, %select_n3A, %select_n3A_127, %broadcast_in_dim3A_982] : memref<8x1x4x8x128xf32, #tpu.memory_space<vmem>>[vector<16xi32>, vector<16xi32>, vector<16xi32>, vector<16xi32>, vector<16xi32>], vector<16xf32>,
      %gather3A_993 = tpu.vector_load_idx %arg11[%broadcast_in_dim3A_991, %broadcast_in_dim3A_989, %add3A_107, %select_n3A_127, %broadcast_in_dim3A_982] : memref<8x1x4x8x128xf32, #tpu.memory_space<vmem>>[vector<16xi32>, vector<16xi32>, vector<16xi32>, vector<16xi32>, vector<16xi32>], vector<16xf32>,
      %gather3A_994 = tpu.vector_load_idx %arg12[%broadcast_in_dim3A_991, %broadcast_in_dim3A_989, %select_n3A, %select_n3A_127, %broadcast_in_dim3A_987] : memref<8x1x4x8x128xf32, #tpu.memory_space<vmem>>[vector<16xi32>, vector<16xi32>, vector<16xi32>, vector<16xi32>, vector<16xi32>], vector<16xf32>,
      %gather3A_995 = tpu.vector_load_idx %arg12[%broadcast_in_dim3A_991, %broadcast_in_dim3A_989, %add3A_107, %select_n3A_127, %broadcast_in_dim3A_987] : memref<8x1x4x8x128xf32, #tpu.memory_space<vmem>>[vector<16xi32>, vector<16xi32>, vector<16xi32>, vector<16xi32>, vector<16xi32>], vector<16xf32>,
      %mul3A_996 = arith.mulf %gather3A_992, %gather3A_994 : vector<16xf32>
      %mul3A_997 = arith.mulf %gather3A_993, %gather3A_995 : vector<16xf32>
      %add3A_998 = arith.addf %mul3A_996, %mul3A_997 : vector<16xf32>
      %reduce_sum3A_999 = arith.constant true
      %reduce_sum3A_1000 = vector.broadcast %reduce_sum3A_999 : i1 to vector<16xi1>
      %reduce_sum3A_1001 = tpu.scan <sum>, %add3A_998 masked %reduce_sum3A_1000 : vector<16xf32>, vector<16xi1> -> vector<16xf32>
      %reduce_sum3A_1002 = vector.extract %reduce_sum3A_1001[15] : f32 from vector<16xf32>
      %eq3A_1003 = arith.constant 3 : i32
      %eq3A_1004 = vector.broadcast %eq3A_1003 : i32 to vector<16xi32>
      %eq3A_1005 = arith.cmpi eq, %iota3A, %eq3A_1004 : vector<16xi32>
      %broadcast_in_dim3A_1006 = vector.broadcast %reduce_sum3A_1002 : f32 to vector<16xf32>
      %select_n3A_1007 = arith.select %eq3A_1005, %broadcast_in_dim3A_1006, %select_n3A_887 : vector<16xi1>, vector<16xf32>
      %slice3A_1008 = vector.extract_strided_slice %get3A_517 {offsets = [10], sizes = [1], strides = [1]} : vector<16xi32> to vector<1xi32>
      %squeeze3A_1009 = vector.extract %slice3A_1008[0] : i32 from vector<1xi32>
      %shift_right_arithmetic3A_1010 = arith.constant 7 : i32
      %shift_right_arithmetic3A_1011 = arith.shrsi %squeeze3A_1009, %shift_right_arithmetic3A_1010 : i32
      %mul3A_1012 = arith.constant 128 : i32
      %mul3A_1013 = arith.muli %shift_right_arithmetic3A_1011, %mul3A_1012 : i32
      %multiple_of3A_1014 = tpu.assume_multiple %mul3A_1013, 128 : i32
      %slice3A_1015 = vector.extract_strided_slice %get3A_519 {offsets = [10], sizes = [1], strides = [1]} : vector<16xi32> to vector<1xi32>
      %squeeze3A_1016 = vector.extract %slice3A_1015[0] : i32 from vector<1xi32>
      %shift_right_arithmetic3A_1017 = arith.constant 7 : i32
      %shift_right_arithmetic3A_1018 = arith.shrsi %squeeze3A_1016, %shift_right_arithmetic3A_1017 : i32
      %mul3A_1019 = arith.constant 128 : i32
      %mul3A_1020 = arith.muli %shift_right_arithmetic3A_1018, %mul3A_1019 : i32
      %multiple_of3A_1021 = tpu.assume_multiple %mul3A_1020, 128 : i32
      %dma_start3A_1022 = arith.constant 2 : i32
      %dma_start3A_1023 = arith.constant 0 : i32
      %dma_start3A_1024 = arith.constant 0 : i32
      %dma_start3A_1025 = arith.constant 0 : i32
      %dma_start3A_1026 = arith.constant 0 : i32
      %dma_start3A_1027 = tpu.memref_slice %arg11[%dma_start3A_1022, %dma_start3A_1023, %dma_start3A_1024, %dma_start3A_1025, %dma_start3A_1026] : memref<8x1x4x8x128xf32, #tpu.memory_space<vmem>> -> memref<1x1x4x8x128xf32, #tpu.memory_space<vmem>>
      %dma_start3A_1028 = tpu.memref_squeeze %dma_start3A_1027 : memref<1x1x4x8x128xf32, #tpu.memory_space<vmem>> -> memref<4x8x128xf32, #tpu.memory_space<vmem>>
      %dma_start3A_1029 = arith.constant 0 : i32
      %dma_start3A_1030 = arith.constant 0 : i32
      %dma_start3A_1031 = tpu.memref_slice %arg4[%dma_start3A_1029, %dma_start3A_1030, %multiple_of3A_1014] : memref<4x8x1000000xf32, #tpu.memory_space<hbm>> -> memref<4x8x128xf32, #tpu.memory_space<hbm>>
      %dma_start3A_1032 = arith.constant 0 : i32
      %dma_start3A_1033 = arith.constant 0 : i32
      %dma_start3A_1034 = arith.constant 0 : i32
      %dma_start3A_1035 = tpu.memref_slice %arg11[%dma_start3A_1022, %dma_start3A_1023, %dma_start3A_1032, %dma_start3A_1033, %dma_start3A_1034] : memref<8x1x4x8x128xf32, #tpu.memory_space<vmem>> -> memref<1x1x4x8x128xf32, #tpu.memory_space<vmem>>
      %dma_start3A_1036 = tpu.memref_squeeze %dma_start3A_1035 : memref<1x1x4x8x128xf32, #tpu.memory_space<vmem>> -> memref<4x8x128xf32, #tpu.memory_space<vmem>>
      %dma_start3A_1037 = arith.constant 0 : i32
      %dma_start3A_1038 = arith.constant 0 : i32
      %dma_start3A_1039 = tpu.memref_slice %arg4[%dma_start3A_1037, %dma_start3A_1038, %multiple_of3A_1014] : memref<4x8x1000000xf32, #tpu.memory_space<hbm>> -> memref<4x8x128xf32, #tpu.memory_space<hbm>>
      tpu.enqueue_dma source(%dma_start3A_1039 : memref<4x8x128xf32, #tpu.memory_space<hbm>>) target(%dma_start3A_1036 : memref<4x8x128xf32, #tpu.memory_space<vmem>>) target_semaphore(%arg18 : memref<!tpu.dma_semaphore, #tpu.memory_space<semaphore_mem>>)
      %dma_start3A_1040 = arith.constant 2 : i32
      %dma_start3A_1041 = arith.constant 0 : i32
      %dma_start3A_1042 = arith.constant 0 : i32
      %dma_start3A_1043 = arith.constant 0 : i32
      %dma_start3A_1044 = arith.constant 0 : i32
      %dma_start3A_1045 = tpu.memref_slice %arg12[%dma_start3A_1040, %dma_start3A_1041, %dma_start3A_1042, %dma_start3A_1043, %dma_start3A_1044] : memref<8x1x4x8x128xf32, #tpu.memory_space<vmem>> -> memref<1x1x4x8x128xf32, #tpu.memory_space<vmem>>
      %dma_start3A_1046 = tpu.memref_squeeze %dma_start3A_1045 : memref<1x1x4x8x128xf32, #tpu.memory_space<vmem>> -> memref<4x8x128xf32, #tpu.memory_space<vmem>>
      %dma_start3A_1047 = arith.constant 0 : i32
      %dma_start3A_1048 = arith.constant 0 : i32
      %dma_start3A_1049 = tpu.memref_slice %arg5[%dma_start3A_1047, %dma_start3A_1048, %multiple_of3A_1021] : memref<4x8x1000000xf32, #tpu.memory_space<hbm>> -> memref<4x8x128xf32, #tpu.memory_space<hbm>>
      %dma_start3A_1050 = arith.constant 0 : i32
      %dma_start3A_1051 = arith.constant 0 : i32
      %dma_start3A_1052 = arith.constant 0 : i32
      %dma_start3A_1053 = tpu.memref_slice %arg12[%dma_start3A_1040, %dma_start3A_1041, %dma_start3A_1050, %dma_start3A_1051, %dma_start3A_1052] : memref<8x1x4x8x128xf32, #tpu.memory_space<vmem>> -> memref<1x1x4x8x128xf32, #tpu.memory_space<vmem>>
      %dma_start3A_1054 = tpu.memref_squeeze %dma_start3A_1053 : memref<1x1x4x8x128xf32, #tpu.memory_space<vmem>> -> memref<4x8x128xf32, #tpu.memory_space<vmem>>
      %dma_start3A_1055 = arith.constant 0 : i32
      %dma_start3A_1056 = arith.constant 0 : i32
      %dma_start3A_1057 = tpu.memref_slice %arg5[%dma_start3A_1055, %dma_start3A_1056, %multiple_of3A_1021] : memref<4x8x1000000xf32, #tpu.memory_space<hbm>> -> memref<4x8x128xf32, #tpu.memory_space<hbm>>
      tpu.enqueue_dma source(%dma_start3A_1057 : memref<4x8x128xf32, #tpu.memory_space<hbm>>) target(%dma_start3A_1054 : memref<4x8x128xf32, #tpu.memory_space<vmem>>) target_semaphore(%arg18 : memref<!tpu.dma_semaphore, #tpu.memory_space<semaphore_mem>>)
      %dma_wait3A_1058 = arith.constant 0 : i32
      %dma_wait3A_1059 = arith.constant 0 : i32
      %dma_wait3A_1060 = arith.constant 0 : i32
      %dma_wait3A_1061 = arith.constant 0 : i32
      %dma_wait3A_1062 = arith.constant 0 : i32
      %dma_wait3A_1063 = tpu.memref_slice %arg11[%dma_wait3A_1058, %dma_wait3A_1059, %dma_wait3A_1060, %dma_wait3A_1061, %dma_wait3A_1062] : memref<8x1x4x8x128xf32, #tpu.memory_space<vmem>> -> memref<1x1x4x8x128xf32, #tpu.memory_space<vmem>>
      %dma_wait3A_1064 = tpu.memref_squeeze %dma_wait3A_1063 : memref<1x1x4x8x128xf32, #tpu.memory_space<vmem>> -> memref<4x8x128xf32, #tpu.memory_space<vmem>>
      %dma_wait3A_1065 = arith.constant 0 : i32
      %dma_wait3A_1066 = arith.constant 0 : i32
      %dma_wait3A_1067 = arith.constant 0 : i32
      %dma_wait3A_1068 = tpu.memref_slice %arg4[%dma_wait3A_1065, %dma_wait3A_1066, %dma_wait3A_1067] : memref<4x8x1000000xf32, #tpu.memory_space<hbm>> -> memref<4x8x128xf32, #tpu.memory_space<hbm>>
      %dma_wait3A_1069 = arith.constant 0 : i32
      %dma_wait3A_1070 = arith.constant 0 : i32
      %dma_wait3A_1071 = arith.constant 0 : i32
      %dma_wait3A_1072 = tpu.memref_slice %arg11[%dma_wait3A_1058, %dma_wait3A_1059, %dma_wait3A_1069, %dma_wait3A_1070, %dma_wait3A_1071] : memref<8x1x4x8x128xf32, #tpu.memory_space<vmem>> -> memref<1x1x4x8x128xf32, #tpu.memory_space<vmem>>
      %dma_wait3A_1073 = tpu.memref_squeeze %dma_wait3A_1072 : memref<1x1x4x8x128xf32, #tpu.memory_space<vmem>> -> memref<4x8x128xf32, #tpu.memory_space<vmem>>
      %dma_wait3A_1074 = arith.constant 0 : i32
      %dma_wait3A_1075 = arith.constant 0 : i32
      %dma_wait3A_1076 = arith.constant 0 : i32
      %dma_wait3A_1077 = tpu.memref_slice %arg4[%dma_wait3A_1074, %dma_wait3A_1075, %dma_wait3A_1076] : memref<4x8x1000000xf32, #tpu.memory_space<hbm>> -> memref<4x8x128xf32, #tpu.memory_space<hbm>>
      tpu.wait_dma2 semaphore(%arg20 : memref<!tpu.dma_semaphore, #tpu.memory_space<semaphore_mem>>) src(%dma_wait3A_1077 : memref<4x8x128xf32, #tpu.memory_space<hbm>>) dst(%dma_wait3A_1073 : memref<4x8x128xf32, #tpu.memory_space<vmem>>)
      %dma_wait3A_1078 = arith.constant 0 : i32
      %dma_wait3A_1079 = arith.constant 0 : i32
      %dma_wait3A_1080 = arith.constant 0 : i32
      %dma_wait3A_1081 = arith.constant 0 : i32
      %dma_wait3A_1082 = arith.constant 0 : i32
      %dma_wait3A_1083 = tpu.memref_slice %arg12[%dma_wait3A_1078, %dma_wait3A_1079, %dma_wait3A_1080, %dma_wait3A_1081, %dma_wait3A_1082] : memref<8x1x4x8x128xf32, #tpu.memory_space<vmem>> -> memref<1x1x4x8x128xf32, #tpu.memory_space<vmem>>
      %dma_wait3A_1084 = tpu.memref_squeeze %dma_wait3A_1083 : memref<1x1x4x8x128xf32, #tpu.memory_space<vmem>> -> memref<4x8x128xf32, #tpu.memory_space<vmem>>
      %dma_wait3A_1085 = arith.constant 0 : i32
      %dma_wait3A_1086 = arith.constant 0 : i32
      %dma_wait3A_1087 = arith.constant 0 : i32
      %dma_wait3A_1088 = tpu.memref_slice %arg5[%dma_wait3A_1085, %dma_wait3A_1086, %dma_wait3A_1087] : memref<4x8x1000000xf32, #tpu.memory_space<hbm>> -> memref<4x8x128xf32, #tpu.memory_space<hbm>>
      %dma_wait3A_1089 = arith.constant 0 : i32
      %dma_wait3A_1090 = arith.constant 0 : i32
      %dma_wait3A_1091 = arith.constant 0 : i32
      %dma_wait3A_1092 = tpu.memref_slice %arg12[%dma_wait3A_1078, %dma_wait3A_1079, %dma_wait3A_1089, %dma_wait3A_1090, %dma_wait3A_1091] : memref<8x1x4x8x128xf32, #tpu.memory_space<vmem>> -> memref<1x1x4x8x128xf32, #tpu.memory_space<vmem>>
      %dma_wait3A_1093 = tpu.memref_squeeze %dma_wait3A_1092 : memref<1x1x4x8x128xf32, #tpu.memory_space<vmem>> -> memref<4x8x128xf32, #tpu.memory_space<vmem>>
      %dma_wait3A_1094 = arith.constant 0 : i32
      %dma_wait3A_1095 = arith.constant 0 : i32
      %dma_wait3A_1096 = arith.constant 0 : i32
      %dma_wait3A_1097 = tpu.memref_slice %arg5[%dma_wait3A_1094, %dma_wait3A_1095, %dma_wait3A_1096] : memref<4x8x1000000xf32, #tpu.memory_space<hbm>> -> memref<4x8x128xf32, #tpu.memory_space<hbm>>
      tpu.wait_dma2 semaphore(%arg20 : memref<!tpu.dma_semaphore, #tpu.memory_space<semaphore_mem>>) src(%dma_wait3A_1097 : memref<4x8x128xf32, #tpu.memory_space<hbm>>) dst(%dma_wait3A_1093 : memref<4x8x128xf32, #tpu.memory_space<vmem>>)
      %slice3A_1098 = vector.extract_strided_slice %get3A_517 {offsets = [4], sizes = [1], strides = [1]} : vector<16xi32> to vector<1xi32>
      %squeeze3A_1099 = vector.extract %slice3A_1098[0] : i32 from vector<1xi32>
      %and3A_1100 = arith.constant 127 : i32
      %and3A_1101 = arith.andi %squeeze3A_1099, %and3A_1100 : i32
      %broadcast_in_dim3A_1102 = vector.broadcast %and3A_1101 : i32 to vector<16xi32>
      %slice3A_1103 = vector.extract_strided_slice %get3A_519 {offsets = [4], sizes = [1], strides = [1]} : vector<16xi32> to vector<1xi32>
      %squeeze3A_1104 = vector.extract %slice3A_1103[0] : i32 from vector<1xi32>
      %and3A_1105 = arith.constant 127 : i32
      %and3A_1106 = arith.andi %squeeze3A_1104, %and3A_1105 : i32
      %broadcast_in_dim3A_1107 = vector.broadcast %and3A_1106 : i32 to vector<16xi32>
      %broadcast_in_dim3A_1108 = arith.constant 0 : i32
      %broadcast_in_dim3A_1109 = vector.broadcast %broadcast_in_dim3A_1108 : i32 to vector<16xi32>
      %broadcast_in_dim3A_1110 = arith.constant 4 : i32
      %broadcast_in_dim3A_1111 = vector.broadcast %broadcast_in_dim3A_1110 : i32 to vector<16xi32>
      %gather3A_1112 = tpu.vector_load_idx %arg11[%broadcast_in_dim3A_1111, %broadcast_in_dim3A_1109, %select_n3A, %select_n3A_127, %broadcast_in_dim3A_1102] : memref<8x1x4x8x128xf32, #tpu.memory_space<vmem>>[vector<16xi32>, vector<16xi32>, vector<16xi32>, vector<16xi32>, vector<16xi32>], vector<16xf32>,
      %gather3A_1113 = tpu.vector_load_idx %arg11[%broadcast_in_dim3A_1111, %broadcast_in_dim3A_1109, %add3A_107, %select_n3A_127, %broadcast_in_dim3A_1102] : memref<8x1x4x8x128xf32, #tpu.memory_space<vmem>>[vector<16xi32>, vector<16xi32>, vector<16xi32>, vector<16xi32>, vector<16xi32>], vector<16xf32>,
      %gather3A_1114 = tpu.vector_load_idx %arg12[%broadcast_in_dim3A_1111, %broadcast_in_dim3A_1109, %select_n3A, %select_n3A_127, %broadcast_in_dim3A_1107] : memref<8x1x4x8x128xf32, #tpu.memory_space<vmem>>[vector<16xi32>, vector<16xi32>, vector<16xi32>, vector<16xi32>, vector<16xi32>], vector<16xf32>,
      %gather3A_1115 = tpu.vector_load_idx %arg12[%broadcast_in_dim3A_1111, %broadcast_in_dim3A_1109, %add3A_107, %select_n3A_127, %broadcast_in_dim3A_1107] : memref<8x1x4x8x128xf32, #tpu.memory_space<vmem>>[vector<16xi32>, vector<16xi32>, vector<16xi32>, vector<16xi32>, vector<16xi32>], vector<16xf32>,
      %mul3A_1116 = arith.mulf %gather3A_1112, %gather3A_1114 : vector<16xf32>
      %mul3A_1117 = arith.mulf %gather3A_1113, %gather3A_1115 : vector<16xf32>
      %add3A_1118 = arith.addf %mul3A_1116, %mul3A_1117 : vector<16xf32>
      %reduce_sum3A_1119 = arith.constant true
      %reduce_sum3A_1120 = vector.broadcast %reduce_sum3A_1119 : i1 to vector<16xi1>
      %reduce_sum3A_1121 = tpu.scan <sum>, %add3A_1118 masked %reduce_sum3A_1120 : vector<16xf32>, vector<16xi1> -> vector<16xf32>
      %reduce_sum3A_1122 = vector.extract %reduce_sum3A_1121[15] : f32 from vector<16xf32>
      %eq3A_1123 = arith.constant 4 : i32
      %eq3A_1124 = vector.broadcast %eq3A_1123 : i32 to vector<16xi32>
      %eq3A_1125 = arith.cmpi eq, %iota3A, %eq3A_1124 : vector<16xi32>
      %broadcast_in_dim3A_1126 = vector.broadcast %reduce_sum3A_1122 : f32 to vector<16xf32>
      %select_n3A_1127 = arith.select %eq3A_1125, %broadcast_in_dim3A_1126, %select_n3A_1007 : vector<16xi1>, vector<16xf32>
      %slice3A_1128 = vector.extract_strided_slice %get3A_517 {offsets = [11], sizes = [1], strides = [1]} : vector<16xi32> to vector<1xi32>
      %squeeze3A_1129 = vector.extract %slice3A_1128[0] : i32 from vector<1xi32>
      %shift_right_arithmetic3A_1130 = arith.constant 7 : i32
      %shift_right_arithmetic3A_1131 = arith.shrsi %squeeze3A_1129, %shift_right_arithmetic3A_1130 : i32
      %mul3A_1132 = arith.constant 128 : i32
      %mul3A_1133 = arith.muli %shift_right_arithmetic3A_1131, %mul3A_1132 : i32
      %multiple_of3A_1134 = tpu.assume_multiple %mul3A_1133, 128 : i32
      %slice3A_1135 = vector.extract_strided_slice %get3A_519 {offsets = [11], sizes = [1], strides = [1]} : vector<16xi32> to vector<1xi32>
      %squeeze3A_1136 = vector.extract %slice3A_1135[0] : i32 from vector<1xi32>
      %shift_right_arithmetic3A_1137 = arith.constant 7 : i32
      %shift_right_arithmetic3A_1138 = arith.shrsi %squeeze3A_1136, %shift_right_arithmetic3A_1137 : i32
      %mul3A_1139 = arith.constant 128 : i32
      %mul3A_1140 = arith.muli %shift_right_arithmetic3A_1138, %mul3A_1139 : i32
      %multiple_of3A_1141 = tpu.assume_multiple %mul3A_1140, 128 : i32
      %dma_start3A_1142 = arith.constant 3 : i32
      %dma_start3A_1143 = arith.constant 0 : i32
      %dma_start3A_1144 = arith.constant 0 : i32
      %dma_start3A_1145 = arith.constant 0 : i32
      %dma_start3A_1146 = arith.constant 0 : i32
      %dma_start3A_1147 = tpu.memref_slice %arg11[%dma_start3A_1142, %dma_start3A_1143, %dma_start3A_1144, %dma_start3A_1145, %dma_start3A_1146] : memref<8x1x4x8x128xf32, #tpu.memory_space<vmem>> -> memref<1x1x4x8x128xf32, #tpu.memory_space<vmem>>
      %dma_start3A_1148 = tpu.memref_squeeze %dma_start3A_1147 : memref<1x1x4x8x128xf32, #tpu.memory_space<vmem>> -> memref<4x8x128xf32, #tpu.memory_space<vmem>>
      %dma_start3A_1149 = arith.constant 0 : i32
      %dma_start3A_1150 = arith.constant 0 : i32
      %dma_start3A_1151 = tpu.memref_slice %arg4[%dma_start3A_1149, %dma_start3A_1150, %multiple_of3A_1134] : memref<4x8x1000000xf32, #tpu.memory_space<hbm>> -> memref<4x8x128xf32, #tpu.memory_space<hbm>>
      %dma_start3A_1152 = arith.constant 0 : i32
      %dma_start3A_1153 = arith.constant 0 : i32
      %dma_start3A_1154 = arith.constant 0 : i32
      %dma_start3A_1155 = tpu.memref_slice %arg11[%dma_start3A_1142, %dma_start3A_1143, %dma_start3A_1152, %dma_start3A_1153, %dma_start3A_1154] : memref<8x1x4x8x128xf32, #tpu.memory_space<vmem>> -> memref<1x1x4x8x128xf32, #tpu.memory_space<vmem>>
      %dma_start3A_1156 = tpu.memref_squeeze %dma_start3A_1155 : memref<1x1x4x8x128xf32, #tpu.memory_space<vmem>> -> memref<4x8x128xf32, #tpu.memory_space<vmem>>
      %dma_start3A_1157 = arith.constant 0 : i32
      %dma_start3A_1158 = arith.constant 0 : i32
      %dma_start3A_1159 = tpu.memref_slice %arg4[%dma_start3A_1157, %dma_start3A_1158, %multiple_of3A_1134] : memref<4x8x1000000xf32, #tpu.memory_space<hbm>> -> memref<4x8x128xf32, #tpu.memory_space<hbm>>
      tpu.enqueue_dma source(%dma_start3A_1159 : memref<4x8x128xf32, #tpu.memory_space<hbm>>) target(%dma_start3A_1156 : memref<4x8x128xf32, #tpu.memory_space<vmem>>) target_semaphore(%arg19 : memref<!tpu.dma_semaphore, #tpu.memory_space<semaphore_mem>>)
      %dma_start3A_1160 = arith.constant 3 : i32
      %dma_start3A_1161 = arith.constant 0 : i32
      %dma_start3A_1162 = arith.constant 0 : i32
      %dma_start3A_1163 = arith.constant 0 : i32
      %dma_start3A_1164 = arith.constant 0 : i32
      %dma_start3A_1165 = tpu.memref_slice %arg12[%dma_start3A_1160, %dma_start3A_1161, %dma_start3A_1162, %dma_start3A_1163, %dma_start3A_1164] : memref<8x1x4x8x128xf32, #tpu.memory_space<vmem>> -> memref<1x1x4x8x128xf32, #tpu.memory_space<vmem>>
      %dma_start3A_1166 = tpu.memref_squeeze %dma_start3A_1165 : memref<1x1x4x8x128xf32, #tpu.memory_space<vmem>> -> memref<4x8x128xf32, #tpu.memory_space<vmem>>
      %dma_start3A_1167 = arith.constant 0 : i32
      %dma_start3A_1168 = arith.constant 0 : i32
      %dma_start3A_1169 = tpu.memref_slice %arg5[%dma_start3A_1167, %dma_start3A_1168, %multiple_of3A_1141] : memref<4x8x1000000xf32, #tpu.memory_space<hbm>> -> memref<4x8x128xf32, #tpu.memory_space<hbm>>
      %dma_start3A_1170 = arith.constant 0 : i32
      %dma_start3A_1171 = arith.constant 0 : i32
      %dma_start3A_1172 = arith.constant 0 : i32
      %dma_start3A_1173 = tpu.memref_slice %arg12[%dma_start3A_1160, %dma_start3A_1161, %dma_start3A_1170, %dma_start3A_1171, %dma_start3A_1172] : memref<8x1x4x8x128xf32, #tpu.memory_space<vmem>> -> memref<1x1x4x8x128xf32, #tpu.memory_space<vmem>>
      %dma_start3A_1174 = tpu.memref_squeeze %dma_start3A_1173 : memref<1x1x4x8x128xf32, #tpu.memory_space<vmem>> -> memref<4x8x128xf32, #tpu.memory_space<vmem>>
      %dma_start3A_1175 = arith.constant 0 : i32
      %dma_start3A_1176 = arith.constant 0 : i32
      %dma_start3A_1177 = tpu.memref_slice %arg5[%dma_start3A_1175, %dma_start3A_1176, %multiple_of3A_1141] : memref<4x8x1000000xf32, #tpu.memory_space<hbm>> -> memref<4x8x128xf32, #tpu.memory_space<hbm>>
      tpu.enqueue_dma source(%dma_start3A_1177 : memref<4x8x128xf32, #tpu.memory_space<hbm>>) target(%dma_start3A_1174 : memref<4x8x128xf32, #tpu.memory_space<vmem>>) target_semaphore(%arg19 : memref<!tpu.dma_semaphore, #tpu.memory_space<semaphore_mem>>)
      %dma_wait3A_1178 = arith.constant 0 : i32
      %dma_wait3A_1179 = arith.constant 0 : i32
      %dma_wait3A_1180 = arith.constant 0 : i32
      %dma_wait3A_1181 = arith.constant 0 : i32
      %dma_wait3A_1182 = arith.constant 0 : i32
      %dma_wait3A_1183 = tpu.memref_slice %arg11[%dma_wait3A_1178, %dma_wait3A_1179, %dma_wait3A_1180, %dma_wait3A_1181, %dma_wait3A_1182] : memref<8x1x4x8x128xf32, #tpu.memory_space<vmem>> -> memref<1x1x4x8x128xf32, #tpu.memory_space<vmem>>
      %dma_wait3A_1184 = tpu.memref_squeeze %dma_wait3A_1183 : memref<1x1x4x8x128xf32, #tpu.memory_space<vmem>> -> memref<4x8x128xf32, #tpu.memory_space<vmem>>
      %dma_wait3A_1185 = arith.constant 0 : i32
      %dma_wait3A_1186 = arith.constant 0 : i32
      %dma_wait3A_1187 = arith.constant 0 : i32
      %dma_wait3A_1188 = tpu.memref_slice %arg4[%dma_wait3A_1185, %dma_wait3A_1186, %dma_wait3A_1187] : memref<4x8x1000000xf32, #tpu.memory_space<hbm>> -> memref<4x8x128xf32, #tpu.memory_space<hbm>>
      %dma_wait3A_1189 = arith.constant 0 : i32
      %dma_wait3A_1190 = arith.constant 0 : i32
      %dma_wait3A_1191 = arith.constant 0 : i32
      %dma_wait3A_1192 = tpu.memref_slice %arg11[%dma_wait3A_1178, %dma_wait3A_1179, %dma_wait3A_1189, %dma_wait3A_1190, %dma_wait3A_1191] : memref<8x1x4x8x128xf32, #tpu.memory_space<vmem>> -> memref<1x1x4x8x128xf32, #tpu.memory_space<vmem>>
      %dma_wait3A_1193 = tpu.memref_squeeze %dma_wait3A_1192 : memref<1x1x4x8x128xf32, #tpu.memory_space<vmem>> -> memref<4x8x128xf32, #tpu.memory_space<vmem>>
      %dma_wait3A_1194 = arith.constant 0 : i32
      %dma_wait3A_1195 = arith.constant 0 : i32
      %dma_wait3A_1196 = arith.constant 0 : i32
      %dma_wait3A_1197 = tpu.memref_slice %arg4[%dma_wait3A_1194, %dma_wait3A_1195, %dma_wait3A_1196] : memref<4x8x1000000xf32, #tpu.memory_space<hbm>> -> memref<4x8x128xf32, #tpu.memory_space<hbm>>
      tpu.wait_dma2 semaphore(%arg21 : memref<!tpu.dma_semaphore, #tpu.memory_space<semaphore_mem>>) src(%dma_wait3A_1197 : memref<4x8x128xf32, #tpu.memory_space<hbm>>) dst(%dma_wait3A_1193 : memref<4x8x128xf32, #tpu.memory_space<vmem>>)
      %dma_wait3A_1198 = arith.constant 0 : i32
      %dma_wait3A_1199 = arith.constant 0 : i32
      %dma_wait3A_1200 = arith.constant 0 : i32
      %dma_wait3A_1201 = arith.constant 0 : i32
      %dma_wait3A_1202 = arith.constant 0 : i32
      %dma_wait3A_1203 = tpu.memref_slice %arg12[%dma_wait3A_1198, %dma_wait3A_1199, %dma_wait3A_1200, %dma_wait3A_1201, %dma_wait3A_1202] : memref<8x1x4x8x128xf32, #tpu.memory_space<vmem>> -> memref<1x1x4x8x128xf32, #tpu.memory_space<vmem>>
      %dma_wait3A_1204 = tpu.memref_squeeze %dma_wait3A_1203 : memref<1x1x4x8x128xf32, #tpu.memory_space<vmem>> -> memref<4x8x128xf32, #tpu.memory_space<vmem>>
      %dma_wait3A_1205 = arith.constant 0 : i32
      %dma_wait3A_1206 = arith.constant 0 : i32
      %dma_wait3A_1207 = arith.constant 0 : i32
      %dma_wait3A_1208 = tpu.memref_slice %arg5[%dma_wait3A_1205, %dma_wait3A_1206, %dma_wait3A_1207] : memref<4x8x1000000xf32, #tpu.memory_space<hbm>> -> memref<4x8x128xf32, #tpu.memory_space<hbm>>
      %dma_wait3A_1209 = arith.constant 0 : i32
      %dma_wait3A_1210 = arith.constant 0 : i32
      %dma_wait3A_1211 = arith.constant 0 : i32
      %dma_wait3A_1212 = tpu.memref_slice %arg12[%dma_wait3A_1198, %dma_wait3A_1199, %dma_wait3A_1209, %dma_wait3A_1210, %dma_wait3A_1211] : memref<8x1x4x8x128xf32, #tpu.memory_space<vmem>> -> memref<1x1x4x8x128xf32, #tpu.memory_space<vmem>>
      %dma_wait3A_1213 = tpu.memref_squeeze %dma_wait3A_1212 : memref<1x1x4x8x128xf32, #tpu.memory_space<vmem>> -> memref<4x8x128xf32, #tpu.memory_space<vmem>>
      %dma_wait3A_1214 = arith.constant 0 : i32
      %dma_wait3A_1215 = arith.constant 0 : i32
      %dma_wait3A_1216 = arith.constant 0 : i32
      %dma_wait3A_1217 = tpu.memref_slice %arg5[%dma_wait3A_1214, %dma_wait3A_1215, %dma_wait3A_1216] : memref<4x8x1000000xf32, #tpu.memory_space<hbm>> -> memref<4x8x128xf32, #tpu.memory_space<hbm>>
      tpu.wait_dma2 semaphore(%arg21 : memref<!tpu.dma_semaphore, #tpu.memory_space<semaphore_mem>>) src(%dma_wait3A_1217 : memref<4x8x128xf32, #tpu.memory_space<hbm>>) dst(%dma_wait3A_1213 : memref<4x8x128xf32, #tpu.memory_space<vmem>>)
      %slice3A_1218 = vector.extract_strided_slice %get3A_517 {offsets = [5], sizes = [1], strides = [1]} : vector<16xi32> to vector<1xi32>
      %squeeze3A_1219 = vector.extract %slice3A_1218[0] : i32 from vector<1xi32>
      %and3A_1220 = arith.constant 127 : i32
      %and3A_1221 = arith.andi %squeeze3A_1219, %and3A_1220 : i32
      %broadcast_in_dim3A_1222 = vector.broadcast %and3A_1221 : i32 to vector<16xi32>
      %slice3A_1223 = vector.extract_strided_slice %get3A_519 {offsets = [5], sizes = [1], strides = [1]} : vector<16xi32> to vector<1xi32>
      %squeeze3A_1224 = vector.extract %slice3A_1223[0] : i32 from vector<1xi32>
      %and3A_1225 = arith.constant 127 : i32
      %and3A_1226 = arith.andi %squeeze3A_1224, %and3A_1225 : i32
      %broadcast_in_dim3A_1227 = vector.broadcast %and3A_1226 : i32 to vector<16xi32>
      %broadcast_in_dim3A_1228 = arith.constant 0 : i32
      %broadcast_in_dim3A_1229 = vector.broadcast %broadcast_in_dim3A_1228 : i32 to vector<16xi32>
      %broadcast_in_dim3A_1230 = arith.constant 5 : i32
      %broadcast_in_dim3A_1231 = vector.broadcast %broadcast_in_dim3A_1230 : i32 to vector<16xi32>
      %gather3A_1232 = tpu.vector_load_idx %arg11[%broadcast_in_dim3A_1231, %broadcast_in_dim3A_1229, %select_n3A, %select_n3A_127, %broadcast_in_dim3A_1222] : memref<8x1x4x8x128xf32, #tpu.memory_space<vmem>>[vector<16xi32>, vector<16xi32>, vector<16xi32>, vector<16xi32>, vector<16xi32>], vector<16xf32>,
      %gather3A_1233 = tpu.vector_load_idx %arg11[%broadcast_in_dim3A_1231, %broadcast_in_dim3A_1229, %add3A_107, %select_n3A_127, %broadcast_in_dim3A_1222] : memref<8x1x4x8x128xf32, #tpu.memory_space<vmem>>[vector<16xi32>, vector<16xi32>, vector<16xi32>, vector<16xi32>, vector<16xi32>], vector<16xf32>,
      %gather3A_1234 = tpu.vector_load_idx %arg12[%broadcast_in_dim3A_1231, %broadcast_in_dim3A_1229, %select_n3A, %select_n3A_127, %broadcast_in_dim3A_1227] : memref<8x1x4x8x128xf32, #tpu.memory_space<vmem>>[vector<16xi32>, vector<16xi32>, vector<16xi32>, vector<16xi32>, vector<16xi32>], vector<16xf32>,
      %gather3A_1235 = tpu.vector_load_idx %arg12[%broadcast_in_dim3A_1231, %broadcast_in_dim3A_1229, %add3A_107, %select_n3A_127, %broadcast_in_dim3A_1227] : memref<8x1x4x8x128xf32, #tpu.memory_space<vmem>>[vector<16xi32>, vector<16xi32>, vector<16xi32>, vector<16xi32>, vector<16xi32>], vector<16xf32>,
      %mul3A_1236 = arith.mulf %gather3A_1232, %gather3A_1234 : vector<16xf32>
      %mul3A_1237 = arith.mulf %gather3A_1233, %gather3A_1235 : vector<16xf32>
      %add3A_1238 = arith.addf %mul3A_1236, %mul3A_1237 : vector<16xf32>
      %reduce_sum3A_1239 = arith.constant true
      %reduce_sum3A_1240 = vector.broadcast %reduce_sum3A_1239 : i1 to vector<16xi1>
      %reduce_sum3A_1241 = tpu.scan <sum>, %add3A_1238 masked %reduce_sum3A_1240 : vector<16xf32>, vector<16xi1> -> vector<16xf32>
      %reduce_sum3A_1242 = vector.extract %reduce_sum3A_1241[15] : f32 from vector<16xf32>
      %eq3A_1243 = arith.constant 5 : i32
      %eq3A_1244 = vector.broadcast %eq3A_1243 : i32 to vector<16xi32>
      %eq3A_1245 = arith.cmpi eq, %iota3A, %eq3A_1244 : vector<16xi32>
      %broadcast_in_dim3A_1246 = vector.broadcast %reduce_sum3A_1242 : f32 to vector<16xf32>
      %select_n3A_1247 = arith.select %eq3A_1245, %broadcast_in_dim3A_1246, %select_n3A_1127 : vector<16xi1>, vector<16xf32>
      %slice3A_1248 = vector.extract_strided_slice %get3A_517 {offsets = [12], sizes = [1], strides = [1]} : vector<16xi32> to vector<1xi32>
      %squeeze3A_1249 = vector.extract %slice3A_1248[0] : i32 from vector<1xi32>
      %shift_right_arithmetic3A_1250 = arith.constant 7 : i32
      %shift_right_arithmetic3A_1251 = arith.shrsi %squeeze3A_1249, %shift_right_arithmetic3A_1250 : i32
      %mul3A_1252 = arith.constant 128 : i32
      %mul3A_1253 = arith.muli %shift_right_arithmetic3A_1251, %mul3A_1252 : i32
      %multiple_of3A_1254 = tpu.assume_multiple %mul3A_1253, 128 : i32
      %slice3A_1255 = vector.extract_strided_slice %get3A_519 {offsets = [12], sizes = [1], strides = [1]} : vector<16xi32> to vector<1xi32>
      %squeeze3A_1256 = vector.extract %slice3A_1255[0] : i32 from vector<1xi32>
      %shift_right_arithmetic3A_1257 = arith.constant 7 : i32
      %shift_right_arithmetic3A_1258 = arith.shrsi %squeeze3A_1256, %shift_right_arithmetic3A_1257 : i32
      %mul3A_1259 = arith.constant 128 : i32
      %mul3A_1260 = arith.muli %shift_right_arithmetic3A_1258, %mul3A_1259 : i32
      %multiple_of3A_1261 = tpu.assume_multiple %mul3A_1260, 128 : i32
      %dma_start3A_1262 = arith.constant 4 : i32
      %dma_start3A_1263 = arith.constant 0 : i32
      %dma_start3A_1264 = arith.constant 0 : i32
      %dma_start3A_1265 = arith.constant 0 : i32
      %dma_start3A_1266 = arith.constant 0 : i32
      %dma_start3A_1267 = tpu.memref_slice %arg11[%dma_start3A_1262, %dma_start3A_1263, %dma_start3A_1264, %dma_start3A_1265, %dma_start3A_1266] : memref<8x1x4x8x128xf32, #tpu.memory_space<vmem>> -> memref<1x1x4x8x128xf32, #tpu.memory_space<vmem>>
      %dma_start3A_1268 = tpu.memref_squeeze %dma_start3A_1267 : memref<1x1x4x8x128xf32, #tpu.memory_space<vmem>> -> memref<4x8x128xf32, #tpu.memory_space<vmem>>
      %dma_start3A_1269 = arith.constant 0 : i32
      %dma_start3A_1270 = arith.constant 0 : i32
      %dma_start3A_1271 = tpu.memref_slice %arg4[%dma_start3A_1269, %dma_start3A_1270, %multiple_of3A_1254] : memref<4x8x1000000xf32, #tpu.memory_space<hbm>> -> memref<4x8x128xf32, #tpu.memory_space<hbm>>
      %dma_start3A_1272 = arith.constant 0 : i32
      %dma_start3A_1273 = arith.constant 0 : i32
      %dma_start3A_1274 = arith.constant 0 : i32
      %dma_start3A_1275 = tpu.memref_slice %arg11[%dma_start3A_1262, %dma_start3A_1263, %dma_start3A_1272, %dma_start3A_1273, %dma_start3A_1274] : memref<8x1x4x8x128xf32, #tpu.memory_space<vmem>> -> memref<1x1x4x8x128xf32, #tpu.memory_space<vmem>>
      %dma_start3A_1276 = tpu.memref_squeeze %dma_start3A_1275 : memref<1x1x4x8x128xf32, #tpu.memory_space<vmem>> -> memref<4x8x128xf32, #tpu.memory_space<vmem>>
      %dma_start3A_1277 = arith.constant 0 : i32
      %dma_start3A_1278 = arith.constant 0 : i32
      %dma_start3A_1279 = tpu.memref_slice %arg4[%dma_start3A_1277, %dma_start3A_1278, %multiple_of3A_1254] : memref<4x8x1000000xf32, #tpu.memory_space<hbm>> -> memref<4x8x128xf32, #tpu.memory_space<hbm>>
      tpu.enqueue_dma source(%dma_start3A_1279 : memref<4x8x128xf32, #tpu.memory_space<hbm>>) target(%dma_start3A_1276 : memref<4x8x128xf32, #tpu.memory_space<vmem>>) target_semaphore(%arg20 : memref<!tpu.dma_semaphore, #tpu.memory_space<semaphore_mem>>)
      %dma_start3A_1280 = arith.constant 4 : i32
      %dma_start3A_1281 = arith.constant 0 : i32
      %dma_start3A_1282 = arith.constant 0 : i32
      %dma_start3A_1283 = arith.constant 0 : i32
      %dma_start3A_1284 = arith.constant 0 : i32
      %dma_start3A_1285 = tpu.memref_slice %arg12[%dma_start3A_1280, %dma_start3A_1281, %dma_start3A_1282, %dma_start3A_1283, %dma_start3A_1284] : memref<8x1x4x8x128xf32, #tpu.memory_space<vmem>> -> memref<1x1x4x8x128xf32, #tpu.memory_space<vmem>>
      %dma_start3A_1286 = tpu.memref_squeeze %dma_start3A_1285 : memref<1x1x4x8x128xf32, #tpu.memory_space<vmem>> -> memref<4x8x128xf32, #tpu.memory_space<vmem>>
      %dma_start3A_1287 = arith.constant 0 : i32
      %dma_start3A_1288 = arith.constant 0 : i32
      %dma_start3A_1289 = tpu.memref_slice %arg5[%dma_start3A_1287, %dma_start3A_1288, %multiple_of3A_1261] : memref<4x8x1000000xf32, #tpu.memory_space<hbm>> -> memref<4x8x128xf32, #tpu.memory_space<hbm>>
      %dma_start3A_1290 = arith.constant 0 : i32
      %dma_start3A_1291 = arith.constant 0 : i32
      %dma_start3A_1292 = arith.constant 0 : i32
      %dma_start3A_1293 = tpu.memref_slice %arg12[%dma_start3A_1280, %dma_start3A_1281, %dma_start3A_1290, %dma_start3A_1291, %dma_start3A_1292] : memref<8x1x4x8x128xf32, #tpu.memory_space<vmem>> -> memref<1x1x4x8x128xf32, #tpu.memory_space<vmem>>
      %dma_start3A_1294 = tpu.memref_squeeze %dma_start3A_1293 : memref<1x1x4x8x128xf32, #tpu.memory_space<vmem>> -> memref<4x8x128xf32, #tpu.memory_space<vmem>>
      %dma_start3A_1295 = arith.constant 0 : i32
      %dma_start3A_1296 = arith.constant 0 : i32
      %dma_start3A_1297 = tpu.memref_slice %arg5[%dma_start3A_1295, %dma_start3A_1296, %multiple_of3A_1261] : memref<4x8x1000000xf32, #tpu.memory_space<hbm>> -> memref<4x8x128xf32, #tpu.memory_space<hbm>>
      tpu.enqueue_dma source(%dma_start3A_1297 : memref<4x8x128xf32, #tpu.memory_space<hbm>>) target(%dma_start3A_1294 : memref<4x8x128xf32, #tpu.memory_space<vmem>>) target_semaphore(%arg20 : memref<!tpu.dma_semaphore, #tpu.memory_space<semaphore_mem>>)
      %dma_wait3A_1298 = arith.constant 0 : i32
      %dma_wait3A_1299 = arith.constant 0 : i32
      %dma_wait3A_1300 = arith.constant 0 : i32
      %dma_wait3A_1301 = arith.constant 0 : i32
      %dma_wait3A_1302 = arith.constant 0 : i32
      %dma_wait3A_1303 = tpu.memref_slice %arg11[%dma_wait3A_1298, %dma_wait3A_1299, %dma_wait3A_1300, %dma_wait3A_1301, %dma_wait3A_1302] : memref<8x1x4x8x128xf32, #tpu.memory_space<vmem>> -> memref<1x1x4x8x128xf32, #tpu.memory_space<vmem>>
      %dma_wait3A_1304 = tpu.memref_squeeze %dma_wait3A_1303 : memref<1x1x4x8x128xf32, #tpu.memory_space<vmem>> -> memref<4x8x128xf32, #tpu.memory_space<vmem>>
      %dma_wait3A_1305 = arith.constant 0 : i32
      %dma_wait3A_1306 = arith.constant 0 : i32
      %dma_wait3A_1307 = arith.constant 0 : i32
      %dma_wait3A_1308 = tpu.memref_slice %arg4[%dma_wait3A_1305, %dma_wait3A_1306, %dma_wait3A_1307] : memref<4x8x1000000xf32, #tpu.memory_space<hbm>> -> memref<4x8x128xf32, #tpu.memory_space<hbm>>
      %dma_wait3A_1309 = arith.constant 0 : i32
      %dma_wait3A_1310 = arith.constant 0 : i32
      %dma_wait3A_1311 = arith.constant 0 : i32
      %dma_wait3A_1312 = tpu.memref_slice %arg11[%dma_wait3A_1298, %dma_wait3A_1299, %dma_wait3A_1309, %dma_wait3A_1310, %dma_wait3A_1311] : memref<8x1x4x8x128xf32, #tpu.memory_space<vmem>> -> memref<1x1x4x8x128xf32, #tpu.memory_space<vmem>>
      %dma_wait3A_1313 = tpu.memref_squeeze %dma_wait3A_1312 : memref<1x1x4x8x128xf32, #tpu.memory_space<vmem>> -> memref<4x8x128xf32, #tpu.memory_space<vmem>>
      %dma_wait3A_1314 = arith.constant 0 : i32
      %dma_wait3A_1315 = arith.constant 0 : i32
      %dma_wait3A_1316 = arith.constant 0 : i32
      %dma_wait3A_1317 = tpu.memref_slice %arg4[%dma_wait3A_1314, %dma_wait3A_1315, %dma_wait3A_1316] : memref<4x8x1000000xf32, #tpu.memory_space<hbm>> -> memref<4x8x128xf32, #tpu.memory_space<hbm>>
      tpu.wait_dma2 semaphore(%arg22 : memref<!tpu.dma_semaphore, #tpu.memory_space<semaphore_mem>>) src(%dma_wait3A_1317 : memref<4x8x128xf32, #tpu.memory_space<hbm>>) dst(%dma_wait3A_1313 : memref<4x8x128xf32, #tpu.memory_space<vmem>>)
      %dma_wait3A_1318 = arith.constant 0 : i32
      %dma_wait3A_1319 = arith.constant 0 : i32
      %dma_wait3A_1320 = arith.constant 0 : i32
      %dma_wait3A_1321 = arith.constant 0 : i32
      %dma_wait3A_1322 = arith.constant 0 : i32
      %dma_wait3A_1323 = tpu.memref_slice %arg12[%dma_wait3A_1318, %dma_wait3A_1319, %dma_wait3A_1320, %dma_wait3A_1321, %dma_wait3A_1322] : memref<8x1x4x8x128xf32, #tpu.memory_space<vmem>> -> memref<1x1x4x8x128xf32, #tpu.memory_space<vmem>>
      %dma_wait3A_1324 = tpu.memref_squeeze %dma_wait3A_1323 : memref<1x1x4x8x128xf32, #tpu.memory_space<vmem>> -> memref<4x8x128xf32, #tpu.memory_space<vmem>>
      %dma_wait3A_1325 = arith.constant 0 : i32
      %dma_wait3A_1326 = arith.constant 0 : i32
      %dma_wait3A_1327 = arith.constant 0 : i32
      %dma_wait3A_1328 = tpu.memref_slice %arg5[%dma_wait3A_1325, %dma_wait3A_1326, %dma_wait3A_1327] : memref<4x8x1000000xf32, #tpu.memory_space<hbm>> -> memref<4x8x128xf32, #tpu.memory_space<hbm>>
      %dma_wait3A_1329 = arith.constant 0 : i32
      %dma_wait3A_1330 = arith.constant 0 : i32
      %dma_wait3A_1331 = arith.constant 0 : i32
      %dma_wait3A_1332 = tpu.memref_slice %arg12[%dma_wait3A_1318, %dma_wait3A_1319, %dma_wait3A_1329, %dma_wait3A_1330, %dma_wait3A_1331] : memref<8x1x4x8x128xf32, #tpu.memory_space<vmem>> -> memref<1x1x4x8x128xf32, #tpu.memory_space<vmem>>
      %dma_wait3A_1333 = tpu.memref_squeeze %dma_wait3A_1332 : memref<1x1x4x8x128xf32, #tpu.memory_space<vmem>> -> memref<4x8x128xf32, #tpu.memory_space<vmem>>
      %dma_wait3A_1334 = arith.constant 0 : i32
      %dma_wait3A_1335 = arith.constant 0 : i32
      %dma_wait3A_1336 = arith.constant 0 : i32
      %dma_wait3A_1337 = tpu.memref_slice %arg5[%dma_wait3A_1334, %dma_wait3A_1335, %dma_wait3A_1336] : memref<4x8x1000000xf32, #tpu.memory_space<hbm>> -> memref<4x8x128xf32, #tpu.memory_space<hbm>>
      tpu.wait_dma2 semaphore(%arg22 : memref<!tpu.dma_semaphore, #tpu.memory_space<semaphore_mem>>) src(%dma_wait3A_1337 : memref<4x8x128xf32, #tpu.memory_space<hbm>>) dst(%dma_wait3A_1333 : memref<4x8x128xf32, #tpu.memory_space<vmem>>)
      %slice3A_1338 = vector.extract_strided_slice %get3A_517 {offsets = [6], sizes = [1], strides = [1]} : vector<16xi32> to vector<1xi32>
      %squeeze3A_1339 = vector.extract %slice3A_1338[0] : i32 from vector<1xi32>
      %and3A_1340 = arith.constant 127 : i32
      %and3A_1341 = arith.andi %squeeze3A_1339, %and3A_1340 : i32
      %broadcast_in_dim3A_1342 = vector.broadcast %and3A_1341 : i32 to vector<16xi32>
      %slice3A_1343 = vector.extract_strided_slice %get3A_519 {offsets = [6], sizes = [1], strides = [1]} : vector<16xi32> to vector<1xi32>
      %squeeze3A_1344 = vector.extract %slice3A_1343[0] : i32 from vector<1xi32>
      %and3A_1345 = arith.constant 127 : i32
      %and3A_1346 = arith.andi %squeeze3A_1344, %and3A_1345 : i32
      %broadcast_in_dim3A_1347 = vector.broadcast %and3A_1346 : i32 to vector<16xi32>
      %broadcast_in_dim3A_1348 = arith.constant 0 : i32
      %broadcast_in_dim3A_1349 = vector.broadcast %broadcast_in_dim3A_1348 : i32 to vector<16xi32>
      %broadcast_in_dim3A_1350 = arith.constant 6 : i32
      %broadcast_in_dim3A_1351 = vector.broadcast %broadcast_in_dim3A_1350 : i32 to vector<16xi32>
      %gather3A_1352 = tpu.vector_load_idx %arg11[%broadcast_in_dim3A_1351, %broadcast_in_dim3A_1349, %select_n3A, %select_n3A_127, %broadcast_in_dim3A_1342] : memref<8x1x4x8x128xf32, #tpu.memory_space<vmem>>[vector<16xi32>, vector<16xi32>, vector<16xi32>, vector<16xi32>, vector<16xi32>], vector<16xf32>,
      %gather3A_1353 = tpu.vector_load_idx %arg11[%broadcast_in_dim3A_1351, %broadcast_in_dim3A_1349, %add3A_107, %select_n3A_127, %broadcast_in_dim3A_1342] : memref<8x1x4x8x128xf32, #tpu.memory_space<vmem>>[vector<16xi32>, vector<16xi32>, vector<16xi32>, vector<16xi32>, vector<16xi32>], vector<16xf32>,
      %gather3A_1354 = tpu.vector_load_idx %arg12[%broadcast_in_dim3A_1351, %broadcast_in_dim3A_1349, %select_n3A, %select_n3A_127, %broadcast_in_dim3A_1347] : memref<8x1x4x8x128xf32, #tpu.memory_space<vmem>>[vector<16xi32>, vector<16xi32>, vector<16xi32>, vector<16xi32>, vector<16xi32>], vector<16xf32>,
      %gather3A_1355 = tpu.vector_load_idx %arg12[%broadcast_in_dim3A_1351, %broadcast_in_dim3A_1349, %add3A_107, %select_n3A_127, %broadcast_in_dim3A_1347] : memref<8x1x4x8x128xf32, #tpu.memory_space<vmem>>[vector<16xi32>, vector<16xi32>, vector<16xi32>, vector<16xi32>, vector<16xi32>], vector<16xf32>,
      %mul3A_1356 = arith.mulf %gather3A_1352, %gather3A_1354 : vector<16xf32>
      %mul3A_1357 = arith.mulf %gather3A_1353, %gather3A_1355 : vector<16xf32>
      %add3A_1358 = arith.addf %mul3A_1356, %mul3A_1357 : vector<16xf32>
      %reduce_sum3A_1359 = arith.constant true
      %reduce_sum3A_1360 = vector.broadcast %reduce_sum3A_1359 : i1 to vector<16xi1>
      %reduce_sum3A_1361 = tpu.scan <sum>, %add3A_1358 masked %reduce_sum3A_1360 : vector<16xf32>, vector<16xi1> -> vector<16xf32>
      %reduce_sum3A_1362 = vector.extract %reduce_sum3A_1361[15] : f32 from vector<16xf32>
      %eq3A_1363 = arith.constant 6 : i32
      %eq3A_1364 = vector.broadcast %eq3A_1363 : i32 to vector<16xi32>
      %eq3A_1365 = arith.cmpi eq, %iota3A, %eq3A_1364 : vector<16xi32>
      %broadcast_in_dim3A_1366 = vector.broadcast %reduce_sum3A_1362 : f32 to vector<16xf32>
      %select_n3A_1367 = arith.select %eq3A_1365, %broadcast_in_dim3A_1366, %select_n3A_1247 : vector<16xi1>, vector<16xf32>
      %slice3A_1368 = vector.extract_strided_slice %get3A_517 {offsets = [13], sizes = [1], strides = [1]} : vector<16xi32> to vector<1xi32>
      %squeeze3A_1369 = vector.extract %slice3A_1368[0] : i32 from vector<1xi32>
      %shift_right_arithmetic3A_1370 = arith.constant 7 : i32
      %shift_right_arithmetic3A_1371 = arith.shrsi %squeeze3A_1369, %shift_right_arithmetic3A_1370 : i32
      %mul3A_1372 = arith.constant 128 : i32
      %mul3A_1373 = arith.muli %shift_right_arithmetic3A_1371, %mul3A_1372 : i32
      %multiple_of3A_1374 = tpu.assume_multiple %mul3A_1373, 128 : i32
      %slice3A_1375 = vector.extract_strided_slice %get3A_519 {offsets = [13], sizes = [1], strides = [1]} : vector<16xi32> to vector<1xi32>
      %squeeze3A_1376 = vector.extract %slice3A_1375[0] : i32 from vector<1xi32>
      %shift_right_arithmetic3A_1377 = arith.constant 7 : i32
      %shift_right_arithmetic3A_1378 = arith.shrsi %squeeze3A_1376, %shift_right_arithmetic3A_1377 : i32
      %mul3A_1379 = arith.constant 128 : i32
      %mul3A_1380 = arith.muli %shift_right_arithmetic3A_1378, %mul3A_1379 : i32
      %multiple_of3A_1381 = tpu.assume_multiple %mul3A_1380, 128 : i32
      %dma_start3A_1382 = arith.constant 5 : i32
      %dma_start3A_1383 = arith.constant 0 : i32
      %dma_start3A_1384 = arith.constant 0 : i32
      %dma_start3A_1385 = arith.constant 0 : i32
      %dma_start3A_1386 = arith.constant 0 : i32
      %dma_start3A_1387 = tpu.memref_slice %arg11[%dma_start3A_1382, %dma_start3A_1383, %dma_start3A_1384, %dma_start3A_1385, %dma_start3A_1386] : memref<8x1x4x8x128xf32, #tpu.memory_space<vmem>> -> memref<1x1x4x8x128xf32, #tpu.memory_space<vmem>>
      %dma_start3A_1388 = tpu.memref_squeeze %dma_start3A_1387 : memref<1x1x4x8x128xf32, #tpu.memory_space<vmem>> -> memref<4x8x128xf32, #tpu.memory_space<vmem>>
      %dma_start3A_1389 = arith.constant 0 : i32
      %dma_start3A_1390 = arith.constant 0 : i32
      %dma_start3A_1391 = tpu.memref_slice %arg4[%dma_start3A_1389, %dma_start3A_1390, %multiple_of3A_1374] : memref<4x8x1000000xf32, #tpu.memory_space<hbm>> -> memref<4x8x128xf32, #tpu.memory_space<hbm>>
      %dma_start3A_1392 = arith.constant 0 : i32
      %dma_start3A_1393 = arith.constant 0 : i32
      %dma_start3A_1394 = arith.constant 0 : i32
      %dma_start3A_1395 = tpu.memref_slice %arg11[%dma_start3A_1382, %dma_start3A_1383, %dma_start3A_1392, %dma_start3A_1393, %dma_start3A_1394] : memref<8x1x4x8x128xf32, #tpu.memory_space<vmem>> -> memref<1x1x4x8x128xf32, #tpu.memory_space<vmem>>
      %dma_start3A_1396 = tpu.memref_squeeze %dma_start3A_1395 : memref<1x1x4x8x128xf32, #tpu.memory_space<vmem>> -> memref<4x8x128xf32, #tpu.memory_space<vmem>>
      %dma_start3A_1397 = arith.constant 0 : i32
      %dma_start3A_1398 = arith.constant 0 : i32
      %dma_start3A_1399 = tpu.memref_slice %arg4[%dma_start3A_1397, %dma_start3A_1398, %multiple_of3A_1374] : memref<4x8x1000000xf32, #tpu.memory_space<hbm>> -> memref<4x8x128xf32, #tpu.memory_space<hbm>>
      tpu.enqueue_dma source(%dma_start3A_1399 : memref<4x8x128xf32, #tpu.memory_space<hbm>>) target(%dma_start3A_1396 : memref<4x8x128xf32, #tpu.memory_space<vmem>>) target_semaphore(%arg21 : memref<!tpu.dma_semaphore, #tpu.memory_space<semaphore_mem>>)
      %dma_start3A_1400 = arith.constant 5 : i32
      %dma_start3A_1401 = arith.constant 0 : i32
      %dma_start3A_1402 = arith.constant 0 : i32
      %dma_start3A_1403 = arith.constant 0 : i32
      %dma_start3A_1404 = arith.constant 0 : i32
      %dma_start3A_1405 = tpu.memref_slice %arg12[%dma_start3A_1400, %dma_start3A_1401, %dma_start3A_1402, %dma_start3A_1403, %dma_start3A_1404] : memref<8x1x4x8x128xf32, #tpu.memory_space<vmem>> -> memref<1x1x4x8x128xf32, #tpu.memory_space<vmem>>
      %dma_start3A_1406 = tpu.memref_squeeze %dma_start3A_1405 : memref<1x1x4x8x128xf32, #tpu.memory_space<vmem>> -> memref<4x8x128xf32, #tpu.memory_space<vmem>>
      %dma_start3A_1407 = arith.constant 0 : i32
      %dma_start3A_1408 = arith.constant 0 : i32
      %dma_start3A_1409 = tpu.memref_slice %arg5[%dma_start3A_1407, %dma_start3A_1408, %multiple_of3A_1381] : memref<4x8x1000000xf32, #tpu.memory_space<hbm>> -> memref<4x8x128xf32, #tpu.memory_space<hbm>>
      %dma_start3A_1410 = arith.constant 0 : i32
      %dma_start3A_1411 = arith.constant 0 : i32
      %dma_start3A_1412 = arith.constant 0 : i32
      %dma_start3A_1413 = tpu.memref_slice %arg12[%dma_start3A_1400, %dma_start3A_1401, %dma_start3A_1410, %dma_start3A_1411, %dma_start3A_1412] : memref<8x1x4x8x128xf32, #tpu.memory_space<vmem>> -> memref<1x1x4x8x128xf32, #tpu.memory_space<vmem>>
      %dma_start3A_1414 = tpu.memref_squeeze %dma_start3A_1413 : memref<1x1x4x8x128xf32, #tpu.memory_space<vmem>> -> memref<4x8x128xf32, #tpu.memory_space<vmem>>
      %dma_start3A_1415 = arith.constant 0 : i32
      %dma_start3A_1416 = arith.constant 0 : i32
      %dma_start3A_1417 = tpu.memref_slice %arg5[%dma_start3A_1415, %dma_start3A_1416, %multiple_of3A_1381] : memref<4x8x1000000xf32, #tpu.memory_space<hbm>> -> memref<4x8x128xf32, #tpu.memory_space<hbm>>
      tpu.enqueue_dma source(%dma_start3A_1417 : memref<4x8x128xf32, #tpu.memory_space<hbm>>) target(%dma_start3A_1414 : memref<4x8x128xf32, #tpu.memory_space<vmem>>) target_semaphore(%arg21 : memref<!tpu.dma_semaphore, #tpu.memory_space<semaphore_mem>>)
      %dma_wait3A_1418 = arith.constant 0 : i32
      %dma_wait3A_1419 = arith.constant 0 : i32
      %dma_wait3A_1420 = arith.constant 0 : i32
      %dma_wait3A_1421 = arith.constant 0 : i32
      %dma_wait3A_1422 = arith.constant 0 : i32
      %dma_wait3A_1423 = tpu.memref_slice %arg11[%dma_wait3A_1418, %dma_wait3A_1419, %dma_wait3A_1420, %dma_wait3A_1421, %dma_wait3A_1422] : memref<8x1x4x8x128xf32, #tpu.memory_space<vmem>> -> memref<1x1x4x8x128xf32, #tpu.memory_space<vmem>>
      %dma_wait3A_1424 = tpu.memref_squeeze %dma_wait3A_1423 : memref<1x1x4x8x128xf32, #tpu.memory_space<vmem>> -> memref<4x8x128xf32, #tpu.memory_space<vmem>>
      %dma_wait3A_1425 = arith.constant 0 : i32
      %dma_wait3A_1426 = arith.constant 0 : i32
      %dma_wait3A_1427 = arith.constant 0 : i32
      %dma_wait3A_1428 = tpu.memref_slice %arg4[%dma_wait3A_1425, %dma_wait3A_1426, %dma_wait3A_1427] : memref<4x8x1000000xf32, #tpu.memory_space<hbm>> -> memref<4x8x128xf32, #tpu.memory_space<hbm>>
      %dma_wait3A_1429 = arith.constant 0 : i32
      %dma_wait3A_1430 = arith.constant 0 : i32
      %dma_wait3A_1431 = arith.constant 0 : i32
      %dma_wait3A_1432 = tpu.memref_slice %arg11[%dma_wait3A_1418, %dma_wait3A_1419, %dma_wait3A_1429, %dma_wait3A_1430, %dma_wait3A_1431] : memref<8x1x4x8x128xf32, #tpu.memory_space<vmem>> -> memref<1x1x4x8x128xf32, #tpu.memory_space<vmem>>
      %dma_wait3A_1433 = tpu.memref_squeeze %dma_wait3A_1432 : memref<1x1x4x8x128xf32, #tpu.memory_space<vmem>> -> memref<4x8x128xf32, #tpu.memory_space<vmem>>
      %dma_wait3A_1434 = arith.constant 0 : i32
      %dma_wait3A_1435 = arith.constant 0 : i32
      %dma_wait3A_1436 = arith.constant 0 : i32
      %dma_wait3A_1437 = tpu.memref_slice %arg4[%dma_wait3A_1434, %dma_wait3A_1435, %dma_wait3A_1436] : memref<4x8x1000000xf32, #tpu.memory_space<hbm>> -> memref<4x8x128xf32, #tpu.memory_space<hbm>>
      tpu.wait_dma2 semaphore(%arg23 : memref<!tpu.dma_semaphore, #tpu.memory_space<semaphore_mem>>) src(%dma_wait3A_1437 : memref<4x8x128xf32, #tpu.memory_space<hbm>>) dst(%dma_wait3A_1433 : memref<4x8x128xf32, #tpu.memory_space<vmem>>)
      %dma_wait3A_1438 = arith.constant 0 : i32
      %dma_wait3A_1439 = arith.constant 0 : i32
      %dma_wait3A_1440 = arith.constant 0 : i32
      %dma_wait3A_1441 = arith.constant 0 : i32
      %dma_wait3A_1442 = arith.constant 0 : i32
      %dma_wait3A_1443 = tpu.memref_slice %arg12[%dma_wait3A_1438, %dma_wait3A_1439, %dma_wait3A_1440, %dma_wait3A_1441, %dma_wait3A_1442] : memref<8x1x4x8x128xf32, #tpu.memory_space<vmem>> -> memref<1x1x4x8x128xf32, #tpu.memory_space<vmem>>
      %dma_wait3A_1444 = tpu.memref_squeeze %dma_wait3A_1443 : memref<1x1x4x8x128xf32, #tpu.memory_space<vmem>> -> memref<4x8x128xf32, #tpu.memory_space<vmem>>
      %dma_wait3A_1445 = arith.constant 0 : i32
      %dma_wait3A_1446 = arith.constant 0 : i32
      %dma_wait3A_1447 = arith.constant 0 : i32
      %dma_wait3A_1448 = tpu.memref_slice %arg5[%dma_wait3A_1445, %dma_wait3A_1446, %dma_wait3A_1447] : memref<4x8x1000000xf32, #tpu.memory_space<hbm>> -> memref<4x8x128xf32, #tpu.memory_space<hbm>>
      %dma_wait3A_1449 = arith.constant 0 : i32
      %dma_wait3A_1450 = arith.constant 0 : i32
      %dma_wait3A_1451 = arith.constant 0 : i32
      %dma_wait3A_1452 = tpu.memref_slice %arg12[%dma_wait3A_1438, %dma_wait3A_1439, %dma_wait3A_1449, %dma_wait3A_1450, %dma_wait3A_1451] : memref<8x1x4x8x128xf32, #tpu.memory_space<vmem>> -> memref<1x1x4x8x128xf32, #tpu.memory_space<vmem>>
      %dma_wait3A_1453 = tpu.memref_squeeze %dma_wait3A_1452 : memref<1x1x4x8x128xf32, #tpu.memory_space<vmem>> -> memref<4x8x128xf32, #tpu.memory_space<vmem>>
      %dma_wait3A_1454 = arith.constant 0 : i32
      %dma_wait3A_1455 = arith.constant 0 : i32
      %dma_wait3A_1456 = arith.constant 0 : i32
      %dma_wait3A_1457 = tpu.memref_slice %arg5[%dma_wait3A_1454, %dma_wait3A_1455, %dma_wait3A_1456] : memref<4x8x1000000xf32, #tpu.memory_space<hbm>> -> memref<4x8x128xf32, #tpu.memory_space<hbm>>
      tpu.wait_dma2 semaphore(%arg23 : memref<!tpu.dma_semaphore, #tpu.memory_space<semaphore_mem>>) src(%dma_wait3A_1457 : memref<4x8x128xf32, #tpu.memory_space<hbm>>) dst(%dma_wait3A_1453 : memref<4x8x128xf32, #tpu.memory_space<vmem>>)
      %slice3A_1458 = vector.extract_strided_slice %get3A_517 {offsets = [7], sizes = [1], strides = [1]} : vector<16xi32> to vector<1xi32>
      %squeeze3A_1459 = vector.extract %slice3A_1458[0] : i32 from vector<1xi32>
      %and3A_1460 = arith.constant 127 : i32
      %and3A_1461 = arith.andi %squeeze3A_1459, %and3A_1460 : i32
      %broadcast_in_dim3A_1462 = vector.broadcast %and3A_1461 : i32 to vector<16xi32>
      %slice3A_1463 = vector.extract_strided_slice %get3A_519 {offsets = [7], sizes = [1], strides = [1]} : vector<16xi32> to vector<1xi32>
      %squeeze3A_1464 = vector.extract %slice3A_1463[0] : i32 from vector<1xi32>
      %and3A_1465 = arith.constant 127 : i32
      %and3A_1466 = arith.andi %squeeze3A_1464, %and3A_1465 : i32
      %broadcast_in_dim3A_1467 = vector.broadcast %and3A_1466 : i32 to vector<16xi32>
      %broadcast_in_dim3A_1468 = arith.constant 0 : i32
      %broadcast_in_dim3A_1469 = vector.broadcast %broadcast_in_dim3A_1468 : i32 to vector<16xi32>
      %broadcast_in_dim3A_1470 = arith.constant 7 : i32
      %broadcast_in_dim3A_1471 = vector.broadcast %broadcast_in_dim3A_1470 : i32 to vector<16xi32>
      %gather3A_1472 = tpu.vector_load_idx %arg11[%broadcast_in_dim3A_1471, %broadcast_in_dim3A_1469, %select_n3A, %select_n3A_127, %broadcast_in_dim3A_1462] : memref<8x1x4x8x128xf32, #tpu.memory_space<vmem>>[vector<16xi32>, vector<16xi32>, vector<16xi32>, vector<16xi32>, vector<16xi32>], vector<16xf32>,
      %gather3A_1473 = tpu.vector_load_idx %arg11[%broadcast_in_dim3A_1471, %broadcast_in_dim3A_1469, %add3A_107, %select_n3A_127, %broadcast_in_dim3A_1462] : memref<8x1x4x8x128xf32, #tpu.memory_space<vmem>>[vector<16xi32>, vector<16xi32>, vector<16xi32>, vector<16xi32>, vector<16xi32>], vector<16xf32>,
      %gather3A_1474 = tpu.vector_load_idx %arg12[%broadcast_in_dim3A_1471, %broadcast_in_dim3A_1469, %select_n3A, %select_n3A_127, %broadcast_in_dim3A_1467] : memref<8x1x4x8x128xf32, #tpu.memory_space<vmem>>[vector<16xi32>, vector<16xi32>, vector<16xi32>, vector<16xi32>, vector<16xi32>], vector<16xf32>,
      %gather3A_1475 = tpu.vector_load_idx %arg12[%broadcast_in_dim3A_1471, %broadcast_in_dim3A_1469, %add3A_107, %select_n3A_127, %broadcast_in_dim3A_1467] : memref<8x1x4x8x128xf32, #tpu.memory_space<vmem>>[vector<16xi32>, vector<16xi32>, vector<16xi32>, vector<16xi32>, vector<16xi32>], vector<16xf32>,
      %mul3A_1476 = arith.mulf %gather3A_1472, %gather3A_1474 : vector<16xf32>
      %mul3A_1477 = arith.mulf %gather3A_1473, %gather3A_1475 : vector<16xf32>
      %add3A_1478 = arith.addf %mul3A_1476, %mul3A_1477 : vector<16xf32>
      %reduce_sum3A_1479 = arith.constant true
      %reduce_sum3A_1480 = vector.broadcast %reduce_sum3A_1479 : i1 to vector<16xi1>
      %reduce_sum3A_1481 = tpu.scan <sum>, %add3A_1478 masked %reduce_sum3A_1480 : vector<16xf32>, vector<16xi1> -> vector<16xf32>
      %reduce_sum3A_1482 = vector.extract %reduce_sum3A_1481[15] : f32 from vector<16xf32>
      %eq3A_1483 = arith.constant 7 : i32
      %eq3A_1484 = vector.broadcast %eq3A_1483 : i32 to vector<16xi32>
      %eq3A_1485 = arith.cmpi eq, %iota3A, %eq3A_1484 : vector<16xi32>
      %broadcast_in_dim3A_1486 = vector.broadcast %reduce_sum3A_1482 : f32 to vector<16xf32>
      %select_n3A_1487 = arith.select %eq3A_1485, %broadcast_in_dim3A_1486, %select_n3A_1367 : vector<16xi1>, vector<16xf32>
      %slice3A_1488 = vector.extract_strided_slice %get3A_517 {offsets = [14], sizes = [1], strides = [1]} : vector<16xi32> to vector<1xi32>
      %squeeze3A_1489 = vector.extract %slice3A_1488[0] : i32 from vector<1xi32>
      %shift_right_arithmetic3A_1490 = arith.constant 7 : i32
      %shift_right_arithmetic3A_1491 = arith.shrsi %squeeze3A_1489, %shift_right_arithmetic3A_1490 : i32
      %mul3A_1492 = arith.constant 128 : i32
      %mul3A_1493 = arith.muli %shift_right_arithmetic3A_1491, %mul3A_1492 : i32
      %multiple_of3A_1494 = tpu.assume_multiple %mul3A_1493, 128 : i32
      %slice3A_1495 = vector.extract_strided_slice %get3A_519 {offsets = [14], sizes = [1], strides = [1]} : vector<16xi32> to vector<1xi32>
      %squeeze3A_1496 = vector.extract %slice3A_1495[0] : i32 from vector<1xi32>
      %shift_right_arithmetic3A_1497 = arith.constant 7 : i32
      %shift_right_arithmetic3A_1498 = arith.shrsi %squeeze3A_1496, %shift_right_arithmetic3A_1497 : i32
      %mul3A_1499 = arith.constant 128 : i32
      %mul3A_1500 = arith.muli %shift_right_arithmetic3A_1498, %mul3A_1499 : i32
      %multiple_of3A_1501 = tpu.assume_multiple %mul3A_1500, 128 : i32
      %dma_start3A_1502 = arith.constant 6 : i32
      %dma_start3A_1503 = arith.constant 0 : i32
      %dma_start3A_1504 = arith.constant 0 : i32
      %dma_start3A_1505 = arith.constant 0 : i32
      %dma_start3A_1506 = arith.constant 0 : i32
      %dma_start3A_1507 = tpu.memref_slice %arg11[%dma_start3A_1502, %dma_start3A_1503, %dma_start3A_1504, %dma_start3A_1505, %dma_start3A_1506] : memref<8x1x4x8x128xf32, #tpu.memory_space<vmem>> -> memref<1x1x4x8x128xf32, #tpu.memory_space<vmem>>
      %dma_start3A_1508 = tpu.memref_squeeze %dma_start3A_1507 : memref<1x1x4x8x128xf32, #tpu.memory_space<vmem>> -> memref<4x8x128xf32, #tpu.memory_space<vmem>>
      %dma_start3A_1509 = arith.constant 0 : i32
      %dma_start3A_1510 = arith.constant 0 : i32
      %dma_start3A_1511 = tpu.memref_slice %arg4[%dma_start3A_1509, %dma_start3A_1510, %multiple_of3A_1494] : memref<4x8x1000000xf32, #tpu.memory_space<hbm>> -> memref<4x8x128xf32, #tpu.memory_space<hbm>>
      %dma_start3A_1512 = arith.constant 0 : i32
      %dma_start3A_1513 = arith.constant 0 : i32
      %dma_start3A_1514 = arith.constant 0 : i32
      %dma_start3A_1515 = tpu.memref_slice %arg11[%dma_start3A_1502, %dma_start3A_1503, %dma_start3A_1512, %dma_start3A_1513, %dma_start3A_1514] : memref<8x1x4x8x128xf32, #tpu.memory_space<vmem>> -> memref<1x1x4x8x128xf32, #tpu.memory_space<vmem>>
      %dma_start3A_1516 = tpu.memref_squeeze %dma_start3A_1515 : memref<1x1x4x8x128xf32, #tpu.memory_space<vmem>> -> memref<4x8x128xf32, #tpu.memory_space<vmem>>
      %dma_start3A_1517 = arith.constant 0 : i32
      %dma_start3A_1518 = arith.constant 0 : i32
      %dma_start3A_1519 = tpu.memref_slice %arg4[%dma_start3A_1517, %dma_start3A_1518, %multiple_of3A_1494] : memref<4x8x1000000xf32, #tpu.memory_space<hbm>> -> memref<4x8x128xf32, #tpu.memory_space<hbm>>
      tpu.enqueue_dma source(%dma_start3A_1519 : memref<4x8x128xf32, #tpu.memory_space<hbm>>) target(%dma_start3A_1516 : memref<4x8x128xf32, #tpu.memory_space<vmem>>) target_semaphore(%arg22 : memref<!tpu.dma_semaphore, #tpu.memory_space<semaphore_mem>>)
      %dma_start3A_1520 = arith.constant 6 : i32
      %dma_start3A_1521 = arith.constant 0 : i32
      %dma_start3A_1522 = arith.constant 0 : i32
      %dma_start3A_1523 = arith.constant 0 : i32
      %dma_start3A_1524 = arith.constant 0 : i32
      %dma_start3A_1525 = tpu.memref_slice %arg12[%dma_start3A_1520, %dma_start3A_1521, %dma_start3A_1522, %dma_start3A_1523, %dma_start3A_1524] : memref<8x1x4x8x128xf32, #tpu.memory_space<vmem>> -> memref<1x1x4x8x128xf32, #tpu.memory_space<vmem>>
      %dma_start3A_1526 = tpu.memref_squeeze %dma_start3A_1525 : memref<1x1x4x8x128xf32, #tpu.memory_space<vmem>> -> memref<4x8x128xf32, #tpu.memory_space<vmem>>
      %dma_start3A_1527 = arith.constant 0 : i32
      %dma_start3A_1528 = arith.constant 0 : i32
      %dma_start3A_1529 = tpu.memref_slice %arg5[%dma_start3A_1527, %dma_start3A_1528, %multiple_of3A_1501] : memref<4x8x1000000xf32, #tpu.memory_space<hbm>> -> memref<4x8x128xf32, #tpu.memory_space<hbm>>
      %dma_start3A_1530 = arith.constant 0 : i32
      %dma_start3A_1531 = arith.constant 0 : i32
      %dma_start3A_1532 = arith.constant 0 : i32
      %dma_start3A_1533 = tpu.memref_slice %arg12[%dma_start3A_1520, %dma_start3A_1521, %dma_start3A_1530, %dma_start3A_1531, %dma_start3A_1532] : memref<8x1x4x8x128xf32, #tpu.memory_space<vmem>> -> memref<1x1x4x8x128xf32, #tpu.memory_space<vmem>>
      %dma_start3A_1534 = tpu.memref_squeeze %dma_start3A_1533 : memref<1x1x4x8x128xf32, #tpu.memory_space<vmem>> -> memref<4x8x128xf32, #tpu.memory_space<vmem>>
      %dma_start3A_1535 = arith.constant 0 : i32
      %dma_start3A_1536 = arith.constant 0 : i32
      %dma_start3A_1537 = tpu.memref_slice %arg5[%dma_start3A_1535, %dma_start3A_1536, %multiple_of3A_1501] : memref<4x8x1000000xf32, #tpu.memory_space<hbm>> -> memref<4x8x128xf32, #tpu.memory_space<hbm>>
      tpu.enqueue_dma source(%dma_start3A_1537 : memref<4x8x128xf32, #tpu.memory_space<hbm>>) target(%dma_start3A_1534 : memref<4x8x128xf32, #tpu.memory_space<vmem>>) target_semaphore(%arg22 : memref<!tpu.dma_semaphore, #tpu.memory_space<semaphore_mem>>)
      %dma_wait3A_1538 = arith.constant 0 : i32
      %dma_wait3A_1539 = arith.constant 0 : i32
      %dma_wait3A_1540 = arith.constant 0 : i32
      %dma_wait3A_1541 = arith.constant 0 : i32
      %dma_wait3A_1542 = arith.constant 0 : i32
      %dma_wait3A_1543 = tpu.memref_slice %arg11[%dma_wait3A_1538, %dma_wait3A_1539, %dma_wait3A_1540, %dma_wait3A_1541, %dma_wait3A_1542] : memref<8x1x4x8x128xf32, #tpu.memory_space<vmem>> -> memref<1x1x4x8x128xf32, #tpu.memory_space<vmem>>
      %dma_wait3A_1544 = tpu.memref_squeeze %dma_wait3A_1543 : memref<1x1x4x8x128xf32, #tpu.memory_space<vmem>> -> memref<4x8x128xf32, #tpu.memory_space<vmem>>
      %dma_wait3A_1545 = arith.constant 0 : i32
      %dma_wait3A_1546 = arith.constant 0 : i32
      %dma_wait3A_1547 = arith.constant 0 : i32
      %dma_wait3A_1548 = tpu.memref_slice %arg4[%dma_wait3A_1545, %dma_wait3A_1546, %dma_wait3A_1547] : memref<4x8x1000000xf32, #tpu.memory_space<hbm>> -> memref<4x8x128xf32, #tpu.memory_space<hbm>>
      %dma_wait3A_1549 = arith.constant 0 : i32
      %dma_wait3A_1550 = arith.constant 0 : i32
      %dma_wait3A_1551 = arith.constant 0 : i32
      %dma_wait3A_1552 = tpu.memref_slice %arg11[%dma_wait3A_1538, %dma_wait3A_1539, %dma_wait3A_1549, %dma_wait3A_1550, %dma_wait3A_1551] : memref<8x1x4x8x128xf32, #tpu.memory_space<vmem>> -> memref<1x1x4x8x128xf32, #tpu.memory_space<vmem>>
      %dma_wait3A_1553 = tpu.memref_squeeze %dma_wait3A_1552 : memref<1x1x4x8x128xf32, #tpu.memory_space<vmem>> -> memref<4x8x128xf32, #tpu.memory_space<vmem>>
      %dma_wait3A_1554 = arith.constant 0 : i32
      %dma_wait3A_1555 = arith.constant 0 : i32
      %dma_wait3A_1556 = arith.constant 0 : i32
      %dma_wait3A_1557 = tpu.memref_slice %arg4[%dma_wait3A_1554, %dma_wait3A_1555, %dma_wait3A_1556] : memref<4x8x1000000xf32, #tpu.memory_space<hbm>> -> memref<4x8x128xf32, #tpu.memory_space<hbm>>
      tpu.wait_dma2 semaphore(%arg16 : memref<!tpu.dma_semaphore, #tpu.memory_space<semaphore_mem>>) src(%dma_wait3A_1557 : memref<4x8x128xf32, #tpu.memory_space<hbm>>) dst(%dma_wait3A_1553 : memref<4x8x128xf32, #tpu.memory_space<vmem>>)
      %dma_wait3A_1558 = arith.constant 0 : i32
      %dma_wait3A_1559 = arith.constant 0 : i32
      %dma_wait3A_1560 = arith.constant 0 : i32
      %dma_wait3A_1561 = arith.constant 0 : i32
      %dma_wait3A_1562 = arith.constant 0 : i32
      %dma_wait3A_1563 = tpu.memref_slice %arg12[%dma_wait3A_1558, %dma_wait3A_1559, %dma_wait3A_1560, %dma_wait3A_1561, %dma_wait3A_1562] : memref<8x1x4x8x128xf32, #tpu.memory_space<vmem>> -> memref<1x1x4x8x128xf32, #tpu.memory_space<vmem>>
      %dma_wait3A_1564 = tpu.memref_squeeze %dma_wait3A_1563 : memref<1x1x4x8x128xf32, #tpu.memory_space<vmem>> -> memref<4x8x128xf32, #tpu.memory_space<vmem>>
      %dma_wait3A_1565 = arith.constant 0 : i32
      %dma_wait3A_1566 = arith.constant 0 : i32
      %dma_wait3A_1567 = arith.constant 0 : i32
      %dma_wait3A_1568 = tpu.memref_slice %arg5[%dma_wait3A_1565, %dma_wait3A_1566, %dma_wait3A_1567] : memref<4x8x1000000xf32, #tpu.memory_space<hbm>> -> memref<4x8x128xf32, #tpu.memory_space<hbm>>
      %dma_wait3A_1569 = arith.constant 0 : i32
      %dma_wait3A_1570 = arith.constant 0 : i32
      %dma_wait3A_1571 = arith.constant 0 : i32
      %dma_wait3A_1572 = tpu.memref_slice %arg12[%dma_wait3A_1558, %dma_wait3A_1559, %dma_wait3A_1569, %dma_wait3A_1570, %dma_wait3A_1571] : memref<8x1x4x8x128xf32, #tpu.memory_space<vmem>> -> memref<1x1x4x8x128xf32, #tpu.memory_space<vmem>>
      %dma_wait3A_1573 = tpu.memref_squeeze %dma_wait3A_1572 : memref<1x1x4x8x128xf32, #tpu.memory_space<vmem>> -> memref<4x8x128xf32, #tpu.memory_space<vmem>>
      %dma_wait3A_1574 = arith.constant 0 : i32
      %dma_wait3A_1575 = arith.constant 0 : i32
      %dma_wait3A_1576 = arith.constant 0 : i32
      %dma_wait3A_1577 = tpu.memref_slice %arg5[%dma_wait3A_1574, %dma_wait3A_1575, %dma_wait3A_1576] : memref<4x8x1000000xf32, #tpu.memory_space<hbm>> -> memref<4x8x128xf32, #tpu.memory_space<hbm>>
      tpu.wait_dma2 semaphore(%arg16 : memref<!tpu.dma_semaphore, #tpu.memory_space<semaphore_mem>>) src(%dma_wait3A_1577 : memref<4x8x128xf32, #tpu.memory_space<hbm>>) dst(%dma_wait3A_1573 : memref<4x8x128xf32, #tpu.memory_space<vmem>>)
      %slice3A_1578 = vector.extract_strided_slice %get3A_517 {offsets = [8], sizes = [1], strides = [1]} : vector<16xi32> to vector<1xi32>
      %squeeze3A_1579 = vector.extract %slice3A_1578[0] : i32 from vector<1xi32>
      %and3A_1580 = arith.constant 127 : i32
      %and3A_1581 = arith.andi %squeeze3A_1579, %and3A_1580 : i32
      %broadcast_in_dim3A_1582 = vector.broadcast %and3A_1581 : i32 to vector<16xi32>
      %slice3A_1583 = vector.extract_strided_slice %get3A_519 {offsets = [8], sizes = [1], strides = [1]} : vector<16xi32> to vector<1xi32>
      %squeeze3A_1584 = vector.extract %slice3A_1583[0] : i32 from vector<1xi32>
      %and3A_1585 = arith.constant 127 : i32
      %and3A_1586 = arith.andi %squeeze3A_1584, %and3A_1585 : i32
      %broadcast_in_dim3A_1587 = vector.broadcast %and3A_1586 : i32 to vector<16xi32>
      %broadcast_in_dim3A_1588 = arith.constant 0 : i32
      %broadcast_in_dim3A_1589 = vector.broadcast %broadcast_in_dim3A_1588 : i32 to vector<16xi32>
      %broadcast_in_dim3A_1590 = arith.constant 0 : i32
      %broadcast_in_dim3A_1591 = vector.broadcast %broadcast_in_dim3A_1590 : i32 to vector<16xi32>
      %gather3A_1592 = tpu.vector_load_idx %arg11[%broadcast_in_dim3A_1591, %broadcast_in_dim3A_1589, %select_n3A, %select_n3A_127, %broadcast_in_dim3A_1582] : memref<8x1x4x8x128xf32, #tpu.memory_space<vmem>>[vector<16xi32>, vector<16xi32>, vector<16xi32>, vector<16xi32>, vector<16xi32>], vector<16xf32>,
      %gather3A_1593 = tpu.vector_load_idx %arg11[%broadcast_in_dim3A_1591, %broadcast_in_dim3A_1589, %add3A_107, %select_n3A_127, %broadcast_in_dim3A_1582] : memref<8x1x4x8x128xf32, #tpu.memory_space<vmem>>[vector<16xi32>, vector<16xi32>, vector<16xi32>, vector<16xi32>, vector<16xi32>], vector<16xf32>,
      %gather3A_1594 = tpu.vector_load_idx %arg12[%broadcast_in_dim3A_1591, %broadcast_in_dim3A_1589, %select_n3A, %select_n3A_127, %broadcast_in_dim3A_1587] : memref<8x1x4x8x128xf32, #tpu.memory_space<vmem>>[vector<16xi32>, vector<16xi32>, vector<16xi32>, vector<16xi32>, vector<16xi32>], vector<16xf32>,
      %gather3A_1595 = tpu.vector_load_idx %arg12[%broadcast_in_dim3A_1591, %broadcast_in_dim3A_1589, %add3A_107, %select_n3A_127, %broadcast_in_dim3A_1587] : memref<8x1x4x8x128xf32, #tpu.memory_space<vmem>>[vector<16xi32>, vector<16xi32>, vector<16xi32>, vector<16xi32>, vector<16xi32>], vector<16xf32>,
      %mul3A_1596 = arith.mulf %gather3A_1592, %gather3A_1594 : vector<16xf32>
      %mul3A_1597 = arith.mulf %gather3A_1593, %gather3A_1595 : vector<16xf32>
      %add3A_1598 = arith.addf %mul3A_1596, %mul3A_1597 : vector<16xf32>
      %reduce_sum3A_1599 = arith.constant true
      %reduce_sum3A_1600 = vector.broadcast %reduce_sum3A_1599 : i1 to vector<16xi1>
      %reduce_sum3A_1601 = tpu.scan <sum>, %add3A_1598 masked %reduce_sum3A_1600 : vector<16xf32>, vector<16xi1> -> vector<16xf32>
      %reduce_sum3A_1602 = vector.extract %reduce_sum3A_1601[15] : f32 from vector<16xf32>
      %eq3A_1603 = arith.constant 8 : i32
      %eq3A_1604 = vector.broadcast %eq3A_1603 : i32 to vector<16xi32>
      %eq3A_1605 = arith.cmpi eq, %iota3A, %eq3A_1604 : vector<16xi32>
      %broadcast_in_dim3A_1606 = vector.broadcast %reduce_sum3A_1602 : f32 to vector<16xf32>
      %select_n3A_1607 = arith.select %eq3A_1605, %broadcast_in_dim3A_1606, %select_n3A_1487 : vector<16xi1>, vector<16xf32>
      %slice3A_1608 = vector.extract_strided_slice %get3A_517 {offsets = [15], sizes = [1], strides = [1]} : vector<16xi32> to vector<1xi32>
      %squeeze3A_1609 = vector.extract %slice3A_1608[0] : i32 from vector<1xi32>
      %shift_right_arithmetic3A_1610 = arith.constant 7 : i32
      %shift_right_arithmetic3A_1611 = arith.shrsi %squeeze3A_1609, %shift_right_arithmetic3A_1610 : i32
      %mul3A_1612 = arith.constant 128 : i32
      %mul3A_1613 = arith.muli %shift_right_arithmetic3A_1611, %mul3A_1612 : i32
      %multiple_of3A_1614 = tpu.assume_multiple %mul3A_1613, 128 : i32
      %slice3A_1615 = vector.extract_strided_slice %get3A_519 {offsets = [15], sizes = [1], strides = [1]} : vector<16xi32> to vector<1xi32>
      %squeeze3A_1616 = vector.extract %slice3A_1615[0] : i32 from vector<1xi32>
      %shift_right_arithmetic3A_1617 = arith.constant 7 : i32
      %shift_right_arithmetic3A_1618 = arith.shrsi %squeeze3A_1616, %shift_right_arithmetic3A_1617 : i32
      %mul3A_1619 = arith.constant 128 : i32
      %mul3A_1620 = arith.muli %shift_right_arithmetic3A_1618, %mul3A_1619 : i32
      %multiple_of3A_1621 = tpu.assume_multiple %mul3A_1620, 128 : i32
      %dma_start3A_1622 = arith.constant 7 : i32
      %dma_start3A_1623 = arith.constant 0 : i32
      %dma_start3A_1624 = arith.constant 0 : i32
      %dma_start3A_1625 = arith.constant 0 : i32
      %dma_start3A_1626 = arith.constant 0 : i32
      %dma_start3A_1627 = tpu.memref_slice %arg11[%dma_start3A_1622, %dma_start3A_1623, %dma_start3A_1624, %dma_start3A_1625, %dma_start3A_1626] : memref<8x1x4x8x128xf32, #tpu.memory_space<vmem>> -> memref<1x1x4x8x128xf32, #tpu.memory_space<vmem>>
      %dma_start3A_1628 = tpu.memref_squeeze %dma_start3A_1627 : memref<1x1x4x8x128xf32, #tpu.memory_space<vmem>> -> memref<4x8x128xf32, #tpu.memory_space<vmem>>
      %dma_start3A_1629 = arith.constant 0 : i32
      %dma_start3A_1630 = arith.constant 0 : i32
      %dma_start3A_1631 = tpu.memref_slice %arg4[%dma_start3A_1629, %dma_start3A_1630, %multiple_of3A_1614] : memref<4x8x1000000xf32, #tpu.memory_space<hbm>> -> memref<4x8x128xf32, #tpu.memory_space<hbm>>
      %dma_start3A_1632 = arith.constant 0 : i32
      %dma_start3A_1633 = arith.constant 0 : i32
      %dma_start3A_1634 = arith.constant 0 : i32
      %dma_start3A_1635 = tpu.memref_slice %arg11[%dma_start3A_1622, %dma_start3A_1623, %dma_start3A_1632, %dma_start3A_1633, %dma_start3A_1634] : memref<8x1x4x8x128xf32, #tpu.memory_space<vmem>> -> memref<1x1x4x8x128xf32, #tpu.memory_space<vmem>>
      %dma_start3A_1636 = tpu.memref_squeeze %dma_start3A_1635 : memref<1x1x4x8x128xf32, #tpu.memory_space<vmem>> -> memref<4x8x128xf32, #tpu.memory_space<vmem>>
      %dma_start3A_1637 = arith.constant 0 : i32
      %dma_start3A_1638 = arith.constant 0 : i32
      %dma_start3A_1639 = tpu.memref_slice %arg4[%dma_start3A_1637, %dma_start3A_1638, %multiple_of3A_1614] : memref<4x8x1000000xf32, #tpu.memory_space<hbm>> -> memref<4x8x128xf32, #tpu.memory_space<hbm>>
      tpu.enqueue_dma source(%dma_start3A_1639 : memref<4x8x128xf32, #tpu.memory_space<hbm>>) target(%dma_start3A_1636 : memref<4x8x128xf32, #tpu.memory_space<vmem>>) target_semaphore(%arg23 : memref<!tpu.dma_semaphore, #tpu.memory_space<semaphore_mem>>)
      %dma_start3A_1640 = arith.constant 7 : i32
      %dma_start3A_1641 = arith.constant 0 : i32
      %dma_start3A_1642 = arith.constant 0 : i32
      %dma_start3A_1643 = arith.constant 0 : i32
      %dma_start3A_1644 = arith.constant 0 : i32
      %dma_start3A_1645 = tpu.memref_slice %arg12[%dma_start3A_1640, %dma_start3A_1641, %dma_start3A_1642, %dma_start3A_1643, %dma_start3A_1644] : memref<8x1x4x8x128xf32, #tpu.memory_space<vmem>> -> memref<1x1x4x8x128xf32, #tpu.memory_space<vmem>>
      %dma_start3A_1646 = tpu.memref_squeeze %dma_start3A_1645 : memref<1x1x4x8x128xf32, #tpu.memory_space<vmem>> -> memref<4x8x128xf32, #tpu.memory_space<vmem>>
      %dma_start3A_1647 = arith.constant 0 : i32
      %dma_start3A_1648 = arith.constant 0 : i32
      %dma_start3A_1649 = tpu.memref_slice %arg5[%dma_start3A_1647, %dma_start3A_1648, %multiple_of3A_1621] : memref<4x8x1000000xf32, #tpu.memory_space<hbm>> -> memref<4x8x128xf32, #tpu.memory_space<hbm>>
      %dma_start3A_1650 = arith.constant 0 : i32
      %dma_start3A_1651 = arith.constant 0 : i32
      %dma_start3A_1652 = arith.constant 0 : i32
      %dma_start3A_1653 = tpu.memref_slice %arg12[%dma_start3A_1640, %dma_start3A_1641, %dma_start3A_1650, %dma_start3A_1651, %dma_start3A_1652] : memref<8x1x4x8x128xf32, #tpu.memory_space<vmem>> -> memref<1x1x4x8x128xf32, #tpu.memory_space<vmem>>
      %dma_start3A_1654 = tpu.memref_squeeze %dma_start3A_1653 : memref<1x1x4x8x128xf32, #tpu.memory_space<vmem>> -> memref<4x8x128xf32, #tpu.memory_space<vmem>>
      %dma_start3A_1655 = arith.constant 0 : i32
      %dma_start3A_1656 = arith.constant 0 : i32
      %dma_start3A_1657 = tpu.memref_slice %arg5[%dma_start3A_1655, %dma_start3A_1656, %multiple_of3A_1621] : memref<4x8x1000000xf32, #tpu.memory_space<hbm>> -> memref<4x8x128xf32, #tpu.memory_space<hbm>>
      tpu.enqueue_dma source(%dma_start3A_1657 : memref<4x8x128xf32, #tpu.memory_space<hbm>>) target(%dma_start3A_1654 : memref<4x8x128xf32, #tpu.memory_space<vmem>>) target_semaphore(%arg23 : memref<!tpu.dma_semaphore, #tpu.memory_space<semaphore_mem>>)
      %dma_wait3A_1658 = arith.constant 0 : i32
      %dma_wait3A_1659 = arith.constant 0 : i32
      %dma_wait3A_1660 = arith.constant 0 : i32
      %dma_wait3A_1661 = arith.constant 0 : i32
      %dma_wait3A_1662 = arith.constant 0 : i32
      %dma_wait3A_1663 = tpu.memref_slice %arg11[%dma_wait3A_1658, %dma_wait3A_1659, %dma_wait3A_1660, %dma_wait3A_1661, %dma_wait3A_1662] : memref<8x1x4x8x128xf32, #tpu.memory_space<vmem>> -> memref<1x1x4x8x128xf32, #tpu.memory_space<vmem>>
      %dma_wait3A_1664 = tpu.memref_squeeze %dma_wait3A_1663 : memref<1x1x4x8x128xf32, #tpu.memory_space<vmem>> -> memref<4x8x128xf32, #tpu.memory_space<vmem>>
      %dma_wait3A_1665 = arith.constant 0 : i32
      %dma_wait3A_1666 = arith.constant 0 : i32
      %dma_wait3A_1667 = arith.constant 0 : i32
      %dma_wait3A_1668 = tpu.memref_slice %arg4[%dma_wait3A_1665, %dma_wait3A_1666, %dma_wait3A_1667] : memref<4x8x1000000xf32, #tpu.memory_space<hbm>> -> memref<4x8x128xf32, #tpu.memory_space<hbm>>
      %dma_wait3A_1669 = arith.constant 0 : i32
      %dma_wait3A_1670 = arith.constant 0 : i32
      %dma_wait3A_1671 = arith.constant 0 : i32
      %dma_wait3A_1672 = tpu.memref_slice %arg11[%dma_wait3A_1658, %dma_wait3A_1659, %dma_wait3A_1669, %dma_wait3A_1670, %dma_wait3A_1671] : memref<8x1x4x8x128xf32, #tpu.memory_space<vmem>> -> memref<1x1x4x8x128xf32, #tpu.memory_space<vmem>>
      %dma_wait3A_1673 = tpu.memref_squeeze %dma_wait3A_1672 : memref<1x1x4x8x128xf32, #tpu.memory_space<vmem>> -> memref<4x8x128xf32, #tpu.memory_space<vmem>>
      %dma_wait3A_1674 = arith.constant 0 : i32
      %dma_wait3A_1675 = arith.constant 0 : i32
      %dma_wait3A_1676 = arith.constant 0 : i32
      %dma_wait3A_1677 = tpu.memref_slice %arg4[%dma_wait3A_1674, %dma_wait3A_1675, %dma_wait3A_1676] : memref<4x8x1000000xf32, #tpu.memory_space<hbm>> -> memref<4x8x128xf32, #tpu.memory_space<hbm>>
      tpu.wait_dma2 semaphore(%arg17 : memref<!tpu.dma_semaphore, #tpu.memory_space<semaphore_mem>>) src(%dma_wait3A_1677 : memref<4x8x128xf32, #tpu.memory_space<hbm>>) dst(%dma_wait3A_1673 : memref<4x8x128xf32, #tpu.memory_space<vmem>>)
      %dma_wait3A_1678 = arith.constant 0 : i32
      %dma_wait3A_1679 = arith.constant 0 : i32
      %dma_wait3A_1680 = arith.constant 0 : i32
      %dma_wait3A_1681 = arith.constant 0 : i32
      %dma_wait3A_1682 = arith.constant 0 : i32
      %dma_wait3A_1683 = tpu.memref_slice %arg12[%dma_wait3A_1678, %dma_wait3A_1679, %dma_wait3A_1680, %dma_wait3A_1681, %dma_wait3A_1682] : memref<8x1x4x8x128xf32, #tpu.memory_space<vmem>> -> memref<1x1x4x8x128xf32, #tpu.memory_space<vmem>>
      %dma_wait3A_1684 = tpu.memref_squeeze %dma_wait3A_1683 : memref<1x1x4x8x128xf32, #tpu.memory_space<vmem>> -> memref<4x8x128xf32, #tpu.memory_space<vmem>>
      %dma_wait3A_1685 = arith.constant 0 : i32
      %dma_wait3A_1686 = arith.constant 0 : i32
      %dma_wait3A_1687 = arith.constant 0 : i32
      %dma_wait3A_1688 = tpu.memref_slice %arg5[%dma_wait3A_1685, %dma_wait3A_1686, %dma_wait3A_1687] : memref<4x8x1000000xf32, #tpu.memory_space<hbm>> -> memref<4x8x128xf32, #tpu.memory_space<hbm>>
      %dma_wait3A_1689 = arith.constant 0 : i32
      %dma_wait3A_1690 = arith.constant 0 : i32
      %dma_wait3A_1691 = arith.constant 0 : i32
      %dma_wait3A_1692 = tpu.memref_slice %arg12[%dma_wait3A_1678, %dma_wait3A_1679, %dma_wait3A_1689, %dma_wait3A_1690, %dma_wait3A_1691] : memref<8x1x4x8x128xf32, #tpu.memory_space<vmem>> -> memref<1x1x4x8x128xf32, #tpu.memory_space<vmem>>
      %dma_wait3A_1693 = tpu.memref_squeeze %dma_wait3A_1692 : memref<1x1x4x8x128xf32, #tpu.memory_space<vmem>> -> memref<4x8x128xf32, #tpu.memory_space<vmem>>
      %dma_wait3A_1694 = arith.constant 0 : i32
      %dma_wait3A_1695 = arith.constant 0 : i32
      %dma_wait3A_1696 = arith.constant 0 : i32
      %dma_wait3A_1697 = tpu.memref_slice %arg5[%dma_wait3A_1694, %dma_wait3A_1695, %dma_wait3A_1696] : memref<4x8x1000000xf32, #tpu.memory_space<hbm>> -> memref<4x8x128xf32, #tpu.memory_space<hbm>>
      tpu.wait_dma2 semaphore(%arg17 : memref<!tpu.dma_semaphore, #tpu.memory_space<semaphore_mem>>) src(%dma_wait3A_1697 : memref<4x8x128xf32, #tpu.memory_space<hbm>>) dst(%dma_wait3A_1693 : memref<4x8x128xf32, #tpu.memory_space<vmem>>)
      %slice3A_1698 = vector.extract_strided_slice %get3A_517 {offsets = [9], sizes = [1], strides = [1]} : vector<16xi32> to vector<1xi32>
      %squeeze3A_1699 = vector.extract %slice3A_1698[0] : i32 from vector<1xi32>
      %and3A_1700 = arith.constant 127 : i32
      %and3A_1701 = arith.andi %squeeze3A_1699, %and3A_1700 : i32
      %broadcast_in_dim3A_1702 = vector.broadcast %and3A_1701 : i32 to vector<16xi32>
      %slice3A_1703 = vector.extract_strided_slice %get3A_519 {offsets = [9], sizes = [1], strides = [1]} : vector<16xi32> to vector<1xi32>
      %squeeze3A_1704 = vector.extract %slice3A_1703[0] : i32 from vector<1xi32>
      %and3A_1705 = arith.constant 127 : i32
      %and3A_1706 = arith.andi %squeeze3A_1704, %and3A_1705 : i32
      %broadcast_in_dim3A_1707 = vector.broadcast %and3A_1706 : i32 to vector<16xi32>
      %broadcast_in_dim3A_1708 = arith.constant 0 : i32
      %broadcast_in_dim3A_1709 = vector.broadcast %broadcast_in_dim3A_1708 : i32 to vector<16xi32>
      %broadcast_in_dim3A_1710 = arith.constant 1 : i32
      %broadcast_in_dim3A_1711 = vector.broadcast %broadcast_in_dim3A_1710 : i32 to vector<16xi32>
      %gather3A_1712 = tpu.vector_load_idx %arg11[%broadcast_in_dim3A_1711, %broadcast_in_dim3A_1709, %select_n3A, %select_n3A_127, %broadcast_in_dim3A_1702] : memref<8x1x4x8x128xf32, #tpu.memory_space<vmem>>[vector<16xi32>, vector<16xi32>, vector<16xi32>, vector<16xi32>, vector<16xi32>], vector<16xf32>,
      %gather3A_1713 = tpu.vector_load_idx %arg11[%broadcast_in_dim3A_1711, %broadcast_in_dim3A_1709, %add3A_107, %select_n3A_127, %broadcast_in_dim3A_1702] : memref<8x1x4x8x128xf32, #tpu.memory_space<vmem>>[vector<16xi32>, vector<16xi32>, vector<16xi32>, vector<16xi32>, vector<16xi32>], vector<16xf32>,
      %gather3A_1714 = tpu.vector_load_idx %arg12[%broadcast_in_dim3A_1711, %broadcast_in_dim3A_1709, %select_n3A, %select_n3A_127, %broadcast_in_dim3A_1707] : memref<8x1x4x8x128xf32, #tpu.memory_space<vmem>>[vector<16xi32>, vector<16xi32>, vector<16xi32>, vector<16xi32>, vector<16xi32>], vector<16xf32>,
      %gather3A_1715 = tpu.vector_load_idx %arg12[%broadcast_in_dim3A_1711, %broadcast_in_dim3A_1709, %add3A_107, %select_n3A_127, %broadcast_in_dim3A_1707] : memref<8x1x4x8x128xf32, #tpu.memory_space<vmem>>[vector<16xi32>, vector<16xi32>, vector<16xi32>, vector<16xi32>, vector<16xi32>], vector<16xf32>,
      %mul3A_1716 = arith.mulf %gather3A_1712, %gather3A_1714 : vector<16xf32>
      %mul3A_1717 = arith.mulf %gather3A_1713, %gather3A_1715 : vector<16xf32>
      %add3A_1718 = arith.addf %mul3A_1716, %mul3A_1717 : vector<16xf32>
      %reduce_sum3A_1719 = arith.constant true
      %reduce_sum3A_1720 = vector.broadcast %reduce_sum3A_1719 : i1 to vector<16xi1>
      %reduce_sum3A_1721 = tpu.scan <sum>, %add3A_1718 masked %reduce_sum3A_1720 : vector<16xf32>, vector<16xi1> -> vector<16xf32>
      %reduce_sum3A_1722 = vector.extract %reduce_sum3A_1721[15] : f32 from vector<16xf32>
      %eq3A_1723 = arith.constant 9 : i32
      %eq3A_1724 = vector.broadcast %eq3A_1723 : i32 to vector<16xi32>
      %eq3A_1725 = arith.cmpi eq, %iota3A, %eq3A_1724 : vector<16xi32>
      %broadcast_in_dim3A_1726 = vector.broadcast %reduce_sum3A_1722 : f32 to vector<16xf32>
      %select_n3A_1727 = arith.select %eq3A_1725, %broadcast_in_dim3A_1726, %select_n3A_1607 : vector<16xi1>, vector<16xf32>
      %lt3A_1728 = arith.constant 31 : i32
      %lt3A_1729 = arith.cmpi slt, %scan3A_512, %lt3A_1728 : i32
      %convert_element_type3A = arith.extui %lt3A_1729 : i1 to i32
      %cond3A = arith.constant 0 : i32
      %cond3A_1730 = arith.cmpi ne, %convert_element_type3A, %cond3A : i32
      scf.if %cond3A_1730 {
        %slice3A_2184 = vector.extract_strided_slice %get3A_526 {offsets = [0], sizes = [1], strides = [1]} : vector<16xi32> to vector<1xi32>
        %squeeze3A_2185 = vector.extract %slice3A_2184[0] : i32 from vector<1xi32>
        %shift_right_arithmetic3A_2186 = arith.constant 7 : i32
        %shift_right_arithmetic3A_2187 = arith.shrsi %squeeze3A_2185, %shift_right_arithmetic3A_2186 : i32
        %mul3A_2188 = arith.constant 128 : i32
        %mul3A_2189 = arith.muli %shift_right_arithmetic3A_2187, %mul3A_2188 : i32
        %multiple_of3A_2190 = tpu.assume_multiple %mul3A_2189, 128 : i32
        %slice3A_2191 = vector.extract_strided_slice %get3A_528 {offsets = [0], sizes = [1], strides = [1]} : vector<16xi32> to vector<1xi32>
        %squeeze3A_2192 = vector.extract %slice3A_2191[0] : i32 from vector<1xi32>
        %shift_right_arithmetic3A_2193 = arith.constant 7 : i32
        %shift_right_arithmetic3A_2194 = arith.shrsi %squeeze3A_2192, %shift_right_arithmetic3A_2193 : i32
        %mul3A_2195 = arith.constant 128 : i32
        %mul3A_2196 = arith.muli %shift_right_arithmetic3A_2194, %mul3A_2195 : i32
        %multiple_of3A_2197 = tpu.assume_multiple %mul3A_2196, 128 : i32
        %dma_start3A_2198 = arith.constant 0 : i32
        %dma_start3A_2199 = arith.constant 0 : i32
        %dma_start3A_2200 = arith.constant 0 : i32
        %dma_start3A_2201 = arith.constant 0 : i32
        %dma_start3A_2202 = arith.constant 0 : i32
        %dma_start3A_2203 = tpu.memref_slice %arg11[%dma_start3A_2198, %dma_start3A_2199, %dma_start3A_2200, %dma_start3A_2201, %dma_start3A_2202] : memref<8x1x4x8x128xf32, #tpu.memory_space<vmem>> -> memref<1x1x4x8x128xf32, #tpu.memory_space<vmem>>
        %dma_start3A_2204 = tpu.memref_squeeze %dma_start3A_2203 : memref<1x1x4x8x128xf32, #tpu.memory_space<vmem>> -> memref<4x8x128xf32, #tpu.memory_space<vmem>>
        %dma_start3A_2205 = arith.constant 0 : i32
        %dma_start3A_2206 = arith.constant 0 : i32
        %dma_start3A_2207 = tpu.memref_slice %arg4[%dma_start3A_2205, %dma_start3A_2206, %multiple_of3A_2190] : memref<4x8x1000000xf32, #tpu.memory_space<hbm>> -> memref<4x8x128xf32, #tpu.memory_space<hbm>>
        %dma_start3A_2208 = arith.constant 0 : i32
        %dma_start3A_2209 = arith.constant 0 : i32
        %dma_start3A_2210 = arith.constant 0 : i32
        %dma_start3A_2211 = tpu.memref_slice %arg11[%dma_start3A_2198, %dma_start3A_2199, %dma_start3A_2208, %dma_start3A_2209, %dma_start3A_2210] : memref<8x1x4x8x128xf32, #tpu.memory_space<vmem>> -> memref<1x1x4x8x128xf32, #tpu.memory_space<vmem>>
        %dma_start3A_2212 = tpu.memref_squeeze %dma_start3A_2211 : memref<1x1x4x8x128xf32, #tpu.memory_space<vmem>> -> memref<4x8x128xf32, #tpu.memory_space<vmem>>
        %dma_start3A_2213 = arith.constant 0 : i32
        %dma_start3A_2214 = arith.constant 0 : i32
        %dma_start3A_2215 = tpu.memref_slice %arg4[%dma_start3A_2213, %dma_start3A_2214, %multiple_of3A_2190] : memref<4x8x1000000xf32, #tpu.memory_space<hbm>> -> memref<4x8x128xf32, #tpu.memory_space<hbm>>
        tpu.enqueue_dma source(%dma_start3A_2215 : memref<4x8x128xf32, #tpu.memory_space<hbm>>) target(%dma_start3A_2212 : memref<4x8x128xf32, #tpu.memory_space<vmem>>) target_semaphore(%arg16 : memref<!tpu.dma_semaphore, #tpu.memory_space<semaphore_mem>>)
        %dma_start3A_2216 = arith.constant 0 : i32
        %dma_start3A_2217 = arith.constant 0 : i32
        %dma_start3A_2218 = arith.constant 0 : i32
        %dma_start3A_2219 = arith.constant 0 : i32
        %dma_start3A_2220 = arith.constant 0 : i32
        %dma_start3A_2221 = tpu.memref_slice %arg12[%dma_start3A_2216, %dma_start3A_2217, %dma_start3A_2218, %dma_start3A_2219, %dma_start3A_2220] : memref<8x1x4x8x128xf32, #tpu.memory_space<vmem>> -> memref<1x1x4x8x128xf32, #tpu.memory_space<vmem>>
        %dma_start3A_2222 = tpu.memref_squeeze %dma_start3A_2221 : memref<1x1x4x8x128xf32, #tpu.memory_space<vmem>> -> memref<4x8x128xf32, #tpu.memory_space<vmem>>
        %dma_start3A_2223 = arith.constant 0 : i32
        %dma_start3A_2224 = arith.constant 0 : i32
        %dma_start3A_2225 = tpu.memref_slice %arg5[%dma_start3A_2223, %dma_start3A_2224, %multiple_of3A_2197] : memref<4x8x1000000xf32, #tpu.memory_space<hbm>> -> memref<4x8x128xf32, #tpu.memory_space<hbm>>
        %dma_start3A_2226 = arith.constant 0 : i32
        %dma_start3A_2227 = arith.constant 0 : i32
        %dma_start3A_2228 = arith.constant 0 : i32
        %dma_start3A_2229 = tpu.memref_slice %arg12[%dma_start3A_2216, %dma_start3A_2217, %dma_start3A_2226, %dma_start3A_2227, %dma_start3A_2228] : memref<8x1x4x8x128xf32, #tpu.memory_space<vmem>> -> memref<1x1x4x8x128xf32, #tpu.memory_space<vmem>>
        %dma_start3A_2230 = tpu.memref_squeeze %dma_start3A_2229 : memref<1x1x4x8x128xf32, #tpu.memory_space<vmem>> -> memref<4x8x128xf32, #tpu.memory_space<vmem>>
        %dma_start3A_2231 = arith.constant 0 : i32
        %dma_start3A_2232 = arith.constant 0 : i32
        %dma_start3A_2233 = tpu.memref_slice %arg5[%dma_start3A_2231, %dma_start3A_2232, %multiple_of3A_2197] : memref<4x8x1000000xf32, #tpu.memory_space<hbm>> -> memref<4x8x128xf32, #tpu.memory_space<hbm>>
        tpu.enqueue_dma source(%dma_start3A_2233 : memref<4x8x128xf32, #tpu.memory_space<hbm>>) target(%dma_start3A_2230 : memref<4x8x128xf32, #tpu.memory_space<vmem>>) target_semaphore(%arg16 : memref<!tpu.dma_semaphore, #tpu.memory_space<semaphore_mem>>)
      } else {
      }
      %dma_wait3A_1731 = arith.constant 0 : i32
      %dma_wait3A_1732 = arith.constant 0 : i32
      %dma_wait3A_1733 = arith.constant 0 : i32
      %dma_wait3A_1734 = arith.constant 0 : i32
      %dma_wait3A_1735 = arith.constant 0 : i32
      %dma_wait3A_1736 = tpu.memref_slice %arg11[%dma_wait3A_1731, %dma_wait3A_1732, %dma_wait3A_1733, %dma_wait3A_1734, %dma_wait3A_1735] : memref<8x1x4x8x128xf32, #tpu.memory_space<vmem>> -> memref<1x1x4x8x128xf32, #tpu.memory_space<vmem>>
      %dma_wait3A_1737 = tpu.memref_squeeze %dma_wait3A_1736 : memref<1x1x4x8x128xf32, #tpu.memory_space<vmem>> -> memref<4x8x128xf32, #tpu.memory_space<vmem>>
      %dma_wait3A_1738 = arith.constant 0 : i32
      %dma_wait3A_1739 = arith.constant 0 : i32
      %dma_wait3A_1740 = arith.constant 0 : i32
      %dma_wait3A_1741 = tpu.memref_slice %arg4[%dma_wait3A_1738, %dma_wait3A_1739, %dma_wait3A_1740] : memref<4x8x1000000xf32, #tpu.memory_space<hbm>> -> memref<4x8x128xf32, #tpu.memory_space<hbm>>
      %dma_wait3A_1742 = arith.constant 0 : i32
      %dma_wait3A_1743 = arith.constant 0 : i32
      %dma_wait3A_1744 = arith.constant 0 : i32
      %dma_wait3A_1745 = tpu.memref_slice %arg11[%dma_wait3A_1731, %dma_wait3A_1732, %dma_wait3A_1742, %dma_wait3A_1743, %dma_wait3A_1744] : memref<8x1x4x8x128xf32, #tpu.memory_space<vmem>> -> memref<1x1x4x8x128xf32, #tpu.memory_space<vmem>>
      %dma_wait3A_1746 = tpu.memref_squeeze %dma_wait3A_1745 : memref<1x1x4x8x128xf32, #tpu.memory_space<vmem>> -> memref<4x8x128xf32, #tpu.memory_space<vmem>>
      %dma_wait3A_1747 = arith.constant 0 : i32
      %dma_wait3A_1748 = arith.constant 0 : i32
      %dma_wait3A_1749 = arith.constant 0 : i32
      %dma_wait3A_1750 = tpu.memref_slice %arg4[%dma_wait3A_1747, %dma_wait3A_1748, %dma_wait3A_1749] : memref<4x8x1000000xf32, #tpu.memory_space<hbm>> -> memref<4x8x128xf32, #tpu.memory_space<hbm>>
      tpu.wait_dma2 semaphore(%arg18 : memref<!tpu.dma_semaphore, #tpu.memory_space<semaphore_mem>>) src(%dma_wait3A_1750 : memref<4x8x128xf32, #tpu.memory_space<hbm>>) dst(%dma_wait3A_1746 : memref<4x8x128xf32, #tpu.memory_space<vmem>>)
      %dma_wait3A_1751 = arith.constant 0 : i32
      %dma_wait3A_1752 = arith.constant 0 : i32
      %dma_wait3A_1753 = arith.constant 0 : i32
      %dma_wait3A_1754 = arith.constant 0 : i32
      %dma_wait3A_1755 = arith.constant 0 : i32
      %dma_wait3A_1756 = tpu.memref_slice %arg12[%dma_wait3A_1751, %dma_wait3A_1752, %dma_wait3A_1753, %dma_wait3A_1754, %dma_wait3A_1755] : memref<8x1x4x8x128xf32, #tpu.memory_space<vmem>> -> memref<1x1x4x8x128xf32, #tpu.memory_space<vmem>>
      %dma_wait3A_1757 = tpu.memref_squeeze %dma_wait3A_1756 : memref<1x1x4x8x128xf32, #tpu.memory_space<vmem>> -> memref<4x8x128xf32, #tpu.memory_space<vmem>>
      %dma_wait3A_1758 = arith.constant 0 : i32
      %dma_wait3A_1759 = arith.constant 0 : i32
      %dma_wait3A_1760 = arith.constant 0 : i32
      %dma_wait3A_1761 = tpu.memref_slice %arg5[%dma_wait3A_1758, %dma_wait3A_1759, %dma_wait3A_1760] : memref<4x8x1000000xf32, #tpu.memory_space<hbm>> -> memref<4x8x128xf32, #tpu.memory_space<hbm>>
      %dma_wait3A_1762 = arith.constant 0 : i32
      %dma_wait3A_1763 = arith.constant 0 : i32
      %dma_wait3A_1764 = arith.constant 0 : i32
      %dma_wait3A_1765 = tpu.memref_slice %arg12[%dma_wait3A_1751, %dma_wait3A_1752, %dma_wait3A_1762, %dma_wait3A_1763, %dma_wait3A_1764] : memref<8x1x4x8x128xf32, #tpu.memory_space<vmem>> -> memref<1x1x4x8x128xf32, #tpu.memory_space<vmem>>
      %dma_wait3A_1766 = tpu.memref_squeeze %dma_wait3A_1765 : memref<1x1x4x8x128xf32, #tpu.memory_space<vmem>> -> memref<4x8x128xf32, #tpu.memory_space<vmem>>
      %dma_wait3A_1767 = arith.constant 0 : i32
      %dma_wait3A_1768 = arith.constant 0 : i32
      %dma_wait3A_1769 = arith.constant 0 : i32
      %dma_wait3A_1770 = tpu.memref_slice %arg5[%dma_wait3A_1767, %dma_wait3A_1768, %dma_wait3A_1769] : memref<4x8x1000000xf32, #tpu.memory_space<hbm>> -> memref<4x8x128xf32, #tpu.memory_space<hbm>>
      tpu.wait_dma2 semaphore(%arg18 : memref<!tpu.dma_semaphore, #tpu.memory_space<semaphore_mem>>) src(%dma_wait3A_1770 : memref<4x8x128xf32, #tpu.memory_space<hbm>>) dst(%dma_wait3A_1766 : memref<4x8x128xf32, #tpu.memory_space<vmem>>)
      %slice3A_1771 = vector.extract_strided_slice %get3A_517 {offsets = [10], sizes = [1], strides = [1]} : vector<16xi32> to vector<1xi32>
      %squeeze3A_1772 = vector.extract %slice3A_1771[0] : i32 from vector<1xi32>
      %and3A_1773 = arith.constant 127 : i32
      %and3A_1774 = arith.andi %squeeze3A_1772, %and3A_1773 : i32
      %broadcast_in_dim3A_1775 = vector.broadcast %and3A_1774 : i32 to vector<16xi32>
      %slice3A_1776 = vector.extract_strided_slice %get3A_519 {offsets = [10], sizes = [1], strides = [1]} : vector<16xi32> to vector<1xi32>
      %squeeze3A_1777 = vector.extract %slice3A_1776[0] : i32 from vector<1xi32>
      %and3A_1778 = arith.constant 127 : i32
      %and3A_1779 = arith.andi %squeeze3A_1777, %and3A_1778 : i32
      %broadcast_in_dim3A_1780 = vector.broadcast %and3A_1779 : i32 to vector<16xi32>
      %broadcast_in_dim3A_1781 = arith.constant 0 : i32
      %broadcast_in_dim3A_1782 = vector.broadcast %broadcast_in_dim3A_1781 : i32 to vector<16xi32>
      %broadcast_in_dim3A_1783 = arith.constant 2 : i32
      %broadcast_in_dim3A_1784 = vector.broadcast %broadcast_in_dim3A_1783 : i32 to vector<16xi32>
      %gather3A_1785 = tpu.vector_load_idx %arg11[%broadcast_in_dim3A_1784, %broadcast_in_dim3A_1782, %select_n3A, %select_n3A_127, %broadcast_in_dim3A_1775] : memref<8x1x4x8x128xf32, #tpu.memory_space<vmem>>[vector<16xi32>, vector<16xi32>, vector<16xi32>, vector<16xi32>, vector<16xi32>], vector<16xf32>,
      %gather3A_1786 = tpu.vector_load_idx %arg11[%broadcast_in_dim3A_1784, %broadcast_in_dim3A_1782, %add3A_107, %select_n3A_127, %broadcast_in_dim3A_1775] : memref<8x1x4x8x128xf32, #tpu.memory_space<vmem>>[vector<16xi32>, vector<16xi32>, vector<16xi32>, vector<16xi32>, vector<16xi32>], vector<16xf32>,
      %gather3A_1787 = tpu.vector_load_idx %arg12[%broadcast_in_dim3A_1784, %broadcast_in_dim3A_1782, %select_n3A, %select_n3A_127, %broadcast_in_dim3A_1780] : memref<8x1x4x8x128xf32, #tpu.memory_space<vmem>>[vector<16xi32>, vector<16xi32>, vector<16xi32>, vector<16xi32>, vector<16xi32>], vector<16xf32>,
      %gather3A_1788 = tpu.vector_load_idx %arg12[%broadcast_in_dim3A_1784, %broadcast_in_dim3A_1782, %add3A_107, %select_n3A_127, %broadcast_in_dim3A_1780] : memref<8x1x4x8x128xf32, #tpu.memory_space<vmem>>[vector<16xi32>, vector<16xi32>, vector<16xi32>, vector<16xi32>, vector<16xi32>], vector<16xf32>,
      %mul3A_1789 = arith.mulf %gather3A_1785, %gather3A_1787 : vector<16xf32>
      %mul3A_1790 = arith.mulf %gather3A_1786, %gather3A_1788 : vector<16xf32>
      %add3A_1791 = arith.addf %mul3A_1789, %mul3A_1790 : vector<16xf32>
      %reduce_sum3A_1792 = arith.constant true
      %reduce_sum3A_1793 = vector.broadcast %reduce_sum3A_1792 : i1 to vector<16xi1>
      %reduce_sum3A_1794 = tpu.scan <sum>, %add3A_1791 masked %reduce_sum3A_1793 : vector<16xf32>, vector<16xi1> -> vector<16xf32>
      %reduce_sum3A_1795 = vector.extract %reduce_sum3A_1794[15] : f32 from vector<16xf32>
      %eq3A_1796 = arith.constant 10 : i32
      %eq3A_1797 = vector.broadcast %eq3A_1796 : i32 to vector<16xi32>
      %eq3A_1798 = arith.cmpi eq, %iota3A, %eq3A_1797 : vector<16xi32>
      %broadcast_in_dim3A_1799 = vector.broadcast %reduce_sum3A_1795 : f32 to vector<16xf32>
      %select_n3A_1800 = arith.select %eq3A_1798, %broadcast_in_dim3A_1799, %select_n3A_1727 : vector<16xi1>, vector<16xf32>
      %lt3A_1801 = arith.constant 31 : i32
      %lt3A_1802 = arith.cmpi slt, %scan3A_512, %lt3A_1801 : i32
      %convert_element_type3A_1803 = arith.extui %lt3A_1802 : i1 to i32
      %cond3A_1804 = arith.constant 0 : i32
      %cond3A_1805 = arith.cmpi ne, %convert_element_type3A_1803, %cond3A_1804 : i32
      scf.if %cond3A_1805 {
        %slice3A_2184 = vector.extract_strided_slice %get3A_526 {offsets = [1], sizes = [1], strides = [1]} : vector<16xi32> to vector<1xi32>
        %squeeze3A_2185 = vector.extract %slice3A_2184[0] : i32 from vector<1xi32>
        %shift_right_arithmetic3A_2186 = arith.constant 7 : i32
        %shift_right_arithmetic3A_2187 = arith.shrsi %squeeze3A_2185, %shift_right_arithmetic3A_2186 : i32
        %mul3A_2188 = arith.constant 128 : i32
        %mul3A_2189 = arith.muli %shift_right_arithmetic3A_2187, %mul3A_2188 : i32
        %multiple_of3A_2190 = tpu.assume_multiple %mul3A_2189, 128 : i32
        %slice3A_2191 = vector.extract_strided_slice %get3A_528 {offsets = [1], sizes = [1], strides = [1]} : vector<16xi32> to vector<1xi32>
        %squeeze3A_2192 = vector.extract %slice3A_2191[0] : i32 from vector<1xi32>
        %shift_right_arithmetic3A_2193 = arith.constant 7 : i32
        %shift_right_arithmetic3A_2194 = arith.shrsi %squeeze3A_2192, %shift_right_arithmetic3A_2193 : i32
        %mul3A_2195 = arith.constant 128 : i32
        %mul3A_2196 = arith.muli %shift_right_arithmetic3A_2194, %mul3A_2195 : i32
        %multiple_of3A_2197 = tpu.assume_multiple %mul3A_2196, 128 : i32
        %dma_start3A_2198 = arith.constant 1 : i32
        %dma_start3A_2199 = arith.constant 0 : i32
        %dma_start3A_2200 = arith.constant 0 : i32
        %dma_start3A_2201 = arith.constant 0 : i32
        %dma_start3A_2202 = arith.constant 0 : i32
        %dma_start3A_2203 = tpu.memref_slice %arg11[%dma_start3A_2198, %dma_start3A_2199, %dma_start3A_2200, %dma_start3A_2201, %dma_start3A_2202] : memref<8x1x4x8x128xf32, #tpu.memory_space<vmem>> -> memref<1x1x4x8x128xf32, #tpu.memory_space<vmem>>
        %dma_start3A_2204 = tpu.memref_squeeze %dma_start3A_2203 : memref<1x1x4x8x128xf32, #tpu.memory_space<vmem>> -> memref<4x8x128xf32, #tpu.memory_space<vmem>>
        %dma_start3A_2205 = arith.constant 0 : i32
        %dma_start3A_2206 = arith.constant 0 : i32
        %dma_start3A_2207 = tpu.memref_slice %arg4[%dma_start3A_2205, %dma_start3A_2206, %multiple_of3A_2190] : memref<4x8x1000000xf32, #tpu.memory_space<hbm>> -> memref<4x8x128xf32, #tpu.memory_space<hbm>>
        %dma_start3A_2208 = arith.constant 0 : i32
        %dma_start3A_2209 = arith.constant 0 : i32
        %dma_start3A_2210 = arith.constant 0 : i32
        %dma_start3A_2211 = tpu.memref_slice %arg11[%dma_start3A_2198, %dma_start3A_2199, %dma_start3A_2208, %dma_start3A_2209, %dma_start3A_2210] : memref<8x1x4x8x128xf32, #tpu.memory_space<vmem>> -> memref<1x1x4x8x128xf32, #tpu.memory_space<vmem>>
        %dma_start3A_2212 = tpu.memref_squeeze %dma_start3A_2211 : memref<1x1x4x8x128xf32, #tpu.memory_space<vmem>> -> memref<4x8x128xf32, #tpu.memory_space<vmem>>
        %dma_start3A_2213 = arith.constant 0 : i32
        %dma_start3A_2214 = arith.constant 0 : i32
        %dma_start3A_2215 = tpu.memref_slice %arg4[%dma_start3A_2213, %dma_start3A_2214, %multiple_of3A_2190] : memref<4x8x1000000xf32, #tpu.memory_space<hbm>> -> memref<4x8x128xf32, #tpu.memory_space<hbm>>
        tpu.enqueue_dma source(%dma_start3A_2215 : memref<4x8x128xf32, #tpu.memory_space<hbm>>) target(%dma_start3A_2212 : memref<4x8x128xf32, #tpu.memory_space<vmem>>) target_semaphore(%arg17 : memref<!tpu.dma_semaphore, #tpu.memory_space<semaphore_mem>>)
        %dma_start3A_2216 = arith.constant 1 : i32
        %dma_start3A_2217 = arith.constant 0 : i32
        %dma_start3A_2218 = arith.constant 0 : i32
        %dma_start3A_2219 = arith.constant 0 : i32
        %dma_start3A_2220 = arith.constant 0 : i32
        %dma_start3A_2221 = tpu.memref_slice %arg12[%dma_start3A_2216, %dma_start3A_2217, %dma_start3A_2218, %dma_start3A_2219, %dma_start3A_2220] : memref<8x1x4x8x128xf32, #tpu.memory_space<vmem>> -> memref<1x1x4x8x128xf32, #tpu.memory_space<vmem>>
        %dma_start3A_2222 = tpu.memref_squeeze %dma_start3A_2221 : memref<1x1x4x8x128xf32, #tpu.memory_space<vmem>> -> memref<4x8x128xf32, #tpu.memory_space<vmem>>
        %dma_start3A_2223 = arith.constant 0 : i32
        %dma_start3A_2224 = arith.constant 0 : i32
        %dma_start3A_2225 = tpu.memref_slice %arg5[%dma_start3A_2223, %dma_start3A_2224, %multiple_of3A_2197] : memref<4x8x1000000xf32, #tpu.memory_space<hbm>> -> memref<4x8x128xf32, #tpu.memory_space<hbm>>
        %dma_start3A_2226 = arith.constant 0 : i32
        %dma_start3A_2227 = arith.constant 0 : i32
        %dma_start3A_2228 = arith.constant 0 : i32
        %dma_start3A_2229 = tpu.memref_slice %arg12[%dma_start3A_2216, %dma_start3A_2217, %dma_start3A_2226, %dma_start3A_2227, %dma_start3A_2228] : memref<8x1x4x8x128xf32, #tpu.memory_space<vmem>> -> memref<1x1x4x8x128xf32, #tpu.memory_space<vmem>>
        %dma_start3A_2230 = tpu.memref_squeeze %dma_start3A_2229 : memref<1x1x4x8x128xf32, #tpu.memory_space<vmem>> -> memref<4x8x128xf32, #tpu.memory_space<vmem>>
        %dma_start3A_2231 = arith.constant 0 : i32
        %dma_start3A_2232 = arith.constant 0 : i32
        %dma_start3A_2233 = tpu.memref_slice %arg5[%dma_start3A_2231, %dma_start3A_2232, %multiple_of3A_2197] : memref<4x8x1000000xf32, #tpu.memory_space<hbm>> -> memref<4x8x128xf32, #tpu.memory_space<hbm>>
        tpu.enqueue_dma source(%dma_start3A_2233 : memref<4x8x128xf32, #tpu.memory_space<hbm>>) target(%dma_start3A_2230 : memref<4x8x128xf32, #tpu.memory_space<vmem>>) target_semaphore(%arg17 : memref<!tpu.dma_semaphore, #tpu.memory_space<semaphore_mem>>)
      } else {
      }
      %dma_wait3A_1806 = arith.constant 0 : i32
      %dma_wait3A_1807 = arith.constant 0 : i32
      %dma_wait3A_1808 = arith.constant 0 : i32
      %dma_wait3A_1809 = arith.constant 0 : i32
      %dma_wait3A_1810 = arith.constant 0 : i32
      %dma_wait3A_1811 = tpu.memref_slice %arg11[%dma_wait3A_1806, %dma_wait3A_1807, %dma_wait3A_1808, %dma_wait3A_1809, %dma_wait3A_1810] : memref<8x1x4x8x128xf32, #tpu.memory_space<vmem>> -> memref<1x1x4x8x128xf32, #tpu.memory_space<vmem>>
      %dma_wait3A_1812 = tpu.memref_squeeze %dma_wait3A_1811 : memref<1x1x4x8x128xf32, #tpu.memory_space<vmem>> -> memref<4x8x128xf32, #tpu.memory_space<vmem>>
      %dma_wait3A_1813 = arith.constant 0 : i32
      %dma_wait3A_1814 = arith.constant 0 : i32
      %dma_wait3A_1815 = arith.constant 0 : i32
      %dma_wait3A_1816 = tpu.memref_slice %arg4[%dma_wait3A_1813, %dma_wait3A_1814, %dma_wait3A_1815] : memref<4x8x1000000xf32, #tpu.memory_space<hbm>> -> memref<4x8x128xf32, #tpu.memory_space<hbm>>
      %dma_wait3A_1817 = arith.constant 0 : i32
      %dma_wait3A_1818 = arith.constant 0 : i32
      %dma_wait3A_1819 = arith.constant 0 : i32
      %dma_wait3A_1820 = tpu.memref_slice %arg11[%dma_wait3A_1806, %dma_wait3A_1807, %dma_wait3A_1817, %dma_wait3A_1818, %dma_wait3A_1819] : memref<8x1x4x8x128xf32, #tpu.memory_space<vmem>> -> memref<1x1x4x8x128xf32, #tpu.memory_space<vmem>>
      %dma_wait3A_1821 = tpu.memref_squeeze %dma_wait3A_1820 : memref<1x1x4x8x128xf32, #tpu.memory_space<vmem>> -> memref<4x8x128xf32, #tpu.memory_space<vmem>>
      %dma_wait3A_1822 = arith.constant 0 : i32
      %dma_wait3A_1823 = arith.constant 0 : i32
      %dma_wait3A_1824 = arith.constant 0 : i32
      %dma_wait3A_1825 = tpu.memref_slice %arg4[%dma_wait3A_1822, %dma_wait3A_1823, %dma_wait3A_1824] : memref<4x8x1000000xf32, #tpu.memory_space<hbm>> -> memref<4x8x128xf32, #tpu.memory_space<hbm>>
      tpu.wait_dma2 semaphore(%arg19 : memref<!tpu.dma_semaphore, #tpu.memory_space<semaphore_mem>>) src(%dma_wait3A_1825 : memref<4x8x128xf32, #tpu.memory_space<hbm>>) dst(%dma_wait3A_1821 : memref<4x8x128xf32, #tpu.memory_space<vmem>>)
      %dma_wait3A_1826 = arith.constant 0 : i32
      %dma_wait3A_1827 = arith.constant 0 : i32
      %dma_wait3A_1828 = arith.constant 0 : i32
      %dma_wait3A_1829 = arith.constant 0 : i32
      %dma_wait3A_1830 = arith.constant 0 : i32
      %dma_wait3A_1831 = tpu.memref_slice %arg12[%dma_wait3A_1826, %dma_wait3A_1827, %dma_wait3A_1828, %dma_wait3A_1829, %dma_wait3A_1830] : memref<8x1x4x8x128xf32, #tpu.memory_space<vmem>> -> memref<1x1x4x8x128xf32, #tpu.memory_space<vmem>>
      %dma_wait3A_1832 = tpu.memref_squeeze %dma_wait3A_1831 : memref<1x1x4x8x128xf32, #tpu.memory_space<vmem>> -> memref<4x8x128xf32, #tpu.memory_space<vmem>>
      %dma_wait3A_1833 = arith.constant 0 : i32
      %dma_wait3A_1834 = arith.constant 0 : i32
      %dma_wait3A_1835 = arith.constant 0 : i32
      %dma_wait3A_1836 = tpu.memref_slice %arg5[%dma_wait3A_1833, %dma_wait3A_1834, %dma_wait3A_1835] : memref<4x8x1000000xf32, #tpu.memory_space<hbm>> -> memref<4x8x128xf32, #tpu.memory_space<hbm>>
      %dma_wait3A_1837 = arith.constant 0 : i32
      %dma_wait3A_1838 = arith.constant 0 : i32
      %dma_wait3A_1839 = arith.constant 0 : i32
      %dma_wait3A_1840 = tpu.memref_slice %arg12[%dma_wait3A_1826, %dma_wait3A_1827, %dma_wait3A_1837, %dma_wait3A_1838, %dma_wait3A_1839] : memref<8x1x4x8x128xf32, #tpu.memory_space<vmem>> -> memref<1x1x4x8x128xf32, #tpu.memory_space<vmem>>
      %dma_wait3A_1841 = tpu.memref_squeeze %dma_wait3A_1840 : memref<1x1x4x8x128xf32, #tpu.memory_space<vmem>> -> memref<4x8x128xf32, #tpu.memory_space<vmem>>
      %dma_wait3A_1842 = arith.constant 0 : i32
      %dma_wait3A_1843 = arith.constant 0 : i32
      %dma_wait3A_1844 = arith.constant 0 : i32
      %dma_wait3A_1845 = tpu.memref_slice %arg5[%dma_wait3A_1842, %dma_wait3A_1843, %dma_wait3A_1844] : memref<4x8x1000000xf32, #tpu.memory_space<hbm>> -> memref<4x8x128xf32, #tpu.memory_space<hbm>>
      tpu.wait_dma2 semaphore(%arg19 : memref<!tpu.dma_semaphore, #tpu.memory_space<semaphore_mem>>) src(%dma_wait3A_1845 : memref<4x8x128xf32, #tpu.memory_space<hbm>>) dst(%dma_wait3A_1841 : memref<4x8x128xf32, #tpu.memory_space<vmem>>)
      %slice3A_1846 = vector.extract_strided_slice %get3A_517 {offsets = [11], sizes = [1], strides = [1]} : vector<16xi32> to vector<1xi32>
      %squeeze3A_1847 = vector.extract %slice3A_1846[0] : i32 from vector<1xi32>
      %and3A_1848 = arith.constant 127 : i32
      %and3A_1849 = arith.andi %squeeze3A_1847, %and3A_1848 : i32
      %broadcast_in_dim3A_1850 = vector.broadcast %and3A_1849 : i32 to vector<16xi32>
      %slice3A_1851 = vector.extract_strided_slice %get3A_519 {offsets = [11], sizes = [1], strides = [1]} : vector<16xi32> to vector<1xi32>
      %squeeze3A_1852 = vector.extract %slice3A_1851[0] : i32 from vector<1xi32>
      %and3A_1853 = arith.constant 127 : i32
      %and3A_1854 = arith.andi %squeeze3A_1852, %and3A_1853 : i32
      %broadcast_in_dim3A_1855 = vector.broadcast %and3A_1854 : i32 to vector<16xi32>
      %broadcast_in_dim3A_1856 = arith.constant 0 : i32
      %broadcast_in_dim3A_1857 = vector.broadcast %broadcast_in_dim3A_1856 : i32 to vector<16xi32>
      %broadcast_in_dim3A_1858 = arith.constant 3 : i32
      %broadcast_in_dim3A_1859 = vector.broadcast %broadcast_in_dim3A_1858 : i32 to vector<16xi32>
      %gather3A_1860 = tpu.vector_load_idx %arg11[%broadcast_in_dim3A_1859, %broadcast_in_dim3A_1857, %select_n3A, %select_n3A_127, %broadcast_in_dim3A_1850] : memref<8x1x4x8x128xf32, #tpu.memory_space<vmem>>[vector<16xi32>, vector<16xi32>, vector<16xi32>, vector<16xi32>, vector<16xi32>], vector<16xf32>,
      %gather3A_1861 = tpu.vector_load_idx %arg11[%broadcast_in_dim3A_1859, %broadcast_in_dim3A_1857, %add3A_107, %select_n3A_127, %broadcast_in_dim3A_1850] : memref<8x1x4x8x128xf32, #tpu.memory_space<vmem>>[vector<16xi32>, vector<16xi32>, vector<16xi32>, vector<16xi32>, vector<16xi32>], vector<16xf32>,
      %gather3A_1862 = tpu.vector_load_idx %arg12[%broadcast_in_dim3A_1859, %broadcast_in_dim3A_1857, %select_n3A, %select_n3A_127, %broadcast_in_dim3A_1855] : memref<8x1x4x8x128xf32, #tpu.memory_space<vmem>>[vector<16xi32>, vector<16xi32>, vector<16xi32>, vector<16xi32>, vector<16xi32>], vector<16xf32>,
      %gather3A_1863 = tpu.vector_load_idx %arg12[%broadcast_in_dim3A_1859, %broadcast_in_dim3A_1857, %add3A_107, %select_n3A_127, %broadcast_in_dim3A_1855] : memref<8x1x4x8x128xf32, #tpu.memory_space<vmem>>[vector<16xi32>, vector<16xi32>, vector<16xi32>, vector<16xi32>, vector<16xi32>], vector<16xf32>,
      %mul3A_1864 = arith.mulf %gather3A_1860, %gather3A_1862 : vector<16xf32>
      %mul3A_1865 = arith.mulf %gather3A_1861, %gather3A_1863 : vector<16xf32>
      %add3A_1866 = arith.addf %mul3A_1864, %mul3A_1865 : vector<16xf32>
      %reduce_sum3A_1867 = arith.constant true
      %reduce_sum3A_1868 = vector.broadcast %reduce_sum3A_1867 : i1 to vector<16xi1>
      %reduce_sum3A_1869 = tpu.scan <sum>, %add3A_1866 masked %reduce_sum3A_1868 : vector<16xf32>, vector<16xi1> -> vector<16xf32>
      %reduce_sum3A_1870 = vector.extract %reduce_sum3A_1869[15] : f32 from vector<16xf32>
      %eq3A_1871 = arith.constant 11 : i32
      %eq3A_1872 = vector.broadcast %eq3A_1871 : i32 to vector<16xi32>
      %eq3A_1873 = arith.cmpi eq, %iota3A, %eq3A_1872 : vector<16xi32>
      %broadcast_in_dim3A_1874 = vector.broadcast %reduce_sum3A_1870 : f32 to vector<16xf32>
      %select_n3A_1875 = arith.select %eq3A_1873, %broadcast_in_dim3A_1874, %select_n3A_1800 : vector<16xi1>, vector<16xf32>
      %lt3A_1876 = arith.constant 31 : i32
      %lt3A_1877 = arith.cmpi slt, %scan3A_512, %lt3A_1876 : i32
      %convert_element_type3A_1878 = arith.extui %lt3A_1877 : i1 to i32
      %cond3A_1879 = arith.constant 0 : i32
      %cond3A_1880 = arith.cmpi ne, %convert_element_type3A_1878, %cond3A_1879 : i32
      scf.if %cond3A_1880 {
        %slice3A_2184 = vector.extract_strided_slice %get3A_526 {offsets = [2], sizes = [1], strides = [1]} : vector<16xi32> to vector<1xi32>
        %squeeze3A_2185 = vector.extract %slice3A_2184[0] : i32 from vector<1xi32>
        %shift_right_arithmetic3A_2186 = arith.constant 7 : i32
        %shift_right_arithmetic3A_2187 = arith.shrsi %squeeze3A_2185, %shift_right_arithmetic3A_2186 : i32
        %mul3A_2188 = arith.constant 128 : i32
        %mul3A_2189 = arith.muli %shift_right_arithmetic3A_2187, %mul3A_2188 : i32
        %multiple_of3A_2190 = tpu.assume_multiple %mul3A_2189, 128 : i32
        %slice3A_2191 = vector.extract_strided_slice %get3A_528 {offsets = [2], sizes = [1], strides = [1]} : vector<16xi32> to vector<1xi32>
        %squeeze3A_2192 = vector.extract %slice3A_2191[0] : i32 from vector<1xi32>
        %shift_right_arithmetic3A_2193 = arith.constant 7 : i32
        %shift_right_arithmetic3A_2194 = arith.shrsi %squeeze3A_2192, %shift_right_arithmetic3A_2193 : i32
        %mul3A_2195 = arith.constant 128 : i32
        %mul3A_2196 = arith.muli %shift_right_arithmetic3A_2194, %mul3A_2195 : i32
        %multiple_of3A_2197 = tpu.assume_multiple %mul3A_2196, 128 : i32
        %dma_start3A_2198 = arith.constant 2 : i32
        %dma_start3A_2199 = arith.constant 0 : i32
        %dma_start3A_2200 = arith.constant 0 : i32
        %dma_start3A_2201 = arith.constant 0 : i32
        %dma_start3A_2202 = arith.constant 0 : i32
        %dma_start3A_2203 = tpu.memref_slice %arg11[%dma_start3A_2198, %dma_start3A_2199, %dma_start3A_2200, %dma_start3A_2201, %dma_start3A_2202] : memref<8x1x4x8x128xf32, #tpu.memory_space<vmem>> -> memref<1x1x4x8x128xf32, #tpu.memory_space<vmem>>
        %dma_start3A_2204 = tpu.memref_squeeze %dma_start3A_2203 : memref<1x1x4x8x128xf32, #tpu.memory_space<vmem>> -> memref<4x8x128xf32, #tpu.memory_space<vmem>>
        %dma_start3A_2205 = arith.constant 0 : i32
        %dma_start3A_2206 = arith.constant 0 : i32
        %dma_start3A_2207 = tpu.memref_slice %arg4[%dma_start3A_2205, %dma_start3A_2206, %multiple_of3A_2190] : memref<4x8x1000000xf32, #tpu.memory_space<hbm>> -> memref<4x8x128xf32, #tpu.memory_space<hbm>>
        %dma_start3A_2208 = arith.constant 0 : i32
        %dma_start3A_2209 = arith.constant 0 : i32
        %dma_start3A_2210 = arith.constant 0 : i32
        %dma_start3A_2211 = tpu.memref_slice %arg11[%dma_start3A_2198, %dma_start3A_2199, %dma_start3A_2208, %dma_start3A_2209, %dma_start3A_2210] : memref<8x1x4x8x128xf32, #tpu.memory_space<vmem>> -> memref<1x1x4x8x128xf32, #tpu.memory_space<vmem>>
        %dma_start3A_2212 = tpu.memref_squeeze %dma_start3A_2211 : memref<1x1x4x8x128xf32, #tpu.memory_space<vmem>> -> memref<4x8x128xf32, #tpu.memory_space<vmem>>
        %dma_start3A_2213 = arith.constant 0 : i32
        %dma_start3A_2214 = arith.constant 0 : i32
        %dma_start3A_2215 = tpu.memref_slice %arg4[%dma_start3A_2213, %dma_start3A_2214, %multiple_of3A_2190] : memref<4x8x1000000xf32, #tpu.memory_space<hbm>> -> memref<4x8x128xf32, #tpu.memory_space<hbm>>
        tpu.enqueue_dma source(%dma_start3A_2215 : memref<4x8x128xf32, #tpu.memory_space<hbm>>) target(%dma_start3A_2212 : memref<4x8x128xf32, #tpu.memory_space<vmem>>) target_semaphore(%arg18 : memref<!tpu.dma_semaphore, #tpu.memory_space<semaphore_mem>>)
        %dma_start3A_2216 = arith.constant 2 : i32
        %dma_start3A_2217 = arith.constant 0 : i32
        %dma_start3A_2218 = arith.constant 0 : i32
        %dma_start3A_2219 = arith.constant 0 : i32
        %dma_start3A_2220 = arith.constant 0 : i32
        %dma_start3A_2221 = tpu.memref_slice %arg12[%dma_start3A_2216, %dma_start3A_2217, %dma_start3A_2218, %dma_start3A_2219, %dma_start3A_2220] : memref<8x1x4x8x128xf32, #tpu.memory_space<vmem>> -> memref<1x1x4x8x128xf32, #tpu.memory_space<vmem>>
        %dma_start3A_2222 = tpu.memref_squeeze %dma_start3A_2221 : memref<1x1x4x8x128xf32, #tpu.memory_space<vmem>> -> memref<4x8x128xf32, #tpu.memory_space<vmem>>
        %dma_start3A_2223 = arith.constant 0 : i32
        %dma_start3A_2224 = arith.constant 0 : i32
        %dma_start3A_2225 = tpu.memref_slice %arg5[%dma_start3A_2223, %dma_start3A_2224, %multiple_of3A_2197] : memref<4x8x1000000xf32, #tpu.memory_space<hbm>> -> memref<4x8x128xf32, #tpu.memory_space<hbm>>
        %dma_start3A_2226 = arith.constant 0 : i32
        %dma_start3A_2227 = arith.constant 0 : i32
        %dma_start3A_2228 = arith.constant 0 : i32
        %dma_start3A_2229 = tpu.memref_slice %arg12[%dma_start3A_2216, %dma_start3A_2217, %dma_start3A_2226, %dma_start3A_2227, %dma_start3A_2228] : memref<8x1x4x8x128xf32, #tpu.memory_space<vmem>> -> memref<1x1x4x8x128xf32, #tpu.memory_space<vmem>>
        %dma_start3A_2230 = tpu.memref_squeeze %dma_start3A_2229 : memref<1x1x4x8x128xf32, #tpu.memory_space<vmem>> -> memref<4x8x128xf32, #tpu.memory_space<vmem>>
        %dma_start3A_2231 = arith.constant 0 : i32
        %dma_start3A_2232 = arith.constant 0 : i32
        %dma_start3A_2233 = tpu.memref_slice %arg5[%dma_start3A_2231, %dma_start3A_2232, %multiple_of3A_2197] : memref<4x8x1000000xf32, #tpu.memory_space<hbm>> -> memref<4x8x128xf32, #tpu.memory_space<hbm>>
        tpu.enqueue_dma source(%dma_start3A_2233 : memref<4x8x128xf32, #tpu.memory_space<hbm>>) target(%dma_start3A_2230 : memref<4x8x128xf32, #tpu.memory_space<vmem>>) target_semaphore(%arg18 : memref<!tpu.dma_semaphore, #tpu.memory_space<semaphore_mem>>)
      } else {
      }
      %dma_wait3A_1881 = arith.constant 0 : i32
      %dma_wait3A_1882 = arith.constant 0 : i32
      %dma_wait3A_1883 = arith.constant 0 : i32
      %dma_wait3A_1884 = arith.constant 0 : i32
      %dma_wait3A_1885 = arith.constant 0 : i32
      %dma_wait3A_1886 = tpu.memref_slice %arg11[%dma_wait3A_1881, %dma_wait3A_1882, %dma_wait3A_1883, %dma_wait3A_1884, %dma_wait3A_1885] : memref<8x1x4x8x128xf32, #tpu.memory_space<vmem>> -> memref<1x1x4x8x128xf32, #tpu.memory_space<vmem>>
      %dma_wait3A_1887 = tpu.memref_squeeze %dma_wait3A_1886 : memref<1x1x4x8x128xf32, #tpu.memory_space<vmem>> -> memref<4x8x128xf32, #tpu.memory_space<vmem>>
      %dma_wait3A_1888 = arith.constant 0 : i32
      %dma_wait3A_1889 = arith.constant 0 : i32
      %dma_wait3A_1890 = arith.constant 0 : i32
      %dma_wait3A_1891 = tpu.memref_slice %arg4[%dma_wait3A_1888, %dma_wait3A_1889, %dma_wait3A_1890] : memref<4x8x1000000xf32, #tpu.memory_space<hbm>> -> memref<4x8x128xf32, #tpu.memory_space<hbm>>
      %dma_wait3A_1892 = arith.constant 0 : i32
      %dma_wait3A_1893 = arith.constant 0 : i32
      %dma_wait3A_1894 = arith.constant 0 : i32
      %dma_wait3A_1895 = tpu.memref_slice %arg11[%dma_wait3A_1881, %dma_wait3A_1882, %dma_wait3A_1892, %dma_wait3A_1893, %dma_wait3A_1894] : memref<8x1x4x8x128xf32, #tpu.memory_space<vmem>> -> memref<1x1x4x8x128xf32, #tpu.memory_space<vmem>>
      %dma_wait3A_1896 = tpu.memref_squeeze %dma_wait3A_1895 : memref<1x1x4x8x128xf32, #tpu.memory_space<vmem>> -> memref<4x8x128xf32, #tpu.memory_space<vmem>>
      %dma_wait3A_1897 = arith.constant 0 : i32
      %dma_wait3A_1898 = arith.constant 0 : i32
      %dma_wait3A_1899 = arith.constant 0 : i32
      %dma_wait3A_1900 = tpu.memref_slice %arg4[%dma_wait3A_1897, %dma_wait3A_1898, %dma_wait3A_1899] : memref<4x8x1000000xf32, #tpu.memory_space<hbm>> -> memref<4x8x128xf32, #tpu.memory_space<hbm>>
      tpu.wait_dma2 semaphore(%arg20 : memref<!tpu.dma_semaphore, #tpu.memory_space<semaphore_mem>>) src(%dma_wait3A_1900 : memref<4x8x128xf32, #tpu.memory_space<hbm>>) dst(%dma_wait3A_1896 : memref<4x8x128xf32, #tpu.memory_space<vmem>>)
      %dma_wait3A_1901 = arith.constant 0 : i32
      %dma_wait3A_1902 = arith.constant 0 : i32
      %dma_wait3A_1903 = arith.constant 0 : i32
      %dma_wait3A_1904 = arith.constant 0 : i32
      %dma_wait3A_1905 = arith.constant 0 : i32
      %dma_wait3A_1906 = tpu.memref_slice %arg12[%dma_wait3A_1901, %dma_wait3A_1902, %dma_wait3A_1903, %dma_wait3A_1904, %dma_wait3A_1905] : memref<8x1x4x8x128xf32, #tpu.memory_space<vmem>> -> memref<1x1x4x8x128xf32, #tpu.memory_space<vmem>>
      %dma_wait3A_1907 = tpu.memref_squeeze %dma_wait3A_1906 : memref<1x1x4x8x128xf32, #tpu.memory_space<vmem>> -> memref<4x8x128xf32, #tpu.memory_space<vmem>>
      %dma_wait3A_1908 = arith.constant 0 : i32
      %dma_wait3A_1909 = arith.constant 0 : i32
      %dma_wait3A_1910 = arith.constant 0 : i32
      %dma_wait3A_1911 = tpu.memref_slice %arg5[%dma_wait3A_1908, %dma_wait3A_1909, %dma_wait3A_1910] : memref<4x8x1000000xf32, #tpu.memory_space<hbm>> -> memref<4x8x128xf32, #tpu.memory_space<hbm>>
      %dma_wait3A_1912 = arith.constant 0 : i32
      %dma_wait3A_1913 = arith.constant 0 : i32
      %dma_wait3A_1914 = arith.constant 0 : i32
      %dma_wait3A_1915 = tpu.memref_slice %arg12[%dma_wait3A_1901, %dma_wait3A_1902, %dma_wait3A_1912, %dma_wait3A_1913, %dma_wait3A_1914] : memref<8x1x4x8x128xf32, #tpu.memory_space<vmem>> -> memref<1x1x4x8x128xf32, #tpu.memory_space<vmem>>
      %dma_wait3A_1916 = tpu.memref_squeeze %dma_wait3A_1915 : memref<1x1x4x8x128xf32, #tpu.memory_space<vmem>> -> memref<4x8x128xf32, #tpu.memory_space<vmem>>
      %dma_wait3A_1917 = arith.constant 0 : i32
      %dma_wait3A_1918 = arith.constant 0 : i32
      %dma_wait3A_1919 = arith.constant 0 : i32
      %dma_wait3A_1920 = tpu.memref_slice %arg5[%dma_wait3A_1917, %dma_wait3A_1918, %dma_wait3A_1919] : memref<4x8x1000000xf32, #tpu.memory_space<hbm>> -> memref<4x8x128xf32, #tpu.memory_space<hbm>>
      tpu.wait_dma2 semaphore(%arg20 : memref<!tpu.dma_semaphore, #tpu.memory_space<semaphore_mem>>) src(%dma_wait3A_1920 : memref<4x8x128xf32, #tpu.memory_space<hbm>>) dst(%dma_wait3A_1916 : memref<4x8x128xf32, #tpu.memory_space<vmem>>)
      %slice3A_1921 = vector.extract_strided_slice %get3A_517 {offsets = [12], sizes = [1], strides = [1]} : vector<16xi32> to vector<1xi32>
      %squeeze3A_1922 = vector.extract %slice3A_1921[0] : i32 from vector<1xi32>
      %and3A_1923 = arith.constant 127 : i32
      %and3A_1924 = arith.andi %squeeze3A_1922, %and3A_1923 : i32
      %broadcast_in_dim3A_1925 = vector.broadcast %and3A_1924 : i32 to vector<16xi32>
      %slice3A_1926 = vector.extract_strided_slice %get3A_519 {offsets = [12], sizes = [1], strides = [1]} : vector<16xi32> to vector<1xi32>
      %squeeze3A_1927 = vector.extract %slice3A_1926[0] : i32 from vector<1xi32>
      %and3A_1928 = arith.constant 127 : i32
      %and3A_1929 = arith.andi %squeeze3A_1927, %and3A_1928 : i32
      %broadcast_in_dim3A_1930 = vector.broadcast %and3A_1929 : i32 to vector<16xi32>
      %broadcast_in_dim3A_1931 = arith.constant 0 : i32
      %broadcast_in_dim3A_1932 = vector.broadcast %broadcast_in_dim3A_1931 : i32 to vector<16xi32>
      %broadcast_in_dim3A_1933 = arith.constant 4 : i32
      %broadcast_in_dim3A_1934 = vector.broadcast %broadcast_in_dim3A_1933 : i32 to vector<16xi32>
      %gather3A_1935 = tpu.vector_load_idx %arg11[%broadcast_in_dim3A_1934, %broadcast_in_dim3A_1932, %select_n3A, %select_n3A_127, %broadcast_in_dim3A_1925] : memref<8x1x4x8x128xf32, #tpu.memory_space<vmem>>[vector<16xi32>, vector<16xi32>, vector<16xi32>, vector<16xi32>, vector<16xi32>], vector<16xf32>,
      %gather3A_1936 = tpu.vector_load_idx %arg11[%broadcast_in_dim3A_1934, %broadcast_in_dim3A_1932, %add3A_107, %select_n3A_127, %broadcast_in_dim3A_1925] : memref<8x1x4x8x128xf32, #tpu.memory_space<vmem>>[vector<16xi32>, vector<16xi32>, vector<16xi32>, vector<16xi32>, vector<16xi32>], vector<16xf32>,
      %gather3A_1937 = tpu.vector_load_idx %arg12[%broadcast_in_dim3A_1934, %broadcast_in_dim3A_1932, %select_n3A, %select_n3A_127, %broadcast_in_dim3A_1930] : memref<8x1x4x8x128xf32, #tpu.memory_space<vmem>>[vector<16xi32>, vector<16xi32>, vector<16xi32>, vector<16xi32>, vector<16xi32>], vector<16xf32>,
      %gather3A_1938 = tpu.vector_load_idx %arg12[%broadcast_in_dim3A_1934, %broadcast_in_dim3A_1932, %add3A_107, %select_n3A_127, %broadcast_in_dim3A_1930] : memref<8x1x4x8x128xf32, #tpu.memory_space<vmem>>[vector<16xi32>, vector<16xi32>, vector<16xi32>, vector<16xi32>, vector<16xi32>], vector<16xf32>,
      %mul3A_1939 = arith.mulf %gather3A_1935, %gather3A_1937 : vector<16xf32>
      %mul3A_1940 = arith.mulf %gather3A_1936, %gather3A_1938 : vector<16xf32>
      %add3A_1941 = arith.addf %mul3A_1939, %mul3A_1940 : vector<16xf32>
      %reduce_sum3A_1942 = arith.constant true
      %reduce_sum3A_1943 = vector.broadcast %reduce_sum3A_1942 : i1 to vector<16xi1>
      %reduce_sum3A_1944 = tpu.scan <sum>, %add3A_1941 masked %reduce_sum3A_1943 : vector<16xf32>, vector<16xi1> -> vector<16xf32>
      %reduce_sum3A_1945 = vector.extract %reduce_sum3A_1944[15] : f32 from vector<16xf32>
      %eq3A_1946 = arith.constant 12 : i32
      %eq3A_1947 = vector.broadcast %eq3A_1946 : i32 to vector<16xi32>
      %eq3A_1948 = arith.cmpi eq, %iota3A, %eq3A_1947 : vector<16xi32>
      %broadcast_in_dim3A_1949 = vector.broadcast %reduce_sum3A_1945 : f32 to vector<16xf32>
      %select_n3A_1950 = arith.select %eq3A_1948, %broadcast_in_dim3A_1949, %select_n3A_1875 : vector<16xi1>, vector<16xf32>
      %lt3A_1951 = arith.constant 31 : i32
      %lt3A_1952 = arith.cmpi slt, %scan3A_512, %lt3A_1951 : i32
      %convert_element_type3A_1953 = arith.extui %lt3A_1952 : i1 to i32
      %cond3A_1954 = arith.constant 0 : i32
      %cond3A_1955 = arith.cmpi ne, %convert_element_type3A_1953, %cond3A_1954 : i32
      scf.if %cond3A_1955 {
        %slice3A_2184 = vector.extract_strided_slice %get3A_526 {offsets = [3], sizes = [1], strides = [1]} : vector<16xi32> to vector<1xi32>
        %squeeze3A_2185 = vector.extract %slice3A_2184[0] : i32 from vector<1xi32>
        %shift_right_arithmetic3A_2186 = arith.constant 7 : i32
        %shift_right_arithmetic3A_2187 = arith.shrsi %squeeze3A_2185, %shift_right_arithmetic3A_2186 : i32
        %mul3A_2188 = arith.constant 128 : i32
        %mul3A_2189 = arith.muli %shift_right_arithmetic3A_2187, %mul3A_2188 : i32
        %multiple_of3A_2190 = tpu.assume_multiple %mul3A_2189, 128 : i32
        %slice3A_2191 = vector.extract_strided_slice %get3A_528 {offsets = [3], sizes = [1], strides = [1]} : vector<16xi32> to vector<1xi32>
        %squeeze3A_2192 = vector.extract %slice3A_2191[0] : i32 from vector<1xi32>
        %shift_right_arithmetic3A_2193 = arith.constant 7 : i32
        %shift_right_arithmetic3A_2194 = arith.shrsi %squeeze3A_2192, %shift_right_arithmetic3A_2193 : i32
        %mul3A_2195 = arith.constant 128 : i32
        %mul3A_2196 = arith.muli %shift_right_arithmetic3A_2194, %mul3A_2195 : i32
        %multiple_of3A_2197 = tpu.assume_multiple %mul3A_2196, 128 : i32
        %dma_start3A_2198 = arith.constant 3 : i32
        %dma_start3A_2199 = arith.constant 0 : i32
        %dma_start3A_2200 = arith.constant 0 : i32
        %dma_start3A_2201 = arith.constant 0 : i32
        %dma_start3A_2202 = arith.constant 0 : i32
        %dma_start3A_2203 = tpu.memref_slice %arg11[%dma_start3A_2198, %dma_start3A_2199, %dma_start3A_2200, %dma_start3A_2201, %dma_start3A_2202] : memref<8x1x4x8x128xf32, #tpu.memory_space<vmem>> -> memref<1x1x4x8x128xf32, #tpu.memory_space<vmem>>
        %dma_start3A_2204 = tpu.memref_squeeze %dma_start3A_2203 : memref<1x1x4x8x128xf32, #tpu.memory_space<vmem>> -> memref<4x8x128xf32, #tpu.memory_space<vmem>>
        %dma_start3A_2205 = arith.constant 0 : i32
        %dma_start3A_2206 = arith.constant 0 : i32
        %dma_start3A_2207 = tpu.memref_slice %arg4[%dma_start3A_2205, %dma_start3A_2206, %multiple_of3A_2190] : memref<4x8x1000000xf32, #tpu.memory_space<hbm>> -> memref<4x8x128xf32, #tpu.memory_space<hbm>>
        %dma_start3A_2208 = arith.constant 0 : i32
        %dma_start3A_2209 = arith.constant 0 : i32
        %dma_start3A_2210 = arith.constant 0 : i32
        %dma_start3A_2211 = tpu.memref_slice %arg11[%dma_start3A_2198, %dma_start3A_2199, %dma_start3A_2208, %dma_start3A_2209, %dma_start3A_2210] : memref<8x1x4x8x128xf32, #tpu.memory_space<vmem>> -> memref<1x1x4x8x128xf32, #tpu.memory_space<vmem>>
        %dma_start3A_2212 = tpu.memref_squeeze %dma_start3A_2211 : memref<1x1x4x8x128xf32, #tpu.memory_space<vmem>> -> memref<4x8x128xf32, #tpu.memory_space<vmem>>
        %dma_start3A_2213 = arith.constant 0 : i32
        %dma_start3A_2214 = arith.constant 0 : i32
        %dma_start3A_2215 = tpu.memref_slice %arg4[%dma_start3A_2213, %dma_start3A_2214, %multiple_of3A_2190] : memref<4x8x1000000xf32, #tpu.memory_space<hbm>> -> memref<4x8x128xf32, #tpu.memory_space<hbm>>
        tpu.enqueue_dma source(%dma_start3A_2215 : memref<4x8x128xf32, #tpu.memory_space<hbm>>) target(%dma_start3A_2212 : memref<4x8x128xf32, #tpu.memory_space<vmem>>) target_semaphore(%arg19 : memref<!tpu.dma_semaphore, #tpu.memory_space<semaphore_mem>>)
        %dma_start3A_2216 = arith.constant 3 : i32
        %dma_start3A_2217 = arith.constant 0 : i32
        %dma_start3A_2218 = arith.constant 0 : i32
        %dma_start3A_2219 = arith.constant 0 : i32
        %dma_start3A_2220 = arith.constant 0 : i32
        %dma_start3A_2221 = tpu.memref_slice %arg12[%dma_start3A_2216, %dma_start3A_2217, %dma_start3A_2218, %dma_start3A_2219, %dma_start3A_2220] : memref<8x1x4x8x128xf32, #tpu.memory_space<vmem>> -> memref<1x1x4x8x128xf32, #tpu.memory_space<vmem>>
        %dma_start3A_2222 = tpu.memref_squeeze %dma_start3A_2221 : memref<1x1x4x8x128xf32, #tpu.memory_space<vmem>> -> memref<4x8x128xf32, #tpu.memory_space<vmem>>
        %dma_start3A_2223 = arith.constant 0 : i32
        %dma_start3A_2224 = arith.constant 0 : i32
        %dma_start3A_2225 = tpu.memref_slice %arg5[%dma_start3A_2223, %dma_start3A_2224, %multiple_of3A_2197] : memref<4x8x1000000xf32, #tpu.memory_space<hbm>> -> memref<4x8x128xf32, #tpu.memory_space<hbm>>
        %dma_start3A_2226 = arith.constant 0 : i32
        %dma_start3A_2227 = arith.constant 0 : i32
        %dma_start3A_2228 = arith.constant 0 : i32
        %dma_start3A_2229 = tpu.memref_slice %arg12[%dma_start3A_2216, %dma_start3A_2217, %dma_start3A_2226, %dma_start3A_2227, %dma_start3A_2228] : memref<8x1x4x8x128xf32, #tpu.memory_space<vmem>> -> memref<1x1x4x8x128xf32, #tpu.memory_space<vmem>>
        %dma_start3A_2230 = tpu.memref_squeeze %dma_start3A_2229 : memref<1x1x4x8x128xf32, #tpu.memory_space<vmem>> -> memref<4x8x128xf32, #tpu.memory_space<vmem>>
        %dma_start3A_2231 = arith.constant 0 : i32
        %dma_start3A_2232 = arith.constant 0 : i32
        %dma_start3A_2233 = tpu.memref_slice %arg5[%dma_start3A_2231, %dma_start3A_2232, %multiple_of3A_2197] : memref<4x8x1000000xf32, #tpu.memory_space<hbm>> -> memref<4x8x128xf32, #tpu.memory_space<hbm>>
        tpu.enqueue_dma source(%dma_start3A_2233 : memref<4x8x128xf32, #tpu.memory_space<hbm>>) target(%dma_start3A_2230 : memref<4x8x128xf32, #tpu.memory_space<vmem>>) target_semaphore(%arg19 : memref<!tpu.dma_semaphore, #tpu.memory_space<semaphore_mem>>)
      } else {
      }
      %dma_wait3A_1956 = arith.constant 0 : i32
      %dma_wait3A_1957 = arith.constant 0 : i32
      %dma_wait3A_1958 = arith.constant 0 : i32
      %dma_wait3A_1959 = arith.constant 0 : i32
      %dma_wait3A_1960 = arith.constant 0 : i32
      %dma_wait3A_1961 = tpu.memref_slice %arg11[%dma_wait3A_1956, %dma_wait3A_1957, %dma_wait3A_1958, %dma_wait3A_1959, %dma_wait3A_1960] : memref<8x1x4x8x128xf32, #tpu.memory_space<vmem>> -> memref<1x1x4x8x128xf32, #tpu.memory_space<vmem>>
      %dma_wait3A_1962 = tpu.memref_squeeze %dma_wait3A_1961 : memref<1x1x4x8x128xf32, #tpu.memory_space<vmem>> -> memref<4x8x128xf32, #tpu.memory_space<vmem>>
      %dma_wait3A_1963 = arith.constant 0 : i32
      %dma_wait3A_1964 = arith.constant 0 : i32
      %dma_wait3A_1965 = arith.constant 0 : i32
      %dma_wait3A_1966 = tpu.memref_slice %arg4[%dma_wait3A_1963, %dma_wait3A_1964, %dma_wait3A_1965] : memref<4x8x1000000xf32, #tpu.memory_space<hbm>> -> memref<4x8x128xf32, #tpu.memory_space<hbm>>
      %dma_wait3A_1967 = arith.constant 0 : i32
      %dma_wait3A_1968 = arith.constant 0 : i32
      %dma_wait3A_1969 = arith.constant 0 : i32
      %dma_wait3A_1970 = tpu.memref_slice %arg11[%dma_wait3A_1956, %dma_wait3A_1957, %dma_wait3A_1967, %dma_wait3A_1968, %dma_wait3A_1969] : memref<8x1x4x8x128xf32, #tpu.memory_space<vmem>> -> memref<1x1x4x8x128xf32, #tpu.memory_space<vmem>>
      %dma_wait3A_1971 = tpu.memref_squeeze %dma_wait3A_1970 : memref<1x1x4x8x128xf32, #tpu.memory_space<vmem>> -> memref<4x8x128xf32, #tpu.memory_space<vmem>>
      %dma_wait3A_1972 = arith.constant 0 : i32
      %dma_wait3A_1973 = arith.constant 0 : i32
      %dma_wait3A_1974 = arith.constant 0 : i32
      %dma_wait3A_1975 = tpu.memref_slice %arg4[%dma_wait3A_1972, %dma_wait3A_1973, %dma_wait3A_1974] : memref<4x8x1000000xf32, #tpu.memory_space<hbm>> -> memref<4x8x128xf32, #tpu.memory_space<hbm>>
      tpu.wait_dma2 semaphore(%arg21 : memref<!tpu.dma_semaphore, #tpu.memory_space<semaphore_mem>>) src(%dma_wait3A_1975 : memref<4x8x128xf32, #tpu.memory_space<hbm>>) dst(%dma_wait3A_1971 : memref<4x8x128xf32, #tpu.memory_space<vmem>>)
      %dma_wait3A_1976 = arith.constant 0 : i32
      %dma_wait3A_1977 = arith.constant 0 : i32
      %dma_wait3A_1978 = arith.constant 0 : i32
      %dma_wait3A_1979 = arith.constant 0 : i32
      %dma_wait3A_1980 = arith.constant 0 : i32
      %dma_wait3A_1981 = tpu.memref_slice %arg12[%dma_wait3A_1976, %dma_wait3A_1977, %dma_wait3A_1978, %dma_wait3A_1979, %dma_wait3A_1980] : memref<8x1x4x8x128xf32, #tpu.memory_space<vmem>> -> memref<1x1x4x8x128xf32, #tpu.memory_space<vmem>>
      %dma_wait3A_1982 = tpu.memref_squeeze %dma_wait3A_1981 : memref<1x1x4x8x128xf32, #tpu.memory_space<vmem>> -> memref<4x8x128xf32, #tpu.memory_space<vmem>>
      %dma_wait3A_1983 = arith.constant 0 : i32
      %dma_wait3A_1984 = arith.constant 0 : i32
      %dma_wait3A_1985 = arith.constant 0 : i32
      %dma_wait3A_1986 = tpu.memref_slice %arg5[%dma_wait3A_1983, %dma_wait3A_1984, %dma_wait3A_1985] : memref<4x8x1000000xf32, #tpu.memory_space<hbm>> -> memref<4x8x128xf32, #tpu.memory_space<hbm>>
      %dma_wait3A_1987 = arith.constant 0 : i32
      %dma_wait3A_1988 = arith.constant 0 : i32
      %dma_wait3A_1989 = arith.constant 0 : i32
      %dma_wait3A_1990 = tpu.memref_slice %arg12[%dma_wait3A_1976, %dma_wait3A_1977, %dma_wait3A_1987, %dma_wait3A_1988, %dma_wait3A_1989] : memref<8x1x4x8x128xf32, #tpu.memory_space<vmem>> -> memref<1x1x4x8x128xf32, #tpu.memory_space<vmem>>
      %dma_wait3A_1991 = tpu.memref_squeeze %dma_wait3A_1990 : memref<1x1x4x8x128xf32, #tpu.memory_space<vmem>> -> memref<4x8x128xf32, #tpu.memory_space<vmem>>
      %dma_wait3A_1992 = arith.constant 0 : i32
      %dma_wait3A_1993 = arith.constant 0 : i32
      %dma_wait3A_1994 = arith.constant 0 : i32
      %dma_wait3A_1995 = tpu.memref_slice %arg5[%dma_wait3A_1992, %dma_wait3A_1993, %dma_wait3A_1994] : memref<4x8x1000000xf32, #tpu.memory_space<hbm>> -> memref<4x8x128xf32, #tpu.memory_space<hbm>>
      tpu.wait_dma2 semaphore(%arg21 : memref<!tpu.dma_semaphore, #tpu.memory_space<semaphore_mem>>) src(%dma_wait3A_1995 : memref<4x8x128xf32, #tpu.memory_space<hbm>>) dst(%dma_wait3A_1991 : memref<4x8x128xf32, #tpu.memory_space<vmem>>)
      %slice3A_1996 = vector.extract_strided_slice %get3A_517 {offsets = [13], sizes = [1], strides = [1]} : vector<16xi32> to vector<1xi32>
      %squeeze3A_1997 = vector.extract %slice3A_1996[0] : i32 from vector<1xi32>
      %and3A_1998 = arith.constant 127 : i32
      %and3A_1999 = arith.andi %squeeze3A_1997, %and3A_1998 : i32
      %broadcast_in_dim3A_2000 = vector.broadcast %and3A_1999 : i32 to vector<16xi32>
      %slice3A_2001 = vector.extract_strided_slice %get3A_519 {offsets = [13], sizes = [1], strides = [1]} : vector<16xi32> to vector<1xi32>
      %squeeze3A_2002 = vector.extract %slice3A_2001[0] : i32 from vector<1xi32>
      %and3A_2003 = arith.constant 127 : i32
      %and3A_2004 = arith.andi %squeeze3A_2002, %and3A_2003 : i32
      %broadcast_in_dim3A_2005 = vector.broadcast %and3A_2004 : i32 to vector<16xi32>
      %broadcast_in_dim3A_2006 = arith.constant 0 : i32
      %broadcast_in_dim3A_2007 = vector.broadcast %broadcast_in_dim3A_2006 : i32 to vector<16xi32>
      %broadcast_in_dim3A_2008 = arith.constant 5 : i32
      %broadcast_in_dim3A_2009 = vector.broadcast %broadcast_in_dim3A_2008 : i32 to vector<16xi32>
      %gather3A_2010 = tpu.vector_load_idx %arg11[%broadcast_in_dim3A_2009, %broadcast_in_dim3A_2007, %select_n3A, %select_n3A_127, %broadcast_in_dim3A_2000] : memref<8x1x4x8x128xf32, #tpu.memory_space<vmem>>[vector<16xi32>, vector<16xi32>, vector<16xi32>, vector<16xi32>, vector<16xi32>], vector<16xf32>,
      %gather3A_2011 = tpu.vector_load_idx %arg11[%broadcast_in_dim3A_2009, %broadcast_in_dim3A_2007, %add3A_107, %select_n3A_127, %broadcast_in_dim3A_2000] : memref<8x1x4x8x128xf32, #tpu.memory_space<vmem>>[vector<16xi32>, vector<16xi32>, vector<16xi32>, vector<16xi32>, vector<16xi32>], vector<16xf32>,
      %gather3A_2012 = tpu.vector_load_idx %arg12[%broadcast_in_dim3A_2009, %broadcast_in_dim3A_2007, %select_n3A, %select_n3A_127, %broadcast_in_dim3A_2005] : memref<8x1x4x8x128xf32, #tpu.memory_space<vmem>>[vector<16xi32>, vector<16xi32>, vector<16xi32>, vector<16xi32>, vector<16xi32>], vector<16xf32>,
      %gather3A_2013 = tpu.vector_load_idx %arg12[%broadcast_in_dim3A_2009, %broadcast_in_dim3A_2007, %add3A_107, %select_n3A_127, %broadcast_in_dim3A_2005] : memref<8x1x4x8x128xf32, #tpu.memory_space<vmem>>[vector<16xi32>, vector<16xi32>, vector<16xi32>, vector<16xi32>, vector<16xi32>], vector<16xf32>,
      %mul3A_2014 = arith.mulf %gather3A_2010, %gather3A_2012 : vector<16xf32>
      %mul3A_2015 = arith.mulf %gather3A_2011, %gather3A_2013 : vector<16xf32>
      %add3A_2016 = arith.addf %mul3A_2014, %mul3A_2015 : vector<16xf32>
      %reduce_sum3A_2017 = arith.constant true
      %reduce_sum3A_2018 = vector.broadcast %reduce_sum3A_2017 : i1 to vector<16xi1>
      %reduce_sum3A_2019 = tpu.scan <sum>, %add3A_2016 masked %reduce_sum3A_2018 : vector<16xf32>, vector<16xi1> -> vector<16xf32>
      %reduce_sum3A_2020 = vector.extract %reduce_sum3A_2019[15] : f32 from vector<16xf32>
      %eq3A_2021 = arith.constant 13 : i32
      %eq3A_2022 = vector.broadcast %eq3A_2021 : i32 to vector<16xi32>
      %eq3A_2023 = arith.cmpi eq, %iota3A, %eq3A_2022 : vector<16xi32>
      %broadcast_in_dim3A_2024 = vector.broadcast %reduce_sum3A_2020 : f32 to vector<16xf32>
      %select_n3A_2025 = arith.select %eq3A_2023, %broadcast_in_dim3A_2024, %select_n3A_1950 : vector<16xi1>, vector<16xf32>
      %lt3A_2026 = arith.constant 31 : i32
      %lt3A_2027 = arith.cmpi slt, %scan3A_512, %lt3A_2026 : i32
      %convert_element_type3A_2028 = arith.extui %lt3A_2027 : i1 to i32
      %cond3A_2029 = arith.constant 0 : i32
      %cond3A_2030 = arith.cmpi ne, %convert_element_type3A_2028, %cond3A_2029 : i32
      scf.if %cond3A_2030 {
        %slice3A_2184 = vector.extract_strided_slice %get3A_526 {offsets = [4], sizes = [1], strides = [1]} : vector<16xi32> to vector<1xi32>
        %squeeze3A_2185 = vector.extract %slice3A_2184[0] : i32 from vector<1xi32>
        %shift_right_arithmetic3A_2186 = arith.constant 7 : i32
        %shift_right_arithmetic3A_2187 = arith.shrsi %squeeze3A_2185, %shift_right_arithmetic3A_2186 : i32
        %mul3A_2188 = arith.constant 128 : i32
        %mul3A_2189 = arith.muli %shift_right_arithmetic3A_2187, %mul3A_2188 : i32
        %multiple_of3A_2190 = tpu.assume_multiple %mul3A_2189, 128 : i32
        %slice3A_2191 = vector.extract_strided_slice %get3A_528 {offsets = [4], sizes = [1], strides = [1]} : vector<16xi32> to vector<1xi32>
        %squeeze3A_2192 = vector.extract %slice3A_2191[0] : i32 from vector<1xi32>
        %shift_right_arithmetic3A_2193 = arith.constant 7 : i32
        %shift_right_arithmetic3A_2194 = arith.shrsi %squeeze3A_2192, %shift_right_arithmetic3A_2193 : i32
        %mul3A_2195 = arith.constant 128 : i32
        %mul3A_2196 = arith.muli %shift_right_arithmetic3A_2194, %mul3A_2195 : i32
        %multiple_of3A_2197 = tpu.assume_multiple %mul3A_2196, 128 : i32
        %dma_start3A_2198 = arith.constant 4 : i32
        %dma_start3A_2199 = arith.constant 0 : i32
        %dma_start3A_2200 = arith.constant 0 : i32
        %dma_start3A_2201 = arith.constant 0 : i32
        %dma_start3A_2202 = arith.constant 0 : i32
        %dma_start3A_2203 = tpu.memref_slice %arg11[%dma_start3A_2198, %dma_start3A_2199, %dma_start3A_2200, %dma_start3A_2201, %dma_start3A_2202] : memref<8x1x4x8x128xf32, #tpu.memory_space<vmem>> -> memref<1x1x4x8x128xf32, #tpu.memory_space<vmem>>
        %dma_start3A_2204 = tpu.memref_squeeze %dma_start3A_2203 : memref<1x1x4x8x128xf32, #tpu.memory_space<vmem>> -> memref<4x8x128xf32, #tpu.memory_space<vmem>>
        %dma_start3A_2205 = arith.constant 0 : i32
        %dma_start3A_2206 = arith.constant 0 : i32
        %dma_start3A_2207 = tpu.memref_slice %arg4[%dma_start3A_2205, %dma_start3A_2206, %multiple_of3A_2190] : memref<4x8x1000000xf32, #tpu.memory_space<hbm>> -> memref<4x8x128xf32, #tpu.memory_space<hbm>>
        %dma_start3A_2208 = arith.constant 0 : i32
        %dma_start3A_2209 = arith.constant 0 : i32
        %dma_start3A_2210 = arith.constant 0 : i32
        %dma_start3A_2211 = tpu.memref_slice %arg11[%dma_start3A_2198, %dma_start3A_2199, %dma_start3A_2208, %dma_start3A_2209, %dma_start3A_2210] : memref<8x1x4x8x128xf32, #tpu.memory_space<vmem>> -> memref<1x1x4x8x128xf32, #tpu.memory_space<vmem>>
        %dma_start3A_2212 = tpu.memref_squeeze %dma_start3A_2211 : memref<1x1x4x8x128xf32, #tpu.memory_space<vmem>> -> memref<4x8x128xf32, #tpu.memory_space<vmem>>
        %dma_start3A_2213 = arith.constant 0 : i32
        %dma_start3A_2214 = arith.constant 0 : i32
        %dma_start3A_2215 = tpu.memref_slice %arg4[%dma_start3A_2213, %dma_start3A_2214, %multiple_of3A_2190] : memref<4x8x1000000xf32, #tpu.memory_space<hbm>> -> memref<4x8x128xf32, #tpu.memory_space<hbm>>
        tpu.enqueue_dma source(%dma_start3A_2215 : memref<4x8x128xf32, #tpu.memory_space<hbm>>) target(%dma_start3A_2212 : memref<4x8x128xf32, #tpu.memory_space<vmem>>) target_semaphore(%arg20 : memref<!tpu.dma_semaphore, #tpu.memory_space<semaphore_mem>>)
        %dma_start3A_2216 = arith.constant 4 : i32
        %dma_start3A_2217 = arith.constant 0 : i32
        %dma_start3A_2218 = arith.constant 0 : i32
        %dma_start3A_2219 = arith.constant 0 : i32
        %dma_start3A_2220 = arith.constant 0 : i32
        %dma_start3A_2221 = tpu.memref_slice %arg12[%dma_start3A_2216, %dma_start3A_2217, %dma_start3A_2218, %dma_start3A_2219, %dma_start3A_2220] : memref<8x1x4x8x128xf32, #tpu.memory_space<vmem>> -> memref<1x1x4x8x128xf32, #tpu.memory_space<vmem>>
        %dma_start3A_2222 = tpu.memref_squeeze %dma_start3A_2221 : memref<1x1x4x8x128xf32, #tpu.memory_space<vmem>> -> memref<4x8x128xf32, #tpu.memory_space<vmem>>
        %dma_start3A_2223 = arith.constant 0 : i32
        %dma_start3A_2224 = arith.constant 0 : i32
        %dma_start3A_2225 = tpu.memref_slice %arg5[%dma_start3A_2223, %dma_start3A_2224, %multiple_of3A_2197] : memref<4x8x1000000xf32, #tpu.memory_space<hbm>> -> memref<4x8x128xf32, #tpu.memory_space<hbm>>
        %dma_start3A_2226 = arith.constant 0 : i32
        %dma_start3A_2227 = arith.constant 0 : i32
        %dma_start3A_2228 = arith.constant 0 : i32
        %dma_start3A_2229 = tpu.memref_slice %arg12[%dma_start3A_2216, %dma_start3A_2217, %dma_start3A_2226, %dma_start3A_2227, %dma_start3A_2228] : memref<8x1x4x8x128xf32, #tpu.memory_space<vmem>> -> memref<1x1x4x8x128xf32, #tpu.memory_space<vmem>>
        %dma_start3A_2230 = tpu.memref_squeeze %dma_start3A_2229 : memref<1x1x4x8x128xf32, #tpu.memory_space<vmem>> -> memref<4x8x128xf32, #tpu.memory_space<vmem>>
        %dma_start3A_2231 = arith.constant 0 : i32
        %dma_start3A_2232 = arith.constant 0 : i32
        %dma_start3A_2233 = tpu.memref_slice %arg5[%dma_start3A_2231, %dma_start3A_2232, %multiple_of3A_2197] : memref<4x8x1000000xf32, #tpu.memory_space<hbm>> -> memref<4x8x128xf32, #tpu.memory_space<hbm>>
        tpu.enqueue_dma source(%dma_start3A_2233 : memref<4x8x128xf32, #tpu.memory_space<hbm>>) target(%dma_start3A_2230 : memref<4x8x128xf32, #tpu.memory_space<vmem>>) target_semaphore(%arg20 : memref<!tpu.dma_semaphore, #tpu.memory_space<semaphore_mem>>)
      } else {
      }
      %dma_wait3A_2031 = arith.constant 0 : i32
      %dma_wait3A_2032 = arith.constant 0 : i32
      %dma_wait3A_2033 = arith.constant 0 : i32
      %dma_wait3A_2034 = arith.constant 0 : i32
      %dma_wait3A_2035 = arith.constant 0 : i32
      %dma_wait3A_2036 = tpu.memref_slice %arg11[%dma_wait3A_2031, %dma_wait3A_2032, %dma_wait3A_2033, %dma_wait3A_2034, %dma_wait3A_2035] : memref<8x1x4x8x128xf32, #tpu.memory_space<vmem>> -> memref<1x1x4x8x128xf32, #tpu.memory_space<vmem>>
      %dma_wait3A_2037 = tpu.memref_squeeze %dma_wait3A_2036 : memref<1x1x4x8x128xf32, #tpu.memory_space<vmem>> -> memref<4x8x128xf32, #tpu.memory_space<vmem>>
      %dma_wait3A_2038 = arith.constant 0 : i32
      %dma_wait3A_2039 = arith.constant 0 : i32
      %dma_wait3A_2040 = arith.constant 0 : i32
      %dma_wait3A_2041 = tpu.memref_slice %arg4[%dma_wait3A_2038, %dma_wait3A_2039, %dma_wait3A_2040] : memref<4x8x1000000xf32, #tpu.memory_space<hbm>> -> memref<4x8x128xf32, #tpu.memory_space<hbm>>
      %dma_wait3A_2042 = arith.constant 0 : i32
      %dma_wait3A_2043 = arith.constant 0 : i32
      %dma_wait3A_2044 = arith.constant 0 : i32
      %dma_wait3A_2045 = tpu.memref_slice %arg11[%dma_wait3A_2031, %dma_wait3A_2032, %dma_wait3A_2042, %dma_wait3A_2043, %dma_wait3A_2044] : memref<8x1x4x8x128xf32, #tpu.memory_space<vmem>> -> memref<1x1x4x8x128xf32, #tpu.memory_space<vmem>>
      %dma_wait3A_2046 = tpu.memref_squeeze %dma_wait3A_2045 : memref<1x1x4x8x128xf32, #tpu.memory_space<vmem>> -> memref<4x8x128xf32, #tpu.memory_space<vmem>>
      %dma_wait3A_2047 = arith.constant 0 : i32
      %dma_wait3A_2048 = arith.constant 0 : i32
      %dma_wait3A_2049 = arith.constant 0 : i32
      %dma_wait3A_2050 = tpu.memref_slice %arg4[%dma_wait3A_2047, %dma_wait3A_2048, %dma_wait3A_2049] : memref<4x8x1000000xf32, #tpu.memory_space<hbm>> -> memref<4x8x128xf32, #tpu.memory_space<hbm>>
      tpu.wait_dma2 semaphore(%arg22 : memref<!tpu.dma_semaphore, #tpu.memory_space<semaphore_mem>>) src(%dma_wait3A_2050 : memref<4x8x128xf32, #tpu.memory_space<hbm>>) dst(%dma_wait3A_2046 : memref<4x8x128xf32, #tpu.memory_space<vmem>>)
      %dma_wait3A_2051 = arith.constant 0 : i32
      %dma_wait3A_2052 = arith.constant 0 : i32
      %dma_wait3A_2053 = arith.constant 0 : i32
      %dma_wait3A_2054 = arith.constant 0 : i32
      %dma_wait3A_2055 = arith.constant 0 : i32
      %dma_wait3A_2056 = tpu.memref_slice %arg12[%dma_wait3A_2051, %dma_wait3A_2052, %dma_wait3A_2053, %dma_wait3A_2054, %dma_wait3A_2055] : memref<8x1x4x8x128xf32, #tpu.memory_space<vmem>> -> memref<1x1x4x8x128xf32, #tpu.memory_space<vmem>>
      %dma_wait3A_2057 = tpu.memref_squeeze %dma_wait3A_2056 : memref<1x1x4x8x128xf32, #tpu.memory_space<vmem>> -> memref<4x8x128xf32, #tpu.memory_space<vmem>>
      %dma_wait3A_2058 = arith.constant 0 : i32
      %dma_wait3A_2059 = arith.constant 0 : i32
      %dma_wait3A_2060 = arith.constant 0 : i32
      %dma_wait3A_2061 = tpu.memref_slice %arg5[%dma_wait3A_2058, %dma_wait3A_2059, %dma_wait3A_2060] : memref<4x8x1000000xf32, #tpu.memory_space<hbm>> -> memref<4x8x128xf32, #tpu.memory_space<hbm>>
      %dma_wait3A_2062 = arith.constant 0 : i32
      %dma_wait3A_2063 = arith.constant 0 : i32
      %dma_wait3A_2064 = arith.constant 0 : i32
      %dma_wait3A_2065 = tpu.memref_slice %arg12[%dma_wait3A_2051, %dma_wait3A_2052, %dma_wait3A_2062, %dma_wait3A_2063, %dma_wait3A_2064] : memref<8x1x4x8x128xf32, #tpu.memory_space<vmem>> -> memref<1x1x4x8x128xf32, #tpu.memory_space<vmem>>
      %dma_wait3A_2066 = tpu.memref_squeeze %dma_wait3A_2065 : memref<1x1x4x8x128xf32, #tpu.memory_space<vmem>> -> memref<4x8x128xf32, #tpu.memory_space<vmem>>
      %dma_wait3A_2067 = arith.constant 0 : i32
      %dma_wait3A_2068 = arith.constant 0 : i32
      %dma_wait3A_2069 = arith.constant 0 : i32
      %dma_wait3A_2070 = tpu.memref_slice %arg5[%dma_wait3A_2067, %dma_wait3A_2068, %dma_wait3A_2069] : memref<4x8x1000000xf32, #tpu.memory_space<hbm>> -> memref<4x8x128xf32, #tpu.memory_space<hbm>>
      tpu.wait_dma2 semaphore(%arg22 : memref<!tpu.dma_semaphore, #tpu.memory_space<semaphore_mem>>) src(%dma_wait3A_2070 : memref<4x8x128xf32, #tpu.memory_space<hbm>>) dst(%dma_wait3A_2066 : memref<4x8x128xf32, #tpu.memory_space<vmem>>)
      %slice3A_2071 = vector.extract_strided_slice %get3A_517 {offsets = [14], sizes = [1], strides = [1]} : vector<16xi32> to vector<1xi32>
      %squeeze3A_2072 = vector.extract %slice3A_2071[0] : i32 from vector<1xi32>
      %and3A_2073 = arith.constant 127 : i32
      %and3A_2074 = arith.andi %squeeze3A_2072, %and3A_2073 : i32
      %broadcast_in_dim3A_2075 = vector.broadcast %and3A_2074 : i32 to vector<16xi32>
      %slice3A_2076 = vector.extract_strided_slice %get3A_519 {offsets = [14], sizes = [1], strides = [1]} : vector<16xi32> to vector<1xi32>
      %squeeze3A_2077 = vector.extract %slice3A_2076[0] : i32 from vector<1xi32>
      %and3A_2078 = arith.constant 127 : i32
      %and3A_2079 = arith.andi %squeeze3A_2077, %and3A_2078 : i32
      %broadcast_in_dim3A_2080 = vector.broadcast %and3A_2079 : i32 to vector<16xi32>
      %broadcast_in_dim3A_2081 = arith.constant 0 : i32
      %broadcast_in_dim3A_2082 = vector.broadcast %broadcast_in_dim3A_2081 : i32 to vector<16xi32>
      %broadcast_in_dim3A_2083 = arith.constant 6 : i32
      %broadcast_in_dim3A_2084 = vector.broadcast %broadcast_in_dim3A_2083 : i32 to vector<16xi32>
      %gather3A_2085 = tpu.vector_load_idx %arg11[%broadcast_in_dim3A_2084, %broadcast_in_dim3A_2082, %select_n3A, %select_n3A_127, %broadcast_in_dim3A_2075] : memref<8x1x4x8x128xf32, #tpu.memory_space<vmem>>[vector<16xi32>, vector<16xi32>, vector<16xi32>, vector<16xi32>, vector<16xi32>], vector<16xf32>,
      %gather3A_2086 = tpu.vector_load_idx %arg11[%broadcast_in_dim3A_2084, %broadcast_in_dim3A_2082, %add3A_107, %select_n3A_127, %broadcast_in_dim3A_2075] : memref<8x1x4x8x128xf32, #tpu.memory_space<vmem>>[vector<16xi32>, vector<16xi32>, vector<16xi32>, vector<16xi32>, vector<16xi32>], vector<16xf32>,
      %gather3A_2087 = tpu.vector_load_idx %arg12[%broadcast_in_dim3A_2084, %broadcast_in_dim3A_2082, %select_n3A, %select_n3A_127, %broadcast_in_dim3A_2080] : memref<8x1x4x8x128xf32, #tpu.memory_space<vmem>>[vector<16xi32>, vector<16xi32>, vector<16xi32>, vector<16xi32>, vector<16xi32>], vector<16xf32>,
      %gather3A_2088 = tpu.vector_load_idx %arg12[%broadcast_in_dim3A_2084, %broadcast_in_dim3A_2082, %add3A_107, %select_n3A_127, %broadcast_in_dim3A_2080] : memref<8x1x4x8x128xf32, #tpu.memory_space<vmem>>[vector<16xi32>, vector<16xi32>, vector<16xi32>, vector<16xi32>, vector<16xi32>], vector<16xf32>,
      %mul3A_2089 = arith.mulf %gather3A_2085, %gather3A_2087 : vector<16xf32>
      %mul3A_2090 = arith.mulf %gather3A_2086, %gather3A_2088 : vector<16xf32>
      %add3A_2091 = arith.addf %mul3A_2089, %mul3A_2090 : vector<16xf32>
      %reduce_sum3A_2092 = arith.constant true
      %reduce_sum3A_2093 = vector.broadcast %reduce_sum3A_2092 : i1 to vector<16xi1>
      %reduce_sum3A_2094 = tpu.scan <sum>, %add3A_2091 masked %reduce_sum3A_2093 : vector<16xf32>, vector<16xi1> -> vector<16xf32>
      %reduce_sum3A_2095 = vector.extract %reduce_sum3A_2094[15] : f32 from vector<16xf32>
      %eq3A_2096 = arith.constant 14 : i32
      %eq3A_2097 = vector.broadcast %eq3A_2096 : i32 to vector<16xi32>
      %eq3A_2098 = arith.cmpi eq, %iota3A, %eq3A_2097 : vector<16xi32>
      %broadcast_in_dim3A_2099 = vector.broadcast %reduce_sum3A_2095 : f32 to vector<16xf32>
      %select_n3A_2100 = arith.select %eq3A_2098, %broadcast_in_dim3A_2099, %select_n3A_2025 : vector<16xi1>, vector<16xf32>
      %lt3A_2101 = arith.constant 31 : i32
      %lt3A_2102 = arith.cmpi slt, %scan3A_512, %lt3A_2101 : i32
      %convert_element_type3A_2103 = arith.extui %lt3A_2102 : i1 to i32
      %cond3A_2104 = arith.constant 0 : i32
      %cond3A_2105 = arith.cmpi ne, %convert_element_type3A_2103, %cond3A_2104 : i32
      scf.if %cond3A_2105 {
        %slice3A_2184 = vector.extract_strided_slice %get3A_526 {offsets = [5], sizes = [1], strides = [1]} : vector<16xi32> to vector<1xi32>
        %squeeze3A_2185 = vector.extract %slice3A_2184[0] : i32 from vector<1xi32>
        %shift_right_arithmetic3A_2186 = arith.constant 7 : i32
        %shift_right_arithmetic3A_2187 = arith.shrsi %squeeze3A_2185, %shift_right_arithmetic3A_2186 : i32
        %mul3A_2188 = arith.constant 128 : i32
        %mul3A_2189 = arith.muli %shift_right_arithmetic3A_2187, %mul3A_2188 : i32
        %multiple_of3A_2190 = tpu.assume_multiple %mul3A_2189, 128 : i32
        %slice3A_2191 = vector.extract_strided_slice %get3A_528 {offsets = [5], sizes = [1], strides = [1]} : vector<16xi32> to vector<1xi32>
        %squeeze3A_2192 = vector.extract %slice3A_2191[0] : i32 from vector<1xi32>
        %shift_right_arithmetic3A_2193 = arith.constant 7 : i32
        %shift_right_arithmetic3A_2194 = arith.shrsi %squeeze3A_2192, %shift_right_arithmetic3A_2193 : i32
        %mul3A_2195 = arith.constant 128 : i32
        %mul3A_2196 = arith.muli %shift_right_arithmetic3A_2194, %mul3A_2195 : i32
        %multiple_of3A_2197 = tpu.assume_multiple %mul3A_2196, 128 : i32
        %dma_start3A_2198 = arith.constant 5 : i32
        %dma_start3A_2199 = arith.constant 0 : i32
        %dma_start3A_2200 = arith.constant 0 : i32
        %dma_start3A_2201 = arith.constant 0 : i32
        %dma_start3A_2202 = arith.constant 0 : i32
        %dma_start3A_2203 = tpu.memref_slice %arg11[%dma_start3A_2198, %dma_start3A_2199, %dma_start3A_2200, %dma_start3A_2201, %dma_start3A_2202] : memref<8x1x4x8x128xf32, #tpu.memory_space<vmem>> -> memref<1x1x4x8x128xf32, #tpu.memory_space<vmem>>
        %dma_start3A_2204 = tpu.memref_squeeze %dma_start3A_2203 : memref<1x1x4x8x128xf32, #tpu.memory_space<vmem>> -> memref<4x8x128xf32, #tpu.memory_space<vmem>>
        %dma_start3A_2205 = arith.constant 0 : i32
        %dma_start3A_2206 = arith.constant 0 : i32
        %dma_start3A_2207 = tpu.memref_slice %arg4[%dma_start3A_2205, %dma_start3A_2206, %multiple_of3A_2190] : memref<4x8x1000000xf32, #tpu.memory_space<hbm>> -> memref<4x8x128xf32, #tpu.memory_space<hbm>>
        %dma_start3A_2208 = arith.constant 0 : i32
        %dma_start3A_2209 = arith.constant 0 : i32
        %dma_start3A_2210 = arith.constant 0 : i32
        %dma_start3A_2211 = tpu.memref_slice %arg11[%dma_start3A_2198, %dma_start3A_2199, %dma_start3A_2208, %dma_start3A_2209, %dma_start3A_2210] : memref<8x1x4x8x128xf32, #tpu.memory_space<vmem>> -> memref<1x1x4x8x128xf32, #tpu.memory_space<vmem>>
        %dma_start3A_2212 = tpu.memref_squeeze %dma_start3A_2211 : memref<1x1x4x8x128xf32, #tpu.memory_space<vmem>> -> memref<4x8x128xf32, #tpu.memory_space<vmem>>
        %dma_start3A_2213 = arith.constant 0 : i32
        %dma_start3A_2214 = arith.constant 0 : i32
        %dma_start3A_2215 = tpu.memref_slice %arg4[%dma_start3A_2213, %dma_start3A_2214, %multiple_of3A_2190] : memref<4x8x1000000xf32, #tpu.memory_space<hbm>> -> memref<4x8x128xf32, #tpu.memory_space<hbm>>
        tpu.enqueue_dma source(%dma_start3A_2215 : memref<4x8x128xf32, #tpu.memory_space<hbm>>) target(%dma_start3A_2212 : memref<4x8x128xf32, #tpu.memory_space<vmem>>) target_semaphore(%arg21 : memref<!tpu.dma_semaphore, #tpu.memory_space<semaphore_mem>>)
        %dma_start3A_2216 = arith.constant 5 : i32
        %dma_start3A_2217 = arith.constant 0 : i32
        %dma_start3A_2218 = arith.constant 0 : i32
        %dma_start3A_2219 = arith.constant 0 : i32
        %dma_start3A_2220 = arith.constant 0 : i32
        %dma_start3A_2221 = tpu.memref_slice %arg12[%dma_start3A_2216, %dma_start3A_2217, %dma_start3A_2218, %dma_start3A_2219, %dma_start3A_2220] : memref<8x1x4x8x128xf32, #tpu.memory_space<vmem>> -> memref<1x1x4x8x128xf32, #tpu.memory_space<vmem>>
        %dma_start3A_2222 = tpu.memref_squeeze %dma_start3A_2221 : memref<1x1x4x8x128xf32, #tpu.memory_space<vmem>> -> memref<4x8x128xf32, #tpu.memory_space<vmem>>
        %dma_start3A_2223 = arith.constant 0 : i32
        %dma_start3A_2224 = arith.constant 0 : i32
        %dma_start3A_2225 = tpu.memref_slice %arg5[%dma_start3A_2223, %dma_start3A_2224, %multiple_of3A_2197] : memref<4x8x1000000xf32, #tpu.memory_space<hbm>> -> memref<4x8x128xf32, #tpu.memory_space<hbm>>
        %dma_start3A_2226 = arith.constant 0 : i32
        %dma_start3A_2227 = arith.constant 0 : i32
        %dma_start3A_2228 = arith.constant 0 : i32
        %dma_start3A_2229 = tpu.memref_slice %arg12[%dma_start3A_2216, %dma_start3A_2217, %dma_start3A_2226, %dma_start3A_2227, %dma_start3A_2228] : memref<8x1x4x8x128xf32, #tpu.memory_space<vmem>> -> memref<1x1x4x8x128xf32, #tpu.memory_space<vmem>>
        %dma_start3A_2230 = tpu.memref_squeeze %dma_start3A_2229 : memref<1x1x4x8x128xf32, #tpu.memory_space<vmem>> -> memref<4x8x128xf32, #tpu.memory_space<vmem>>
        %dma_start3A_2231 = arith.constant 0 : i32
        %dma_start3A_2232 = arith.constant 0 : i32
        %dma_start3A_2233 = tpu.memref_slice %arg5[%dma_start3A_2231, %dma_start3A_2232, %multiple_of3A_2197] : memref<4x8x1000000xf32, #tpu.memory_space<hbm>> -> memref<4x8x128xf32, #tpu.memory_space<hbm>>
        tpu.enqueue_dma source(%dma_start3A_2233 : memref<4x8x128xf32, #tpu.memory_space<hbm>>) target(%dma_start3A_2230 : memref<4x8x128xf32, #tpu.memory_space<vmem>>) target_semaphore(%arg21 : memref<!tpu.dma_semaphore, #tpu.memory_space<semaphore_mem>>)
      } else {
      }
      %dma_wait3A_2106 = arith.constant 0 : i32
      %dma_wait3A_2107 = arith.constant 0 : i32
      %dma_wait3A_2108 = arith.constant 0 : i32
      %dma_wait3A_2109 = arith.constant 0 : i32
      %dma_wait3A_2110 = arith.constant 0 : i32
      %dma_wait3A_2111 = tpu.memref_slice %arg11[%dma_wait3A_2106, %dma_wait3A_2107, %dma_wait3A_2108, %dma_wait3A_2109, %dma_wait3A_2110] : memref<8x1x4x8x128xf32, #tpu.memory_space<vmem>> -> memref<1x1x4x8x128xf32, #tpu.memory_space<vmem>>
      %dma_wait3A_2112 = tpu.memref_squeeze %dma_wait3A_2111 : memref<1x1x4x8x128xf32, #tpu.memory_space<vmem>> -> memref<4x8x128xf32, #tpu.memory_space<vmem>>
      %dma_wait3A_2113 = arith.constant 0 : i32
      %dma_wait3A_2114 = arith.constant 0 : i32
      %dma_wait3A_2115 = arith.constant 0 : i32
      %dma_wait3A_2116 = tpu.memref_slice %arg4[%dma_wait3A_2113, %dma_wait3A_2114, %dma_wait3A_2115] : memref<4x8x1000000xf32, #tpu.memory_space<hbm>> -> memref<4x8x128xf32, #tpu.memory_space<hbm>>
      %dma_wait3A_2117 = arith.constant 0 : i32
      %dma_wait3A_2118 = arith.constant 0 : i32
      %dma_wait3A_2119 = arith.constant 0 : i32
      %dma_wait3A_2120 = tpu.memref_slice %arg11[%dma_wait3A_2106, %dma_wait3A_2107, %dma_wait3A_2117, %dma_wait3A_2118, %dma_wait3A_2119] : memref<8x1x4x8x128xf32, #tpu.memory_space<vmem>> -> memref<1x1x4x8x128xf32, #tpu.memory_space<vmem>>
      %dma_wait3A_2121 = tpu.memref_squeeze %dma_wait3A_2120 : memref<1x1x4x8x128xf32, #tpu.memory_space<vmem>> -> memref<4x8x128xf32, #tpu.memory_space<vmem>>
      %dma_wait3A_2122 = arith.constant 0 : i32
      %dma_wait3A_2123 = arith.constant 0 : i32
      %dma_wait3A_2124 = arith.constant 0 : i32
      %dma_wait3A_2125 = tpu.memref_slice %arg4[%dma_wait3A_2122, %dma_wait3A_2123, %dma_wait3A_2124] : memref<4x8x1000000xf32, #tpu.memory_space<hbm>> -> memref<4x8x128xf32, #tpu.memory_space<hbm>>
      tpu.wait_dma2 semaphore(%arg23 : memref<!tpu.dma_semaphore, #tpu.memory_space<semaphore_mem>>) src(%dma_wait3A_2125 : memref<4x8x128xf32, #tpu.memory_space<hbm>>) dst(%dma_wait3A_2121 : memref<4x8x128xf32, #tpu.memory_space<vmem>>)
      %dma_wait3A_2126 = arith.constant 0 : i32
      %dma_wait3A_2127 = arith.constant 0 : i32
      %dma_wait3A_2128 = arith.constant 0 : i32
      %dma_wait3A_2129 = arith.constant 0 : i32
      %dma_wait3A_2130 = arith.constant 0 : i32
      %dma_wait3A_2131 = tpu.memref_slice %arg12[%dma_wait3A_2126, %dma_wait3A_2127, %dma_wait3A_2128, %dma_wait3A_2129, %dma_wait3A_2130] : memref<8x1x4x8x128xf32, #tpu.memory_space<vmem>> -> memref<1x1x4x8x128xf32, #tpu.memory_space<vmem>>
      %dma_wait3A_2132 = tpu.memref_squeeze %dma_wait3A_2131 : memref<1x1x4x8x128xf32, #tpu.memory_space<vmem>> -> memref<4x8x128xf32, #tpu.memory_space<vmem>>
      %dma_wait3A_2133 = arith.constant 0 : i32
      %dma_wait3A_2134 = arith.constant 0 : i32
      %dma_wait3A_2135 = arith.constant 0 : i32
      %dma_wait3A_2136 = tpu.memref_slice %arg5[%dma_wait3A_2133, %dma_wait3A_2134, %dma_wait3A_2135] : memref<4x8x1000000xf32, #tpu.memory_space<hbm>> -> memref<4x8x128xf32, #tpu.memory_space<hbm>>
      %dma_wait3A_2137 = arith.constant 0 : i32
      %dma_wait3A_2138 = arith.constant 0 : i32
      %dma_wait3A_2139 = arith.constant 0 : i32
      %dma_wait3A_2140 = tpu.memref_slice %arg12[%dma_wait3A_2126, %dma_wait3A_2127, %dma_wait3A_2137, %dma_wait3A_2138, %dma_wait3A_2139] : memref<8x1x4x8x128xf32, #tpu.memory_space<vmem>> -> memref<1x1x4x8x128xf32, #tpu.memory_space<vmem>>
      %dma_wait3A_2141 = tpu.memref_squeeze %dma_wait3A_2140 : memref<1x1x4x8x128xf32, #tpu.memory_space<vmem>> -> memref<4x8x128xf32, #tpu.memory_space<vmem>>
      %dma_wait3A_2142 = arith.constant 0 : i32
      %dma_wait3A_2143 = arith.constant 0 : i32
      %dma_wait3A_2144 = arith.constant 0 : i32
      %dma_wait3A_2145 = tpu.memref_slice %arg5[%dma_wait3A_2142, %dma_wait3A_2143, %dma_wait3A_2144] : memref<4x8x1000000xf32, #tpu.memory_space<hbm>> -> memref<4x8x128xf32, #tpu.memory_space<hbm>>
      tpu.wait_dma2 semaphore(%arg23 : memref<!tpu.dma_semaphore, #tpu.memory_space<semaphore_mem>>) src(%dma_wait3A_2145 : memref<4x8x128xf32, #tpu.memory_space<hbm>>) dst(%dma_wait3A_2141 : memref<4x8x128xf32, #tpu.memory_space<vmem>>)
      %slice3A_2146 = vector.extract_strided_slice %get3A_517 {offsets = [15], sizes = [1], strides = [1]} : vector<16xi32> to vector<1xi32>
      %squeeze3A_2147 = vector.extract %slice3A_2146[0] : i32 from vector<1xi32>
      %and3A_2148 = arith.constant 127 : i32
      %and3A_2149 = arith.andi %squeeze3A_2147, %and3A_2148 : i32
      %broadcast_in_dim3A_2150 = vector.broadcast %and3A_2149 : i32 to vector<16xi32>
      %slice3A_2151 = vector.extract_strided_slice %get3A_519 {offsets = [15], sizes = [1], strides = [1]} : vector<16xi32> to vector<1xi32>
      %squeeze3A_2152 = vector.extract %slice3A_2151[0] : i32 from vector<1xi32>
      %and3A_2153 = arith.constant 127 : i32
      %and3A_2154 = arith.andi %squeeze3A_2152, %and3A_2153 : i32
      %broadcast_in_dim3A_2155 = vector.broadcast %and3A_2154 : i32 to vector<16xi32>
      %broadcast_in_dim3A_2156 = arith.constant 0 : i32
      %broadcast_in_dim3A_2157 = vector.broadcast %broadcast_in_dim3A_2156 : i32 to vector<16xi32>
      %broadcast_in_dim3A_2158 = arith.constant 7 : i32
      %broadcast_in_dim3A_2159 = vector.broadcast %broadcast_in_dim3A_2158 : i32 to vector<16xi32>
      %gather3A_2160 = tpu.vector_load_idx %arg11[%broadcast_in_dim3A_2159, %broadcast_in_dim3A_2157, %select_n3A, %select_n3A_127, %broadcast_in_dim3A_2150] : memref<8x1x4x8x128xf32, #tpu.memory_space<vmem>>[vector<16xi32>, vector<16xi32>, vector<16xi32>, vector<16xi32>, vector<16xi32>], vector<16xf32>,
      %gather3A_2161 = tpu.vector_load_idx %arg11[%broadcast_in_dim3A_2159, %broadcast_in_dim3A_2157, %add3A_107, %select_n3A_127, %broadcast_in_dim3A_2150] : memref<8x1x4x8x128xf32, #tpu.memory_space<vmem>>[vector<16xi32>, vector<16xi32>, vector<16xi32>, vector<16xi32>, vector<16xi32>], vector<16xf32>,
      %gather3A_2162 = tpu.vector_load_idx %arg12[%broadcast_in_dim3A_2159, %broadcast_in_dim3A_2157, %select_n3A, %select_n3A_127, %broadcast_in_dim3A_2155] : memref<8x1x4x8x128xf32, #tpu.memory_space<vmem>>[vector<16xi32>, vector<16xi32>, vector<16xi32>, vector<16xi32>, vector<16xi32>], vector<16xf32>,
      %gather3A_2163 = tpu.vector_load_idx %arg12[%broadcast_in_dim3A_2159, %broadcast_in_dim3A_2157, %add3A_107, %select_n3A_127, %broadcast_in_dim3A_2155] : memref<8x1x4x8x128xf32, #tpu.memory_space<vmem>>[vector<16xi32>, vector<16xi32>, vector<16xi32>, vector<16xi32>, vector<16xi32>], vector<16xf32>,
      %mul3A_2164 = arith.mulf %gather3A_2160, %gather3A_2162 : vector<16xf32>
      %mul3A_2165 = arith.mulf %gather3A_2161, %gather3A_2163 : vector<16xf32>
      %add3A_2166 = arith.addf %mul3A_2164, %mul3A_2165 : vector<16xf32>
      %reduce_sum3A_2167 = arith.constant true
      %reduce_sum3A_2168 = vector.broadcast %reduce_sum3A_2167 : i1 to vector<16xi1>
      %reduce_sum3A_2169 = tpu.scan <sum>, %add3A_2166 masked %reduce_sum3A_2168 : vector<16xf32>, vector<16xi1> -> vector<16xf32>
      %reduce_sum3A_2170 = vector.extract %reduce_sum3A_2169[15] : f32 from vector<16xf32>
      %eq3A_2171 = arith.constant 15 : i32
      %eq3A_2172 = vector.broadcast %eq3A_2171 : i32 to vector<16xi32>
      %eq3A_2173 = arith.cmpi eq, %iota3A, %eq3A_2172 : vector<16xi32>
      %broadcast_in_dim3A_2174 = vector.broadcast %reduce_sum3A_2170 : f32 to vector<16xf32>
      %select_n3A_2175 = arith.select %eq3A_2173, %broadcast_in_dim3A_2174, %select_n3A_2100 : vector<16xi1>, vector<16xf32>
      %get3A_2176 = arith.index_cast %mul3A_515 : i32 to index
      %get3A_2177 = tpu.vector_load %arg13[%get3A_2176] {strides = array<i32>} : memref<512xf32, #tpu.memory_space<vmem>>, vector<16xf32>,
      %add3A_2178 = arith.addf %select_n3A_2175, %get3A_2177 : vector<16xf32>
      %get3A_2179 = arith.index_cast %mul3A_515 : i32 to index
      %get3A_2180 = tpu.vector_load %arg14[%get3A_2179] {strides = array<i32>} : memref<512xf32, #tpu.memory_space<vmem>>, vector<16xf32>,
      %add3A_2181 = arith.addf %add3A_2178, %get3A_2180 : vector<16xf32>
      %swap3A = arith.index_cast %mul3A_515 : i32 to index
      %swap3A_2182 = tpu.vector_load %arg15[%swap3A] {strides = array<i32>} : memref<512xf32, #tpu.memory_space<vmem>>, vector<16xf32>,
      tpu.vector_store %arg15[%swap3A], %add3A_2181 {strides = array<i32>} : memref<512xf32, #tpu.memory_space<vmem>>, vector<16xf32>,
      %scan3A_2183 = arith.constant 0 : i32
      scf.yield %scan3A_2183 : i32
    }
    %scan3A_432 = arith.constant 32 : i32
    %dma_wait3A = arith.constant 0 : i32
    %dma_wait3A_433 = arith.constant 0 : i32
    %dma_wait3A_434 = tpu.memref_slice %arg13[%dma_wait3A_433] : memref<512xf32, #tpu.memory_space<vmem>> -> memref<128xf32, #tpu.memory_space<vmem>>
    %dma_wait3A_435 = arith.constant 0 : i32
    %dma_wait3A_436 = tpu.memref_slice %arg9[%dma_wait3A_435] : memref<512xi32, #tpu.memory_space<vmem>> -> memref<128xi32, #tpu.memory_space<vmem>>
    %dma_wait3A_437 = arith.constant 0 : i32
    %dma_wait3A_438 = tpu.memref_slice %arg6[%dma_wait3A, %dma_wait3A_437] : memref<1x1000000xf32, #tpu.memory_space<hbm>> -> memref<1x1000000xf32, #tpu.memory_space<hbm>>
    %dma_wait3A_439 = tpu.memref_squeeze %dma_wait3A_438 : memref<1x1000000xf32, #tpu.memory_space<hbm>> -> memref<1000000xf32, #tpu.memory_space<hbm>>
    %dma_wait3A_440 = arith.constant 0 : i32
    %dma_wait3A_441 = tpu.memref_slice %dma_wait3A_439[%dma_wait3A_440] : memref<1000000xf32, #tpu.memory_space<hbm>> -> memref<1000000xf32, #tpu.memory_space<hbm>>
    tpu.wait_indirect_dma semaphore(%arg24 : memref<!tpu.dma_semaphore, #tpu.memory_space<semaphore_mem>>) src(%dma_wait3A_441 : memref<1000000xf32, #tpu.memory_space<hbm>>) dst(%dma_wait3A_434 : memref<128xf32, #tpu.memory_space<vmem>>)
    %dma_wait3A_442 = arith.constant 0 : i32
    %dma_wait3A_443 = arith.constant 0 : i32
    %dma_wait3A_444 = tpu.memref_slice %arg14[%dma_wait3A_443] : memref<512xf32, #tpu.memory_space<vmem>> -> memref<128xf32, #tpu.memory_space<vmem>>
    %dma_wait3A_445 = arith.constant 0 : i32
    %dma_wait3A_446 = tpu.memref_slice %arg10[%dma_wait3A_445] : memref<512xi32, #tpu.memory_space<vmem>> -> memref<128xi32, #tpu.memory_space<vmem>>
    %dma_wait3A_447 = arith.constant 0 : i32
    %dma_wait3A_448 = tpu.memref_slice %arg7[%dma_wait3A_442, %dma_wait3A_447] : memref<1x1000000xf32, #tpu.memory_space<hbm>> -> memref<1x1000000xf32, #tpu.memory_space<hbm>>
    %dma_wait3A_449 = tpu.memref_squeeze %dma_wait3A_448 : memref<1x1000000xf32, #tpu.memory_space<hbm>> -> memref<1000000xf32, #tpu.memory_space<hbm>>
    %dma_wait3A_450 = arith.constant 0 : i32
    %dma_wait3A_451 = tpu.memref_slice %dma_wait3A_449[%dma_wait3A_450] : memref<1000000xf32, #tpu.memory_space<hbm>> -> memref<1000000xf32, #tpu.memory_space<hbm>>
    tpu.wait_indirect_dma semaphore(%arg24 : memref<!tpu.dma_semaphore, #tpu.memory_space<semaphore_mem>>) src(%dma_wait3A_451 : memref<1000000xf32, #tpu.memory_space<hbm>>) dst(%dma_wait3A_444 : memref<128xf32, #tpu.memory_space<vmem>>)
    %dma_wait3A_452 = arith.constant 0 : i32
    %dma_wait3A_453 = arith.constant 128 : i32
    %dma_wait3A_454 = tpu.memref_slice %arg13[%dma_wait3A_453] : memref<512xf32, #tpu.memory_space<vmem>> -> memref<128xf32, #tpu.memory_space<vmem>>
    %dma_wait3A_455 = arith.constant 128 : i32
    %dma_wait3A_456 = tpu.memref_slice %arg9[%dma_wait3A_455] : memref<512xi32, #tpu.memory_space<vmem>> -> memref<128xi32, #tpu.memory_space<vmem>>
    %dma_wait3A_457 = arith.constant 0 : i32
    %dma_wait3A_458 = tpu.memref_slice %arg6[%dma_wait3A_452, %dma_wait3A_457] : memref<1x1000000xf32, #tpu.memory_space<hbm>> -> memref<1x1000000xf32, #tpu.memory_space<hbm>>
    %dma_wait3A_459 = tpu.memref_squeeze %dma_wait3A_458 : memref<1x1000000xf32, #tpu.memory_space<hbm>> -> memref<1000000xf32, #tpu.memory_space<hbm>>
    %dma_wait3A_460 = arith.constant 0 : i32
    %dma_wait3A_461 = tpu.memref_slice %dma_wait3A_459[%dma_wait3A_460] : memref<1000000xf32, #tpu.memory_space<hbm>> -> memref<1000000xf32, #tpu.memory_space<hbm>>
    tpu.wait_indirect_dma semaphore(%arg24 : memref<!tpu.dma_semaphore, #tpu.memory_space<semaphore_mem>>) src(%dma_wait3A_461 : memref<1000000xf32, #tpu.memory_space<hbm>>) dst(%dma_wait3A_454 : memref<128xf32, #tpu.memory_space<vmem>>)
    %dma_wait3A_462 = arith.constant 0 : i32
    %dma_wait3A_463 = arith.constant 128 : i32
    %dma_wait3A_464 = tpu.memref_slice %arg14[%dma_wait3A_463] : memref<512xf32, #tpu.memory_space<vmem>> -> memref<128xf32, #tpu.memory_space<vmem>>
    %dma_wait3A_465 = arith.constant 128 : i32
    %dma_wait3A_466 = tpu.memref_slice %arg10[%dma_wait3A_465] : memref<512xi32, #tpu.memory_space<vmem>> -> memref<128xi32, #tpu.memory_space<vmem>>
    %dma_wait3A_467 = arith.constant 0 : i32
    %dma_wait3A_468 = tpu.memref_slice %arg7[%dma_wait3A_462, %dma_wait3A_467] : memref<1x1000000xf32, #tpu.memory_space<hbm>> -> memref<1x1000000xf32, #tpu.memory_space<hbm>>
    %dma_wait3A_469 = tpu.memref_squeeze %dma_wait3A_468 : memref<1x1000000xf32, #tpu.memory_space<hbm>> -> memref<1000000xf32, #tpu.memory_space<hbm>>
    %dma_wait3A_470 = arith.constant 0 : i32
    %dma_wait3A_471 = tpu.memref_slice %dma_wait3A_469[%dma_wait3A_470] : memref<1000000xf32, #tpu.memory_space<hbm>> -> memref<1000000xf32, #tpu.memory_space<hbm>>
    tpu.wait_indirect_dma semaphore(%arg24 : memref<!tpu.dma_semaphore, #tpu.memory_space<semaphore_mem>>) src(%dma_wait3A_471 : memref<1000000xf32, #tpu.memory_space<hbm>>) dst(%dma_wait3A_464 : memref<128xf32, #tpu.memory_space<vmem>>)
    %dma_wait3A_472 = arith.constant 0 : i32
    %dma_wait3A_473 = arith.constant 256 : i32
    %dma_wait3A_474 = tpu.memref_slice %arg13[%dma_wait3A_473] : memref<512xf32, #tpu.memory_space<vmem>> -> memref<128xf32, #tpu.memory_space<vmem>>
    %dma_wait3A_475 = arith.constant 256 : i32
    %dma_wait3A_476 = tpu.memref_slice %arg9[%dma_wait3A_475] : memref<512xi32, #tpu.memory_space<vmem>> -> memref<128xi32, #tpu.memory_space<vmem>>
    %dma_wait3A_477 = arith.constant 0 : i32
    %dma_wait3A_478 = tpu.memref_slice %arg6[%dma_wait3A_472, %dma_wait3A_477] : memref<1x1000000xf32, #tpu.memory_space<hbm>> -> memref<1x1000000xf32, #tpu.memory_space<hbm>>
    %dma_wait3A_479 = tpu.memref_squeeze %dma_wait3A_478 : memref<1x1000000xf32, #tpu.memory_space<hbm>> -> memref<1000000xf32, #tpu.memory_space<hbm>>
    %dma_wait3A_480 = arith.constant 0 : i32
    %dma_wait3A_481 = tpu.memref_slice %dma_wait3A_479[%dma_wait3A_480] : memref<1000000xf32, #tpu.memory_space<hbm>> -> memref<1000000xf32, #tpu.memory_space<hbm>>
    tpu.wait_indirect_dma semaphore(%arg24 : memref<!tpu.dma_semaphore, #tpu.memory_space<semaphore_mem>>) src(%dma_wait3A_481 : memref<1000000xf32, #tpu.memory_space<hbm>>) dst(%dma_wait3A_474 : memref<128xf32, #tpu.memory_space<vmem>>)
    %dma_wait3A_482 = arith.constant 0 : i32
    %dma_wait3A_483 = arith.constant 256 : i32
    %dma_wait3A_484 = tpu.memref_slice %arg14[%dma_wait3A_483] : memref<512xf32, #tpu.memory_space<vmem>> -> memref<128xf32, #tpu.memory_space<vmem>>
    %dma_wait3A_485 = arith.constant 256 : i32
    %dma_wait3A_486 = tpu.memref_slice %arg10[%dma_wait3A_485] : memref<512xi32, #tpu.memory_space<vmem>> -> memref<128xi32, #tpu.memory_space<vmem>>
    %dma_wait3A_487 = arith.constant 0 : i32
    %dma_wait3A_488 = tpu.memref_slice %arg7[%dma_wait3A_482, %dma_wait3A_487] : memref<1x1000000xf32, #tpu.memory_space<hbm>> -> memref<1x1000000xf32, #tpu.memory_space<hbm>>
    %dma_wait3A_489 = tpu.memref_squeeze %dma_wait3A_488 : memref<1x1000000xf32, #tpu.memory_space<hbm>> -> memref<1000000xf32, #tpu.memory_space<hbm>>
    %dma_wait3A_490 = arith.constant 0 : i32
    %dma_wait3A_491 = tpu.memref_slice %dma_wait3A_489[%dma_wait3A_490] : memref<1000000xf32, #tpu.memory_space<hbm>> -> memref<1000000xf32, #tpu.memory_space<hbm>>
    tpu.wait_indirect_dma semaphore(%arg24 : memref<!tpu.dma_semaphore, #tpu.memory_space<semaphore_mem>>) src(%dma_wait3A_491 : memref<1000000xf32, #tpu.memory_space<hbm>>) dst(%dma_wait3A_484 : memref<128xf32, #tpu.memory_space<vmem>>)
    %dma_wait3A_492 = arith.constant 0 : i32
    %dma_wait3A_493 = arith.constant 384 : i32
    %dma_wait3A_494 = tpu.memref_slice %arg13[%dma_wait3A_493] : memref<512xf32, #tpu.memory_space<vmem>> -> memref<128xf32, #tpu.memory_space<vmem>>
    %dma_wait3A_495 = arith.constant 384 : i32
    %dma_wait3A_496 = tpu.memref_slice %arg9[%dma_wait3A_495] : memref<512xi32, #tpu.memory_space<vmem>> -> memref<128xi32, #tpu.memory_space<vmem>>
    %dma_wait3A_497 = arith.constant 0 : i32
    %dma_wait3A_498 = tpu.memref_slice %arg6[%dma_wait3A_492, %dma_wait3A_497] : memref<1x1000000xf32, #tpu.memory_space<hbm>> -> memref<1x1000000xf32, #tpu.memory_space<hbm>>
    %dma_wait3A_499 = tpu.memref_squeeze %dma_wait3A_498 : memref<1x1000000xf32, #tpu.memory_space<hbm>> -> memref<1000000xf32, #tpu.memory_space<hbm>>
    %dma_wait3A_500 = arith.constant 0 : i32
    %dma_wait3A_501 = tpu.memref_slice %dma_wait3A_499[%dma_wait3A_500] : memref<1000000xf32, #tpu.memory_space<hbm>> -> memref<1000000xf32, #tpu.memory_space<hbm>>
    tpu.wait_indirect_dma semaphore(%arg24 : memref<!tpu.dma_semaphore, #tpu.memory_space<semaphore_mem>>) src(%dma_wait3A_501 : memref<1000000xf32, #tpu.memory_space<hbm>>) dst(%dma_wait3A_494 : memref<128xf32, #tpu.memory_space<vmem>>)
    %dma_wait3A_502 = arith.constant 0 : i32
    %dma_wait3A_503 = arith.constant 384 : i32
    %dma_wait3A_504 = tpu.memref_slice %arg14[%dma_wait3A_503] : memref<512xf32, #tpu.memory_space<vmem>> -> memref<128xf32, #tpu.memory_space<vmem>>
    %dma_wait3A_505 = arith.constant 384 : i32
    %dma_wait3A_506 = tpu.memref_slice %arg10[%dma_wait3A_505] : memref<512xi32, #tpu.memory_space<vmem>> -> memref<128xi32, #tpu.memory_space<vmem>>
    %dma_wait3A_507 = arith.constant 0 : i32
    %dma_wait3A_508 = tpu.memref_slice %arg7[%dma_wait3A_502, %dma_wait3A_507] : memref<1x1000000xf32, #tpu.memory_space<hbm>> -> memref<1x1000000xf32, #tpu.memory_space<hbm>>
    %dma_wait3A_509 = tpu.memref_squeeze %dma_wait3A_508 : memref<1x1000000xf32, #tpu.memory_space<hbm>> -> memref<1000000xf32, #tpu.memory_space<hbm>>
    %dma_wait3A_510 = arith.constant 0 : i32
    %dma_wait3A_511 = tpu.memref_slice %dma_wait3A_509[%dma_wait3A_510] : memref<1000000xf32, #tpu.memory_space<hbm>> -> memref<1000000xf32, #tpu.memory_space<hbm>>
    tpu.wait_indirect_dma semaphore(%arg24 : memref<!tpu.dma_semaphore, #tpu.memory_space<semaphore_mem>>) src(%dma_wait3A_511 : memref<1000000xf32, #tpu.memory_space<hbm>>) dst(%dma_wait3A_504 : memref<128xf32, #tpu.memory_space<vmem>>)
    "tpu.region"() ({
      %run_scoped3A = tpu.sem_alloc : memref<!tpu.dma_semaphore, #tpu.memory_space<semaphore_mem>>
      %dma_start3A_512 = tpu.memref_slice %arg8[%mul3A_2] : memref<16384xf32, #tpu.memory_space<hbm>> -> memref<512xf32, #tpu.memory_space<hbm>>
      %dma_start3A_513 = tpu.memref_slice %arg8[%mul3A_2] : memref<16384xf32, #tpu.memory_space<hbm>> -> memref<512xf32, #tpu.memory_space<hbm>>
      tpu.enqueue_dma source(%arg15 : memref<512xf32, #tpu.memory_space<vmem>>) target(%dma_start3A_513 : memref<512xf32, #tpu.memory_space<hbm>>) target_semaphore(%run_scoped3A : memref<!tpu.dma_semaphore, #tpu.memory_space<semaphore_mem>>)
      %dma_wait3A_514 = tpu.memref_slice %arg8[%mul3A_2] : memref<16384xf32, #tpu.memory_space<hbm>> -> memref<512xf32, #tpu.memory_space<hbm>>
      %dma_wait3A_515 = tpu.memref_slice %arg8[%mul3A_2] : memref<16384xf32, #tpu.memory_space<hbm>> -> memref<512xf32, #tpu.memory_space<hbm>>
      tpu.wait_dma2 semaphore(%run_scoped3A : memref<!tpu.dma_semaphore, #tpu.memory_space<semaphore_mem>>) src(%arg15 : memref<512xf32, #tpu.memory_space<vmem>>) dst(%dma_wait3A_515 : memref<512xf32, #tpu.memory_space<hbm>>)
      tpu.yield
    }) : () -> ()
    return
  }
}

</mosaic_0001>

<sc_bundles>
// kernel: _run.3.cloned.1.call-start
scs
__scs_entry_jumppad:
0x0: {  	(pc) =	sbr.rel $0x88, $3  }
0x1: {  	(tag) =	ssettag $0x0;
	lr =	simm.s32 $0x1  }
0x2: {  	[smem:$0x3F9B] =	sst lr;
	_ =	strace $0xD0000000  }
0x3: {  	_ = 	snop  }
0x4: {  	_ = 	snop  }
0x5: {  	_ = 	snop  }
0x6: {  	_ = 	snop  }
0x7: {  	_ = 	snop  }
__scs_overlays_trampoline_lowered:
0x8: {  	[smem:$0x3FAA] =	sst s0  }
0x9: {  	[smem:$0x3FAB] =	sst s1  }
0xa: {  	[smem:$0x3FAC] =	sst s2  }
0xb: {  	[smem:$0x3FAD] =	sst s3  }
0xc: {  	[smem:$0x3FAE] =	sst s4  }
0xd: {  	[smem:$0x3FAF] =	sst s5  }
0xe: {  	[smem:$0x3FB0] =	sst s6  }
0xf: {  	[smem:$0x3FB1] =	sst s7  }
0x10: {  	[smem:$0x3FB2] =	sst s8  }
0x11: {  	[smem:$0x3FB3] =	sst s9;
	s0 =	simm.s32 @!p0 $0x0  }
0x12: {  	s1 =	sld [smem:$0x3F99];
	s0 =	simm.s32 @p0 $0x1  }
0x13: {  	[smem:$0x3FB4] =	sst s0;
	s0 =	simm.s32 @!p1 $0x0  }
0x14: {  	s2 =	sld [smem:$0x3F98];
	s0 =	simm.s32 @p1 $0x1  }
0x15: {  	[smem:$0x3FB5] =	sst s0;
	s0 =	simm.s32 @!p2 $0x0  }
0x16: {  	s3 =	sld [smem:$0x3FDB];
	s0 =	simm.s32 @p2 $0x1  }
0x17: {  	s4 =	simm.s32 $0x1BF5;
	[smem:$0x3FB7] =	sst s0  }
0x18: {  	s0 =	sld [smem:$0x3F9A];
	_ =	swait.ge [sflag:s4], $0x0  }
0x19: {  	s7 =	sld [smem:$0x3F9B]  }
0x1a: {  	s8 =	sadd.s32 $0xFFFFE003, lr  }
0x1b: {  	s9 =	sadd.s32 $0xFFFFFEF7, lr;
	s5 =	simm.s32 $0xFFFFFFFF;
	p2 =	slt.u32 s8, $0xFFFFF086  }
0x1c: {  	p1 =	slt.u32 s9, $0xF7A;
	s5 =	simm.s32 @!p2 $0x0  }
0x1d: {  	s5 =	simm.s32 @p1 $0x1;
	p0 =	seq.s32 s7, s2  }
0x1e: {  	s7 =	smul.u32 @!p0 $0xF7A, s2;
	p2 =	seq.s32 @!p0 s5, $0x0  }
0x1f: {  	s9 =	smul.u32 $0xF7A, s1;
	s8 =	simm.s32 @!p0 $0x1BF5;
	p2 =	por !p2, p0  }
0x20: {  	[sflag:s8] =	ssyncset.s32 @!p0 $0xFFFFF086;
	s6 =	sadd.s32 @!p0 s3, s7;
	s7 =	simm.s32 @!p0 $0x108  }
0x21: {  	s3 =	sadd.s32 s3, s9;
	s6 =	sadd.s32 @!p0 $0x88, s6;
	s7 =	simm.s32 @p2 $0x1082  }
0x22: {  	[simem:s7], [sflag:s8] =	dma.local @!p0 [hbm:s6], $0xF7A  }
0x23: {  	s9 =	sor.u32 $0xD0000000, s2;
	s6 =	simm.s32 $0x108;
	_ =	swait.ge @!p0 [sflag:s8], $0x0  }
0x24: {  	s3 =	sadd.s32 $0x88, s3;
	s6 =	simm.s32 @!p1 $0x1082;
	[sflag:s4] =	ssyncset.s32 $0xFFFFF086  }
0x25: {  	[simem:s6], [sflag:s4] =	dma.local [hbm:s3], $0xF7A  }
0x26: {  	[smem:$0x3F9B] =	sst s1;
	(tag) =	ssettag s2;
	_ =	strace s9  }
0x27: {  	s1 =	sld [smem:$0x3FAB]  }
0x28: {  	s2 =	sld [smem:$0x3FAC]  }
0x29: {  	s4 =	sld [smem:$0x3FAE]  }
0x2a: {  	p0 =	seq.s32 s5, $0x0;
	s5 =	sld [smem:$0x3FAF]  }
0x2b: {  	s6 =	sld [smem:$0x3FB0]  }
0x2c: {  	s7 =	sld [smem:$0x3FB1]  }
0x2d: {  	s3 =	simm.s32 $0x108;
	s8 =	sld [smem:$0x3FB2]  }
0x2e: {  	s3 =	simm.s32 @!p0 $0x1082;
	s9 =	sld [smem:$0x3FB3]  }
0x2f: {  	lr =	sadd.s32 s0, s3;
	s0 =	sld [smem:$0x3FAA]  }
0x30: {  	s3 =	sld [smem:$0x3FAD]  }
0x31: {  	[smem:$0x3FB6] =	sst s10  }
0x32: {  	s10 =	sld [smem:$0x3FB4];
	_ =	sdelay $0x3  }
0x33: {  	p0 =	seq.s32 s10, $0x1;
	s10 =	sld [smem:$0x3FB6];
	_ =	sdelay $0x3  }
0x34: {  	[smem:$0x3FB6] =	sst s10  }
0x35: {  	s10 =	sld [smem:$0x3FB5];
	_ =	sdelay $0x3  }
0x36: {  	p1 =	seq.s32 s10, $0x1;
	s10 =	sld [smem:$0x3FB6];
	_ =	sdelay $0x3  }
0x37: {  	[smem:$0x3FB6] =	sst s10  }
0x38: {  	s10 =	sld [smem:$0x3FB7]  }
0x39: {  	_ = 	snop;
	(pc) =	sbr.ind lr, $3  }
0x3a: {  	_ = 	snop  }
0x3b: {  	_ = 	snop  }
0x3c: {  	p2 =	seq.s32 s10, $0x1;
	s10 =	sld [smem:$0x3FB6]  }
0x3d: {  	_ =	shalt  }
0x3e: {  	_ =	shalt  }
0x3f: {  	_ =	shalt  }
0x40: {  	_ =	shalt  }
0x41: {  	_ =	shalt  }
0x42: {  	_ =	shalt  }
0x43: {  	_ =	shalt  }
0x44: {  	_ =	shalt  }
0x45: {  	_ =	shalt  }
0x46: {  	_ =	shalt  }
0x47: {  	_ =	shalt  }
0x48: {  	_ =	shalt  }
0x49: {  	_ =	shalt  }
0x4a: {  	_ =	shalt  }
0x4b: {  	_ =	shalt  }
0x4c: {  	_ =	shalt  }
0x4d: {  	_ =	shalt  }
0x4e: {  	_ =	shalt  }
0x4f: {  	_ =	shalt  }
0x50: {  	_ =	shalt  }
0x51: {  	_ =	shalt  }
0x52: {  	_ =	shalt  }
0x53: {  	_ =	shalt  }
0x54: {  	_ =	shalt  }
0x55: {  	_ =	shalt  }
0x56: {  	_ =	shalt  }
0x57: {  	_ =	shalt  }
0x58: {  	_ =	shalt  }
0x59: {  	_ =	shalt  }
0x5a: {  	_ =	shalt  }
0x5b: {  	_ =	shalt  }
0x5c: {  	_ =	shalt  }
0x5d: {  	_ =	shalt  }
0x5e: {  	_ =	shalt  }
0x5f: {  	_ =	shalt  }
0x60: {  	_ =	shalt  }
0x61: {  	_ =	shalt  }
0x62: {  	_ =	shalt  }
0x63: {  	_ =	shalt  }
0x64: {  	_ =	shalt  }
0x65: {  	_ =	shalt  }
0x66: {  	_ =	shalt  }
0x67: {  	_ =	shalt  }
0x68: {  	_ =	shalt  }
0x69: {  	_ =	shalt  }
0x6a: {  	_ =	shalt  }
0x6b: {  	_ =	shalt  }
0x6c: {  	_ =	shalt  }
0x6d: {  	_ =	shalt  }
0x6e: {  	_ =	shalt  }
0x6f: {  	_ =	shalt  }
0x70: {  	_ =	shalt  }
0x71: {  	_ =	shalt  }
0x72: {  	_ =	shalt  }
0x73: {  	_ =	shalt  }
0x74: {  	_ =	shalt  }
0x75: {  	_ =	shalt  }
0x76: {  	_ =	shalt  }
0x77: {  	_ =	shalt  }
0x78: {  	_ =	shalt  }
0x79: {  	_ =	shalt  }
0x7a: {  	_ =	shalt  }
0x7b: {  	_ =	shalt  }
0x7c: {  	_ =	shalt  }
0x7d: {  	_ =	shalt  }
0x7e: {  	_ =	shalt  }
0x7f: {  	_ =	shalt  }
0x80: {  	_ =	shalt  }
0x81: {  	_ =	shalt  }
0x82: {  	_ =	shalt  }
0x83: {  	_ =	shalt  }
0x84: {  	_ =	shalt  }
0x85: {  	_ =	shalt  }
0x86: {  	_ =	shalt  }
0x87: {  	_ =	shalt  }
.Lfunc_end0:
.L_simem_size_0:
called_computation_lowered:
.L_overlay_start_0:
0x88: {  	s2 =	sld [smem:$0x3FD9]  }
0x89: {  	s3 =	sld [smem:$0x3FFE];
	_ =	sdelay $0x1  }
0x8a: {  	s1 =	srdreg.scid  }
0x8b: {  	s0 =	sand.u32 $0x1, s1  }
0x8c: {  	s18 =	sshll.u32 s0, $0xA;
	s2 =	sadd.s32 s3, s2  }
0x8d: {  	s2 =	sadd.s32 s2, s18  }
0x8e: {  	[smem:$0x3FC2] =	sst s2  }
0x8f: {  	_ = 	snop  }
0x90: {  	s2 =	sld [smem:$0x3FC9]  }
0x91: {  	s19 =	sld [smem:$0x3FC8]  }
0x92: {  	s4 =	sld [smem:$0x3FC7]  }
0x93: {  	s5 =	sld [smem:$0x3FC6]  }
0x94: {  	s6 =	sld [smem:$0x3FC5]  }
0x95: {  	s7 =	sld [smem:$0x3FC4]  }
0x96: {  	s8 =	sld [smem:$0x3FD0];
	(tm) =	ssettm $0x1  }
0x97: {  	s9 =	sld [smem:$0x3FFB];
	_ =	sdelay $0x3  }
0x98: {  	_ =	strace s9  }
0x99: {  	s9 =	sld [smem:$0x3FFC];
	_ =	sdelay $0x3  }
0x9a: {  	_ =	strace s9  }
0x9b: {  	s9 =	sld [smem:$0x3FFD];
	_ =	sdelay $0x3  }
0x9c: {  	_ =	strace s9  }
0x9d: {  	_ =	strace $0x8FFFFFFF  }
0x9e: {  	s20 =	sld [smem:$0x3FDB];
	_ =	sdelay $0x1  }
0x9f: {  	s10 =	simm.s32 $_scs_section_size  }
0xa0: {  	s11 =	simm.s32 $_size__tile_overlayer_lowered;
	s12 =	simm.s32 $_tile_overlayer_lowered  }
0xa1: {  	s23 =	simm.s32 $0x1BFF;
	s22 =	sshll.u32 s12, $0x1;
	s9 =	sadd.s32 s10, s20  }
0xa2: {  	s13 =	simm.s32 $0x0;
	s21 =	sshll.u32 s11, $0x1;
	s11 =	sadd.s32 s22, s9  }
0xa3: {  	[timem:s13], [sflag:s23] =	dma.local [hbm:s11], s21  }
0xa4: {  	_ =	swait.ge [sflag:s23], s21  }
0xa5: {  	s10 =	ssub.s32 $0x0, s21;
	[sflag:s23] =	ssyncset.done $0x0  }
0xa6: {  	[sflag:s23] =	ssyncadd.s32 s10;
	_ =	sdelay $0x1  }
0xa7: {  	s24 =	simm.s32 $0x1B8B  }
0xa8: {  	_ =	swait.ge [sflag:s24], $0x1  }
0xa9: {  	[sflag:s24] =	ssyncset.done $0x0  }
0xaa: {  	s25 =	simm.s32 $0x1B8E;
	[sflag:s24] =	ssyncadd.s32 $0xFFFFFFFF  }
0xab: {  	s26 =	simm.s32 $execute0_lowered;
	[smem:$0x3FD2] =	sst s25  }
0xac: {  	s10 =	sshll.u32 s26, $0x1;
	_ =	strace $0x80000046;
	[dreg:$0x1] =	wrdreg $0xFFFFFFFF  }
0xad: {  	s28 =	simm.s32 $_size_execute0_lowered;
	s9 =	sadd.s32 s9, s10;
	[dreg:$0x0] =	wrdreg $0x0  }
0xae: {  	s10 =	sshll.u32 s28, $0x1;
	[dreg:$0x2] =	wrdreg s9  }
0xaf: {  	[dreg:$0x3] =	wrdreg s10  }
0xb0: {  	[dreg:$0x4] =	wrdreg $0xC0  }
0xb1: {  	_ =	task [dreg:s13], $0x5FFFF  }
0xb2: {  	[dreg:$0x1] =	wrdreg $0xFFFFFFFF  }
0xb3: {  	[dreg:$0x0] =	wrdreg $0x60  }
0xb4: {  	[dreg:$0x2] =	wrdreg s2  }
0xb5: {  	[dreg:$0x3] =	wrdreg s19  }
0xb6: {  	[dreg:$0x4] =	wrdreg s4  }
0xb7: {  	[dreg:$0x5] =	wrdreg s5  }
0xb8: {  	[dreg:$0x6] =	wrdreg s6  }
0xb9: {  	[dreg:$0x7] =	wrdreg s7  }
0xba: {  	[dreg:$0x8] =	wrdreg s8  }
0xbb: {  	[dreg:$0x9] =	wrdreg $0x9  }
0xbc: {  	_ =	task.clear_ibuf [dreg:s13], $0xAFFFF;
	_ =	strace $0x90000046  }
0xbd: {  	s29 =	simm.s32 $0x9;
	_ =	strace $0x80000048  }
0xbe: {  	_ =	swait.ge [sflag:s29], $0x1  }
0xbf: {  	[sflag:s29] =	ssyncadd.s32 $0xFFFFFFFF  }
0xc0: {  	_ =	strace $0x90000048  }
0xc1: {  	_ =	sfence  }
0xc2: {  	s30 =	sld [smem:$0x0];
	_ =	sdelay $0x2  }
0xc3: {  	s31 =	sshll.u32 s1, $0xD;
	s1 =	sshrl.u32 s1, $0x2  }
0xc4: {  	s3 =	sand.u32 $0x4000, s31;
	s1 =	sadd.s32 s1, s30  }
0xc5: {  	s0 =	sor.u32 s3, s0;
	s1 =	sshll.u32 s1, $0x11  }
0xc6: {  	s0 =	sor.u32 s1, s0  }
0xc7: {  	s0 =	sadd.s32 $0x8F2B, s0  }
0xc8: {  	[sflag:s0] =	ssyncadd.remote.s32 $0x1  }
0xc9: {  	_ =	sfence.sel $0xFFFF  }
0xca: {  	[dreg:$0x0] =	wrdreg $0xFFFFFFFF;
	(pc) =	sbr.abs _section_cstart, $3  }
0xcb: {  	[dreg:$0x1] =	wrdreg $0xFFFFFFFF  }
0xcc: {  	_ =	task.clear_ibuf [dreg:s13], $0x2FFFF;
	_ =	strace $0x9FFFFFFF  }
0xcd: {  	(tm) =	ssettm $0x7FFFFFFF  }
tec
execute0_lowered:
.L_overlay_start_1:
0x0: {  	(tag) =	ssettag $0x1  }
0x1: {  	s0 =	rddreg [dreg:$0x0]  }
0x2: {  	s3 =	rddreg [dreg:$0x1]  }
0x3: {  	s12 =	rddreg [dreg:$0x2]  }
0x4: {  	s2 =	rddreg [dreg:$0x3]  }
0x5: {  	s4 =	rddreg [dreg:$0x6];
	s5 =	srdreg.scid;
	s11 =	simm.s32 $0x0  }
0x6: {  	s8 =	stileid.u32;
	s28 =	simm.s32 $0x7A1400;
	s29 =	simm.s32 $0x400  }
0x7: {  	s30 =	simm.s32 $0x8400;
	s18 =	simm.s32 $0x1400;
	s19 =	simm.s32 $0x9400  }
0x8: {  	v0 =	vlaneseq.u32;
	vm0 =	vmmov $0x1;
	s20 =	simm.s32 $0x2400;
	s22 =	simm.s32 $0xA400;
	s23 =	simm.s32 $0x3400  }
0x9: {  	vm1 =	vmmov $0x3;
	vm2 =	vmmov $0x7;
	s24 =	simm.s32 $0xB400;
	vm3 =	vmmov $0xf;
	s13 =	simm.s32 $0xC400;
	s14 =	simm.s32 $0x5400  }
0xa: {  	s15 =	simm.s32 $0xD400;
	vm4 =	vmmov $0x1f;
	s16 =	simm.s32 $0x6400;
	s17 =	simm.s32 $0xE400;
	vm5 =	vmmov $0x3f;
	vm6 =	vmmov $0x7f  }
0xb: {  	s21 =	simm.s32 $0x1;
	vm7 =	vmmov $0xff;
	vm8 =	vmmov $0x1ff;
	vm9 =	vcmask $0x2B28;
	s1 =	simm.s32 $0x0;
	s5 =	sand.u32 $0x1, s5  }
0xc: {  	vm10 =	vcmask $0x2F2C;
	vm11 =	vcmask $0x3330;
	s8 =	sshll.u32 s8, $0x7;
	v0 =	vmul.u32 $0x80, v0;
	s6 =	ssub.s32 $0x2, s5;
	s5 =	sshll.u32 s5, $0x6  }
0xd: {  	vm12 =	vcmask $0x3734;
	vm13 =	vcmask $0x3B38;
	vm14 =	vmmov $0x7fff;
	s9 =	simm.s32 $0x4;
	[smem:$0x7FF] =	sst s11;
	s5 =	sor.u32 s5, s8  }
0xe: {  	_ =	strace $0x80000047;
	s7 =	sshrl.u32 s6, $0x1;
	v1 =	vor.u32 $0x800, v0;
	v2 =	vor.u32 $0x1000, v0;
	v3 =	vor.u32 $0x1800, v0;
	s0 =	sadd.s32 s0, s5  }
0xf: {  	v4 =	vor.u32 $0x2000, v0;
	v5 =	vor.u32 $0x2800, v0;
	v6 =	vor.u32 $0x3000, v0;
	s8 =	simm.s32 $0x3;
	s25 =	sadd.s32 s3, s5;
	[dreg:$0x8] =	wrdreg s0  }
0x10: {  	v7 =	vor.u32 $0x3800, v0;
	v8 =	vor.u32 $0x4000, v0;
	v9 =	vor.u32 $0x4800, v0;
	s6 =	ssub.s32 s6, s7;
	s26 =	sadd.s32 s4, s5;
	[dreg:$0x9] =	wrdreg s25  }
0x11: {  	v10 =	vor.u32 $0x5000, v0;
	v11 =	vor.u32 $0x5800, v0;
	v12 =	vor.u32 $0x6000, v0;
	s4 =	simm.s32 $0xA;
	[dreg:$0xa] =	wrdreg s26;
	s31 =	smax.u32 s6, $0x1  }
0x12: {  	v13 =	vor.u32 $0x6800, v0;
	v14 =	vor.u32 $0x7000, v0;
	v15 =	vor.u32 $0x7800, v0;
	s7 =	simm.s32 $0x2;
	s26 =	simm.s32 $0x7400;
	[dreg:$0xb] =	wrdreg s31  }
.LBB2_1:
0x13: {  	[dreg:$0xc] =	wrdreg s1  }
0x14: {  	s0 =	rddreg [dreg:$0x8]  }
0x15: {  	[tilespmem:s11], [sflag:$0xA] =	stream.linear.gather [hbm4b:s0+s11], $0x200, $0x38;
	[tilespmem:$0x10A00] =	vst v63  }
0x16: {  	_ =	swait.ge [sflag:s4], $0x200  }
0x17: {  	[sflag:s4] =	ssyncset.done $0x0  }
0x18: {  	s5 =	simm.s32 $0x200;
	s10 =	rddreg [dreg:$0x9];
	[sflag:s4] =	ssyncadd.s32 $0xFFFFFE00  }
0x19: {  	[tilespmem:s5], [sflag:$0xA] =	stream.linear.gather [hbm4b:s10+s11], $0x200, $0x38;
	[tilespmem:$0x10A00] =	vst v63  }
0x1a: {  	_ =	swait.ge [sflag:s4], $0x200  }
0x1b: {  	[sflag:s4] =	ssyncset.done $0x0  }
0x1c: {  	[sflag:s4] =	ssyncadd.s32 $0xFFFFFE00  }
0x1d: {  	s6 =	simm.s32 $0x80;
	s25 =	simm.s32 $0x10400;
	s0 =	rddreg [dreg:$0x4]  }
0x1e: {  	[tilespmem:s25], [sflag:$0x9] =	stream.indirect.gather [hbm4b:s0+s6], $0x1, s11, s6, $0xb8;
	[tilespmem:$0x10A00] =	vst v63  }
0x1f: {  	s31 =	simm.s32 $0x10600;
	s4 =	rddreg [dreg:$0x5]  }
0x20: {  	[tilespmem:s31], [sflag:$0x9] =	stream.indirect.gather [hbm4b:s4+s6], $0x1, s5, s6, $0xb8;
	[tilespmem:$0x10A00] =	vst v63  }
0x21: {  	s1 =	simm.s32 $0x10480  }
0x22: {  	[tilespmem:s1], [sflag:$0x9] =	stream.indirect.gather [hbm4b:s0+s6], $0x1, s6, s6, $0xb8;
	[tilespmem:$0x10A00] =	vst v63  }
0x23: {  	s3 =	simm.s32 $0x280;
	s10 =	simm.s32 $0x10680  }
0x24: {  	[tilespmem:s10], [sflag:$0x9] =	stream.indirect.gather [hbm4b:s4+s6], $0x1, s3, s6, $0xb8;
	[tilespmem:$0x10A00] =	vst v63  }
0x25: {  	s11 =	simm.s32 $0x10500;
	s25 =	simm.s32 $0x100  }
0x26: {  	[tilespmem:s11], [sflag:$0x9] =	stream.indirect.gather [hbm4b:s0+s6], $0x1, s25, s6, $0xb8;
	[tilespmem:$0x10A00] =	vst v63  }
0x27: {  	s31 =	simm.s32 $0x300;
	s1 =	simm.s32 $0x10700  }
0x28: {  	[tilespmem:s1], [sflag:$0x9] =	stream.indirect.gather [hbm4b:s4+s6], $0x1, s31, s6, $0xb8;
	[tilespmem:$0x10A00] =	vst v63  }
0x29: {  	s3 =	simm.s32 $0x180;
	s10 =	simm.s32 $0x10580  }
0x2a: {  	[tilespmem:s10], [sflag:$0x9] =	stream.indirect.gather [hbm4b:s0+s6], $0x1, s3, s6, $0xb8;
	[tilespmem:$0x10A00] =	vst v63  }
0x2b: {  	s11 =	simm.s32 $0x380;
	s25 =	simm.s32 $0x10780  }
0x2c: {  	[tilespmem:s25], [sflag:$0x9] =	stream.indirect.gather [hbm4b:s4+s6], $0x1, s11, s6, $0xb8;
	[tilespmem:$0x10A00] =	vst v63  }
0x2d: {  	v16 =	vld [tilespmem:$0x0]  }
0x2e: {  	v17 =	vld [tilespmem:$0x200];
	_ =	sdelay $0x3  }
0x2f: {  	(v2sf) =	vpush v16, $0x0  }
0x30: {  	(v2sf) =	vpush v17, $0x0;
	_ =	sdelay $0x1  }
0x31: {  	(v2sf) =	vpush v16, $0x1;
	_ =	sdelay $0x5  }
0x32: {  	(v2sf) =	vpush v17, $0x1;
	_ =	sdelay $0x5  }
0x33: {  	s31 =	spop (v2sf);
	(v2sf) =	vpush v16, $0x2  }
0x34: {  	s1 =	spop (v2sf);
	(v2sf) =	vpush v17, $0x2;
	_ =	sdelay $0x1  }
0x35: {  	s0 =	sand.u32 $0xFFFFF80, s31;
	s3 =	spop (v2sf);
	(v2sf) =	vpush v16, $0x3  }
0x36: {  	s0 =	sadd.s32 s12, s0  }
0x37: {  	[tilespmem:s29], [sflag:$0x1] =	stream.strided.gather [hbm4b:s0+s29], $0x1000, s28, s29, $0x38;
	[tilespmem:$0x10A00] =	vst v63  }
0x38: {  	s0 =	sand.u32 $0xFFFFF80, s1  }
0x39: {  	s0 =	sadd.s32 s2, s0  }
0x3a: {  	(v2sf) =	vpush v17, $0x3;
	[tilespmem:s30], [sflag:$0x1] =	stream.strided.gather [hbm4b:s0+s29], $0x1000, s28, s29, $0x38;
	[tilespmem:$0x10A00] =	vst v63  }
0x3b: {  	s4 =	spop (v2sf);
	(v2sf) =	vpush v16, $0x4;
	s0 =	sand.u32 $0xFFFFF80, s3  }
0x3c: {  	s0 =	sadd.s32 s12, s0  }
0x3d: {  	[tilespmem:s18], [sflag:$0x2] =	stream.strided.gather [hbm4b:s0+s29], $0x1000, s28, s29, $0x38;
	[tilespmem:$0x10A00] =	vst v63  }
0x3e: {  	s0 =	sand.u32 $0xFFFFF80, s4  }
0x3f: {  	s0 =	sadd.s32 s2, s0  }
0x40: {  	[tilespmem:s19], [sflag:$0x2] =	stream.strided.gather [hbm4b:s0+s29], $0x1000, s28, s29, $0x38;
	[tilespmem:$0x10A00] =	vst v63  }
0x41: {  	s5 =	spop (v2sf);
	(v2sf) =	vpush v17, $0x4  }
0x42: {  	s6 =	spop (v2sf);
	(v2sf) =	vpush v16, $0x5  }
0x43: {  	s0 =	sand.u32 $0xFFFFF80, s5  }
0x44: {  	s0 =	sadd.s32 s12, s0;
	s10 =	spop (v2sf)  }
0x45: {  	(v2sf) =	vpush v17, $0x5;
	[tilespmem:s20], [sflag:$0x3] =	stream.strided.gather [hbm4b:s0+s29], $0x1000, s28, s29, $0x38;
	[tilespmem:$0x10A00] =	vst v63  }
0x46: {  	s0 =	sand.u32 $0xFFFFF80, s6  }
0x47: {  	s0 =	sadd.s32 s2, s0  }
0x48: {  	[tilespmem:s22], [sflag:$0x3] =	stream.strided.gather [hbm4b:s0+s29], $0x1000, s28, s29, $0x38;
	[tilespmem:$0x10A00] =	vst v63  }
0x49: {  	s11 =	spop (v2sf);
	s0 =	sand.u32 $0xFFFFF80, s10  }
0x4a: {  	s25 =	sand.u32 $0xFFFFF80, s11;
	s31 =	spop (v2sf);
	s0 =	sadd.s32 s12, s0  }
0x4b: {  	[tilespmem:s23], [sflag:$0x4] =	stream.strided.gather [hbm4b:s0+s29], $0x1000, s28, s29, $0x38;
	[tilespmem:$0x10A00] =	vst v63  }
0x4c: {  	s1 =	sand.u32 $0xFFFFF80, s31;
	s0 =	sadd.s32 s2, s25  }
0x4d: {  	[tilespmem:s24], [sflag:$0x4] =	stream.strided.gather [hbm4b:s0+s29], $0x1000, s28, s29, $0x38;
	[tilespmem:$0x10A00] =	vst v63  }
0x4e: {  	s6 =	simm.s32 $0x4400;
	s0 =	sadd.s32 s12, s1  }
0x4f: {  	[tilespmem:s6], [sflag:$0x5] =	stream.strided.gather [hbm4b:s0+s29], $0x1000, s28, s29, $0x38;
	[tilespmem:$0x10A00] =	vst v63  }
0x50: {  	s3 =	spop (v2sf)  }
0x51: {  	s10 =	sand.u32 $0xFFFFF80, s3;
	s11 =	spop (v2sf)  }
0x52: {  	s0 =	sadd.s32 s2, s10;
	s25 =	sand.u32 $0xFFFFF80, s11  }
0x53: {  	[tilespmem:s13], [sflag:$0x5] =	stream.strided.gather [hbm4b:s0+s29], $0x1000, s28, s29, $0x38;
	[tilespmem:$0x10A00] =	vst v63  }
0x54: {  	s31 =	spop (v2sf);
	s0 =	sadd.s32 s12, s25  }
0x55: {  	[tilespmem:s14], [sflag:$0x6] =	stream.strided.gather [hbm4b:s0+s29], $0x1000, s28, s29, $0x38;
	[tilespmem:$0x10A00] =	vst v63  }
0x56: {  	s0 =	sand.u32 $0xFFFFF80, s31  }
0x57: {  	s11 =	simm.s32 $0x0;
	s13 =	simm.s32 $0x1;
	s0 =	sadd.s32 s2, s0  }
0x58: {  	[tilespmem:s15], [sflag:$0x6] =	stream.strided.gather [hbm4b:s0+s29], $0x1000, s28, s29, $0x38;
	[tilespmem:$0x10A00] =	vst v63  }
.LBB2_2:
0x59: {  	s0 =	sshra.s32 s11, $0x2  }
0x5a: {  	v25 =	vld [tilespmem:s0+$0x0]  }
0x5b: {  	v24 =	vld [tilespmem:s0+$0x200];
	_ =	sdelay $0x3  }
0x5c: {  	(v2sf) =	vpush v25, $0x6  }
0x5d: {  	(v2sf) =	vpush v24, $0x6;
	_ =	sdelay $0xc  }
0x5e: {  	s4 =	smin.u32 s13, $0x1F  }
0x5f: {  	[dreg:$0xd] =	wrdreg s0;
	s0 =	sshll.u32 s4, $0x4;
	s4 =	spop (v2sf)  }
0x60: {  	s5 =	sand.u32 $0xFFFFF80, s4;
	s31 =	spop (v2sf)  }
0x61: {  	v17 =	vld [tilespmem:s0+$0x0];
	s5 =	sadd.s32 s12, s5;
	s6 =	sand.u32 $0xFFFFF80, s31  }
0x62: {  	v16 =	vld [tilespmem:s0+$0x200];
	[tilespmem:s16], [sflag:$0x7] =	stream.strided.gather [hbm4b:s5+s29], $0x1000, s28, s29, $0x38  }
0x63: {  	s0 =	sadd.s32 s2, s6  }
0x64: {  	[tilespmem:s17], [sflag:$0x7] =	stream.strided.gather [hbm4b:s0+s29], $0x1000, s28, s29, $0x38;
	[tilespmem:$0x10A00] =	vst v63  }
0x65: {  	_ =	swait.ge [sflag:s21], $0x1000  }
0x66: {  	[sflag:s21] =	ssyncset.done $0x0  }
0x67: {  	[sflag:s21] =	ssyncadd.s32 $0xFFFFF000  }
0x68: {  	_ =	swait.ge [sflag:s21], $0x1000  }
0x69: {  	(v2sf) =	vpush v25, $0x0;
	_ =	sdelay $0x1  }
0x6a: {  	(v2sf) =	vpush v24, $0x0;
	_ =	sdelay $0xc  }
0x6b: {  	s14 =	spop (v2sf)  }
0x6c: {  	s0 =	sand.u32 $0x7F, s14  }
0x6d: {  	s15 =	spop (v2sf);
	v18 =	vor.u32 s0, v0  }
0x6e: {  	s5 =	sand.u32 $0x7F, s15;
	v19 =	vor.u32 s0, v1  }
0x6f: {  	v20 =	vor.u32 s5, v0  }
0x70: {  	[sflag:s21] =	ssyncset.done $0x0;
	v21 =	vor.u32 s5, v1  }
0x71: {  	[sflag:s21] =	ssyncadd.s32 $0xFFFFF000  }
0x72: {  	v18 =	vld.idx.msk [tilespmem:v18+s29+$0x0], $0xffff  }
0x73: {  	v19 =	vld.idx.msk [tilespmem:v19+s29+$0x0], $0xffff  }
0x74: {  	(v2sf) =	vpush v25, $0x7;
	v20 =	vld.idx.msk [tilespmem:v20+s30+$0x0], $0xffff  }
0x75: {  	(v2sf) =	vpush v24, $0x7;
	v21 =	vld.idx.msk [tilespmem:v21+s30+$0x0], $0xffff;
	_ =	sdelay $0x4  }
0x76: {  	v18 =	vmul.f32 v20, v18;
	v19 =	vmul.f32 v21, v19;
	_ =	sdelay $0x1  }
0x77: {  	v18 =	vadd.f32 v19, v18;
	_ =	sdelay $0x1  }
0x78: {  	(xrf2) =	vadd.scan.msk.f32 $0xffff, v18;
	_ =	sdelay $0x4  }
0x79: {  	s5 =	spop (v2sf)  }
0x7a: {  	s14 =	sand.u32 $0xFFFFF80, s5;
	s0 =	spop (v2sf)  }
0x7b: {  	s14 =	sadd.s32 s12, s14;
	s16 =	sand.u32 $0xFFFFF80, s0  }
0x7c: {  	[tilespmem:s26], [sflag:$0x8] =	stream.strided.gather [hbm4b:s14+s29], $0x1000, s28, s29, $0x38;
	[tilespmem:$0x10A00] =	vst v63  }
0x7d: {  	s1 =	simm.s32 $0xF400;
	s14 =	sadd.s32 s2, s16  }
0x7e: {  	[tilespmem:s1], [sflag:$0x8] =	stream.strided.gather [hbm4b:s14+s29], $0x1000, s28, s29, $0x38;
	v18, _, _ =	vpop (xrf2);
	[tilespmem:$0x10A00] =	vst v63  }
0x7f: {  	_ =	swait.ge [sflag:s7], $0x1000  }
0x80: {  	[sflag:s7] =	ssyncset.done $0x0  }
0x81: {  	[sflag:s7] =	ssyncadd.s32 $0xFFFFF000  }
0x82: {  	_ =	swait.ge [sflag:s7], $0x1000  }
0x83: {  	(v2sf) =	vpush v25, $0x1;
	_ =	sdelay $0x1  }
0x84: {  	(v2sf) =	vpush v24, $0x1;
	_ =	sdelay $0xc  }
0x85: {  	s17 =	spop (v2sf)  }
0x86: {  	s14 =	sand.u32 $0x7F, s17  }
0x87: {  	s15 =	spop (v2sf);
	v63 =	vor.u32 s14, v2  }
0x88: {  	s15 =	sand.u32 $0x7F, s15;
	v26 =	vor.u32 s14, v3  }
0x89: {  	v27 =	vor.u32 s15, v2  }
0x8a: {  	[sflag:s7] =	ssyncset.done $0x0;
	v22 =	vor.u32 s15, v3  }
0x8b: {  	[sflag:s7] =	ssyncadd.s32 $0xFFFFF000  }
0x8c: {  	v19 =	vld.idx.msk [tilespmem:v63+s29+$0x0], $0xffff  }
0x8d: {  	v20 =	vld.idx.msk [tilespmem:v26+s29+$0x0], $0xffff  }
0x8e: {  	(v2sf) =	vpush v25, $0x8;
	v21 =	vld.idx.msk [tilespmem:v27+s30+$0x0], $0xffff  }
0x8f: {  	(v2sf) =	vpush v24, $0x8;
	v22 =	vld.idx.msk [tilespmem:v22+s30+$0x0], $0xffff;
	_ =	sdelay $0x4  }
0x90: {  	v19 =	vmul.f32 v21, v19;
	v20 =	vmul.f32 v22, v20;
	_ =	sdelay $0x1  }
0x91: {  	v19 =	vadd.f32 v20, v19;
	_ =	sdelay $0x1  }
0x92: {  	(xrf2) =	vadd.scan.msk.f32 $0xffff, v19;
	_ =	sdelay $0x4  }
0x93: {  	s15 =	spop (v2sf)  }
0x94: {  	s21 =	sand.u32 $0xFFFFF80, s15;
	s14 =	spop (v2sf)  }
0x95: {  	s16 =	sadd.s32 s12, s21;
	s26 =	sand.u32 $0xFFFFF80, s14  }
0x96: {  	[tilespmem:s29], [sflag:$0x1] =	stream.strided.gather [hbm4b:s16+s29], $0x1000, s28, s29, $0x38;
	[tilespmem:$0x10A00] =	vst v63  }
0x97: {  	s16 =	sadd.s32 s2, s26  }
0x98: {  	[tilespmem:s30], [sflag:$0x1] =	stream.strided.gather [hbm4b:s16+s29], $0x1000, s28, s29, $0x38;
	v19, _, _ =	vpop (xrf2);
	[tilespmem:$0x10A00] =	vst v63  }
0x99: {  	_ =	swait.ge [sflag:s8], $0x1000  }
0x9a: {  	[sflag:s8] =	ssyncset.done $0x0  }
0x9b: {  	[sflag:s8] =	ssyncadd.s32 $0xFFFFF000  }
0x9c: {  	_ =	swait.ge [sflag:s8], $0x1000  }
0x9d: {  	(v2sf) =	vpush v25, $0x2;
	_ =	sdelay $0x1  }
0x9e: {  	(v2sf) =	vpush v24, $0x2;
	_ =	sdelay $0xc  }
0x9f: {  	s1 =	spop (v2sf)  }
0xa0: {  	s16 =	sand.u32 $0x7F, s1  }
0xa1: {  	s3 =	spop (v2sf);
	v28 =	vor.u32 s16, v4  }
0xa2: {  	s17 =	sand.u32 $0x7F, s3;
	v29 =	vor.u32 s16, v5  }
0xa3: {  	v30 =	vor.u32 s17, v4  }
0xa4: {  	[sflag:s8] =	ssyncset.done $0x0;
	v23 =	vor.u32 s17, v5  }
0xa5: {  	[sflag:s8] =	ssyncadd.s32 $0xFFFFF000  }
0xa6: {  	v20 =	vld.idx.msk [tilespmem:v28+s29+$0x0], $0xffff  }
0xa7: {  	(v2sf) =	vpush v25, $0x9;
	v21 =	vld.idx.msk [tilespmem:v29+s29+$0x0], $0xffff  }
0xa8: {  	v22 =	vld.idx.msk [tilespmem:v30+s30+$0x0], $0xffff  }
0xa9: {  	(v2sf) =	vpush v24, $0x9;
	v23 =	vld.idx.msk [tilespmem:v23+s30+$0x0], $0xffff;
	_ =	sdelay $0x4  }
0xaa: {  	v20 =	vmul.f32 v22, v20;
	v21 =	vmul.f32 v23, v21;
	_ =	sdelay $0x1  }
0xab: {  	v20 =	vadd.f32 v21, v20;
	_ =	sdelay $0x1  }
0xac: {  	(xrf2) =	vadd.scan.msk.f32 $0xffff, v20;
	_ =	sdelay $0x3  }
0xad: {  	s21 =	spop (v2sf)  }
0xae: {  	s6 =	sand.u32 $0xFFFFF80, s21  }
0xaf: {  	s17 =	spop (v2sf);
	s16 =	sadd.s32 s12, s6  }
0xb0: {  	[tilespmem:s18], [sflag:$0x2] =	stream.strided.gather [hbm4b:s16+s29], $0x1000, s28, s29, $0x38;
	[tilespmem:$0x10A00] =	vst v63  }
0xb1: {  	s18 =	sand.u32 $0xFFFFF80, s17  }
0xb2: {  	s16 =	sadd.s32 s2, s18  }
0xb3: {  	[tilespmem:s19], [sflag:$0x2] =	stream.strided.gather [hbm4b:s16+s29], $0x1000, s28, s29, $0x38;
	v20, _, _ =	vpop (xrf2);
	[tilespmem:$0x10A00] =	vst v63  }
0xb4: {  	_ =	swait.ge [sflag:s9], $0x1000  }
0xb5: {  	[sflag:s9] =	ssyncset.done $0x0  }
0xb6: {  	[sflag:s9] =	ssyncadd.s32 $0xFFFFF000  }
0xb7: {  	_ =	swait.ge [sflag:s9], $0x1000  }
0xb8: {  	(v2sf) =	vpush v25, $0x3;
	_ =	sdelay $0x1  }
0xb9: {  	(v2sf) =	vpush v24, $0x3;
	_ =	sdelay $0xc  }
0xba: {  	s19 =	spop (v2sf)  }
0xbb: {  	s16 =	sand.u32 $0x7F, s19  }
0xbc: {  	s1 =	spop (v2sf);
	v31 =	vor.u32 s16, v6  }
0xbd: {  	s18 =	sand.u32 $0x7F, s1;
	v32 =	vor.u32 s16, v7  }
0xbe: {  	v33 =	vor.u32 s18, v6  }
0xbf: {  	[sflag:s9] =	ssyncset.done $0x0;
	v26 =	vor.u32 s18, v7  }
0xc0: {  	[sflag:s9] =	ssyncadd.s32 $0xFFFFF000  }
0xc1: {  	v21 =	vld.idx.msk [tilespmem:v31+s29+$0x0], $0xffff  }
0xc2: {  	v22 =	vld.idx.msk [tilespmem:v32+s29+$0x0], $0xffff  }
0xc3: {  	(v2sf) =	vpush v25, $0xA;
	v23 =	vld.idx.msk [tilespmem:v33+s30+$0x0], $0xffff  }
0xc4: {  	(v2sf) =	vpush v24, $0xA;
	v26 =	vld.idx.msk [tilespmem:v26+s30+$0x0], $0xffff;
	_ =	sdelay $0x4  }
0xc5: {  	v21 =	vmul.f32 v23, v21;
	v22 =	vmul.f32 v26, v22;
	_ =	sdelay $0x1  }
0xc6: {  	v21 =	vadd.f32 v22, v21;
	_ =	sdelay $0x1  }
0xc7: {  	(xrf2) =	vadd.scan.msk.f32 $0xffff, v21;
	_ =	sdelay $0x4  }
0xc8: {  	s18 =	spop (v2sf)  }
0xc9: {  	s3 =	sand.u32 $0xFFFFF80, s18;
	s16 =	spop (v2sf)  }
0xca: {  	s19 =	sadd.s32 s12, s3;
	s6 =	sand.u32 $0xFFFFF80, s16  }
0xcb: {  	[tilespmem:s20], [sflag:$0x3] =	stream.strided.gather [hbm4b:s19+s29], $0x1000, s28, s29, $0x38;
	[tilespmem:$0x10A00] =	vst v63  }
0xcc: {  	s19 =	sadd.s32 s2, s6;
	s6 =	simm.s32 $0x5  }
0xcd: {  	[tilespmem:s22], [sflag:$0x3] =	stream.strided.gather [hbm4b:s19+s29], $0x1000, s28, s29, $0x38;
	v21, _, _ =	vpop (xrf2);
	[tilespmem:$0x10A00] =	vst v63  }
0xce: {  	_ =	swait.ge [sflag:s6], $0x1000  }
0xcf: {  	[sflag:s6] =	ssyncset.done $0x0  }
0xd0: {  	[sflag:s6] =	ssyncadd.s32 $0xFFFFF000  }
0xd1: {  	_ =	swait.ge [sflag:s6], $0x1000  }
0xd2: {  	(v2sf) =	vpush v25, $0x4;
	_ =	sdelay $0x1  }
0xd3: {  	(v2sf) =	vpush v24, $0x4;
	_ =	sdelay $0xc  }
0xd4: {  	s20 =	spop (v2sf)  }
0xd5: {  	s19 =	sand.u32 $0x7F, s20  }
0xd6: {  	s22 =	spop (v2sf);
	v34 =	vor.u32 s19, v8  }
0xd7: {  	s20 =	sand.u32 $0x7F, s22;
	v35 =	vor.u32 s19, v9  }
0xd8: {  	v36 =	vor.u32 s20, v8  }
0xd9: {  	[sflag:s6] =	ssyncset.done $0x0;
	v27 =	vor.u32 s20, v9  }
0xda: {  	[sflag:s6] =	ssyncadd.s32 $0xFFFFF000  }
0xdb: {  	v22 =	vld.idx.msk [tilespmem:v34+s29+$0x0], $0xffff  }
0xdc: {  	v23 =	vld.idx.msk [tilespmem:v35+s29+$0x0], $0xffff  }
0xdd: {  	(v2sf) =	vpush v25, $0xB;
	v26 =	vld.idx.msk [tilespmem:v36+s30+$0x0], $0xffff  }
0xde: {  	(v2sf) =	vpush v24, $0xB;
	v27 =	vld.idx.msk [tilespmem:v27+s30+$0x0], $0xffff;
	_ =	sdelay $0x4  }
0xdf: {  	v22 =	vmul.f32 v26, v22;
	v23 =	vmul.f32 v27, v23;
	_ =	sdelay $0x1  }
0xe0: {  	v22 =	vadd.f32 v23, v22;
	_ =	sdelay $0x1  }
0xe1: {  	(xrf2) =	vadd.scan.msk.f32 $0xffff, v22;
	_ =	sdelay $0x4  }
0xe2: {  	s22 =	spop (v2sf)  }
0xe3: {  	s1 =	sand.u32 $0xFFFFF80, s22;
	s19 =	spop (v2sf)  }
0xe4: {  	s20 =	sadd.s32 s12, s1;
	s3 =	sand.u32 $0xFFFFF80, s19  }
0xe5: {  	[tilespmem:s23], [sflag:$0x4] =	stream.strided.gather [hbm4b:s20+s29], $0x1000, s28, s29, $0x38;
	[tilespmem:$0x10A00] =	vst v63  }
0xe6: {  	s10 =	simm.s32 $0x6;
	s20 =	sadd.s32 s2, s3  }
0xe7: {  	[tilespmem:s24], [sflag:$0x4] =	stream.strided.gather [hbm4b:s20+s29], $0x1000, s28, s29, $0x38;
	v22, _, _ =	vpop (xrf2);
	[tilespmem:$0x10A00] =	vst v63  }
0xe8: {  	_ =	swait.ge [sflag:s10], $0x1000  }
0xe9: {  	[sflag:s10] =	ssyncset.done $0x0  }
0xea: {  	[sflag:s10] =	ssyncadd.s32 $0xFFFFF000  }
0xeb: {  	_ =	swait.ge [sflag:s10], $0x1000  }
0xec: {  	(v2sf) =	vpush v25, $0x5;
	_ =	sdelay $0x1  }
0xed: {  	(v2sf) =	vpush v24, $0x5;
	_ =	sdelay $0xc  }
0xee: {  	s23 =	spop (v2sf)  }
0xef: {  	s20 =	sand.u32 $0x7F, s23  }
0xf0: {  	s24 =	spop (v2sf);
	v37 =	vor.u32 s20, v10  }
0xf1: {  	s23 =	sand.u32 $0x7F, s24;
	v38 =	vor.u32 s20, v11  }
0xf2: {  	v39 =	vor.u32 s23, v10  }
0xf3: {  	[sflag:s10] =	ssyncset.done $0x0;
	v28 =	vor.u32 s23, v11  }
0xf4: {  	[sflag:s10] =	ssyncadd.s32 $0xFFFFF000  }
0xf5: {  	v23 =	vld.idx.msk [tilespmem:v37+s29+$0x0], $0xffff  }
0xf6: {  	(v2sf) =	vpush v25, $0xC;
	v26 =	vld.idx.msk [tilespmem:v38+s29+$0x0], $0xffff  }
0xf7: {  	v27 =	vld.idx.msk [tilespmem:v39+s30+$0x0], $0xffff  }
0xf8: {  	(v2sf) =	vpush v24, $0xC;
	v28 =	vld.idx.msk [tilespmem:v28+s30+$0x0], $0xffff;
	_ =	sdelay $0x4  }
0xf9: {  	v23 =	vmul.f32 v27, v23;
	v26 =	vmul.f32 v28, v26;
	_ =	sdelay $0x1  }
0xfa: {  	v23 =	vadd.f32 v26, v23;
	_ =	sdelay $0x1  }
0xfb: {  	(xrf2) =	vadd.scan.msk.f32 $0xffff, v23;
	_ =	sdelay $0x3  }
0xfc: {  	s23 =	spop (v2sf)  }
0xfd: {  	s1 =	sand.u32 $0xFFFFF80, s23  }
0xfe: {  	s3 =	simm.s32 $0x4400;
	s24 =	spop (v2sf);
	s20 =	sadd.s32 s12, s1  }
0xff: {  	[tilespmem:s3], [sflag:$0x5] =	stream.strided.gather [hbm4b:s20+s29], $0x1000, s28, s29, $0x38;
	[tilespmem:$0x10A00] =	vst v63  }
0x100: {  	s3 =	sand.u32 $0xFFFFF80, s24  }
0x101: {  	s25 =	simm.s32 $0x7;
	s20 =	sadd.s32 s2, s3;
	s3 =	simm.s32 $0xC400  }
0x102: {  	[tilespmem:s3], [sflag:$0x5] =	stream.strided.gather [hbm4b:s20+s29], $0x1000, s28, s29, $0x38;
	v23, _, _ =	vpop (xrf2);
	[tilespmem:$0x10A00] =	vst v63  }
0x103: {  	s4 =	sand.u32 $0x7F, s4;
	_ =	swait.ge [sflag:s25], $0x1000  }
0x104: {  	v40 =	vor.u32 s4, v12;
	[sflag:s25] =	ssyncset.done $0x0  }
0x105: {  	s31 =	sand.u32 $0x7F, s31;
	v41 =	vor.u32 s4, v13;
	[sflag:s25] =	ssyncadd.s32 $0xFFFFF000  }
0x106: {  	v42 =	vor.u32 s31, v12;
	_ =	swait.ge [sflag:s25], $0x1000  }
0x107: {  	v29 =	vor.u32 s31, v13;
	[sflag:s25] =	ssyncset.done $0x0  }
0x108: {  	[sflag:s25] =	ssyncadd.s32 $0xFFFFF000  }
0x109: {  	v26 =	vld.idx.msk [tilespmem:v40+s29+$0x0], $0xffff  }
0x10a: {  	v27 =	vld.idx.msk [tilespmem:v41+s29+$0x0], $0xffff  }
0x10b: {  	(v2sf) =	vpush v25, $0xD;
	v28 =	vld.idx.msk [tilespmem:v42+s30+$0x0], $0xffff  }
0x10c: {  	(v2sf) =	vpush v24, $0xD;
	v29 =	vld.idx.msk [tilespmem:v29+s30+$0x0], $0xffff;
	_ =	sdelay $0x4  }
0x10d: {  	v26 =	vmul.f32 v28, v26;
	v27 =	vmul.f32 v29, v27;
	_ =	sdelay $0x1  }
0x10e: {  	v26 =	vadd.f32 v27, v26;
	_ =	sdelay $0x1  }
0x10f: {  	(xrf2) =	vadd.scan.msk.f32 $0xffff, v26;
	_ =	sdelay $0x4  }
0x110: {  	s25 =	spop (v2sf)  }
0x111: {  	s3 =	sand.u32 $0xFFFFF80, s25;
	s31 =	spop (v2sf)  }
0x112: {  	s20 =	simm.s32 $0x5400;
	s4 =	sadd.s32 s12, s3;
	s3 =	sand.u32 $0xFFFFF80, s31  }
0x113: {  	[tilespmem:s20], [sflag:$0x6] =	stream.strided.gather [hbm4b:s4+s29], $0x1000, s28, s29, $0x38;
	[tilespmem:$0x10A00] =	vst v63  }
0x114: {  	s1 =	simm.s32 $0x8;
	s4 =	sadd.s32 s2, s3;
	s20 =	simm.s32 $0xD400  }
0x115: {  	[tilespmem:s20], [sflag:$0x6] =	stream.strided.gather [hbm4b:s4+s29], $0x1000, s28, s29, $0x38;
	v26, _, _ =	vpop (xrf2);
	[tilespmem:$0x10A00] =	vst v63  }
0x116: {  	s20 =	sand.u32 $0x7F, s5;
	_ =	swait.ge [sflag:s1], $0x1000  }
0x117: {  	v43 =	vor.u32 s20, v14;
	[sflag:s1] =	ssyncset.done $0x0  }
0x118: {  	s0 =	sand.u32 $0x7F, s0;
	v44 =	vor.u32 s20, v15;
	[sflag:s1] =	ssyncadd.s32 $0xFFFFF000  }
0x119: {  	v45 =	vor.u32 s0, v14;
	_ =	swait.ge [sflag:s1], $0x1000  }
0x11a: {  	v30 =	vor.u32 s0, v15;
	[sflag:s1] =	ssyncset.done $0x0  }
0x11b: {  	[sflag:s1] =	ssyncadd.s32 $0xFFFFF000  }
0x11c: {  	v27 =	vld.idx.msk [tilespmem:v43+s29+$0x0], $0xffff  }
0x11d: {  	v28 =	vld.idx.msk [tilespmem:v44+s29+$0x0], $0xffff  }
0x11e: {  	(v2sf) =	vpush v25, $0xE;
	v29 =	vld.idx.msk [tilespmem:v45+s30+$0x0], $0xffff  }
0x11f: {  	(v2sf) =	vpush v24, $0xE;
	v30 =	vld.idx.msk [tilespmem:v30+s30+$0x0], $0xffff;
	_ =	sdelay $0x4  }
0x120: {  	v27 =	vmul.f32 v29, v27;
	v28 =	vmul.f32 v30, v28;
	_ =	sdelay $0x1  }
0x121: {  	v27 =	vadd.f32 v28, v27;
	_ =	sdelay $0x1  }
0x122: {  	(xrf2) =	vadd.scan.msk.f32 $0xffff, v27;
	_ =	sdelay $0x4  }
0x123: {  	s20 =	spop (v2sf)  }
0x124: {  	s1 =	sand.u32 $0xFFFFF80, s20;
	s0 =	spop (v2sf)  }
0x125: {  	s3 =	simm.s32 $0x6400;
	s4 =	sadd.s32 s12, s1;
	s1 =	sand.u32 $0xFFFFF80, s0  }
0x126: {  	[tilespmem:s3], [sflag:$0x7] =	stream.strided.gather [hbm4b:s4+s29], $0x1000, s28, s29, $0x38;
	[tilespmem:$0x10A00] =	vst v63  }
0x127: {  	s26 =	simm.s32 $0x1;
	s4 =	sadd.s32 s2, s1;
	s3 =	simm.s32 $0xE400  }
0x128: {  	[tilespmem:s3], [sflag:$0x7] =	stream.strided.gather [hbm4b:s4+s29], $0x1000, s28, s29, $0x38;
	v27, _, _ =	vpop (xrf2);
	[tilespmem:$0x10A00] =	vst v63  }
0x129: {  	s5 =	sand.u32 $0x7F, s15;
	_ =	swait.ge [sflag:s26], $0x1000  }
0x12a: {  	v46 =	vor.u32 s5, v0;
	[sflag:s26] =	ssyncset.done $0x0  }
0x12b: {  	s15 =	sand.u32 $0x7F, s14;
	v47 =	vor.u32 s5, v1;
	[sflag:s26] =	ssyncadd.s32 $0xFFFFF000  }
0x12c: {  	v48 =	vor.u32 s15, v0;
	_ =	swait.ge [sflag:s26], $0x1000  }
0x12d: {  	v31 =	vor.u32 s15, v1;
	[sflag:s26] =	ssyncset.done $0x0  }
0x12e: {  	[sflag:s26] =	ssyncadd.s32 $0xFFFFF000  }
0x12f: {  	v28 =	vld.idx.msk [tilespmem:v46+s29+$0x0], $0xffff  }
0x130: {  	v29 =	vld.idx.msk [tilespmem:v47+s29+$0x0], $0xffff  }
0x131: {  	(v2sf) =	vpush v25, $0xF;
	v49 =	vld.idx.msk [tilespmem:v48+s30+$0x0], $0xffff  }
0x132: {  	(v2sf) =	vpush v24, $0xF;
	v50 =	vld.idx.msk [tilespmem:v31+s30+$0x0], $0xffff;
	_ =	sdelay $0x4  }
0x133: {  	v51 =	vmul.f32 v49, v28;
	v52 =	vmul.f32 v50, v29;
	_ =	sdelay $0x1  }
0x134: {  	v24 =	vadd.f32 v52, v51;
	_ =	sdelay $0x1  }
0x135: {  	(xrf2) =	vadd.scan.msk.f32 $0xffff, v24;
	_ =	sdelay $0x4  }
0x136: {  	s4 =	spop (v2sf)  }
0x137: {  	s1 =	sand.u32 $0xFFFFF80, s4;
	s5 =	spop (v2sf)  }
0x138: {  	s26 =	simm.s32 $0x7400;
	s14 =	sadd.s32 s12, s1;
	s3 =	sand.u32 $0xFFFFF80, s5  }
0x139: {  	[tilespmem:s26], [sflag:$0x8] =	stream.strided.gather [hbm4b:s14+s29], $0x1000, s28, s29, $0x38;
	[tilespmem:$0x10A00] =	vst v63  }
0x13a: {  	s15 =	simm.s32 $0xF400;
	s14 =	sadd.s32 s2, s3  }
0x13b: {  	[tilespmem:s15], [sflag:$0x8] =	stream.strided.gather [hbm4b:s14+s29], $0x1000, s28, s29, $0x38;
	v24, _, _ =	vpop (xrf2);
	[tilespmem:$0x10A00] =	vst v63  }
0x13c: {  	s21 =	sand.u32 $0x7F, s21;
	_ =	swait.ge [sflag:s7], $0x1000  }
0x13d: {  	v53 =	vor.u32 s21, v2;
	[sflag:s7] =	ssyncset.done $0x0  }
0x13e: {  	v54 =	vor.u32 s21, v3;
	s1 =	sand.u32 $0x7F, s17;
	[sflag:s7] =	ssyncadd.s32 $0xFFFFF000  }
0x13f: {  	v55 =	vor.u32 s1, v2;
	_ =	swait.ge [sflag:s7], $0x1000  }
0x140: {  	v56 =	vor.u32 s1, v3;
	[sflag:s7] =	ssyncset.done $0x0  }
0x141: {  	p0 =	seq.s32 s11, $0x7C0;
	[sflag:s7] =	ssyncadd.s32 $0xFFFFF000  }
0x142: {  	(v2sf) =	vpush @!p0 v17, $0x0;
	v25 =	vld.idx.msk [tilespmem:v53+s29+$0x0], $0xffff  }
0x143: {  	v28 =	vld.idx.msk [tilespmem:v54+s29+$0x0], $0xffff  }
0x144: {  	v29 =	vld.idx.msk [tilespmem:v55+s30+$0x0], $0xffff  }
0x145: {  	v30 =	vld.idx.msk [tilespmem:v56+s30+$0x0], $0xffff  }
0x146: {  	(v2sf) =	vpush @!p0 v16, $0x0;
	_ =	sdelay $0x3  }
0x147: {  	v25 =	vmul.f32 v29, v25;
	v28 =	vmul.f32 v30, v28;
	_ =	sdelay $0x1  }
0x148: {  	v25 =	vadd.f32 v28, v25;
	_ =	sdelay $0x1  }
0x149: {  	(xrf2) =	vadd.scan.msk.f32 $0xffff, v25;
	_ =	sdelay $0x2  }
0x14a: {  	s14 =	spop @!p0 (v2sf)  }
0x14b: {  	s14 =	sand.u32 @!p0 $0xFFFFF80, s14  }
0x14c: {  	s15 =	simm.s32 @!p0 $0x400;
	s17 =	sadd.s32 @!p0 s12, s14;
	s14 =	simm.s32 @!p0 $0x7A1400  }
0x14d: {  	[tilespmem:s15], [sflag:$0x1] =	stream.strided.gather @!p0 [hbm4b:s17+s15], $0x1000, s14, s15, $0x38;
	[tilespmem:$0x10A00] =	vst v63  }
0x14e: {  	s17 =	spop @!p0 (v2sf)  }
0x14f: {  	s17 =	sand.u32 @!p0 $0xFFFFF80, s17  }
0x150: {  	s21 =	simm.s32 @!p0 $0x8400;
	s17 =	sadd.s32 @!p0 s2, s17  }
0x151: {  	[tilespmem:s21], [sflag:$0x1] =	stream.strided.gather @!p0 [hbm4b:s17+s15], $0x1000, s14, s15, $0x38;
	v25, _, _ =	vpop (xrf2);
	[tilespmem:$0x10A00] =	vst v63  }
0x152: {  	s3 =	sand.u32 $0x7F, s18;
	_ =	swait.ge [sflag:s8], $0x1000  }
0x153: {  	v57 =	vor.u32 s3, v4;
	[sflag:s8] =	ssyncset.done $0x0  }
0x154: {  	s16 =	sand.u32 $0x7F, s16;
	v58 =	vor.u32 s3, v5;
	[sflag:s8] =	ssyncadd.s32 $0xFFFFF000  }
0x155: {  	v59 =	vor.u32 s16, v4;
	_ =	swait.ge [sflag:s8], $0x1000  }
0x156: {  	v60 =	vor.u32 s16, v5;
	[sflag:s8] =	ssyncset.done $0x0  }
0x157: {  	[sflag:s8] =	ssyncadd.s32 $0xFFFFF000  }
0x158: {  	(v2sf) =	vpush @!p0 v17, $0x1;
	v28 =	vld.idx.msk [tilespmem:v57+s29+$0x0], $0xffff  }
0x159: {  	v29 =	vld.idx.msk [tilespmem:v58+s29+$0x0], $0xffff  }
0x15a: {  	v30 =	vld.idx.msk [tilespmem:v59+s30+$0x0], $0xffff  }
0x15b: {  	v31 =	vld.idx.msk [tilespmem:v60+s30+$0x0], $0xffff  }
0x15c: {  	(v2sf) =	vpush @!p0 v16, $0x1;
	_ =	sdelay $0x3  }
0x15d: {  	v28 =	vmul.f32 v30, v28;
	v29 =	vmul.f32 v31, v29;
	_ =	sdelay $0x1  }
0x15e: {  	v28 =	vadd.f32 v29, v28;
	_ =	sdelay $0x1  }
0x15f: {  	(xrf2) =	vadd.scan.msk.f32 $0xffff, v28;
	_ =	sdelay $0x2  }
0x160: {  	s16 =	spop @!p0 (v2sf)  }
0x161: {  	s16 =	sand.u32 @!p0 $0xFFFFF80, s16  }
0x162: {  	s17 =	simm.s32 @!p0 $0x1400;
	s16 =	sadd.s32 @!p0 s12, s16  }
0x163: {  	[tilespmem:s17], [sflag:$0x2] =	stream.strided.gather @!p0 [hbm4b:s16+s15], $0x1000, s14, s15, $0x38;
	[tilespmem:$0x10A00] =	vst v63  }
0x164: {  	s16 =	spop @!p0 (v2sf)  }
0x165: {  	s16 =	sand.u32 @!p0 $0xFFFFF80, s16  }
0x166: {  	s17 =	simm.s32 @!p0 $0x9400;
	s16 =	sadd.s32 @!p0 s2, s16  }
0x167: {  	[tilespmem:s17], [sflag:$0x2] =	stream.strided.gather @!p0 [hbm4b:s16+s15], $0x1000, s14, s15, $0x38;
	v28, _, _ =	vpop (xrf2);
	[tilespmem:$0x10A00] =	vst v63  }
0x168: {  	s1 =	sand.u32 $0x7F, s22;
	_ =	swait.ge [sflag:s9], $0x1000  }
0x169: {  	v61 =	vor.u32 s1, v6;
	[sflag:s9] =	ssyncset.done $0x0  }
0x16a: {  	s3 =	sand.u32 $0x7F, s19;
	v62 =	vor.u32 s1, v7;
	[sflag:s9] =	ssyncadd.s32 $0xFFFFF000  }
0x16b: {  	v63 =	vor.u32 s3, v6;
	_ =	swait.ge [sflag:s9], $0x1000  }
0x16c: {  	v32 =	vor.u32 s3, v7;
	[sflag:s9] =	ssyncset.done $0x0  }
0x16d: {  	[sflag:s9] =	ssyncadd.s32 $0xFFFFF000  }
0x16e: {  	(v2sf) =	vpush @!p0 v17, $0x2;
	v29 =	vld.idx.msk [tilespmem:v61+s29+$0x0], $0xffff  }
0x16f: {  	v30 =	vld.idx.msk [tilespmem:v62+s29+$0x0], $0xffff  }
0x170: {  	v31 =	vld.idx.msk [tilespmem:v63+s30+$0x0], $0xffff  }
0x171: {  	v32 =	vld.idx.msk [tilespmem:v32+s30+$0x0], $0xffff  }
0x172: {  	(v2sf) =	vpush @!p0 v16, $0x2;
	_ =	sdelay $0x3  }
0x173: {  	v29 =	vmul.f32 v31, v29;
	v30 =	vmul.f32 v32, v30;
	_ =	sdelay $0x1  }
0x174: {  	v29 =	vadd.f32 v30, v29;
	_ =	sdelay $0x1  }
0x175: {  	(xrf2) =	vadd.scan.msk.f32 $0xffff, v29;
	_ =	sdelay $0x2  }
0x176: {  	s16 =	spop @!p0 (v2sf)  }
0x177: {  	s16 =	sand.u32 @!p0 $0xFFFFF80, s16  }
0x178: {  	s17 =	simm.s32 @!p0 $0x2400;
	s16 =	sadd.s32 @!p0 s12, s16  }
0x179: {  	[tilespmem:s17], [sflag:$0x3] =	stream.strided.gather @!p0 [hbm4b:s16+s15], $0x1000, s14, s15, $0x38;
	[tilespmem:$0x10A00] =	vst v63  }
0x17a: {  	s16 =	spop @!p0 (v2sf)  }
0x17b: {  	s16 =	sand.u32 @!p0 $0xFFFFF80, s16  }
0x17c: {  	s17 =	simm.s32 @!p0 $0xA400;
	s16 =	sadd.s32 @!p0 s2, s16  }
0x17d: {  	[tilespmem:s17], [sflag:$0x3] =	stream.strided.gather @!p0 [hbm4b:s16+s15], $0x1000, s14, s15, $0x38;
	v29, _, _ =	vpop (xrf2);
	[tilespmem:$0x10A00] =	vst v63  }
0x17e: {  	s1 =	sand.u32 $0x7F, s23;
	_ =	swait.ge [sflag:s6], $0x1000  }
0x17f: {  	v36 =	vor.u32 s1, v8;
	[sflag:s6] =	ssyncset.done $0x0  }
0x180: {  	s3 =	sand.u32 $0x7F, s24;
	v37 =	vor.u32 s1, v9;
	[sflag:s6] =	ssyncadd.s32 $0xFFFFF000  }
0x181: {  	v38 =	vor.u32 s3, v8;
	_ =	swait.ge [sflag:s6], $0x1000  }
0x182: {  	v33 =	vor.u32 s3, v9;
	[sflag:s6] =	ssyncset.done $0x0  }
0x183: {  	[sflag:s6] =	ssyncadd.s32 $0xFFFFF000  }
0x184: {  	(v2sf) =	vpush @!p0 v17, $0x3;
	v30 =	vld.idx.msk [tilespmem:v36+s29+$0x0], $0xffff  }
0x185: {  	v31 =	vld.idx.msk [tilespmem:v37+s29+$0x0], $0xffff  }
0x186: {  	v32 =	vld.idx.msk [tilespmem:v38+s30+$0x0], $0xffff  }
0x187: {  	v33 =	vld.idx.msk [tilespmem:v33+s30+$0x0], $0xffff  }
0x188: {  	(v2sf) =	vpush @!p0 v16, $0x3;
	_ =	sdelay $0x3  }
0x189: {  	v30 =	vmul.f32 v32, v30;
	v31 =	vmul.f32 v33, v31;
	_ =	sdelay $0x1  }
0x18a: {  	v30 =	vadd.f32 v31, v30;
	_ =	sdelay $0x1  }
0x18b: {  	(xrf2) =	vadd.scan.msk.f32 $0xffff, v30;
	_ =	sdelay $0x2  }
0x18c: {  	s16 =	spop @!p0 (v2sf)  }
0x18d: {  	s16 =	sand.u32 @!p0 $0xFFFFF80, s16  }
0x18e: {  	s17 =	simm.s32 @!p0 $0x3400;
	s16 =	sadd.s32 @!p0 s12, s16  }
0x18f: {  	[tilespmem:s17], [sflag:$0x4] =	stream.strided.gather @!p0 [hbm4b:s16+s15], $0x1000, s14, s15, $0x38;
	[tilespmem:$0x10A00] =	vst v63  }
0x190: {  	s16 =	spop @!p0 (v2sf)  }
0x191: {  	s16 =	sand.u32 @!p0 $0xFFFFF80, s16  }
0x192: {  	s17 =	simm.s32 @!p0 $0xB400;
	s16 =	sadd.s32 @!p0 s2, s16  }
0x193: {  	[tilespmem:s17], [sflag:$0x4] =	stream.strided.gather @!p0 [hbm4b:s16+s15], $0x1000, s14, s15, $0x38;
	v30, _, _ =	vpop (xrf2);
	[tilespmem:$0x10A00] =	vst v63  }
0x194: {  	s17 =	sand.u32 $0x7F, s25;
	_ =	swait.ge [sflag:s10], $0x1000  }
0x195: {  	v39 =	vor.u32 s17, v10;
	[sflag:s10] =	ssyncset.done $0x0  }
0x196: {  	s25 =	sand.u32 $0x7F, s31;
	s31 =	simm.s32 $0x6;
	v40 =	vor.u32 s17, v11;
	[sflag:s10] =	ssyncadd.s32 $0xFFFFF000  }
0x197: {  	v41 =	vor.u32 s25, v10;
	_ =	swait.ge [sflag:s31], $0x1000  }
0x198: {  	v34 =	vor.u32 s25, v11;
	[sflag:s31] =	ssyncset.done $0x0  }
0x199: {  	[sflag:s31] =	ssyncadd.s32 $0xFFFFF000  }
0x19a: {  	(v2sf) =	vpush @!p0 v17, $0x4;
	v31 =	vld.idx.msk [tilespmem:v39+s29+$0x0], $0xffff  }
0x19b: {  	v32 =	vld.idx.msk [tilespmem:v40+s29+$0x0], $0xffff  }
0x19c: {  	v33 =	vld.idx.msk [tilespmem:v41+s30+$0x0], $0xffff  }
0x19d: {  	v34 =	vld.idx.msk [tilespmem:v34+s30+$0x0], $0xffff  }
0x19e: {  	(v2sf) =	vpush @!p0 v16, $0x4;
	_ =	sdelay $0x3  }
0x19f: {  	v31 =	vmul.f32 v33, v31;
	v32 =	vmul.f32 v34, v32;
	_ =	sdelay $0x1  }
0x1a0: {  	v31 =	vadd.f32 v32, v31;
	_ =	sdelay $0x1  }
0x1a1: {  	(xrf2) =	vadd.scan.msk.f32 $0xffff, v31;
	_ =	sdelay $0x2  }
0x1a2: {  	s16 =	spop @!p0 (v2sf)  }
0x1a3: {  	s16 =	sand.u32 @!p0 $0xFFFFF80, s16  }
0x1a4: {  	s17 =	simm.s32 @!p0 $0x4400;
	s16 =	sadd.s32 @!p0 s12, s16  }
0x1a5: {  	[tilespmem:s17], [sflag:$0x5] =	stream.strided.gather @!p0 [hbm4b:s16+s15], $0x1000, s14, s15, $0x38;
	[tilespmem:$0x10A00] =	vst v63  }
0x1a6: {  	s16 =	spop @!p0 (v2sf)  }
0x1a7: {  	s16 =	sand.u32 @!p0 $0xFFFFF80, s16  }
0x1a8: {  	s1 =	simm.s32 $0x7;
	s17 =	simm.s32 @!p0 $0xC400;
	s16 =	sadd.s32 @!p0 s2, s16  }
0x1a9: {  	[tilespmem:s17], [sflag:$0x5] =	stream.strided.gather @!p0 [hbm4b:s16+s15], $0x1000, s14, s15, $0x38;
	v31, _, _ =	vpop (xrf2);
	[tilespmem:$0x10A00] =	vst v63  }
0x1aa: {  	s6 =	sand.u32 $0x7F, s20;
	_ =	swait.ge [sflag:s1], $0x1000  }
0x1ab: {  	v42 =	vor.u32 s6, v12;
	[sflag:s1] =	ssyncset.done $0x0  }
0x1ac: {  	s0 =	sand.u32 $0x7F, s0;
	v43 =	vor.u32 s6, v13;
	[sflag:s1] =	ssyncadd.s32 $0xFFFFF000  }
0x1ad: {  	v44 =	vor.u32 s0, v12;
	_ =	swait.ge [sflag:s1], $0x1000  }
0x1ae: {  	v35 =	vor.u32 s0, v13;
	[sflag:s1] =	ssyncset.done $0x0  }
0x1af: {  	[sflag:s1] =	ssyncadd.s32 $0xFFFFF000  }
0x1b0: {  	(v2sf) =	vpush @!p0 v17, $0x5;
	v17 =	vld.idx.msk [tilespmem:v42+s29+$0x0], $0xffff  }
0x1b1: {  	v45 =	vld.idx.msk [tilespmem:v43+s29+$0x0], $0xffff  }
0x1b2: {  	v46 =	vld.idx.msk [tilespmem:v44+s30+$0x0], $0xffff  }
0x1b3: {  	v47 =	vld.idx.msk [tilespmem:v35+s30+$0x0], $0xffff  }
0x1b4: {  	(v2sf) =	vpush @!p0 v16, $0x5;
	_ =	sdelay $0x3  }
0x1b5: {  	v16 =	vmul.f32 v46, v17;
	v17 =	vmul.f32 v47, v45;
	_ =	sdelay $0x1  }
0x1b6: {  	v16 =	vadd.f32 v17, v16;
	_ =	sdelay $0x1  }
0x1b7: {  	(xrf2) =	vadd.scan.msk.f32 $0xffff, v16;
	_ =	sdelay $0x2  }
0x1b8: {  	s0 =	spop @!p0 (v2sf)  }
0x1b9: {  	s0 =	sand.u32 @!p0 $0xFFFFF80, s0  }
0x1ba: {  	s16 =	simm.s32 @!p0 $0x5400;
	s0 =	sadd.s32 @!p0 s12, s0  }
0x1bb: {  	[tilespmem:s16], [sflag:$0x6] =	stream.strided.gather @!p0 [hbm4b:s0+s15], $0x1000, s14, s15, $0x38;
	[tilespmem:$0x10A00] =	vst v63  }
0x1bc: {  	s0 =	spop @!p0 (v2sf)  }
0x1bd: {  	s0 =	sand.u32 @!p0 $0xFFFFF80, s0  }
0x1be: {  	s10 =	simm.s32 $0x8;
	s16 =	simm.s32 @!p0 $0xD400;
	s0 =	sadd.s32 @!p0 s2, s0  }
0x1bf: {  	[tilespmem:s16], [sflag:$0x6] =	stream.strided.gather @!p0 [hbm4b:s0+s15], $0x1000, s14, s15, $0x38;
	v16, _, _ =	vpop (xrf2);
	[tilespmem:$0x10A00] =	vst v63  }
0x1c0: {  	s15 =	sand.u32 $0x7F, s4;
	_ =	swait.ge [sflag:s10], $0x1000  }
0x1c1: {  	s25 =	sand.u32 $0x7F, s5;
	v17 =	vor.u32 s15, v14;
	[sflag:s10] =	ssyncset.done $0x0  }
0x1c2: {  	v48 =	vor.u32 s25, v14;
	[sflag:s10] =	ssyncadd.s32 $0xFFFFF000  }
0x1c3: {  	v49 =	vor.u32 s15, v15;
	_ =	swait.ge [sflag:s10], $0x1000  }
0x1c4: {  	v50 =	vor.u32 s25, v15;
	[sflag:s10] =	ssyncset.done $0x0  }
0x1c5: {  	[sflag:s10] =	ssyncadd.s32 $0xFFFFF000  }
0x1c6: {  	v17 =	vld.idx.msk [tilespmem:v17+s29+$0x0], $0xffff  }
0x1c7: {  	v32 =	vld.idx.msk [tilespmem:v48+s30+$0x0], $0xffff  }
0x1c8: {  	v33 =	vld.idx.msk [tilespmem:v49+s29+$0x0], $0xffff  }
0x1c9: {  	v34 =	vld.idx.msk [tilespmem:v50+s30+$0x0], $0xffff;
	_ =	sdelay $0x2  }
0x1ca: {  	v18 =	vbroadcast v18, $0xF  }
0x1cb: {  	v19 =	vbroadcast v19, $0xF;
	v20 =	vbroadcast v20, $0xF  }
0x1cc: {  	v17 =	vmul.f32 v32, v17;
	v51 =	vmul.f32 v34, v33  }
0x1cd: {  	v18 =	vsel vm0, v18, v19;
	v52 =	vbroadcast v21, $0xF  }
0x1ce: {  	v18 =	vsel vm1, v18, v20;
	v53 =	vbroadcast v22, $0xF;
	v17 =	vadd.f32 v51, v17  }
0x1cf: {  	v18 =	vsel vm2, v18, v52;
	v54 =	vbroadcast v23, $0xF  }
0x1d0: {  	v18 =	vsel vm3, v18, v53;
	(xrf2) =	vadd.scan.msk.f32 $0xffff, v17;
	v17 =	vbroadcast v26, $0xF  }
0x1d1: {  	v55 =	vbroadcast v27, $0xF;
	v18 =	vsel vm4, v18, v54  }
0x1d2: {  	v56 =	vbroadcast v24, $0xF;
	v17 =	vsel vm5, v18, v17  }
0x1d3: {  	v57 =	vbroadcast v25, $0xF;
	v17 =	vsel vm6, v17, v55  }
0x1d4: {  	v58 =	vbroadcast v28, $0xF;
	v17 =	vsel vm7, v17, v56  }
0x1d5: {  	v59 =	vbroadcast v29, $0xF;
	v17 =	vsel vm8, v17, v57  }
0x1d6: {  	v60 =	vbroadcast v30, $0xF;
	v17 =	vsel vm9, v58, v17  }
0x1d7: {  	v61 =	vbroadcast v31, $0xF;
	v17 =	vsel vm10, v59, v17  }
0x1d8: {  	s31 =	rddreg [dreg:$0xd];
	v17 =	vsel vm11, v60, v17  }
0x1d9: {  	v62 =	vld [tilespmem:s31+$0x10400];
	v17 =	vsel vm12, v61, v17  }
0x1da: {  	v16 =	vbroadcast v16, $0xF  }
0x1db: {  	v63 =	vld [tilespmem:s31+$0x10600]  }
0x1dc: {  	s11 =	sadd.s32 $0x40, s11;
	v16 =	vsel vm13, v16, v17;
	v17, _, _ =	vpop (xrf2)  }
0x1dd: {  	p0 =	sne.s32 s11, $0x800;
	v16 =	vsel vm14, v16, v17  }
.Ltmp0:
0x1de: {  	v16 =	vadd.f32 v16, v62;
	(pc) =	sbr.rel @p0 .LBB2_2-.Ltmp0, $4  }
0x1df: {  	s13 =	sadd.s32 $0x1, s13  }
0x1e0: {  	s18 =	simm.s32 $0x1400;
	s22 =	simm.s32 $0xA400;
	s19 =	simm.s32 $0x9400;
	v16 =	vadd.f32 v16, v63  }
0x1e1: {  	s23 =	simm.s32 $0x3400;
	s24 =	simm.s32 $0xB400;
	s21 =	simm.s32 $0x1  }
0x1e2: {  	s20 =	simm.s32 $0x2400;
	s17 =	simm.s32 $0xE400;
	s16 =	simm.s32 $0x6400;
	[tilespmem:s31+$0x10800] =	vst v16  }
0x1e3: {  	s0 =	simm.s32 $0x9  }
0x1e4: {  	_ =	swait.ge [sflag:s0], $0x80  }
0x1e5: {  	[sflag:s0] =	ssyncset.done $0x0  }
0x1e6: {  	[sflag:s0] =	ssyncadd.s32 $0xFFFFFF80  }
0x1e7: {  	_ =	swait.ge [sflag:s0], $0x80  }
0x1e8: {  	[sflag:s0] =	ssyncset.done $0x0  }
0x1e9: {  	[sflag:s0] =	ssyncadd.s32 $0xFFFFFF80  }
0x1ea: {  	_ =	swait.ge [sflag:s0], $0x80  }
0x1eb: {  	[sflag:s0] =	ssyncset.done $0x0  }
0x1ec: {  	[sflag:s0] =	ssyncadd.s32 $0xFFFFFF80  }
0x1ed: {  	_ =	swait.ge [sflag:s0], $0x80  }
0x1ee: {  	[sflag:s0] =	ssyncset.done $0x0  }
0x1ef: {  	[sflag:s0] =	ssyncadd.s32 $0xFFFFFF80  }
0x1f0: {  	_ =	swait.ge [sflag:s0], $0x80  }
0x1f1: {  	[sflag:s0] =	ssyncset.done $0x0  }
0x1f2: {  	[sflag:s0] =	ssyncadd.s32 $0xFFFFFF80  }
0x1f3: {  	_ =	swait.ge [sflag:s0], $0x80  }
0x1f4: {  	[sflag:s0] =	ssyncset.done $0x0  }
0x1f5: {  	[sflag:s0] =	ssyncadd.s32 $0xFFFFFF80  }
0x1f6: {  	_ =	swait.ge [sflag:s0], $0x80  }
0x1f7: {  	[sflag:s0] =	ssyncset.done $0x0  }
0x1f8: {  	[sflag:s0] =	ssyncadd.s32 $0xFFFFFF80  }
0x1f9: {  	_ =	swait.ge [sflag:s0], $0x80  }
0x1fa: {  	s11 =	simm.s32 $0x0;
	s1 =	simm.s32 $0x10800;
	[sflag:s0] =	ssyncset.done $0x0  }
0x1fb: {  	s4 =	simm.s32 $0xA;
	s15 =	rddreg [dreg:$0xa];
	[sflag:s0] =	ssyncadd.s32 $0xFFFFFF80  }
0x1fc: {  	[hbm4b:s15+s11] =	stream.linear.scatter [tilespmem:s1], [sflag:$0xA], $0x200, $0x38;
	[tilespmem:$0x10A00] =	vst v63  }
0x1fd: {  	_ =	swait.ge [sflag:s4], $0x200  }
0x1fe: {  	s25 =	rddreg [dreg:$0xc]  }
0x1ff: {  	s31 =	rddreg [dreg:$0xb];
	s1 =	sadd.s32 $0x1, s25  }
0x200: {  	p0 =	sne.s32 s1, s31  }
.Ltmp1:
0x201: {  	_ = 	snop;
	(pc) =	sbr.rel @p0 .LBB2_1-.Ltmp1, $3  }
0x202: {  	_ =	sdelay $0x1  }
0x203: {  	s13 =	simm.s32 $0xC400;
	[sflag:s4] =	ssyncset.done $0x0  }
0x204: {  	s14 =	simm.s32 $0x5400;
	s15 =	simm.s32 $0xD400;
	[sflag:s4] =	ssyncadd.s32 $0xFFFFFE00  }
0x205: {  	_ =	sfence.sel $0x180000  }
0x206: {  	[bflag:$0x0] =	sbarrier.arrive $0xFFFF  }
0x207: {  	_ =	strace $0x90000047  }
0x208: {  	s0 =	stileid.u32;
	[bflag:$0x2] =	sbarrier.arrive $0xFFFF  }
0x209: {  	p0 =	sne.s32 s0, $0x0;
	s0 =	rddreg [dreg:$0x7]  }
0x20a: {  	s0 =	sadd.s32 @!p0 $0x100000, s0  }
0x20b: {  	[sflag:s0] =	ssyncadd.tile.s32 @!p0 $0x1;
	_ =	shalt  }
.Lfunc_end2:
_tile_overlayer_lowered:
.L_overlay_start_2:
0x20c: {  	(tag) =	ssettag $0x2  }
0x20d: {  	s0 =	rddreg [dreg:$0x0];
	s2 =	stileid.u32  }
0x20e: {  	s1 =	rddreg [dreg:$0x1];
	p0 =	sne.s32 s2, $0x0  }
0x20f: {  	s3 =	rddreg [dreg:$0x2];
	[bflag:$0x3] =	sbarrier.arrive $0xFFFF;
	s2 =	simm.s32 @!p0 $0x1C0A  }
0x210: {  	[timem:s3], [sflag:s2] =	dma.local @!p0 [hbm:s0], s1  }
0x211: {  	s0 =	simm.s32 @!p0 $0xA  }
0x212: {  	_ =	swait.ge @!p0 [sflag:s0], s1  }
0x213: {  	s1 =	ssub.s32 @!p0 $0x0, s1;
	[sflag:s0] =	ssyncset.done @!p0 $0x0  }
0x214: {  	[sflag:s0] =	ssyncadd.s32 @!p0 s1  }
0x215: {  	[bflag:$0x3] =	sbarrier.arrive $0xFFFF  }
0x216: {  	_ =	shalt  }

</sc_bundles>
